<compile_context>
chip_gen: v7x
topology: tpu7x:2x2x1
jax: 0.10.2.dev20260603
libtpu: 0.0.44.dev20260713+nightly
codegen_flags: <defaults>
</compile_context>

<pallas_src>
import jax
import jax.numpy as jnp
from jax import lax
from jax.experimental import pallas as pl
from jax.experimental.pallas import tpu as pltpu
import jax.experimental.pallas.tpu_sc as plsc

N = 10000
NT = 10240
E = 320000
HID = 256
OUT = 47
OUTP = 128

K = 128
EPAD = 327680
NCH = EPAD // K
EW1 = EPAD // 32
CH1 = EW1 // K
EW2 = EPAD // 16
CH2 = EW2 // K

Q1 = 2560
A1 = 2688
Q2 = 5120
A2 = 5248

DEGR = 1280
QD = 640
AD = 768
Q3 = 1280
A3 = 1408

BR = 256
GR = NT // BR

_HIGH = jax.lax.Precision.HIGHEST
_mesh = lambda: plsc.VectorSubcoreMesh(core_axis_name="c", subcore_axis_name="s")



def _pass_local_idx(dst_pad, q, npass):
  rel = dst_pad[None, :] - (jnp.arange(npass, dtype=jnp.int32) * q)[:, None]
  ok = (rel >= 0) & (rel < q)
  return jnp.where(ok, rel, q + (dst_pad[None, :] & 31))


def _seg_sum_edge_split(with_deg, npass, arows):

  def body(feat, srcg, dlocg, zc, *rest):
    if with_deg:
      (ones8t, d8g, dcolg, parts, degp, acc_sh, deg_sh, sidx2, didx,
       d8v, dcolv, rows, orow, stage, semA, semC) = rest
    else:
      (parts, acc_sh, sidx2, didx, rows, stage, semA) = rest
    c = lax.axis_index("c")
    s = lax.axis_index("s")
    chunk0 = (c * 16 + s) * CH1
    DRS = AD // 16

    pltpu.sync_copy(srcg.at[pl.ds(chunk0, CH1 + 8)], sidx2)

    for p in range(npass):
      r0 = s * (arows // 16)
      pltpu.sync_copy(zc.at[pl.ds(r0, arows // 16)], stage)
      pltpu.sync_copy(stage, acc_sh.at[pl.ds(r0, arows // 16)])
      if with_deg and p < 2:
        pltpu.sync_copy(zc.at[pl.ds(s * DRS, DRS)], orow.at[pl.ds(0, DRS)])
        pltpu.sync_copy(orow.at[pl.ds(0, DRS)],
                        deg_sh.at[pl.ds(s * DRS, DRS)])
      plsc.subcore_barrier()

      def step(t, carry, p=p):
        tg = chunk0 + t
        pltpu.sync_copy(dlocg.at[p, tg], didx)
        pltpu.async_copy(feat.at[sidx2.at[t]], rows, semA).wait()
        pltpu.sync_copy(rows, acc_sh.at[didx], add=True)
        if with_deg and p < 2:
          pltpu.sync_copy(dcolg.at[tg], dcolv)
          pltpu.sync_copy(d8g.at[p, tg], d8v)
          pltpu.async_copy(ones8t.at[dcolv], orow, semC).wait()
          pltpu.sync_copy(orow, deg_sh.at[d8v], add=True)
        return carry

      lax.fori_loop(0, CH1, step, 0)
      plsc.subcore_barrier()
      pltpu.sync_copy(acc_sh.at[pl.ds(r0, arows // 16)], stage)
      pltpu.sync_copy(stage, parts.at[c, p, pl.ds(r0, arows // 16)])
      if with_deg and p < 2:
        pltpu.sync_copy(deg_sh.at[pl.ds(s * DRS, DRS)],
                        orow.at[pl.ds(0, DRS)])
        pltpu.sync_copy(orow.at[pl.ds(0, DRS)],
                        degp.at[c, p, pl.ds(s * DRS, DRS)])
      plsc.subcore_barrier()

  if with_deg:
    out_type = [jax.ShapeDtypeStruct((2, npass, arows, 128), jnp.float32),
                jax.ShapeDtypeStruct((2, 2, AD, 128), jnp.float32)]
    scratch = [
        pltpu.VMEM_SHARED((arows, 128), jnp.float32),
        pltpu.VMEM_SHARED((AD, 128), jnp.float32),
        pltpu.VMEM((CH1 + 8, K), jnp.int32),
        pltpu.VMEM((K,), jnp.int32),
        pltpu.VMEM((K,), jnp.int32),
        pltpu.VMEM((K,), jnp.int32),
        pltpu.VMEM((K, 128), jnp.float32),
        pltpu.VMEM((K, 128), jnp.float32),
        pltpu.VMEM((arows // 16, 128), jnp.float32),
        pltpu.SemaphoreType.DMA,
        pltpu.SemaphoreType.DMA,
    ]
  else:
    out_type = [jax.ShapeDtypeStruct((2, npass, arows, 128), jnp.float32)]
    scratch = [
        pltpu.VMEM_SHARED((arows, 128), jnp.float32),
        pltpu.VMEM((CH1 + 8, K), jnp.int32),
        pltpu.VMEM((K,), jnp.int32),
        pltpu.VMEM((K, 128), jnp.float32),
        pltpu.VMEM((arows // 16, 128), jnp.float32),
        pltpu.SemaphoreType.DMA,
    ]
  return pl.kernel(body, out_type=out_type, mesh=_mesh(),
                   scratch_types=scratch)


def _seg_sum_channel_split():

  def body(feat, src2g, dlocg, zc, acc2, acc_sh, sidx2, didx, rows,
           stage, semA):
    c = lax.axis_index("c")
    s = lax.axis_index("s")
    chunk0 = s * CH2
    r0 = s * (A2 // 16)

    pltpu.sync_copy(src2g.at[c, pl.ds(chunk0, CH2 + 8)], sidx2)

    for p in range(2):
      pltpu.sync_copy(zc.at[pl.ds(r0, A2 // 16)], stage)
      pltpu.sync_copy(stage, acc_sh.at[pl.ds(r0, A2 // 16)])
      plsc.subcore_barrier()

      def step(t, carry, p=p):
        pltpu.sync_copy(dlocg.at[p, chunk0 + t], didx)
        pltpu.async_copy(feat.at[sidx2.at[t]], rows, semA).wait()
        pltpu.sync_copy(rows, acc_sh.at[didx], add=True)
        return carry

      lax.fori_loop(0, CH2, step, 0)
      plsc.subcore_barrier()
      pltpu.sync_copy(acc_sh.at[pl.ds(r0, A2 // 16)], stage)
      pltpu.sync_copy(stage, acc2.at[c, p, pl.ds(r0, A2 // 16)])
      plsc.subcore_barrier()

  return pl.kernel(
      body,
      out_type=[jax.ShapeDtypeStruct((2, 2, A2, 128), jnp.float32)],
      mesh=_mesh(),
      scratch_types=[
          pltpu.VMEM_SHARED((A2, 128), jnp.float32),
          pltpu.VMEM((CH2 + 8, K), jnp.int32),
          pltpu.VMEM((K,), jnp.int32),
          pltpu.VMEM((K, 128), jnp.float32),
          pltpu.VMEM((A2 // 16, 128), jnp.float32),
          pltpu.SemaphoreType.DMA,
      ])



def _inv_deg(degv_ref):
  return 1.0 / jnp.maximum(degv_ref[...], 1.0)


def _agg4(parts_ref):
  return parts_ref[0, 0] + parts_ref[1, 0]


def _tc1_body(parts_ref, degp_ref, x_ref, wl_ref, b_ref, wr_ref, out_ref):
  agg = _agg4(parts_ref) * _inv_deg(degp_ref)
  h = (jnp.dot(agg, wl_ref[...], precision=_HIGH)
       + b_ref[...][None, :]
       + jnp.dot(x_ref[...], wr_ref[...], precision=_HIGH))
  out_ref[0] = jnp.maximum(h, 0.0)


def _layer1_tc(parts, degp, x, wl, b, wr):
  return pl.pallas_call(
      _tc1_body,
      grid=(GR, 2),
      in_specs=[
          pl.BlockSpec((2, 1, BR, 128), lambda i, c: (0, i // 10, i % 10, 0)),
          pl.BlockSpec((BR, 1), lambda i, c: (i, 0)),
          pl.BlockSpec((BR, 128), lambda i, c: (i, 0)),
          pl.BlockSpec((128, 128), lambda i, c: (0, c)),
          pl.BlockSpec((128,), lambda i, c: (c,)),
          pl.BlockSpec((128, 128), lambda i, c: (0, c)),
      ],
      out_specs=pl.BlockSpec((1, BR, 128), lambda i, c: (c, i, 0)),
      out_shape=jax.ShapeDtypeStruct((2, NT, 128), jnp.float32),
  )(parts, degp, x, wl, b, wr)


def _tc2_body(acc2_ref, degp_ref, h1_ref, wl_ref, b_ref, wr_ref, w3lp_ref,
              h2_ref, p_ref):
  agg = jnp.concatenate([acc2_ref[0, 0], acc2_ref[1, 0]], axis=1)
  agg = agg * _inv_deg(degp_ref)
  h1f = jnp.concatenate([h1_ref[0], h1_ref[1]], axis=1)
  h2 = (jnp.dot(agg, wl_ref[...], precision=_HIGH)
        + b_ref[...][None, :]
        + jnp.dot(h1f, wr_ref[...], precision=_HIGH))
  h2 = jnp.maximum(h2, 0.0)
  h2_ref[...] = h2
  p_ref[...] = jnp.dot(h2, w3lp_ref[...], precision=_HIGH)


def _layer2_tc(acc2, degp, h1, wl, b, wr, w3lp):
  return pl.pallas_call(
      _tc2_body,
      grid=(GR,),
      in_specs=[
          pl.BlockSpec((2, 1, BR, 128), lambda i: (0, i // 20, i % 20, 0)),
          pl.BlockSpec((BR, 1), lambda i: (i, 0)),
          pl.BlockSpec((2, BR, 128), lambda i: (0, i, 0)),
          pl.BlockSpec((HID, HID), lambda i: (0, 0)),
          pl.BlockSpec((HID,), lambda i: (0,)),
          pl.BlockSpec((HID, HID), lambda i: (0, 0)),
          pl.BlockSpec((HID, OUTP), lambda i: (0, 0)),
      ],
      out_specs=[
          pl.BlockSpec((BR, HID), lambda i: (i, 0)),
          pl.BlockSpec((BR, OUTP), lambda i: (i, 0)),
      ],
      out_shape=[
          jax.ShapeDtypeStruct((NT, HID), jnp.float32),
          jax.ShapeDtypeStruct((NT, OUTP), jnp.float32),
      ],
  )(acc2, degp, h1, wl, b, wr, w3lp)


def _tc3_body(parts_ref, degp_ref, h2_ref, w3rp_ref, b3p_ref, out_ref):
  agg = _agg4(parts_ref) * _inv_deg(degp_ref)
  z = (agg + b3p_ref[...][None, :]
       + jnp.dot(h2_ref[...], w3rp_ref[...], precision=_HIGH))
  col = lax.broadcasted_iota(jnp.int32, z.shape, 1)
  valid = col < OUT
  m = jnp.max(jnp.where(valid, z, -jnp.inf), axis=1, keepdims=True)
  ex = jnp.where(valid, jnp.exp(z - m), 0.0)
  lse = jnp.log(jnp.sum(ex, axis=1, keepdims=True)) + m
  out_ref[...] = (z - lse)[:, :OUT]


BR3 = 256


def _layer3_tc(parts3, degp, h2, w3rp, b3p):
  return pl.pallas_call(
      _tc3_body,
      grid=(NT // BR3,),
      in_specs=[
          pl.BlockSpec((2, 1, BR3, OUTP), lambda i: (0, i // 10, i % 10, 0)),
          pl.BlockSpec((BR3, 1), lambda i: (i, 0)),
          pl.BlockSpec((BR3, HID), lambda i: (i, 0)),
          pl.BlockSpec((HID, OUTP), lambda i: (0, 0)),
          pl.BlockSpec((OUTP,), lambda i: (0,)),
      ],
      out_specs=pl.BlockSpec((BR3, OUT), lambda i: (i, 0)),
      out_shape=jax.ShapeDtypeStruct((NT, OUT), jnp.float32),
  )(parts3, degp, h2, w3rp, b3p)



def kernel(x, adj_t, W1l, b1, W1r, W2l, b2, W2r, W3l, b3, W3r):
  src = adj_t[0].astype(jnp.int32)
  dst = adj_t[1].astype(jnp.int32)
  pad = EPAD - E
  src_pad = jnp.concatenate([src, jnp.zeros((pad,), jnp.int32)])
  dst_pad = jnp.concatenate([dst, jnp.full((pad,), N, jnp.int32)])
  zrow8 = jnp.zeros((8, K), jnp.int32)
  srcg = jnp.concatenate([src_pad.reshape(NCH, K), zrow8])
  src2g = jnp.stack([srcg, srcg + NT])
  dloc1g = _pass_local_idx(dst_pad, Q1, 4).reshape(4, NCH, K)
  dlocdg = _pass_local_idx(dst_pad, Q2, 2).reshape(2, NCH, K)
  d8g = _pass_local_idx(jnp.right_shift(dst_pad, 3), QD, 2).reshape(2, NCH, K)
  dcolg = jnp.bitwise_and(dst_pad, 7).reshape(NCH, K)

  xp = jnp.pad(x, ((0, NT - N), (0, 0)))
  zc = jnp.zeros((A2, 128), jnp.float32)
  oh = jnp.repeat(jnp.eye(8, dtype=jnp.float32), 16, axis=1)
  ones8t = jnp.concatenate([oh, jnp.zeros((8, 128), jnp.float32)], axis=0)

  w3lp = jnp.pad(W3l, ((0, 0), (0, OUTP - OUT)))
  w3rp = jnp.pad(W3r, ((0, 0), (0, OUTP - OUT)))
  b3p = jnp.pad(b3, (0, OUTP - OUT))

  parts1, degp = _seg_sum_edge_split(True, 4, A1)(
      xp, srcg, dloc1g, zc, ones8t, d8g, dcolg)
  dsum = degp[0] + degp[1]
  degv = jnp.concatenate([dsum[0, :QD], dsum[1, :QD]]).reshape(NT, 16)[:, :1]
  h1 = _layer1_tc(parts1, degv, xp, W1l, b1, W1r)

  (acc2,) = _seg_sum_channel_split()(
      h1.reshape(2 * NT, 128), src2g, dlocdg, zc)
  h2, p = _layer2_tc(acc2, degv, h1, W2l, b2, W2r, w3lp)

  (parts3,) = _seg_sum_edge_split(False, 4, A1)(p, srcg, dloc1g, zc)
  return _layer3_tc(parts3, degv, h2, w3rp, b3p)[:N]

# --- scband reference (transcript-rebuilt; emitter-appended) ---
"""Pipeline reference for scband-sage-5377299054692 (READ-ONLY COPY).

The authoritative reference and input builder live on the scoring server;
editing this copy changes nothing except your own understanding.
"""

import jax, jax.numpy as jnp
import numpy as np

N_NODES = 10000
N_EDGES = 320000
IN_CH = 128
HID_CH = 256
OUT_CH = 47


def _glorot(key, shape):
    fan_in = shape[0]
    return jax.random.normal(key, shape, dtype=jnp.float32) / np.sqrt(fan_in)


def setup_inputs(seed: int = 0) -> dict:
    key = jax.random.key(seed)
    ks = jax.random.split(key, 12)
    x = jax.random.normal(ks[0], (N_NODES, IN_CH), dtype=jnp.float32)
    adj_t = jax.random.randint(ks[1], (2, N_EDGES), 0, N_NODES, dtype=jnp.int64)
    # SAGEConv params: lin_l (aggregated neighbors, with bias), lin_r (root, no bias)
    W1l = _glorot(ks[2], (IN_CH, HID_CH)); b1 = jnp.zeros((HID_CH,), jnp.float32); W1r = _glorot(ks[3], (IN_CH, HID_CH))
    W2l = _glorot(ks[4], (HID_CH, HID_CH)); b2 = jnp.zeros((HID_CH,), jnp.float32); W2r = _glorot(ks[5], (HID_CH, HID_CH))
    W3l = _glorot(ks[6], (HID_CH, OUT_CH)); b3 = jnp.zeros((OUT_CH,), jnp.float32); W3r = _glorot(ks[7], (HID_CH, OUT_CH))
    return {"x": x, "adj_t": adj_t,
            "W1l": W1l, "b1": b1, "W1r": W1r,
            "W2l": W2l, "b2": b2, "W2r": W2r,
            "W3l": W3l, "b3": b3, "W3r": W3r}


def _sage_conv(x, src, dst, Wl, bl, Wr):
    # mean aggregation of neighbor messages at dst nodes
    msgs = jnp.take(x, src, axis=0)
    agg = jax.ops.segment_sum(msgs, dst, num_segments=N_NODES)
    deg = jax.ops.segment_sum(jnp.ones((src.shape[0],), dtype=x.dtype), dst, num_segments=N_NODES)
    agg = agg / jnp.maximum(deg, 1.0)[:, None]
    return agg @ Wl + bl + x @ Wr


def reference(x, adj_t, W1l, b1, W1r, W2l, b2, W2r, W3l, b3, W3r):
    src = adj_t[0]
    dst = adj_t[1]
    h = _sage_conv(x, src, dst, W1l, b1, W1r)
    h = jax.nn.relu(h)
    # dropout is identity in eval/reference mode
    h = _sage_conv(h, src, dst, W2l, b2, W2r)
    h = jax.nn.relu(h)
    h = _sage_conv(h, src, dst, W3l, b3, W3r)
    return jax.nn.log_softmax(h, axis=-1)

if __name__ == "__main__":
    import jax
    _d = setup_inputs()
    print(jax.jit(kernel)(*tuple(_d.values())))

</pallas_src>

<mosaic_0001>
#map = affine_map<(d0, d1) -> (0, 0)>
#map1 = affine_map<(d0, d1) -> (0, 0, 0)>
#map2 = affine_map<(d0, d1) -> (0, 0, 0, 0)>
module attributes {stable_mosaic.version = 14 : i64} {
  func.func @body(%arg0: i32, %arg1: i32, %arg2: memref<20480x128xf32, #tpu.memory_space<hbm>>, %arg3: memref<2x2568x128xi32, #tpu.memory_space<hbm>>, %arg4: memref<2x2560x128xi32, #tpu.memory_space<hbm>>, %arg5: memref<5248x128xf32, #tpu.memory_space<hbm>>, %arg6: memref<2x2x5248x128xf32, #tpu.memory_space<hbm>>, %arg7: memref<5248x128xf32, #tpu.memory_space<vmem_shared>>, %arg8: memref<168x128xi32, #tpu.memory_space<vmem>>, %arg9: memref<128xi32, #tpu.memory_space<vmem>>, %arg10: memref<128x128xf32, #tpu.memory_space<vmem>>, %arg11: memref<328x128xf32, #tpu.memory_space<vmem>>, %arg12: memref<!tpu.dma_semaphore, #tpu.memory_space<semaphore_mem>>) attributes {dimension_semantics = [#tpu.dimension_semantics<core_parallel>, #tpu.dimension_semantics<subcore_parallel>], iteration_bounds = array<i64: 2, 16>, scalar_prefetch = 0 : i64, scratch_operands = 6 : i64, tpu.core_type = #tpu.core_type<sc_vector_subcore>, window_params = [{transform_indices = #map}, {transform_indices = #map1}, {transform_indices = #map1}, {transform_indices = #map}, {transform_indices = #map2}]} {
    %mul3A = arith.constant 160 : i32
    %mul3A_0 = arith.muli %arg1, %mul3A : i32
    %mul3A_1 = arith.constant 328 : i32
    %mul3A_2 = arith.muli %arg1, %mul3A_1 : i32
    "tpu.region"() ({
      %run_scoped3A_20 = tpu.sem_alloc : memref<!tpu.dma_semaphore, #tpu.memory_space<semaphore_mem>>
      %dma_start3A = arith.constant 0 : i32
      %dma_start3A_21 = tpu.memref_slice %arg3[%arg0, %mul3A_0, %dma_start3A] : memref<2x2568x128xi32, #tpu.memory_space<hbm>> -> memref<1x168x128xi32, #tpu.memory_space<hbm>>
      %dma_start3A_22 = tpu.memref_squeeze %dma_start3A_21 : memref<1x168x128xi32, #tpu.memory_space<hbm>> -> memref<168x128xi32, #tpu.memory_space<hbm>>
      %dma_start3A_23 = arith.constant 0 : i32
      %dma_start3A_24 = tpu.memref_slice %arg3[%arg0, %mul3A_0, %dma_start3A_23] : memref<2x2568x128xi32, #tpu.memory_space<hbm>> -> memref<1x168x128xi32, #tpu.memory_space<hbm>>
      %dma_start3A_25 = tpu.memref_squeeze %dma_start3A_24 : memref<1x168x128xi32, #tpu.memory_space<hbm>> -> memref<168x128xi32, #tpu.memory_space<hbm>>
      tpu.enqueue_dma source(%dma_start3A_25 : memref<168x128xi32, #tpu.memory_space<hbm>>) target(%arg8 : memref<168x128xi32, #tpu.memory_space<vmem>>) target_semaphore(%run_scoped3A_20 : memref<!tpu.dma_semaphore, #tpu.memory_space<semaphore_mem>>)
      %dma_wait3A = arith.constant 0 : i32
      %dma_wait3A_26 = tpu.memref_slice %arg3[%arg0, %mul3A_0, %dma_wait3A] : memref<2x2568x128xi32, #tpu.memory_space<hbm>> -> memref<1x168x128xi32, #tpu.memory_space<hbm>>
      %dma_wait3A_27 = tpu.memref_squeeze %dma_wait3A_26 : memref<1x168x128xi32, #tpu.memory_space<hbm>> -> memref<168x128xi32, #tpu.memory_space<hbm>>
      %dma_wait3A_28 = arith.constant 0 : i32
      %dma_wait3A_29 = tpu.memref_slice %arg3[%arg0, %mul3A_0, %dma_wait3A_28] : memref<2x2568x128xi32, #tpu.memory_space<hbm>> -> memref<1x168x128xi32, #tpu.memory_space<hbm>>
      %dma_wait3A_30 = tpu.memref_squeeze %dma_wait3A_29 : memref<1x168x128xi32, #tpu.memory_space<hbm>> -> memref<168x128xi32, #tpu.memory_space<hbm>>
      tpu.wait_dma2 semaphore(%run_scoped3A_20 : memref<!tpu.dma_semaphore, #tpu.memory_space<semaphore_mem>>) src(%dma_wait3A_30 : memref<168x128xi32, #tpu.memory_space<hbm>>) dst(%arg8 : memref<168x128xi32, #tpu.memory_space<vmem>>)
      tpu.yield
    }) : () -> ()
    "tpu.region"() ({
      %run_scoped3A_20 = tpu.sem_alloc : memref<!tpu.dma_semaphore, #tpu.memory_space<semaphore_mem>>
      %dma_start3A = arith.constant 0 : i32
      %dma_start3A_21 = tpu.memref_slice %arg5[%mul3A_2, %dma_start3A] : memref<5248x128xf32, #tpu.memory_space<hbm>> -> memref<328x128xf32, #tpu.memory_space<hbm>>
      %dma_start3A_22 = arith.constant 0 : i32
      %dma_start3A_23 = tpu.memref_slice %arg5[%mul3A_2, %dma_start3A_22] : memref<5248x128xf32, #tpu.memory_space<hbm>> -> memref<328x128xf32, #tpu.memory_space<hbm>>
      tpu.enqueue_dma source(%dma_start3A_23 : memref<328x128xf32, #tpu.memory_space<hbm>>) target(%arg11 : memref<328x128xf32, #tpu.memory_space<vmem>>) target_semaphore(%run_scoped3A_20 : memref<!tpu.dma_semaphore, #tpu.memory_space<semaphore_mem>>)
      %dma_wait3A = arith.constant 0 : i32
      %dma_wait3A_24 = tpu.memref_slice %arg5[%mul3A_2, %dma_wait3A] : memref<5248x128xf32, #tpu.memory_space<hbm>> -> memref<328x128xf32, #tpu.memory_space<hbm>>
      %dma_wait3A_25 = arith.constant 0 : i32
      %dma_wait3A_26 = tpu.memref_slice %arg5[%mul3A_2, %dma_wait3A_25] : memref<5248x128xf32, #tpu.memory_space<hbm>> -> memref<328x128xf32, #tpu.memory_space<hbm>>
      tpu.wait_dma2 semaphore(%run_scoped3A_20 : memref<!tpu.dma_semaphore, #tpu.memory_space<semaphore_mem>>) src(%dma_wait3A_26 : memref<328x128xf32, #tpu.memory_space<hbm>>) dst(%arg11 : memref<328x128xf32, #tpu.memory_space<vmem>>)
      tpu.yield
    }) : () -> ()
    "tpu.region"() ({
      %run_scoped3A_20 = tpu.sem_alloc : memref<!tpu.dma_semaphore, #tpu.memory_space<semaphore_mem>>
      %dma_start3A = arith.constant 0 : i32
      %dma_start3A_21 = tpu.memref_slice %arg7[%mul3A_2, %dma_start3A] : memref<5248x128xf32, #tpu.memory_space<vmem_shared>> -> memref<328x128xf32, #tpu.memory_space<vmem_shared>>
      %dma_start3A_22 = arith.constant 0 : i32
      %dma_start3A_23 = tpu.memref_slice %arg7[%mul3A_2, %dma_start3A_22] : memref<5248x128xf32, #tpu.memory_space<vmem_shared>> -> memref<328x128xf32, #tpu.memory_space<vmem_shared>>
      tpu.enqueue_dma source(%arg11 : memref<328x128xf32, #tpu.memory_space<vmem>>) target(%dma_start3A_23 : memref<328x128xf32, #tpu.memory_space<vmem_shared>>) target_semaphore(%run_scoped3A_20 : memref<!tpu.dma_semaphore, #tpu.memory_space<semaphore_mem>>)
      %dma_wait3A = arith.constant 0 : i32
      %dma_wait3A_24 = tpu.memref_slice %arg7[%mul3A_2, %dma_wait3A] : memref<5248x128xf32, #tpu.memory_space<vmem_shared>> -> memref<328x128xf32, #tpu.memory_space<vmem_shared>>
      %dma_wait3A_25 = arith.constant 0 : i32
      %dma_wait3A_26 = tpu.memref_slice %arg7[%mul3A_2, %dma_wait3A_25] : memref<5248x128xf32, #tpu.memory_space<vmem_shared>> -> memref<328x128xf32, #tpu.memory_space<vmem_shared>>
      tpu.wait_dma2 semaphore(%run_scoped3A_20 : memref<!tpu.dma_semaphore, #tpu.memory_space<semaphore_mem>>) src(%arg11 : memref<328x128xf32, #tpu.memory_space<vmem>>) dst(%dma_wait3A_26 : memref<328x128xf32, #tpu.memory_space<vmem_shared>>)
      tpu.yield
    }) : () -> ()
    %barrier3A = arith.constant 0 : index
    tpu.barrier barrier_id(%barrier3A)
    %scan3A = arith.constant 0 : i32
    %scan3A_3 = arith.constant 0 : i32
    %scan3A_4 = arith.constant 160 : i32
    %scan3A_5 = arith.addi %scan3A_3, %scan3A_4 : i32
    %scan3A_6 = arith.constant 1 : i32
    scf.for %scan3A_20 = %scan3A_3 to %scan3A_5 step %scan3A_6  : i32 {
      %add3A = arith.addi %mul3A_0, %scan3A_20 : i32
      %run_scoped3A_21 = arith.constant 0 : i32
      "tpu.region"() ({
        %run_scoped3A_32 = tpu.sem_alloc : memref<!tpu.dma_semaphore, #tpu.memory_space<semaphore_mem>>
        %dma_start3A_33 = arith.constant 0 : i32
        %dma_start3A_34 = tpu.memref_slice %arg4[%run_scoped3A_21, %add3A, %dma_start3A_33] : memref<2x2560x128xi32, #tpu.memory_space<hbm>> -> memref<1x1x128xi32, #tpu.memory_space<hbm>>
        %dma_start3A_35 = tpu.memref_squeeze %dma_start3A_34 : memref<1x1x128xi32, #tpu.memory_space<hbm>> -> memref<128xi32, #tpu.memory_space<hbm>>
        %dma_start3A_36 = arith.constant 0 : i32
        %dma_start3A_37 = tpu.memref_slice %arg4[%run_scoped3A_21, %add3A, %dma_start3A_36] : memref<2x2560x128xi32, #tpu.memory_space<hbm>> -> memref<1x1x128xi32, #tpu.memory_space<hbm>>
        %dma_start3A_38 = tpu.memref_squeeze %dma_start3A_37 : memref<1x1x128xi32, #tpu.memory_space<hbm>> -> memref<128xi32, #tpu.memory_space<hbm>>
        tpu.enqueue_dma source(%dma_start3A_38 : memref<128xi32, #tpu.memory_space<hbm>>) target(%arg9 : memref<128xi32, #tpu.memory_space<vmem>>) target_semaphore(%run_scoped3A_32 : memref<!tpu.dma_semaphore, #tpu.memory_space<semaphore_mem>>)
        %dma_wait3A_39 = arith.constant 0 : i32
        %dma_wait3A_40 = tpu.memref_slice %arg4[%run_scoped3A_21, %add3A, %dma_wait3A_39] : memref<2x2560x128xi32, #tpu.memory_space<hbm>> -> memref<1x1x128xi32, #tpu.memory_space<hbm>>
        %dma_wait3A_41 = tpu.memref_squeeze %dma_wait3A_40 : memref<1x1x128xi32, #tpu.memory_space<hbm>> -> memref<128xi32, #tpu.memory_space<hbm>>
        %dma_wait3A_42 = arith.constant 0 : i32
        %dma_wait3A_43 = tpu.memref_slice %arg4[%run_scoped3A_21, %add3A, %dma_wait3A_42] : memref<2x2560x128xi32, #tpu.memory_space<hbm>> -> memref<1x1x128xi32, #tpu.memory_space<hbm>>
        %dma_wait3A_44 = tpu.memref_squeeze %dma_wait3A_43 : memref<1x1x128xi32, #tpu.memory_space<hbm>> -> memref<128xi32, #tpu.memory_space<hbm>>
        tpu.wait_dma2 semaphore(%run_scoped3A_32 : memref<!tpu.dma_semaphore, #tpu.memory_space<semaphore_mem>>) src(%dma_wait3A_44 : memref<128xi32, #tpu.memory_space<hbm>>) dst(%arg9 : memref<128xi32, #tpu.memory_space<vmem>>)
        tpu.yield
      }) : () -> ()
      %dma_start3A = arith.constant 0 : i32
      %dma_start3A_22 = tpu.memref_slice %arg8[%scan3A_20, %dma_start3A] : memref<168x128xi32, #tpu.memory_space<vmem>> -> memref<1x128xi32, #tpu.memory_space<vmem>>
      %dma_start3A_23 = tpu.memref_squeeze %dma_start3A_22 : memref<1x128xi32, #tpu.memory_space<vmem>> -> memref<128xi32, #tpu.memory_space<vmem>>
      %dma_start3A_24 = arith.constant 0 : i32
      %dma_start3A_25 = arith.constant 0 : i32
      %dma_start3A_26 = tpu.memref_slice %arg2[%dma_start3A_24, %dma_start3A_25] : memref<20480x128xf32, #tpu.memory_space<hbm>> -> memref<20480x128xf32, #tpu.memory_space<hbm>>
      tpu.enqueue_indirect_dma source(%dma_start3A_26 : memref<20480x128xf32, #tpu.memory_space<hbm>>) target(%arg10 : memref<128x128xf32, #tpu.memory_space<vmem>>) offsets(%dma_start3A_23 : memref<128xi32, #tpu.memory_space<vmem>>) semaphore(%arg12 : memref<!tpu.dma_semaphore, #tpu.memory_space<semaphore_mem>>)
      %dma_wait3A = arith.constant 0 : i32
      %dma_wait3A_27 = tpu.memref_slice %arg8[%scan3A_20, %dma_wait3A] : memref<168x128xi32, #tpu.memory_space<vmem>> -> memref<1x128xi32, #tpu.memory_space<vmem>>
      %dma_wait3A_28 = tpu.memref_squeeze %dma_wait3A_27 : memref<1x128xi32, #tpu.memory_space<vmem>> -> memref<128xi32, #tpu.memory_space<vmem>>
      %dma_wait3A_29 = arith.constant 0 : i32
      %dma_wait3A_30 = arith.constant 0 : i32
      %dma_wait3A_31 = tpu.memref_slice %arg2[%dma_wait3A_29, %dma_wait3A_30] : memref<20480x128xf32, #tpu.memory_space<hbm>> -> memref<20480x128xf32, #tpu.memory_space<hbm>>
      tpu.wait_indirect_dma semaphore(%arg12 : memref<!tpu.dma_semaphore, #tpu.memory_space<semaphore_mem>>) src(%dma_wait3A_31 : memref<20480x128xf32, #tpu.memory_space<hbm>>) dst(%arg10 : memref<128x128xf32, #tpu.memory_space<vmem>>)
      "tpu.region"() ({
        %run_scoped3A_32 = tpu.sem_alloc : memref<!tpu.dma_semaphore, #tpu.memory_space<semaphore_mem>>
        %dma_start3A_33 = arith.constant 0 : i32
        %dma_start3A_34 = arith.constant 0 : i32
        %dma_start3A_35 = tpu.memref_slice %arg7[%dma_start3A_33, %dma_start3A_34] : memref<5248x128xf32, #tpu.memory_space<vmem_shared>> -> memref<5248x128xf32, #tpu.memory_space<vmem_shared>>
        tpu.enqueue_indirect_dma source(%arg10 : memref<128x128xf32, #tpu.memory_space<vmem>>) target(%dma_start3A_35 : memref<5248x128xf32, #tpu.memory_space<vmem_shared>>) offsets(%arg9 : memref<128xi32, #tpu.memory_space<vmem>>) semaphore(%run_scoped3A_32 : memref<!tpu.dma_semaphore, #tpu.memory_space<semaphore_mem>>) {add = true}
        %dma_wait3A_36 = arith.constant 0 : i32
        %dma_wait3A_37 = arith.constant 0 : i32
        %dma_wait3A_38 = tpu.memref_slice %arg7[%dma_wait3A_36, %dma_wait3A_37] : memref<5248x128xf32, #tpu.memory_space<vmem_shared>> -> memref<5248x128xf32, #tpu.memory_space<vmem_shared>>
        tpu.wait_indirect_dma semaphore(%run_scoped3A_32 : memref<!tpu.dma_semaphore, #tpu.memory_space<semaphore_mem>>) src(%arg10 : memref<128x128xf32, #tpu.memory_space<vmem>>) dst(%dma_wait3A_38 : memref<5248x128xf32, #tpu.memory_space<vmem_shared>>)
        tpu.yield
      }) : () -> ()
    }
    %scan3A_7 = arith.constant 160 : i32
    %barrier3A_8 = arith.constant 0 : index
    tpu.barrier barrier_id(%barrier3A_8)
    "tpu.region"() ({
      %run_scoped3A_20 = tpu.sem_alloc : memref<!tpu.dma_semaphore, #tpu.memory_space<semaphore_mem>>
      %dma_start3A = arith.constant 0 : i32
      %dma_start3A_21 = tpu.memref_slice %arg7[%mul3A_2, %dma_start3A] : memref<5248x128xf32, #tpu.memory_space<vmem_shared>> -> memref<328x128xf32, #tpu.memory_space<vmem_shared>>
      %dma_start3A_22 = arith.constant 0 : i32
      %dma_start3A_23 = tpu.memref_slice %arg7[%mul3A_2, %dma_start3A_22] : memref<5248x128xf32, #tpu.memory_space<vmem_shared>> -> memref<328x128xf32, #tpu.memory_space<vmem_shared>>
      tpu.enqueue_dma source(%dma_start3A_23 : memref<328x128xf32, #tpu.memory_space<vmem_shared>>) target(%arg11 : memref<328x128xf32, #tpu.memory_space<vmem>>) target_semaphore(%run_scoped3A_20 : memref<!tpu.dma_semaphore, #tpu.memory_space<semaphore_mem>>)
      %dma_wait3A = arith.constant 0 : i32
      %dma_wait3A_24 = tpu.memref_slice %arg7[%mul3A_2, %dma_wait3A] : memref<5248x128xf32, #tpu.memory_space<vmem_shared>> -> memref<328x128xf32, #tpu.memory_space<vmem_shared>>
      %dma_wait3A_25 = arith.constant 0 : i32
      %dma_wait3A_26 = tpu.memref_slice %arg7[%mul3A_2, %dma_wait3A_25] : memref<5248x128xf32, #tpu.memory_space<vmem_shared>> -> memref<328x128xf32, #tpu.memory_space<vmem_shared>>
      tpu.wait_dma2 semaphore(%run_scoped3A_20 : memref<!tpu.dma_semaphore, #tpu.memory_space<semaphore_mem>>) src(%dma_wait3A_26 : memref<328x128xf32, #tpu.memory_space<vmem_shared>>) dst(%arg11 : memref<328x128xf32, #tpu.memory_space<vmem>>)
      tpu.yield
    }) : () -> ()
    %run_scoped3A = arith.constant 0 : i32
    "tpu.region"() ({
      %run_scoped3A_20 = tpu.sem_alloc : memref<!tpu.dma_semaphore, #tpu.memory_space<semaphore_mem>>
      %dma_start3A = arith.constant 0 : i32
      %dma_start3A_21 = tpu.memref_slice %arg6[%arg0, %run_scoped3A, %mul3A_2, %dma_start3A] : memref<2x2x5248x128xf32, #tpu.memory_space<hbm>> -> memref<1x1x328x128xf32, #tpu.memory_space<hbm>>
      %dma_start3A_22 = tpu.memref_squeeze %dma_start3A_21 : memref<1x1x328x128xf32, #tpu.memory_space<hbm>> -> memref<328x128xf32, #tpu.memory_space<hbm>>
      %dma_start3A_23 = arith.constant 0 : i32
      %dma_start3A_24 = tpu.memref_slice %arg6[%arg0, %run_scoped3A, %mul3A_2, %dma_start3A_23] : memref<2x2x5248x128xf32, #tpu.memory_space<hbm>> -> memref<1x1x328x128xf32, #tpu.memory_space<hbm>>
      %dma_start3A_25 = tpu.memref_squeeze %dma_start3A_24 : memref<1x1x328x128xf32, #tpu.memory_space<hbm>> -> memref<328x128xf32, #tpu.memory_space<hbm>>
      tpu.enqueue_dma source(%arg11 : memref<328x128xf32, #tpu.memory_space<vmem>>) target(%dma_start3A_25 : memref<328x128xf32, #tpu.memory_space<hbm>>) target_semaphore(%run_scoped3A_20 : memref<!tpu.dma_semaphore, #tpu.memory_space<semaphore_mem>>)
      %dma_wait3A = arith.constant 0 : i32
      %dma_wait3A_26 = tpu.memref_slice %arg6[%arg0, %run_scoped3A, %mul3A_2, %dma_wait3A] : memref<2x2x5248x128xf32, #tpu.memory_space<hbm>> -> memref<1x1x328x128xf32, #tpu.memory_space<hbm>>
      %dma_wait3A_27 = tpu.memref_squeeze %dma_wait3A_26 : memref<1x1x328x128xf32, #tpu.memory_space<hbm>> -> memref<328x128xf32, #tpu.memory_space<hbm>>
      %dma_wait3A_28 = arith.constant 0 : i32
      %dma_wait3A_29 = tpu.memref_slice %arg6[%arg0, %run_scoped3A, %mul3A_2, %dma_wait3A_28] : memref<2x2x5248x128xf32, #tpu.memory_space<hbm>> -> memref<1x1x328x128xf32, #tpu.memory_space<hbm>>
      %dma_wait3A_30 = tpu.memref_squeeze %dma_wait3A_29 : memref<1x1x328x128xf32, #tpu.memory_space<hbm>> -> memref<328x128xf32, #tpu.memory_space<hbm>>
      tpu.wait_dma2 semaphore(%run_scoped3A_20 : memref<!tpu.dma_semaphore, #tpu.memory_space<semaphore_mem>>) src(%arg11 : memref<328x128xf32, #tpu.memory_space<vmem>>) dst(%dma_wait3A_30 : memref<328x128xf32, #tpu.memory_space<hbm>>)
      tpu.yield
    }) : () -> ()
    %barrier3A_9 = arith.constant 0 : index
    tpu.barrier barrier_id(%barrier3A_9)
    "tpu.region"() ({
      %run_scoped3A_20 = tpu.sem_alloc : memref<!tpu.dma_semaphore, #tpu.memory_space<semaphore_mem>>
      %dma_start3A = arith.constant 0 : i32
      %dma_start3A_21 = tpu.memref_slice %arg5[%mul3A_2, %dma_start3A] : memref<5248x128xf32, #tpu.memory_space<hbm>> -> memref<328x128xf32, #tpu.memory_space<hbm>>
      %dma_start3A_22 = arith.constant 0 : i32
      %dma_start3A_23 = tpu.memref_slice %arg5[%mul3A_2, %dma_start3A_22] : memref<5248x128xf32, #tpu.memory_space<hbm>> -> memref<328x128xf32, #tpu.memory_space<hbm>>
      tpu.enqueue_dma source(%dma_start3A_23 : memref<328x128xf32, #tpu.memory_space<hbm>>) target(%arg11 : memref<328x128xf32, #tpu.memory_space<vmem>>) target_semaphore(%run_scoped3A_20 : memref<!tpu.dma_semaphore, #tpu.memory_space<semaphore_mem>>)
      %dma_wait3A = arith.constant 0 : i32
      %dma_wait3A_24 = tpu.memref_slice %arg5[%mul3A_2, %dma_wait3A] : memref<5248x128xf32, #tpu.memory_space<hbm>> -> memref<328x128xf32, #tpu.memory_space<hbm>>
      %dma_wait3A_25 = arith.constant 0 : i32
      %dma_wait3A_26 = tpu.memref_slice %arg5[%mul3A_2, %dma_wait3A_25] : memref<5248x128xf32, #tpu.memory_space<hbm>> -> memref<328x128xf32, #tpu.memory_space<hbm>>
      tpu.wait_dma2 semaphore(%run_scoped3A_20 : memref<!tpu.dma_semaphore, #tpu.memory_space<semaphore_mem>>) src(%dma_wait3A_26 : memref<328x128xf32, #tpu.memory_space<hbm>>) dst(%arg11 : memref<328x128xf32, #tpu.memory_space<vmem>>)
      tpu.yield
    }) : () -> ()
    "tpu.region"() ({
      %run_scoped3A_20 = tpu.sem_alloc : memref<!tpu.dma_semaphore, #tpu.memory_space<semaphore_mem>>
      %dma_start3A = arith.constant 0 : i32
      %dma_start3A_21 = tpu.memref_slice %arg7[%mul3A_2, %dma_start3A] : memref<5248x128xf32, #tpu.memory_space<vmem_shared>> -> memref<328x128xf32, #tpu.memory_space<vmem_shared>>
      %dma_start3A_22 = arith.constant 0 : i32
      %dma_start3A_23 = tpu.memref_slice %arg7[%mul3A_2, %dma_start3A_22] : memref<5248x128xf32, #tpu.memory_space<vmem_shared>> -> memref<328x128xf32, #tpu.memory_space<vmem_shared>>
      tpu.enqueue_dma source(%arg11 : memref<328x128xf32, #tpu.memory_space<vmem>>) target(%dma_start3A_23 : memref<328x128xf32, #tpu.memory_space<vmem_shared>>) target_semaphore(%run_scoped3A_20 : memref<!tpu.dma_semaphore, #tpu.memory_space<semaphore_mem>>)
      %dma_wait3A = arith.constant 0 : i32
      %dma_wait3A_24 = tpu.memref_slice %arg7[%mul3A_2, %dma_wait3A] : memref<5248x128xf32, #tpu.memory_space<vmem_shared>> -> memref<328x128xf32, #tpu.memory_space<vmem_shared>>
      %dma_wait3A_25 = arith.constant 0 : i32
      %dma_wait3A_26 = tpu.memref_slice %arg7[%mul3A_2, %dma_wait3A_25] : memref<5248x128xf32, #tpu.memory_space<vmem_shared>> -> memref<328x128xf32, #tpu.memory_space<vmem_shared>>
      tpu.wait_dma2 semaphore(%run_scoped3A_20 : memref<!tpu.dma_semaphore, #tpu.memory_space<semaphore_mem>>) src(%arg11 : memref<328x128xf32, #tpu.memory_space<vmem>>) dst(%dma_wait3A_26 : memref<328x128xf32, #tpu.memory_space<vmem_shared>>)
      tpu.yield
    }) : () -> ()
    %barrier3A_10 = arith.constant 0 : index
    tpu.barrier barrier_id(%barrier3A_10)
    %scan3A_11 = arith.constant 0 : i32
    %scan3A_12 = arith.constant 0 : i32
    %scan3A_13 = arith.constant 160 : i32
    %scan3A_14 = arith.addi %scan3A_12, %scan3A_13 : i32
    %scan3A_15 = arith.constant 1 : i32
    scf.for %scan3A_20 = %scan3A_12 to %scan3A_14 step %scan3A_15  : i32 {
      %add3A = arith.addi %mul3A_0, %scan3A_20 : i32
      %run_scoped3A_21 = arith.constant 1 : i32
      "tpu.region"() ({
        %run_scoped3A_32 = tpu.sem_alloc : memref<!tpu.dma_semaphore, #tpu.memory_space<semaphore_mem>>
        %dma_start3A_33 = arith.constant 0 : i32
        %dma_start3A_34 = tpu.memref_slice %arg4[%run_scoped3A_21, %add3A, %dma_start3A_33] : memref<2x2560x128xi32, #tpu.memory_space<hbm>> -> memref<1x1x128xi32, #tpu.memory_space<hbm>>
        %dma_start3A_35 = tpu.memref_squeeze %dma_start3A_34 : memref<1x1x128xi32, #tpu.memory_space<hbm>> -> memref<128xi32, #tpu.memory_space<hbm>>
        %dma_start3A_36 = arith.constant 0 : i32
        %dma_start3A_37 = tpu.memref_slice %arg4[%run_scoped3A_21, %add3A, %dma_start3A_36] : memref<2x2560x128xi32, #tpu.memory_space<hbm>> -> memref<1x1x128xi32, #tpu.memory_space<hbm>>
        %dma_start3A_38 = tpu.memref_squeeze %dma_start3A_37 : memref<1x1x128xi32, #tpu.memory_space<hbm>> -> memref<128xi32, #tpu.memory_space<hbm>>
        tpu.enqueue_dma source(%dma_start3A_38 : memref<128xi32, #tpu.memory_space<hbm>>) target(%arg9 : memref<128xi32, #tpu.memory_space<vmem>>) target_semaphore(%run_scoped3A_32 : memref<!tpu.dma_semaphore, #tpu.memory_space<semaphore_mem>>)
        %dma_wait3A_39 = arith.constant 0 : i32
        %dma_wait3A_40 = tpu.memref_slice %arg4[%run_scoped3A_21, %add3A, %dma_wait3A_39] : memref<2x2560x128xi32, #tpu.memory_space<hbm>> -> memref<1x1x128xi32, #tpu.memory_space<hbm>>
        %dma_wait3A_41 = tpu.memref_squeeze %dma_wait3A_40 : memref<1x1x128xi32, #tpu.memory_space<hbm>> -> memref<128xi32, #tpu.memory_space<hbm>>
        %dma_wait3A_42 = arith.constant 0 : i32
        %dma_wait3A_43 = tpu.memref_slice %arg4[%run_scoped3A_21, %add3A, %dma_wait3A_42] : memref<2x2560x128xi32, #tpu.memory_space<hbm>> -> memref<1x1x128xi32, #tpu.memory_space<hbm>>
        %dma_wait3A_44 = tpu.memref_squeeze %dma_wait3A_43 : memref<1x1x128xi32, #tpu.memory_space<hbm>> -> memref<128xi32, #tpu.memory_space<hbm>>
        tpu.wait_dma2 semaphore(%run_scoped3A_32 : memref<!tpu.dma_semaphore, #tpu.memory_space<semaphore_mem>>) src(%dma_wait3A_44 : memref<128xi32, #tpu.memory_space<hbm>>) dst(%arg9 : memref<128xi32, #tpu.memory_space<vmem>>)
        tpu.yield
      }) : () -> ()
      %dma_start3A = arith.constant 0 : i32
      %dma_start3A_22 = tpu.memref_slice %arg8[%scan3A_20, %dma_start3A] : memref<168x128xi32, #tpu.memory_space<vmem>> -> memref<1x128xi32, #tpu.memory_space<vmem>>
      %dma_start3A_23 = tpu.memref_squeeze %dma_start3A_22 : memref<1x128xi32, #tpu.memory_space<vmem>> -> memref<128xi32, #tpu.memory_space<vmem>>
      %dma_start3A_24 = arith.constant 0 : i32
      %dma_start3A_25 = arith.constant 0 : i32
      %dma_start3A_26 = tpu.memref_slice %arg2[%dma_start3A_24, %dma_start3A_25] : memref<20480x128xf32, #tpu.memory_space<hbm>> -> memref<20480x128xf32, #tpu.memory_space<hbm>>
      tpu.enqueue_indirect_dma source(%dma_start3A_26 : memref<20480x128xf32, #tpu.memory_space<hbm>>) target(%arg10 : memref<128x128xf32, #tpu.memory_space<vmem>>) offsets(%dma_start3A_23 : memref<128xi32, #tpu.memory_space<vmem>>) semaphore(%arg12 : memref<!tpu.dma_semaphore, #tpu.memory_space<semaphore_mem>>)
      %dma_wait3A = arith.constant 0 : i32
      %dma_wait3A_27 = tpu.memref_slice %arg8[%scan3A_20, %dma_wait3A] : memref<168x128xi32, #tpu.memory_space<vmem>> -> memref<1x128xi32, #tpu.memory_space<vmem>>
      %dma_wait3A_28 = tpu.memref_squeeze %dma_wait3A_27 : memref<1x128xi32, #tpu.memory_space<vmem>> -> memref<128xi32, #tpu.memory_space<vmem>>
      %dma_wait3A_29 = arith.constant 0 : i32
      %dma_wait3A_30 = arith.constant 0 : i32
      %dma_wait3A_31 = tpu.memref_slice %arg2[%dma_wait3A_29, %dma_wait3A_30] : memref<20480x128xf32, #tpu.memory_space<hbm>> -> memref<20480x128xf32, #tpu.memory_space<hbm>>
      tpu.wait_indirect_dma semaphore(%arg12 : memref<!tpu.dma_semaphore, #tpu.memory_space<semaphore_mem>>) src(%dma_wait3A_31 : memref<20480x128xf32, #tpu.memory_space<hbm>>) dst(%arg10 : memref<128x128xf32, #tpu.memory_space<vmem>>)
      "tpu.region"() ({
        %run_scoped3A_32 = tpu.sem_alloc : memref<!tpu.dma_semaphore, #tpu.memory_space<semaphore_mem>>
        %dma_start3A_33 = arith.constant 0 : i32
        %dma_start3A_34 = arith.constant 0 : i32
        %dma_start3A_35 = tpu.memref_slice %arg7[%dma_start3A_33, %dma_start3A_34] : memref<5248x128xf32, #tpu.memory_space<vmem_shared>> -> memref<5248x128xf32, #tpu.memory_space<vmem_shared>>
        tpu.enqueue_indirect_dma source(%arg10 : memref<128x128xf32, #tpu.memory_space<vmem>>) target(%dma_start3A_35 : memref<5248x128xf32, #tpu.memory_space<vmem_shared>>) offsets(%arg9 : memref<128xi32, #tpu.memory_space<vmem>>) semaphore(%run_scoped3A_32 : memref<!tpu.dma_semaphore, #tpu.memory_space<semaphore_mem>>) {add = true}
        %dma_wait3A_36 = arith.constant 0 : i32
        %dma_wait3A_37 = arith.constant 0 : i32
        %dma_wait3A_38 = tpu.memref_slice %arg7[%dma_wait3A_36, %dma_wait3A_37] : memref<5248x128xf32, #tpu.memory_space<vmem_shared>> -> memref<5248x128xf32, #tpu.memory_space<vmem_shared>>
        tpu.wait_indirect_dma semaphore(%run_scoped3A_32 : memref<!tpu.dma_semaphore, #tpu.memory_space<semaphore_mem>>) src(%arg10 : memref<128x128xf32, #tpu.memory_space<vmem>>) dst(%dma_wait3A_38 : memref<5248x128xf32, #tpu.memory_space<vmem_shared>>)
        tpu.yield
      }) : () -> ()
    }
    %scan3A_16 = arith.constant 160 : i32
    %barrier3A_17 = arith.constant 0 : index
    tpu.barrier barrier_id(%barrier3A_17)
    "tpu.region"() ({
      %run_scoped3A_20 = tpu.sem_alloc : memref<!tpu.dma_semaphore, #tpu.memory_space<semaphore_mem>>
      %dma_start3A = arith.constant 0 : i32
      %dma_start3A_21 = tpu.memref_slice %arg7[%mul3A_2, %dma_start3A] : memref<5248x128xf32, #tpu.memory_space<vmem_shared>> -> memref<328x128xf32, #tpu.memory_space<vmem_shared>>
      %dma_start3A_22 = arith.constant 0 : i32
      %dma_start3A_23 = tpu.memref_slice %arg7[%mul3A_2, %dma_start3A_22] : memref<5248x128xf32, #tpu.memory_space<vmem_shared>> -> memref<328x128xf32, #tpu.memory_space<vmem_shared>>
      tpu.enqueue_dma source(%dma_start3A_23 : memref<328x128xf32, #tpu.memory_space<vmem_shared>>) target(%arg11 : memref<328x128xf32, #tpu.memory_space<vmem>>) target_semaphore(%run_scoped3A_20 : memref<!tpu.dma_semaphore, #tpu.memory_space<semaphore_mem>>)
      %dma_wait3A = arith.constant 0 : i32
      %dma_wait3A_24 = tpu.memref_slice %arg7[%mul3A_2, %dma_wait3A] : memref<5248x128xf32, #tpu.memory_space<vmem_shared>> -> memref<328x128xf32, #tpu.memory_space<vmem_shared>>
      %dma_wait3A_25 = arith.constant 0 : i32
      %dma_wait3A_26 = tpu.memref_slice %arg7[%mul3A_2, %dma_wait3A_25] : memref<5248x128xf32, #tpu.memory_space<vmem_shared>> -> memref<328x128xf32, #tpu.memory_space<vmem_shared>>
      tpu.wait_dma2 semaphore(%run_scoped3A_20 : memref<!tpu.dma_semaphore, #tpu.memory_space<semaphore_mem>>) src(%dma_wait3A_26 : memref<328x128xf32, #tpu.memory_space<vmem_shared>>) dst(%arg11 : memref<328x128xf32, #tpu.memory_space<vmem>>)
      tpu.yield
    }) : () -> ()
    %run_scoped3A_18 = arith.constant 1 : i32
    "tpu.region"() ({
      %run_scoped3A_20 = tpu.sem_alloc : memref<!tpu.dma_semaphore, #tpu.memory_space<semaphore_mem>>
      %dma_start3A = arith.constant 0 : i32
      %dma_start3A_21 = tpu.memref_slice %arg6[%arg0, %run_scoped3A_18, %mul3A_2, %dma_start3A] : memref<2x2x5248x128xf32, #tpu.memory_space<hbm>> -> memref<1x1x328x128xf32, #tpu.memory_space<hbm>>
      %dma_start3A_22 = tpu.memref_squeeze %dma_start3A_21 : memref<1x1x328x128xf32, #tpu.memory_space<hbm>> -> memref<328x128xf32, #tpu.memory_space<hbm>>
      %dma_start3A_23 = arith.constant 0 : i32
      %dma_start3A_24 = tpu.memref_slice %arg6[%arg0, %run_scoped3A_18, %mul3A_2, %dma_start3A_23] : memref<2x2x5248x128xf32, #tpu.memory_space<hbm>> -> memref<1x1x328x128xf32, #tpu.memory_space<hbm>>
      %dma_start3A_25 = tpu.memref_squeeze %dma_start3A_24 : memref<1x1x328x128xf32, #tpu.memory_space<hbm>> -> memref<328x128xf32, #tpu.memory_space<hbm>>
      tpu.enqueue_dma source(%arg11 : memref<328x128xf32, #tpu.memory_space<vmem>>) target(%dma_start3A_25 : memref<328x128xf32, #tpu.memory_space<hbm>>) target_semaphore(%run_scoped3A_20 : memref<!tpu.dma_semaphore, #tpu.memory_space<semaphore_mem>>)
      %dma_wait3A = arith.constant 0 : i32
      %dma_wait3A_26 = tpu.memref_slice %arg6[%arg0, %run_scoped3A_18, %mul3A_2, %dma_wait3A] : memref<2x2x5248x128xf32, #tpu.memory_space<hbm>> -> memref<1x1x328x128xf32, #tpu.memory_space<hbm>>
      %dma_wait3A_27 = tpu.memref_squeeze %dma_wait3A_26 : memref<1x1x328x128xf32, #tpu.memory_space<hbm>> -> memref<328x128xf32, #tpu.memory_space<hbm>>
      %dma_wait3A_28 = arith.constant 0 : i32
      %dma_wait3A_29 = tpu.memref_slice %arg6[%arg0, %run_scoped3A_18, %mul3A_2, %dma_wait3A_28] : memref<2x2x5248x128xf32, #tpu.memory_space<hbm>> -> memref<1x1x328x128xf32, #tpu.memory_space<hbm>>
      %dma_wait3A_30 = tpu.memref_squeeze %dma_wait3A_29 : memref<1x1x328x128xf32, #tpu.memory_space<hbm>> -> memref<328x128xf32, #tpu.memory_space<hbm>>
      tpu.wait_dma2 semaphore(%run_scoped3A_20 : memref<!tpu.dma_semaphore, #tpu.memory_space<semaphore_mem>>) src(%arg11 : memref<328x128xf32, #tpu.memory_space<vmem>>) dst(%dma_wait3A_30 : memref<328x128xf32, #tpu.memory_space<hbm>>)
      tpu.yield
    }) : () -> ()
    %barrier3A_19 = arith.constant 0 : index
    tpu.barrier barrier_id(%barrier3A_19)
    return
  }
}

#map = affine_map<(d0, d1) -> (0, 0)>
#map1 = affine_map<(d0, d1) -> (0, 0, 0)>
#map2 = affine_map<(d0, d1) -> (0, 0, 0, 0)>
module attributes {stable_mosaic.version = 14 : i64} {
  func.func @body(%arg0: i32, %arg1: i32, %arg2: memref<10240x128xf32, #tpu.memory_space<hbm>>, %arg3: memref<2568x128xi32, #tpu.memory_space<hbm>>, %arg4: memref<4x2560x128xi32, #tpu.memory_space<hbm>>, %arg5: memref<5248x128xf32, #tpu.memory_space<hbm>>, %arg6: memref<16x128xf32, #tpu.memory_space<hbm>>, %arg7: memref<2x2560x128xi32, #tpu.memory_space<hbm>>, %arg8: memref<2560x128xi32, #tpu.memory_space<hbm>>, %arg9: memref<2x4x2688x128xf32, #tpu.memory_space<hbm>>, %arg10: memref<2x2x768x128xf32, #tpu.memory_space<hbm>>, %arg11: memref<2688x128xf32, #tpu.memory_space<vmem_shared>>, %arg12: memref<768x128xf32, #tpu.memory_space<vmem_shared>>, %arg13: memref<88x128xi32, #tpu.memory_space<vmem>>, %arg14: memref<128xi32, #tpu.memory_space<vmem>>, %arg15: memref<128xi32, #tpu.memory_space<vmem>>, %arg16: memref<128xi32, #tpu.memory_space<vmem>>, %arg17: memref<128x128xf32, #tpu.memory_space<vmem>>, %arg18: memref<128x128xf32, #tpu.memory_space<vmem>>, %arg19: memref<168x128xf32, #tpu.memory_space<vmem>>, %arg20: memref<!tpu.dma_semaphore, #tpu.memory_space<semaphore_mem>>, %arg21: memref<!tpu.dma_semaphore, #tpu.memory_space<semaphore_mem>>) attributes {dimension_semantics = [#tpu.dimension_semantics<core_parallel>, #tpu.dimension_semantics<subcore_parallel>], iteration_bounds = array<i64: 2, 16>, scalar_prefetch = 0 : i64, scratch_operands = 11 : i64, tpu.core_type = #tpu.core_type<sc_vector_subcore>, window_params = [{transform_indices = #map}, {transform_indices = #map}, {transform_indices = #map1}, {transform_indices = #map}, {transform_indices = #map}, {transform_indices = #map1}, {transform_indices = #map}, {transform_indices = #map2}, {transform_indices = #map2}]} {
    %mul3A = arith.constant 16 : i32
    %mul3A_0 = arith.muli %arg0, %mul3A : i32
    %add3A = arith.addi %mul3A_0, %arg1 : i32
    %mul3A_1 = arith.constant 80 : i32
    %mul3A_2 = arith.muli %add3A, %mul3A_1 : i32
    "tpu.region"() ({
      %run_scoped3A_66 = tpu.sem_alloc : memref<!tpu.dma_semaphore, #tpu.memory_space<semaphore_mem>>
      %dma_start3A = arith.constant 0 : i32
      %dma_start3A_67 = tpu.memref_slice %arg3[%mul3A_2, %dma_start3A] : memref<2568x128xi32, #tpu.memory_space<hbm>> -> memref<88x128xi32, #tpu.memory_space<hbm>>
      %dma_start3A_68 = arith.constant 0 : i32
      %dma_start3A_69 = tpu.memref_slice %arg3[%mul3A_2, %dma_start3A_68] : memref<2568x128xi32, #tpu.memory_space<hbm>> -> memref<88x128xi32, #tpu.memory_space<hbm>>
      tpu.enqueue_dma source(%dma_start3A_69 : memref<88x128xi32, #tpu.memory_space<hbm>>) target(%arg13 : memref<88x128xi32, #tpu.memory_space<vmem>>) target_semaphore(%run_scoped3A_66 : memref<!tpu.dma_semaphore, #tpu.memory_space<semaphore_mem>>)
      %dma_wait3A = arith.constant 0 : i32
      %dma_wait3A_70 = tpu.memref_slice %arg3[%mul3A_2, %dma_wait3A] : memref<2568x128xi32, #tpu.memory_space<hbm>> -> memref<88x128xi32, #tpu.memory_space<hbm>>
      %dma_wait3A_71 = arith.constant 0 : i32
      %dma_wait3A_72 = tpu.memref_slice %arg3[%mul3A_2, %dma_wait3A_71] : memref<2568x128xi32, #tpu.memory_space<hbm>> -> memref<88x128xi32, #tpu.memory_space<hbm>>
      tpu.wait_dma2 semaphore(%run_scoped3A_66 : memref<!tpu.dma_semaphore, #tpu.memory_space<semaphore_mem>>) src(%dma_wait3A_72 : memref<88x128xi32, #tpu.memory_space<hbm>>) dst(%arg13 : memref<88x128xi32, #tpu.memory_space<vmem>>)
      tpu.yield
    }) : () -> ()
    %mul3A_3 = arith.constant 168 : i32
    %mul3A_4 = arith.muli %arg1, %mul3A_3 : i32
    "tpu.region"() ({
      %run_scoped3A_66 = tpu.sem_alloc : memref<!tpu.dma_semaphore, #tpu.memory_space<semaphore_mem>>
      %dma_start3A = arith.constant 0 : i32
      %dma_start3A_67 = tpu.memref_slice %arg5[%mul3A_4, %dma_start3A] : memref<5248x128xf32, #tpu.memory_space<hbm>> -> memref<168x128xf32, #tpu.memory_space<hbm>>
      %dma_start3A_68 = arith.constant 0 : i32
      %dma_start3A_69 = tpu.memref_slice %arg5[%mul3A_4, %dma_start3A_68] : memref<5248x128xf32, #tpu.memory_space<hbm>> -> memref<168x128xf32, #tpu.memory_space<hbm>>
      tpu.enqueue_dma source(%dma_start3A_69 : memref<168x128xf32, #tpu.memory_space<hbm>>) target(%arg19 : memref<168x128xf32, #tpu.memory_space<vmem>>) target_semaphore(%run_scoped3A_66 : memref<!tpu.dma_semaphore, #tpu.memory_space<semaphore_mem>>)
      %dma_wait3A = arith.constant 0 : i32
      %dma_wait3A_70 = tpu.memref_slice %arg5[%mul3A_4, %dma_wait3A] : memref<5248x128xf32, #tpu.memory_space<hbm>> -> memref<168x128xf32, #tpu.memory_space<hbm>>
      %dma_wait3A_71 = arith.constant 0 : i32
      %dma_wait3A_72 = tpu.memref_slice %arg5[%mul3A_4, %dma_wait3A_71] : memref<5248x128xf32, #tpu.memory_space<hbm>> -> memref<168x128xf32, #tpu.memory_space<hbm>>
      tpu.wait_dma2 semaphore(%run_scoped3A_66 : memref<!tpu.dma_semaphore, #tpu.memory_space<semaphore_mem>>) src(%dma_wait3A_72 : memref<168x128xf32, #tpu.memory_space<hbm>>) dst(%arg19 : memref<168x128xf32, #tpu.memory_space<vmem>>)
      tpu.yield
    }) : () -> ()
    "tpu.region"() ({
      %run_scoped3A_66 = tpu.sem_alloc : memref<!tpu.dma_semaphore, #tpu.memory_space<semaphore_mem>>
      %dma_start3A = arith.constant 0 : i32
      %dma_start3A_67 = tpu.memref_slice %arg11[%mul3A_4, %dma_start3A] : memref<2688x128xf32, #tpu.memory_space<vmem_shared>> -> memref<168x128xf32, #tpu.memory_space<vmem_shared>>
      %dma_start3A_68 = arith.constant 0 : i32
      %dma_start3A_69 = tpu.memref_slice %arg11[%mul3A_4, %dma_start3A_68] : memref<2688x128xf32, #tpu.memory_space<vmem_shared>> -> memref<168x128xf32, #tpu.memory_space<vmem_shared>>
      tpu.enqueue_dma source(%arg19 : memref<168x128xf32, #tpu.memory_space<vmem>>) target(%dma_start3A_69 : memref<168x128xf32, #tpu.memory_space<vmem_shared>>) target_semaphore(%run_scoped3A_66 : memref<!tpu.dma_semaphore, #tpu.memory_space<semaphore_mem>>)
      %dma_wait3A = arith.constant 0 : i32
      %dma_wait3A_70 = tpu.memref_slice %arg11[%mul3A_4, %dma_wait3A] : memref<2688x128xf32, #tpu.memory_space<vmem_shared>> -> memref<168x128xf32, #tpu.memory_space<vmem_shared>>
      %dma_wait3A_71 = arith.constant 0 : i32
      %dma_wait3A_72 = tpu.memref_slice %arg11[%mul3A_4, %dma_wait3A_71] : memref<2688x128xf32, #tpu.memory_space<vmem_shared>> -> memref<168x128xf32, #tpu.memory_space<vmem_shared>>
      tpu.wait_dma2 semaphore(%run_scoped3A_66 : memref<!tpu.dma_semaphore, #tpu.memory_space<semaphore_mem>>) src(%arg19 : memref<168x128xf32, #tpu.memory_space<vmem>>) dst(%dma_wait3A_72 : memref<168x128xf32, #tpu.memory_space<vmem_shared>>)
      tpu.yield
    }) : () -> ()
    %mul3A_5 = arith.constant 48 : i32
    %mul3A_6 = arith.muli %arg1, %mul3A_5 : i32
    "tpu.region"() ({
      %run_scoped3A_66 = tpu.sem_alloc : memref<!tpu.dma_semaphore, #tpu.memory_space<semaphore_mem>>
      %dma_start3A = arith.constant 0 : i32
      %dma_start3A_67 = arith.constant 0 : i32
      %dma_start3A_68 = tpu.memref_slice %arg18[%dma_start3A, %dma_start3A_67] : memref<128x128xf32, #tpu.memory_space<vmem>> -> memref<48x128xf32, #tpu.memory_space<vmem>>
      %dma_start3A_69 = arith.constant 0 : i32
      %dma_start3A_70 = tpu.memref_slice %arg5[%mul3A_6, %dma_start3A_69] : memref<5248x128xf32, #tpu.memory_space<hbm>> -> memref<48x128xf32, #tpu.memory_space<hbm>>
      %dma_start3A_71 = arith.constant 0 : i32
      %dma_start3A_72 = arith.constant 0 : i32
      %dma_start3A_73 = tpu.memref_slice %arg18[%dma_start3A_71, %dma_start3A_72] : memref<128x128xf32, #tpu.memory_space<vmem>> -> memref<48x128xf32, #tpu.memory_space<vmem>>
      %dma_start3A_74 = arith.constant 0 : i32
      %dma_start3A_75 = tpu.memref_slice %arg5[%mul3A_6, %dma_start3A_74] : memref<5248x128xf32, #tpu.memory_space<hbm>> -> memref<48x128xf32, #tpu.memory_space<hbm>>
      tpu.enqueue_dma source(%dma_start3A_75 : memref<48x128xf32, #tpu.memory_space<hbm>>) target(%dma_start3A_73 : memref<48x128xf32, #tpu.memory_space<vmem>>) target_semaphore(%run_scoped3A_66 : memref<!tpu.dma_semaphore, #tpu.memory_space<semaphore_mem>>)
      %dma_wait3A = arith.constant 0 : i32
      %dma_wait3A_76 = arith.constant 0 : i32
      %dma_wait3A_77 = tpu.memref_slice %arg18[%dma_wait3A, %dma_wait3A_76] : memref<128x128xf32, #tpu.memory_space<vmem>> -> memref<48x128xf32, #tpu.memory_space<vmem>>
      %dma_wait3A_78 = arith.constant 0 : i32
      %dma_wait3A_79 = tpu.memref_slice %arg5[%mul3A_6, %dma_wait3A_78] : memref<5248x128xf32, #tpu.memory_space<hbm>> -> memref<48x128xf32, #tpu.memory_space<hbm>>
      %dma_wait3A_80 = arith.constant 0 : i32
      %dma_wait3A_81 = arith.constant 0 : i32
      %dma_wait3A_82 = tpu.memref_slice %arg18[%dma_wait3A_80, %dma_wait3A_81] : memref<128x128xf32, #tpu.memory_space<vmem>> -> memref<48x128xf32, #tpu.memory_space<vmem>>
      %dma_wait3A_83 = arith.constant 0 : i32
      %dma_wait3A_84 = tpu.memref_slice %arg5[%mul3A_6, %dma_wait3A_83] : memref<5248x128xf32, #tpu.memory_space<hbm>> -> memref<48x128xf32, #tpu.memory_space<hbm>>
      tpu.wait_dma2 semaphore(%run_scoped3A_66 : memref<!tpu.dma_semaphore, #tpu.memory_space<semaphore_mem>>) src(%dma_wait3A_84 : memref<48x128xf32, #tpu.memory_space<hbm>>) dst(%dma_wait3A_82 : memref<48x128xf32, #tpu.memory_space<vmem>>)
      tpu.yield
    }) : () -> ()
    %mul3A_7 = arith.constant 48 : i32
    %mul3A_8 = arith.muli %arg1, %mul3A_7 : i32
    "tpu.region"() ({
      %run_scoped3A_66 = tpu.sem_alloc : memref<!tpu.dma_semaphore, #tpu.memory_space<semaphore_mem>>
      %dma_start3A = arith.constant 0 : i32
      %dma_start3A_67 = arith.constant 0 : i32
      %dma_start3A_68 = tpu.memref_slice %arg18[%dma_start3A, %dma_start3A_67] : memref<128x128xf32, #tpu.memory_space<vmem>> -> memref<48x128xf32, #tpu.memory_space<vmem>>
      %dma_start3A_69 = arith.constant 0 : i32
      %dma_start3A_70 = tpu.memref_slice %arg12[%mul3A_8, %dma_start3A_69] : memref<768x128xf32, #tpu.memory_space<vmem_shared>> -> memref<48x128xf32, #tpu.memory_space<vmem_shared>>
      %dma_start3A_71 = arith.constant 0 : i32
      %dma_start3A_72 = tpu.memref_slice %arg12[%mul3A_8, %dma_start3A_71] : memref<768x128xf32, #tpu.memory_space<vmem_shared>> -> memref<48x128xf32, #tpu.memory_space<vmem_shared>>
      %dma_start3A_73 = arith.constant 0 : i32
      %dma_start3A_74 = arith.constant 0 : i32
      %dma_start3A_75 = tpu.memref_slice %arg18[%dma_start3A_73, %dma_start3A_74] : memref<128x128xf32, #tpu.memory_space<vmem>> -> memref<48x128xf32, #tpu.memory_space<vmem>>
      tpu.enqueue_dma source(%dma_start3A_75 : memref<48x128xf32, #tpu.memory_space<vmem>>) target(%dma_start3A_72 : memref<48x128xf32, #tpu.memory_space<vmem_shared>>) target_semaphore(%run_scoped3A_66 : memref<!tpu.dma_semaphore, #tpu.memory_space<semaphore_mem>>)
      %dma_wait3A = arith.constant 0 : i32
      %dma_wait3A_76 = arith.constant 0 : i32
      %dma_wait3A_77 = tpu.memref_slice %arg18[%dma_wait3A, %dma_wait3A_76] : memref<128x128xf32, #tpu.memory_space<vmem>> -> memref<48x128xf32, #tpu.memory_space<vmem>>
      %dma_wait3A_78 = arith.constant 0 : i32
      %dma_wait3A_79 = tpu.memref_slice %arg12[%mul3A_8, %dma_wait3A_78] : memref<768x128xf32, #tpu.memory_space<vmem_shared>> -> memref<48x128xf32, #tpu.memory_space<vmem_shared>>
      %dma_wait3A_80 = arith.constant 0 : i32
      %dma_wait3A_81 = tpu.memref_slice %arg12[%mul3A_8, %dma_wait3A_80] : memref<768x128xf32, #tpu.memory_space<vmem_shared>> -> memref<48x128xf32, #tpu.memory_space<vmem_shared>>
      %dma_wait3A_82 = arith.constant 0 : i32
      %dma_wait3A_83 = arith.constant 0 : i32
      %dma_wait3A_84 = tpu.memref_slice %arg18[%dma_wait3A_82, %dma_wait3A_83] : memref<128x128xf32, #tpu.memory_space<vmem>> -> memref<48x128xf32, #tpu.memory_space<vmem>>
      tpu.wait_dma2 semaphore(%run_scoped3A_66 : memref<!tpu.dma_semaphore, #tpu.memory_space<semaphore_mem>>) src(%dma_wait3A_84 : memref<48x128xf32, #tpu.memory_space<vmem>>) dst(%dma_wait3A_81 : memref<48x128xf32, #tpu.memory_space<vmem_shared>>)
      tpu.yield
    }) : () -> ()
    %barrier3A = arith.constant 0 : index
    tpu.barrier barrier_id(%barrier3A)
    %scan3A = arith.constant 0 : i32
    %scan3A_9 = arith.constant 0 : i32
    %scan3A_10 = arith.constant 80 : i32
    %scan3A_11 = arith.addi %scan3A_9, %scan3A_10 : i32
    %scan3A_12 = arith.constant 1 : i32
    scf.for %scan3A_66 = %scan3A_9 to %scan3A_11 step %scan3A_12  : i32 {
      %add3A_67 = arith.addi %mul3A_2, %scan3A_66 : i32
      %run_scoped3A_68 = arith.constant 0 : i32
      "tpu.region"() ({
        %run_scoped3A_86 = tpu.sem_alloc : memref<!tpu.dma_semaphore, #tpu.memory_space<semaphore_mem>>
        %dma_start3A_87 = arith.constant 0 : i32
        %dma_start3A_88 = tpu.memref_slice %arg4[%run_scoped3A_68, %add3A_67, %dma_start3A_87] : memref<4x2560x128xi32, #tpu.memory_space<hbm>> -> memref<1x1x128xi32, #tpu.memory_space<hbm>>
        %dma_start3A_89 = tpu.memref_squeeze %dma_start3A_88 : memref<1x1x128xi32, #tpu.memory_space<hbm>> -> memref<128xi32, #tpu.memory_space<hbm>>
        %dma_start3A_90 = arith.constant 0 : i32
        %dma_start3A_91 = tpu.memref_slice %arg4[%run_scoped3A_68, %add3A_67, %dma_start3A_90] : memref<4x2560x128xi32, #tpu.memory_space<hbm>> -> memref<1x1x128xi32, #tpu.memory_space<hbm>>
        %dma_start3A_92 = tpu.memref_squeeze %dma_start3A_91 : memref<1x1x128xi32, #tpu.memory_space<hbm>> -> memref<128xi32, #tpu.memory_space<hbm>>
        tpu.enqueue_dma source(%dma_start3A_92 : memref<128xi32, #tpu.memory_space<hbm>>) target(%arg14 : memref<128xi32, #tpu.memory_space<vmem>>) target_semaphore(%run_scoped3A_86 : memref<!tpu.dma_semaphore, #tpu.memory_space<semaphore_mem>>)
        %dma_wait3A_93 = arith.constant 0 : i32
        %dma_wait3A_94 = tpu.memref_slice %arg4[%run_scoped3A_68, %add3A_67, %dma_wait3A_93] : memref<4x2560x128xi32, #tpu.memory_space<hbm>> -> memref<1x1x128xi32, #tpu.memory_space<hbm>>
        %dma_wait3A_95 = tpu.memref_squeeze %dma_wait3A_94 : memref<1x1x128xi32, #tpu.memory_space<hbm>> -> memref<128xi32, #tpu.memory_space<hbm>>
        %dma_wait3A_96 = arith.constant 0 : i32
        %dma_wait3A_97 = tpu.memref_slice %arg4[%run_scoped3A_68, %add3A_67, %dma_wait3A_96] : memref<4x2560x128xi32, #tpu.memory_space<hbm>> -> memref<1x1x128xi32, #tpu.memory_space<hbm>>
        %dma_wait3A_98 = tpu.memref_squeeze %dma_wait3A_97 : memref<1x1x128xi32, #tpu.memory_space<hbm>> -> memref<128xi32, #tpu.memory_space<hbm>>
        tpu.wait_dma2 semaphore(%run_scoped3A_86 : memref<!tpu.dma_semaphore, #tpu.memory_space<semaphore_mem>>) src(%dma_wait3A_98 : memref<128xi32, #tpu.memory_space<hbm>>) dst(%arg14 : memref<128xi32, #tpu.memory_space<vmem>>)
        tpu.yield
      }) : () -> ()
      %dma_start3A = arith.constant 0 : i32
      %dma_start3A_69 = tpu.memref_slice %arg13[%scan3A_66, %dma_start3A] : memref<88x128xi32, #tpu.memory_space<vmem>> -> memref<1x128xi32, #tpu.memory_space<vmem>>
      %dma_start3A_70 = tpu.memref_squeeze %dma_start3A_69 : memref<1x128xi32, #tpu.memory_space<vmem>> -> memref<128xi32, #tpu.memory_space<vmem>>
      %dma_start3A_71 = arith.constant 0 : i32
      %dma_start3A_72 = arith.constant 0 : i32
      %dma_start3A_73 = tpu.memref_slice %arg2[%dma_start3A_71, %dma_start3A_72] : memref<10240x128xf32, #tpu.memory_space<hbm>> -> memref<10240x128xf32, #tpu.memory_space<hbm>>
      tpu.enqueue_indirect_dma source(%dma_start3A_73 : memref<10240x128xf32, #tpu.memory_space<hbm>>) target(%arg17 : memref<128x128xf32, #tpu.memory_space<vmem>>) offsets(%dma_start3A_70 : memref<128xi32, #tpu.memory_space<vmem>>) semaphore(%arg20 : memref<!tpu.dma_semaphore, #tpu.memory_space<semaphore_mem>>)
      %dma_wait3A = arith.constant 0 : i32
      %dma_wait3A_74 = tpu.memref_slice %arg13[%scan3A_66, %dma_wait3A] : memref<88x128xi32, #tpu.memory_space<vmem>> -> memref<1x128xi32, #tpu.memory_space<vmem>>
      %dma_wait3A_75 = tpu.memref_squeeze %dma_wait3A_74 : memref<1x128xi32, #tpu.memory_space<vmem>> -> memref<128xi32, #tpu.memory_space<vmem>>
      %dma_wait3A_76 = arith.constant 0 : i32
      %dma_wait3A_77 = arith.constant 0 : i32
      %dma_wait3A_78 = tpu.memref_slice %arg2[%dma_wait3A_76, %dma_wait3A_77] : memref<10240x128xf32, #tpu.memory_space<hbm>> -> memref<10240x128xf32, #tpu.memory_space<hbm>>
      tpu.wait_indirect_dma semaphore(%arg20 : memref<!tpu.dma_semaphore, #tpu.memory_space<semaphore_mem>>) src(%dma_wait3A_78 : memref<10240x128xf32, #tpu.memory_space<hbm>>) dst(%arg17 : memref<128x128xf32, #tpu.memory_space<vmem>>)
      "tpu.region"() ({
        %run_scoped3A_86 = tpu.sem_alloc : memref<!tpu.dma_semaphore, #tpu.memory_space<semaphore_mem>>
        %dma_start3A_87 = arith.constant 0 : i32
        %dma_start3A_88 = arith.constant 0 : i32
        %dma_start3A_89 = tpu.memref_slice %arg11[%dma_start3A_87, %dma_start3A_88] : memref<2688x128xf32, #tpu.memory_space<vmem_shared>> -> memref<2688x128xf32, #tpu.memory_space<vmem_shared>>
        tpu.enqueue_indirect_dma source(%arg17 : memref<128x128xf32, #tpu.memory_space<vmem>>) target(%dma_start3A_89 : memref<2688x128xf32, #tpu.memory_space<vmem_shared>>) offsets(%arg14 : memref<128xi32, #tpu.memory_space<vmem>>) semaphore(%run_scoped3A_86 : memref<!tpu.dma_semaphore, #tpu.memory_space<semaphore_mem>>) {add = true}
        %dma_wait3A_90 = arith.constant 0 : i32
        %dma_wait3A_91 = arith.constant 0 : i32
        %dma_wait3A_92 = tpu.memref_slice %arg11[%dma_wait3A_90, %dma_wait3A_91] : memref<2688x128xf32, #tpu.memory_space<vmem_shared>> -> memref<2688x128xf32, #tpu.memory_space<vmem_shared>>
        tpu.wait_indirect_dma semaphore(%run_scoped3A_86 : memref<!tpu.dma_semaphore, #tpu.memory_space<semaphore_mem>>) src(%arg17 : memref<128x128xf32, #tpu.memory_space<vmem>>) dst(%dma_wait3A_92 : memref<2688x128xf32, #tpu.memory_space<vmem_shared>>)
        tpu.yield
      }) : () -> ()
      "tpu.region"() ({
        %run_scoped3A_86 = tpu.sem_alloc : memref<!tpu.dma_semaphore, #tpu.memory_space<semaphore_mem>>
        %dma_start3A_87 = arith.constant 0 : i32
        %dma_start3A_88 = tpu.memref_slice %arg8[%add3A_67, %dma_start3A_87] : memref<2560x128xi32, #tpu.memory_space<hbm>> -> memref<1x128xi32, #tpu.memory_space<hbm>>
        %dma_start3A_89 = tpu.memref_squeeze %dma_start3A_88 : memref<1x128xi32, #tpu.memory_space<hbm>> -> memref<128xi32, #tpu.memory_space<hbm>>
        %dma_start3A_90 = arith.constant 0 : i32
        %dma_start3A_91 = tpu.memref_slice %arg8[%add3A_67, %dma_start3A_90] : memref<2560x128xi32, #tpu.memory_space<hbm>> -> memref<1x128xi32, #tpu.memory_space<hbm>>
        %dma_start3A_92 = tpu.memref_squeeze %dma_start3A_91 : memref<1x128xi32, #tpu.memory_space<hbm>> -> memref<128xi32, #tpu.memory_space<hbm>>
        tpu.enqueue_dma source(%dma_start3A_92 : memref<128xi32, #tpu.memory_space<hbm>>) target(%arg16 : memref<128xi32, #tpu.memory_space<vmem>>) target_semaphore(%run_scoped3A_86 : memref<!tpu.dma_semaphore, #tpu.memory_space<semaphore_mem>>)
        %dma_wait3A_93 = arith.constant 0 : i32
        %dma_wait3A_94 = tpu.memref_slice %arg8[%add3A_67, %dma_wait3A_93] : memref<2560x128xi32, #tpu.memory_space<hbm>> -> memref<1x128xi32, #tpu.memory_space<hbm>>
        %dma_wait3A_95 = tpu.memref_squeeze %dma_wait3A_94 : memref<1x128xi32, #tpu.memory_space<hbm>> -> memref<128xi32, #tpu.memory_space<hbm>>
        %dma_wait3A_96 = arith.constant 0 : i32
        %dma_wait3A_97 = tpu.memref_slice %arg8[%add3A_67, %dma_wait3A_96] : memref<2560x128xi32, #tpu.memory_space<hbm>> -> memref<1x128xi32, #tpu.memory_space<hbm>>
        %dma_wait3A_98 = tpu.memref_squeeze %dma_wait3A_97 : memref<1x128xi32, #tpu.memory_space<hbm>> -> memref<128xi32, #tpu.memory_space<hbm>>
        tpu.wait_dma2 semaphore(%run_scoped3A_86 : memref<!tpu.dma_semaphore, #tpu.memory_space<semaphore_mem>>) src(%dma_wait3A_98 : memref<128xi32, #tpu.memory_space<hbm>>) dst(%arg16 : memref<128xi32, #tpu.memory_space<vmem>>)
        tpu.yield
      }) : () -> ()
      %run_scoped3A_79 = arith.constant 0 : i32
      "tpu.region"() ({
        %run_scoped3A_86 = tpu.sem_alloc : memref<!tpu.dma_semaphore, #tpu.memory_space<semaphore_mem>>
        %dma_start3A_87 = arith.constant 0 : i32
        %dma_start3A_88 = tpu.memref_slice %arg7[%run_scoped3A_79, %add3A_67, %dma_start3A_87] : memref<2x2560x128xi32, #tpu.memory_space<hbm>> -> memref<1x1x128xi32, #tpu.memory_space<hbm>>
        %dma_start3A_89 = tpu.memref_squeeze %dma_start3A_88 : memref<1x1x128xi32, #tpu.memory_space<hbm>> -> memref<128xi32, #tpu.memory_space<hbm>>
        %dma_start3A_90 = arith.constant 0 : i32
        %dma_start3A_91 = tpu.memref_slice %arg7[%run_scoped3A_79, %add3A_67, %dma_start3A_90] : memref<2x2560x128xi32, #tpu.memory_space<hbm>> -> memref<1x1x128xi32, #tpu.memory_space<hbm>>
        %dma_start3A_92 = tpu.memref_squeeze %dma_start3A_91 : memref<1x1x128xi32, #tpu.memory_space<hbm>> -> memref<128xi32, #tpu.memory_space<hbm>>
        tpu.enqueue_dma source(%dma_start3A_92 : memref<128xi32, #tpu.memory_space<hbm>>) target(%arg15 : memref<128xi32, #tpu.memory_space<vmem>>) target_semaphore(%run_scoped3A_86 : memref<!tpu.dma_semaphore, #tpu.memory_space<semaphore_mem>>)
        %dma_wait3A_93 = arith.constant 0 : i32
        %dma_wait3A_94 = tpu.memref_slice %arg7[%run_scoped3A_79, %add3A_67, %dma_wait3A_93] : memref<2x2560x128xi32, #tpu.memory_space<hbm>> -> memref<1x1x128xi32, #tpu.memory_space<hbm>>
        %dma_wait3A_95 = tpu.memref_squeeze %dma_wait3A_94 : memref<1x1x128xi32, #tpu.memory_space<hbm>> -> memref<128xi32, #tpu.memory_space<hbm>>
        %dma_wait3A_96 = arith.constant 0 : i32
        %dma_wait3A_97 = tpu.memref_slice %arg7[%run_scoped3A_79, %add3A_67, %dma_wait3A_96] : memref<2x2560x128xi32, #tpu.memory_space<hbm>> -> memref<1x1x128xi32, #tpu.memory_space<hbm>>
        %dma_wait3A_98 = tpu.memref_squeeze %dma_wait3A_97 : memref<1x1x128xi32, #tpu.memory_space<hbm>> -> memref<128xi32, #tpu.memory_space<hbm>>
        tpu.wait_dma2 semaphore(%run_scoped3A_86 : memref<!tpu.dma_semaphore, #tpu.memory_space<semaphore_mem>>) src(%dma_wait3A_98 : memref<128xi32, #tpu.memory_space<hbm>>) dst(%arg15 : memref<128xi32, #tpu.memory_space<vmem>>)
        tpu.yield
      }) : () -> ()
      %dma_start3A_80 = arith.constant 0 : i32
      %dma_start3A_81 = arith.constant 0 : i32
      %dma_start3A_82 = tpu.memref_slice %arg6[%dma_start3A_80, %dma_start3A_81] : memref<16x128xf32, #tpu.memory_space<hbm>> -> memref<16x128xf32, #tpu.memory_space<hbm>>
      tpu.enqueue_indirect_dma source(%dma_start3A_82 : memref<16x128xf32, #tpu.memory_space<hbm>>) target(%arg18 : memref<128x128xf32, #tpu.memory_space<vmem>>) offsets(%arg16 : memref<128xi32, #tpu.memory_space<vmem>>) semaphore(%arg21 : memref<!tpu.dma_semaphore, #tpu.memory_space<semaphore_mem>>)
      %dma_wait3A_83 = arith.constant 0 : i32
      %dma_wait3A_84 = arith.constant 0 : i32
      %dma_wait3A_85 = tpu.memref_slice %arg6[%dma_wait3A_83, %dma_wait3A_84] : memref<16x128xf32, #tpu.memory_space<hbm>> -> memref<16x128xf32, #tpu.memory_space<hbm>>
      tpu.wait_indirect_dma semaphore(%arg21 : memref<!tpu.dma_semaphore, #tpu.memory_space<semaphore_mem>>) src(%dma_wait3A_85 : memref<16x128xf32, #tpu.memory_space<hbm>>) dst(%arg18 : memref<128x128xf32, #tpu.memory_space<vmem>>)
      "tpu.region"() ({
        %run_scoped3A_86 = tpu.sem_alloc : memref<!tpu.dma_semaphore, #tpu.memory_space<semaphore_mem>>
        %dma_start3A_87 = arith.constant 0 : i32
        %dma_start3A_88 = arith.constant 0 : i32
        %dma_start3A_89 = tpu.memref_slice %arg12[%dma_start3A_87, %dma_start3A_88] : memref<768x128xf32, #tpu.memory_space<vmem_shared>> -> memref<768x128xf32, #tpu.memory_space<vmem_shared>>
        tpu.enqueue_indirect_dma source(%arg18 : memref<128x128xf32, #tpu.memory_space<vmem>>) target(%dma_start3A_89 : memref<768x128xf32, #tpu.memory_space<vmem_shared>>) offsets(%arg15 : memref<128xi32, #tpu.memory_space<vmem>>) semaphore(%run_scoped3A_86 : memref<!tpu.dma_semaphore, #tpu.memory_space<semaphore_mem>>) {add = true}
        %dma_wait3A_90 = arith.constant 0 : i32
        %dma_wait3A_91 = arith.constant 0 : i32
        %dma_wait3A_92 = tpu.memref_slice %arg12[%dma_wait3A_90, %dma_wait3A_91] : memref<768x128xf32, #tpu.memory_space<vmem_shared>> -> memref<768x128xf32, #tpu.memory_space<vmem_shared>>
        tpu.wait_indirect_dma semaphore(%run_scoped3A_86 : memref<!tpu.dma_semaphore, #tpu.memory_space<semaphore_mem>>) src(%arg18 : memref<128x128xf32, #tpu.memory_space<vmem>>) dst(%dma_wait3A_92 : memref<768x128xf32, #tpu.memory_space<vmem_shared>>)
        tpu.yield
      }) : () -> ()
    }
    %scan3A_13 = arith.constant 80 : i32
    %barrier3A_14 = arith.constant 0 : index
    tpu.barrier barrier_id(%barrier3A_14)
    "tpu.region"() ({
      %run_scoped3A_66 = tpu.sem_alloc : memref<!tpu.dma_semaphore, #tpu.memory_space<semaphore_mem>>
      %dma_start3A = arith.constant 0 : i32
      %dma_start3A_67 = tpu.memref_slice %arg11[%mul3A_4, %dma_start3A] : memref<2688x128xf32, #tpu.memory_space<vmem_shared>> -> memref<168x128xf32, #tpu.memory_space<vmem_shared>>
      %dma_start3A_68 = arith.constant 0 : i32
      %dma_start3A_69 = tpu.memref_slice %arg11[%mul3A_4, %dma_start3A_68] : memref<2688x128xf32, #tpu.memory_space<vmem_shared>> -> memref<168x128xf32, #tpu.memory_space<vmem_shared>>
      tpu.enqueue_dma source(%dma_start3A_69 : memref<168x128xf32, #tpu.memory_space<vmem_shared>>) target(%arg19 : memref<168x128xf32, #tpu.memory_space<vmem>>) target_semaphore(%run_scoped3A_66 : memref<!tpu.dma_semaphore, #tpu.memory_space<semaphore_mem>>)
      %dma_wait3A = arith.constant 0 : i32
      %dma_wait3A_70 = tpu.memref_slice %arg11[%mul3A_4, %dma_wait3A] : memref<2688x128xf32, #tpu.memory_space<vmem_shared>> -> memref<168x128xf32, #tpu.memory_space<vmem_shared>>
      %dma_wait3A_71 = arith.constant 0 : i32
      %dma_wait3A_72 = tpu.memref_slice %arg11[%mul3A_4, %dma_wait3A_71] : memref<2688x128xf32, #tpu.memory_space<vmem_shared>> -> memref<168x128xf32, #tpu.memory_space<vmem_shared>>
      tpu.wait_dma2 semaphore(%run_scoped3A_66 : memref<!tpu.dma_semaphore, #tpu.memory_space<semaphore_mem>>) src(%dma_wait3A_72 : memref<168x128xf32, #tpu.memory_space<vmem_shared>>) dst(%arg19 : memref<168x128xf32, #tpu.memory_space<vmem>>)
      tpu.yield
    }) : () -> ()
    %run_scoped3A = arith.constant 0 : i32
    "tpu.region"() ({
      %run_scoped3A_66 = tpu.sem_alloc : memref<!tpu.dma_semaphore, #tpu.memory_space<semaphore_mem>>
      %dma_start3A = arith.constant 0 : i32
      %dma_start3A_67 = tpu.memref_slice %arg9[%arg0, %run_scoped3A, %mul3A_4, %dma_start3A] : memref<2x4x2688x128xf32, #tpu.memory_space<hbm>> -> memref<1x1x168x128xf32, #tpu.memory_space<hbm>>
      %dma_start3A_68 = tpu.memref_squeeze %dma_start3A_67 : memref<1x1x168x128xf32, #tpu.memory_space<hbm>> -> memref<168x128xf32, #tpu.memory_space<hbm>>
      %dma_start3A_69 = arith.constant 0 : i32
      %dma_start3A_70 = tpu.memref_slice %arg9[%arg0, %run_scoped3A, %mul3A_4, %dma_start3A_69] : memref<2x4x2688x128xf32, #tpu.memory_space<hbm>> -> memref<1x1x168x128xf32, #tpu.memory_space<hbm>>
      %dma_start3A_71 = tpu.memref_squeeze %dma_start3A_70 : memref<1x1x168x128xf32, #tpu.memory_space<hbm>> -> memref<168x128xf32, #tpu.memory_space<hbm>>
      tpu.enqueue_dma source(%arg19 : memref<168x128xf32, #tpu.memory_space<vmem>>) target(%dma_start3A_71 : memref<168x128xf32, #tpu.memory_space<hbm>>) target_semaphore(%run_scoped3A_66 : memref<!tpu.dma_semaphore, #tpu.memory_space<semaphore_mem>>)
      %dma_wait3A = arith.constant 0 : i32
      %dma_wait3A_72 = tpu.memref_slice %arg9[%arg0, %run_scoped3A, %mul3A_4, %dma_wait3A] : memref<2x4x2688x128xf32, #tpu.memory_space<hbm>> -> memref<1x1x168x128xf32, #tpu.memory_space<hbm>>
      %dma_wait3A_73 = tpu.memref_squeeze %dma_wait3A_72 : memref<1x1x168x128xf32, #tpu.memory_space<hbm>> -> memref<168x128xf32, #tpu.memory_space<hbm>>
      %dma_wait3A_74 = arith.constant 0 : i32
      %dma_wait3A_75 = tpu.memref_slice %arg9[%arg0, %run_scoped3A, %mul3A_4, %dma_wait3A_74] : memref<2x4x2688x128xf32, #tpu.memory_space<hbm>> -> memref<1x1x168x128xf32, #tpu.memory_space<hbm>>
      %dma_wait3A_76 = tpu.memref_squeeze %dma_wait3A_75 : memref<1x1x168x128xf32, #tpu.memory_space<hbm>> -> memref<168x128xf32, #tpu.memory_space<hbm>>
      tpu.wait_dma2 semaphore(%run_scoped3A_66 : memref<!tpu.dma_semaphore, #tpu.memory_space<semaphore_mem>>) src(%arg19 : memref<168x128xf32, #tpu.memory_space<vmem>>) dst(%dma_wait3A_76 : memref<168x128xf32, #tpu.memory_space<hbm>>)
      tpu.yield
    }) : () -> ()
    %mul3A_15 = arith.constant 48 : i32
    %mul3A_16 = arith.muli %arg1, %mul3A_15 : i32
    "tpu.region"() ({
      %run_scoped3A_66 = tpu.sem_alloc : memref<!tpu.dma_semaphore, #tpu.memory_space<semaphore_mem>>
      %dma_start3A = arith.constant 0 : i32
      %dma_start3A_67 = arith.constant 0 : i32
      %dma_start3A_68 = tpu.memref_slice %arg18[%dma_start3A, %dma_start3A_67] : memref<128x128xf32, #tpu.memory_space<vmem>> -> memref<48x128xf32, #tpu.memory_space<vmem>>
      %dma_start3A_69 = arith.constant 0 : i32
      %dma_start3A_70 = tpu.memref_slice %arg12[%mul3A_16, %dma_start3A_69] : memref<768x128xf32, #tpu.memory_space<vmem_shared>> -> memref<48x128xf32, #tpu.memory_space<vmem_shared>>
      %dma_start3A_71 = arith.constant 0 : i32
      %dma_start3A_72 = arith.constant 0 : i32
      %dma_start3A_73 = tpu.memref_slice %arg18[%dma_start3A_71, %dma_start3A_72] : memref<128x128xf32, #tpu.memory_space<vmem>> -> memref<48x128xf32, #tpu.memory_space<vmem>>
      %dma_start3A_74 = arith.constant 0 : i32
      %dma_start3A_75 = tpu.memref_slice %arg12[%mul3A_16, %dma_start3A_74] : memref<768x128xf32, #tpu.memory_space<vmem_shared>> -> memref<48x128xf32, #tpu.memory_space<vmem_shared>>
      tpu.enqueue_dma source(%dma_start3A_75 : memref<48x128xf32, #tpu.memory_space<vmem_shared>>) target(%dma_start3A_73 : memref<48x128xf32, #tpu.memory_space<vmem>>) target_semaphore(%run_scoped3A_66 : memref<!tpu.dma_semaphore, #tpu.memory_space<semaphore_mem>>)
      %dma_wait3A = arith.constant 0 : i32
      %dma_wait3A_76 = arith.constant 0 : i32
      %dma_wait3A_77 = tpu.memref_slice %arg18[%dma_wait3A, %dma_wait3A_76] : memref<128x128xf32, #tpu.memory_space<vmem>> -> memref<48x128xf32, #tpu.memory_space<vmem>>
      %dma_wait3A_78 = arith.constant 0 : i32
      %dma_wait3A_79 = tpu.memref_slice %arg12[%mul3A_16, %dma_wait3A_78] : memref<768x128xf32, #tpu.memory_space<vmem_shared>> -> memref<48x128xf32, #tpu.memory_space<vmem_shared>>
      %dma_wait3A_80 = arith.constant 0 : i32
      %dma_wait3A_81 = arith.constant 0 : i32
      %dma_wait3A_82 = tpu.memref_slice %arg18[%dma_wait3A_80, %dma_wait3A_81] : memref<128x128xf32, #tpu.memory_space<vmem>> -> memref<48x128xf32, #tpu.memory_space<vmem>>
      %dma_wait3A_83 = arith.constant 0 : i32
      %dma_wait3A_84 = tpu.memref_slice %arg12[%mul3A_16, %dma_wait3A_83] : memref<768x128xf32, #tpu.memory_space<vmem_shared>> -> memref<48x128xf32, #tpu.memory_space<vmem_shared>>
      tpu.wait_dma2 semaphore(%run_scoped3A_66 : memref<!tpu.dma_semaphore, #tpu.memory_space<semaphore_mem>>) src(%dma_wait3A_84 : memref<48x128xf32, #tpu.memory_space<vmem_shared>>) dst(%dma_wait3A_82 : memref<48x128xf32, #tpu.memory_space<vmem>>)
      tpu.yield
    }) : () -> ()
    %mul3A_17 = arith.constant 48 : i32
    %mul3A_18 = arith.muli %arg1, %mul3A_17 : i32
    %run_scoped3A_19 = arith.constant 0 : i32
    "tpu.region"() ({
      %run_scoped3A_66 = tpu.sem_alloc : memref<!tpu.dma_semaphore, #tpu.memory_space<semaphore_mem>>
      %dma_start3A = arith.constant 0 : i32
      %dma_start3A_67 = arith.constant 0 : i32
      %dma_start3A_68 = tpu.memref_slice %arg18[%dma_start3A, %dma_start3A_67] : memref<128x128xf32, #tpu.memory_space<vmem>> -> memref<48x128xf32, #tpu.memory_space<vmem>>
      %dma_start3A_69 = arith.constant 0 : i32
      %dma_start3A_70 = tpu.memref_slice %arg10[%arg0, %run_scoped3A_19, %mul3A_18, %dma_start3A_69] : memref<2x2x768x128xf32, #tpu.memory_space<hbm>> -> memref<1x1x48x128xf32, #tpu.memory_space<hbm>>
      %dma_start3A_71 = tpu.memref_squeeze %dma_start3A_70 : memref<1x1x48x128xf32, #tpu.memory_space<hbm>> -> memref<48x128xf32, #tpu.memory_space<hbm>>
      %dma_start3A_72 = arith.constant 0 : i32
      %dma_start3A_73 = tpu.memref_slice %arg10[%arg0, %run_scoped3A_19, %mul3A_18, %dma_start3A_72] : memref<2x2x768x128xf32, #tpu.memory_space<hbm>> -> memref<1x1x48x128xf32, #tpu.memory_space<hbm>>
      %dma_start3A_74 = tpu.memref_squeeze %dma_start3A_73 : memref<1x1x48x128xf32, #tpu.memory_space<hbm>> -> memref<48x128xf32, #tpu.memory_space<hbm>>
      %dma_start3A_75 = arith.constant 0 : i32
      %dma_start3A_76 = arith.constant 0 : i32
      %dma_start3A_77 = tpu.memref_slice %arg18[%dma_start3A_75, %dma_start3A_76] : memref<128x128xf32, #tpu.memory_space<vmem>> -> memref<48x128xf32, #tpu.memory_space<vmem>>
      tpu.enqueue_dma source(%dma_start3A_77 : memref<48x128xf32, #tpu.memory_space<vmem>>) target(%dma_start3A_74 : memref<48x128xf32, #tpu.memory_space<hbm>>) target_semaphore(%run_scoped3A_66 : memref<!tpu.dma_semaphore, #tpu.memory_space<semaphore_mem>>)
      %dma_wait3A = arith.constant 0 : i32
      %dma_wait3A_78 = arith.constant 0 : i32
      %dma_wait3A_79 = tpu.memref_slice %arg18[%dma_wait3A, %dma_wait3A_78] : memref<128x128xf32, #tpu.memory_space<vmem>> -> memref<48x128xf32, #tpu.memory_space<vmem>>
      %dma_wait3A_80 = arith.constant 0 : i32
      %dma_wait3A_81 = tpu.memref_slice %arg10[%arg0, %run_scoped3A_19, %mul3A_18, %dma_wait3A_80] : memref<2x2x768x128xf32, #tpu.memory_space<hbm>> -> memref<1x1x48x128xf32, #tpu.memory_space<hbm>>
      %dma_wait3A_82 = tpu.memref_squeeze %dma_wait3A_81 : memref<1x1x48x128xf32, #tpu.memory_space<hbm>> -> memref<48x128xf32, #tpu.memory_space<hbm>>
      %dma_wait3A_83 = arith.constant 0 : i32
      %dma_wait3A_84 = tpu.memref_slice %arg10[%arg0, %run_scoped3A_19, %mul3A_18, %dma_wait3A_83] : memref<2x2x768x128xf32, #tpu.memory_space<hbm>> -> memref<1x1x48x128xf32, #tpu.memory_space<hbm>>
      %dma_wait3A_85 = tpu.memref_squeeze %dma_wait3A_84 : memref<1x1x48x128xf32, #tpu.memory_space<hbm>> -> memref<48x128xf32, #tpu.memory_space<hbm>>
      %dma_wait3A_86 = arith.constant 0 : i32
      %dma_wait3A_87 = arith.constant 0 : i32
      %dma_wait3A_88 = tpu.memref_slice %arg18[%dma_wait3A_86, %dma_wait3A_87] : memref<128x128xf32, #tpu.memory_space<vmem>> -> memref<48x128xf32, #tpu.memory_space<vmem>>
      tpu.wait_dma2 semaphore(%run_scoped3A_66 : memref<!tpu.dma_semaphore, #tpu.memory_space<semaphore_mem>>) src(%dma_wait3A_88 : memref<48x128xf32, #tpu.memory_space<vmem>>) dst(%dma_wait3A_85 : memref<48x128xf32, #tpu.memory_space<hbm>>)
      tpu.yield
    }) : () -> ()
    %barrier3A_20 = arith.constant 0 : index
    tpu.barrier barrier_id(%barrier3A_20)
    %mul3A_21 = arith.constant 168 : i32
    %mul3A_22 = arith.muli %arg1, %mul3A_21 : i32
    "tpu.region"() ({
      %run_scoped3A_66 = tpu.sem_alloc : memref<!tpu.dma_semaphore, #tpu.memory_space<semaphore_mem>>
      %dma_start3A = arith.constant 0 : i32
      %dma_start3A_67 = tpu.memref_slice %arg5[%mul3A_22, %dma_start3A] : memref<5248x128xf32, #tpu.memory_space<hbm>> -> memref<168x128xf32, #tpu.memory_space<hbm>>
      %dma_start3A_68 = arith.constant 0 : i32
      %dma_start3A_69 = tpu.memref_slice %arg5[%mul3A_22, %dma_start3A_68] : memref<5248x128xf32, #tpu.memory_space<hbm>> -> memref<168x128xf32, #tpu.memory_space<hbm>>
      tpu.enqueue_dma source(%dma_start3A_69 : memref<168x128xf32, #tpu.memory_space<hbm>>) target(%arg19 : memref<168x128xf32, #tpu.memory_space<vmem>>) target_semaphore(%run_scoped3A_66 : memref<!tpu.dma_semaphore, #tpu.memory_space<semaphore_mem>>)
      %dma_wait3A = arith.constant 0 : i32
      %dma_wait3A_70 = tpu.memref_slice %arg5[%mul3A_22, %dma_wait3A] : memref<5248x128xf32, #tpu.memory_space<hbm>> -> memref<168x128xf32, #tpu.memory_space<hbm>>
      %dma_wait3A_71 = arith.constant 0 : i32
      %dma_wait3A_72 = tpu.memref_slice %arg5[%mul3A_22, %dma_wait3A_71] : memref<5248x128xf32, #tpu.memory_space<hbm>> -> memref<168x128xf32, #tpu.memory_space<hbm>>
      tpu.wait_dma2 semaphore(%run_scoped3A_66 : memref<!tpu.dma_semaphore, #tpu.memory_space<semaphore_mem>>) src(%dma_wait3A_72 : memref<168x128xf32, #tpu.memory_space<hbm>>) dst(%arg19 : memref<168x128xf32, #tpu.memory_space<vmem>>)
      tpu.yield
    }) : () -> ()
    "tpu.region"() ({
      %run_scoped3A_66 = tpu.sem_alloc : memref<!tpu.dma_semaphore, #tpu.memory_space<semaphore_mem>>
      %dma_start3A = arith.constant 0 : i32
      %dma_start3A_67 = tpu.memref_slice %arg11[%mul3A_22, %dma_start3A] : memref<2688x128xf32, #tpu.memory_space<vmem_shared>> -> memref<168x128xf32, #tpu.memory_space<vmem_shared>>
      %dma_start3A_68 = arith.constant 0 : i32
      %dma_start3A_69 = tpu.memref_slice %arg11[%mul3A_22, %dma_start3A_68] : memref<2688x128xf32, #tpu.memory_space<vmem_shared>> -> memref<168x128xf32, #tpu.memory_space<vmem_shared>>
      tpu.enqueue_dma source(%arg19 : memref<168x128xf32, #tpu.memory_space<vmem>>) target(%dma_start3A_69 : memref<168x128xf32, #tpu.memory_space<vmem_shared>>) target_semaphore(%run_scoped3A_66 : memref<!tpu.dma_semaphore, #tpu.memory_space<semaphore_mem>>)
      %dma_wait3A = arith.constant 0 : i32
      %dma_wait3A_70 = tpu.memref_slice %arg11[%mul3A_22, %dma_wait3A] : memref<2688x128xf32, #tpu.memory_space<vmem_shared>> -> memref<168x128xf32, #tpu.memory_space<vmem_shared>>
      %dma_wait3A_71 = arith.constant 0 : i32
      %dma_wait3A_72 = tpu.memref_slice %arg11[%mul3A_22, %dma_wait3A_71] : memref<2688x128xf32, #tpu.memory_space<vmem_shared>> -> memref<168x128xf32, #tpu.memory_space<vmem_shared>>
      tpu.wait_dma2 semaphore(%run_scoped3A_66 : memref<!tpu.dma_semaphore, #tpu.memory_space<semaphore_mem>>) src(%arg19 : memref<168x128xf32, #tpu.memory_space<vmem>>) dst(%dma_wait3A_72 : memref<168x128xf32, #tpu.memory_space<vmem_shared>>)
      tpu.yield
    }) : () -> ()
    %mul3A_23 = arith.constant 48 : i32
    %mul3A_24 = arith.muli %arg1, %mul3A_23 : i32
    "tpu.region"() ({
      %run_scoped3A_66 = tpu.sem_alloc : memref<!tpu.dma_semaphore, #tpu.memory_space<semaphore_mem>>
      %dma_start3A = arith.constant 0 : i32
      %dma_start3A_67 = arith.constant 0 : i32
      %dma_start3A_68 = tpu.memref_slice %arg18[%dma_start3A, %dma_start3A_67] : memref<128x128xf32, #tpu.memory_space<vmem>> -> memref<48x128xf32, #tpu.memory_space<vmem>>
      %dma_start3A_69 = arith.constant 0 : i32
      %dma_start3A_70 = tpu.memref_slice %arg5[%mul3A_24, %dma_start3A_69] : memref<5248x128xf32, #tpu.memory_space<hbm>> -> memref<48x128xf32, #tpu.memory_space<hbm>>
      %dma_start3A_71 = arith.constant 0 : i32
      %dma_start3A_72 = arith.constant 0 : i32
      %dma_start3A_73 = tpu.memref_slice %arg18[%dma_start3A_71, %dma_start3A_72] : memref<128x128xf32, #tpu.memory_space<vmem>> -> memref<48x128xf32, #tpu.memory_space<vmem>>
      %dma_start3A_74 = arith.constant 0 : i32
      %dma_start3A_75 = tpu.memref_slice %arg5[%mul3A_24, %dma_start3A_74] : memref<5248x128xf32, #tpu.memory_space<hbm>> -> memref<48x128xf32, #tpu.memory_space<hbm>>
      tpu.enqueue_dma source(%dma_start3A_75 : memref<48x128xf32, #tpu.memory_space<hbm>>) target(%dma_start3A_73 : memref<48x128xf32, #tpu.memory_space<vmem>>) target_semaphore(%run_scoped3A_66 : memref<!tpu.dma_semaphore, #tpu.memory_space<semaphore_mem>>)
      %dma_wait3A = arith.constant 0 : i32
      %dma_wait3A_76 = arith.constant 0 : i32
      %dma_wait3A_77 = tpu.memref_slice %arg18[%dma_wait3A, %dma_wait3A_76] : memref<128x128xf32, #tpu.memory_space<vmem>> -> memref<48x128xf32, #tpu.memory_space<vmem>>
      %dma_wait3A_78 = arith.constant 0 : i32
      %dma_wait3A_79 = tpu.memref_slice %arg5[%mul3A_24, %dma_wait3A_78] : memref<5248x128xf32, #tpu.memory_space<hbm>> -> memref<48x128xf32, #tpu.memory_space<hbm>>
      %dma_wait3A_80 = arith.constant 0 : i32
      %dma_wait3A_81 = arith.constant 0 : i32
      %dma_wait3A_82 = tpu.memref_slice %arg18[%dma_wait3A_80, %dma_wait3A_81] : memref<128x128xf32, #tpu.memory_space<vmem>> -> memref<48x128xf32, #tpu.memory_space<vmem>>
      %dma_wait3A_83 = arith.constant 0 : i32
      %dma_wait3A_84 = tpu.memref_slice %arg5[%mul3A_24, %dma_wait3A_83] : memref<5248x128xf32, #tpu.memory_space<hbm>> -> memref<48x128xf32, #tpu.memory_space<hbm>>
      tpu.wait_dma2 semaphore(%run_scoped3A_66 : memref<!tpu.dma_semaphore, #tpu.memory_space<semaphore_mem>>) src(%dma_wait3A_84 : memref<48x128xf32, #tpu.memory_space<hbm>>) dst(%dma_wait3A_82 : memref<48x128xf32, #tpu.memory_space<vmem>>)
      tpu.yield
    }) : () -> ()
    %mul3A_25 = arith.constant 48 : i32
    %mul3A_26 = arith.muli %arg1, %mul3A_25 : i32
    "tpu.region"() ({
      %run_scoped3A_66 = tpu.sem_alloc : memref<!tpu.dma_semaphore, #tpu.memory_space<semaphore_mem>>
      %dma_start3A = arith.constant 0 : i32
      %dma_start3A_67 = arith.constant 0 : i32
      %dma_start3A_68 = tpu.memref_slice %arg18[%dma_start3A, %dma_start3A_67] : memref<128x128xf32, #tpu.memory_space<vmem>> -> memref<48x128xf32, #tpu.memory_space<vmem>>
      %dma_start3A_69 = arith.constant 0 : i32
      %dma_start3A_70 = tpu.memref_slice %arg12[%mul3A_26, %dma_start3A_69] : memref<768x128xf32, #tpu.memory_space<vmem_shared>> -> memref<48x128xf32, #tpu.memory_space<vmem_shared>>
      %dma_start3A_71 = arith.constant 0 : i32
      %dma_start3A_72 = tpu.memref_slice %arg12[%mul3A_26, %dma_start3A_71] : memref<768x128xf32, #tpu.memory_space<vmem_shared>> -> memref<48x128xf32, #tpu.memory_space<vmem_shared>>
      %dma_start3A_73 = arith.constant 0 : i32
      %dma_start3A_74 = arith.constant 0 : i32
      %dma_start3A_75 = tpu.memref_slice %arg18[%dma_start3A_73, %dma_start3A_74] : memref<128x128xf32, #tpu.memory_space<vmem>> -> memref<48x128xf32, #tpu.memory_space<vmem>>
      tpu.enqueue_dma source(%dma_start3A_75 : memref<48x128xf32, #tpu.memory_space<vmem>>) target(%dma_start3A_72 : memref<48x128xf32, #tpu.memory_space<vmem_shared>>) target_semaphore(%run_scoped3A_66 : memref<!tpu.dma_semaphore, #tpu.memory_space<semaphore_mem>>)
      %dma_wait3A = arith.constant 0 : i32
      %dma_wait3A_76 = arith.constant 0 : i32
      %dma_wait3A_77 = tpu.memref_slice %arg18[%dma_wait3A, %dma_wait3A_76] : memref<128x128xf32, #tpu.memory_space<vmem>> -> memref<48x128xf32, #tpu.memory_space<vmem>>
      %dma_wait3A_78 = arith.constant 0 : i32
      %dma_wait3A_79 = tpu.memref_slice %arg12[%mul3A_26, %dma_wait3A_78] : memref<768x128xf32, #tpu.memory_space<vmem_shared>> -> memref<48x128xf32, #tpu.memory_space<vmem_shared>>
      %dma_wait3A_80 = arith.constant 0 : i32
      %dma_wait3A_81 = tpu.memref_slice %arg12[%mul3A_26, %dma_wait3A_80] : memref<768x128xf32, #tpu.memory_space<vmem_shared>> -> memref<48x128xf32, #tpu.memory_space<vmem_shared>>
      %dma_wait3A_82 = arith.constant 0 : i32
      %dma_wait3A_83 = arith.constant 0 : i32
      %dma_wait3A_84 = tpu.memref_slice %arg18[%dma_wait3A_82, %dma_wait3A_83] : memref<128x128xf32, #tpu.memory_space<vmem>> -> memref<48x128xf32, #tpu.memory_space<vmem>>
      tpu.wait_dma2 semaphore(%run_scoped3A_66 : memref<!tpu.dma_semaphore, #tpu.memory_space<semaphore_mem>>) src(%dma_wait3A_84 : memref<48x128xf32, #tpu.memory_space<vmem>>) dst(%dma_wait3A_81 : memref<48x128xf32, #tpu.memory_space<vmem_shared>>)
      tpu.yield
    }) : () -> ()
    %barrier3A_27 = arith.constant 0 : index
    tpu.barrier barrier_id(%barrier3A_27)
    %scan3A_28 = arith.constant 0 : i32
    %scan3A_29 = arith.constant 0 : i32
    %scan3A_30 = arith.constant 80 : i32
    %scan3A_31 = arith.addi %scan3A_29, %scan3A_30 : i32
    %scan3A_32 = arith.constant 1 : i32
    scf.for %scan3A_66 = %scan3A_29 to %scan3A_31 step %scan3A_32  : i32 {
      %add3A_67 = arith.addi %mul3A_2, %scan3A_66 : i32
      %run_scoped3A_68 = arith.constant 1 : i32
      "tpu.region"() ({
        %run_scoped3A_86 = tpu.sem_alloc : memref<!tpu.dma_semaphore, #tpu.memory_space<semaphore_mem>>
        %dma_start3A_87 = arith.constant 0 : i32
        %dma_start3A_88 = tpu.memref_slice %arg4[%run_scoped3A_68, %add3A_67, %dma_start3A_87] : memref<4x2560x128xi32, #tpu.memory_space<hbm>> -> memref<1x1x128xi32, #tpu.memory_space<hbm>>
        %dma_start3A_89 = tpu.memref_squeeze %dma_start3A_88 : memref<1x1x128xi32, #tpu.memory_space<hbm>> -> memref<128xi32, #tpu.memory_space<hbm>>
        %dma_start3A_90 = arith.constant 0 : i32
        %dma_start3A_91 = tpu.memref_slice %arg4[%run_scoped3A_68, %add3A_67, %dma_start3A_90] : memref<4x2560x128xi32, #tpu.memory_space<hbm>> -> memref<1x1x128xi32, #tpu.memory_space<hbm>>
        %dma_start3A_92 = tpu.memref_squeeze %dma_start3A_91 : memref<1x1x128xi32, #tpu.memory_space<hbm>> -> memref<128xi32, #tpu.memory_space<hbm>>
        tpu.enqueue_dma source(%dma_start3A_92 : memref<128xi32, #tpu.memory_space<hbm>>) target(%arg14 : memref<128xi32, #tpu.memory_space<vmem>>) target_semaphore(%run_scoped3A_86 : memref<!tpu.dma_semaphore, #tpu.memory_space<semaphore_mem>>)
        %dma_wait3A_93 = arith.constant 0 : i32
        %dma_wait3A_94 = tpu.memref_slice %arg4[%run_scoped3A_68, %add3A_67, %dma_wait3A_93] : memref<4x2560x128xi32, #tpu.memory_space<hbm>> -> memref<1x1x128xi32, #tpu.memory_space<hbm>>
        %dma_wait3A_95 = tpu.memref_squeeze %dma_wait3A_94 : memref<1x1x128xi32, #tpu.memory_space<hbm>> -> memref<128xi32, #tpu.memory_space<hbm>>
        %dma_wait3A_96 = arith.constant 0 : i32
        %dma_wait3A_97 = tpu.memref_slice %arg4[%run_scoped3A_68, %add3A_67, %dma_wait3A_96] : memref<4x2560x128xi32, #tpu.memory_space<hbm>> -> memref<1x1x128xi32, #tpu.memory_space<hbm>>
        %dma_wait3A_98 = tpu.memref_squeeze %dma_wait3A_97 : memref<1x1x128xi32, #tpu.memory_space<hbm>> -> memref<128xi32, #tpu.memory_space<hbm>>
        tpu.wait_dma2 semaphore(%run_scoped3A_86 : memref<!tpu.dma_semaphore, #tpu.memory_space<semaphore_mem>>) src(%dma_wait3A_98 : memref<128xi32, #tpu.memory_space<hbm>>) dst(%arg14 : memref<128xi32, #tpu.memory_space<vmem>>)
        tpu.yield
      }) : () -> ()
      %dma_start3A = arith.constant 0 : i32
      %dma_start3A_69 = tpu.memref_slice %arg13[%scan3A_66, %dma_start3A] : memref<88x128xi32, #tpu.memory_space<vmem>> -> memref<1x128xi32, #tpu.memory_space<vmem>>
      %dma_start3A_70 = tpu.memref_squeeze %dma_start3A_69 : memref<1x128xi32, #tpu.memory_space<vmem>> -> memref<128xi32, #tpu.memory_space<vmem>>
      %dma_start3A_71 = arith.constant 0 : i32
      %dma_start3A_72 = arith.constant 0 : i32
      %dma_start3A_73 = tpu.memref_slice %arg2[%dma_start3A_71, %dma_start3A_72] : memref<10240x128xf32, #tpu.memory_space<hbm>> -> memref<10240x128xf32, #tpu.memory_space<hbm>>
      tpu.enqueue_indirect_dma source(%dma_start3A_73 : memref<10240x128xf32, #tpu.memory_space<hbm>>) target(%arg17 : memref<128x128xf32, #tpu.memory_space<vmem>>) offsets(%dma_start3A_70 : memref<128xi32, #tpu.memory_space<vmem>>) semaphore(%arg20 : memref<!tpu.dma_semaphore, #tpu.memory_space<semaphore_mem>>)
      %dma_wait3A = arith.constant 0 : i32
      %dma_wait3A_74 = tpu.memref_slice %arg13[%scan3A_66, %dma_wait3A] : memref<88x128xi32, #tpu.memory_space<vmem>> -> memref<1x128xi32, #tpu.memory_space<vmem>>
      %dma_wait3A_75 = tpu.memref_squeeze %dma_wait3A_74 : memref<1x128xi32, #tpu.memory_space<vmem>> -> memref<128xi32, #tpu.memory_space<vmem>>
      %dma_wait3A_76 = arith.constant 0 : i32
      %dma_wait3A_77 = arith.constant 0 : i32
      %dma_wait3A_78 = tpu.memref_slice %arg2[%dma_wait3A_76, %dma_wait3A_77] : memref<10240x128xf32, #tpu.memory_space<hbm>> -> memref<10240x128xf32, #tpu.memory_space<hbm>>
      tpu.wait_indirect_dma semaphore(%arg20 : memref<!tpu.dma_semaphore, #tpu.memory_space<semaphore_mem>>) src(%dma_wait3A_78 : memref<10240x128xf32, #tpu.memory_space<hbm>>) dst(%arg17 : memref<128x128xf32, #tpu.memory_space<vmem>>)
      "tpu.region"() ({
        %run_scoped3A_86 = tpu.sem_alloc : memref<!tpu.dma_semaphore, #tpu.memory_space<semaphore_mem>>
        %dma_start3A_87 = arith.constant 0 : i32
        %dma_start3A_88 = arith.constant 0 : i32
        %dma_start3A_89 = tpu.memref_slice %arg11[%dma_start3A_87, %dma_start3A_88] : memref<2688x128xf32, #tpu.memory_space<vmem_shared>> -> memref<2688x128xf32, #tpu.memory_space<vmem_shared>>
        tpu.enqueue_indirect_dma source(%arg17 : memref<128x128xf32, #tpu.memory_space<vmem>>) target(%dma_start3A_89 : memref<2688x128xf32, #tpu.memory_space<vmem_shared>>) offsets(%arg14 : memref<128xi32, #tpu.memory_space<vmem>>) semaphore(%run_scoped3A_86 : memref<!tpu.dma_semaphore, #tpu.memory_space<semaphore_mem>>) {add = true}
        %dma_wait3A_90 = arith.constant 0 : i32
        %dma_wait3A_91 = arith.constant 0 : i32
        %dma_wait3A_92 = tpu.memref_slice %arg11[%dma_wait3A_90, %dma_wait3A_91] : memref<2688x128xf32, #tpu.memory_space<vmem_shared>> -> memref<2688x128xf32, #tpu.memory_space<vmem_shared>>
        tpu.wait_indirect_dma semaphore(%run_scoped3A_86 : memref<!tpu.dma_semaphore, #tpu.memory_space<semaphore_mem>>) src(%arg17 : memref<128x128xf32, #tpu.memory_space<vmem>>) dst(%dma_wait3A_92 : memref<2688x128xf32, #tpu.memory_space<vmem_shared>>)
        tpu.yield
      }) : () -> ()
      "tpu.region"() ({
        %run_scoped3A_86 = tpu.sem_alloc : memref<!tpu.dma_semaphore, #tpu.memory_space<semaphore_mem>>
        %dma_start3A_87 = arith.constant 0 : i32
        %dma_start3A_88 = tpu.memref_slice %arg8[%add3A_67, %dma_start3A_87] : memref<2560x128xi32, #tpu.memory_space<hbm>> -> memref<1x128xi32, #tpu.memory_space<hbm>>
        %dma_start3A_89 = tpu.memref_squeeze %dma_start3A_88 : memref<1x128xi32, #tpu.memory_space<hbm>> -> memref<128xi32, #tpu.memory_space<hbm>>
        %dma_start3A_90 = arith.constant 0 : i32
        %dma_start3A_91 = tpu.memref_slice %arg8[%add3A_67, %dma_start3A_90] : memref<2560x128xi32, #tpu.memory_space<hbm>> -> memref<1x128xi32, #tpu.memory_space<hbm>>
        %dma_start3A_92 = tpu.memref_squeeze %dma_start3A_91 : memref<1x128xi32, #tpu.memory_space<hbm>> -> memref<128xi32, #tpu.memory_space<hbm>>
        tpu.enqueue_dma source(%dma_start3A_92 : memref<128xi32, #tpu.memory_space<hbm>>) target(%arg16 : memref<128xi32, #tpu.memory_space<vmem>>) target_semaphore(%run_scoped3A_86 : memref<!tpu.dma_semaphore, #tpu.memory_space<semaphore_mem>>)
        %dma_wait3A_93 = arith.constant 0 : i32
        %dma_wait3A_94 = tpu.memref_slice %arg8[%add3A_67, %dma_wait3A_93] : memref<2560x128xi32, #tpu.memory_space<hbm>> -> memref<1x128xi32, #tpu.memory_space<hbm>>
        %dma_wait3A_95 = tpu.memref_squeeze %dma_wait3A_94 : memref<1x128xi32, #tpu.memory_space<hbm>> -> memref<128xi32, #tpu.memory_space<hbm>>
        %dma_wait3A_96 = arith.constant 0 : i32
        %dma_wait3A_97 = tpu.memref_slice %arg8[%add3A_67, %dma_wait3A_96] : memref<2560x128xi32, #tpu.memory_space<hbm>> -> memref<1x128xi32, #tpu.memory_space<hbm>>
        %dma_wait3A_98 = tpu.memref_squeeze %dma_wait3A_97 : memref<1x128xi32, #tpu.memory_space<hbm>> -> memref<128xi32, #tpu.memory_space<hbm>>
        tpu.wait_dma2 semaphore(%run_scoped3A_86 : memref<!tpu.dma_semaphore, #tpu.memory_space<semaphore_mem>>) src(%dma_wait3A_98 : memref<128xi32, #tpu.memory_space<hbm>>) dst(%arg16 : memref<128xi32, #tpu.memory_space<vmem>>)
        tpu.yield
      }) : () -> ()
      %run_scoped3A_79 = arith.constant 1 : i32
      "tpu.region"() ({
        %run_scoped3A_86 = tpu.sem_alloc : memref<!tpu.dma_semaphore, #tpu.memory_space<semaphore_mem>>
        %dma_start3A_87 = arith.constant 0 : i32
        %dma_start3A_88 = tpu.memref_slice %arg7[%run_scoped3A_79, %add3A_67, %dma_start3A_87] : memref<2x2560x128xi32, #tpu.memory_space<hbm>> -> memref<1x1x128xi32, #tpu.memory_space<hbm>>
        %dma_start3A_89 = tpu.memref_squeeze %dma_start3A_88 : memref<1x1x128xi32, #tpu.memory_space<hbm>> -> memref<128xi32, #tpu.memory_space<hbm>>
        %dma_start3A_90 = arith.constant 0 : i32
        %dma_start3A_91 = tpu.memref_slice %arg7[%run_scoped3A_79, %add3A_67, %dma_start3A_90] : memref<2x2560x128xi32, #tpu.memory_space<hbm>> -> memref<1x1x128xi32, #tpu.memory_space<hbm>>
        %dma_start3A_92 = tpu.memref_squeeze %dma_start3A_91 : memref<1x1x128xi32, #tpu.memory_space<hbm>> -> memref<128xi32, #tpu.memory_space<hbm>>
        tpu.enqueue_dma source(%dma_start3A_92 : memref<128xi32, #tpu.memory_space<hbm>>) target(%arg15 : memref<128xi32, #tpu.memory_space<vmem>>) target_semaphore(%run_scoped3A_86 : memref<!tpu.dma_semaphore, #tpu.memory_space<semaphore_mem>>)
        %dma_wait3A_93 = arith.constant 0 : i32
        %dma_wait3A_94 = tpu.memref_slice %arg7[%run_scoped3A_79, %add3A_67, %dma_wait3A_93] : memref<2x2560x128xi32, #tpu.memory_space<hbm>> -> memref<1x1x128xi32, #tpu.memory_space<hbm>>
        %dma_wait3A_95 = tpu.memref_squeeze %dma_wait3A_94 : memref<1x1x128xi32, #tpu.memory_space<hbm>> -> memref<128xi32, #tpu.memory_space<hbm>>
        %dma_wait3A_96 = arith.constant 0 : i32
        %dma_wait3A_97 = tpu.memref_slice %arg7[%run_scoped3A_79, %add3A_67, %dma_wait3A_96] : memref<2x2560x128xi32, #tpu.memory_space<hbm>> -> memref<1x1x128xi32, #tpu.memory_space<hbm>>
        %dma_wait3A_98 = tpu.memref_squeeze %dma_wait3A_97 : memref<1x1x128xi32, #tpu.memory_space<hbm>> -> memref<128xi32, #tpu.memory_space<hbm>>
        tpu.wait_dma2 semaphore(%run_scoped3A_86 : memref<!tpu.dma_semaphore, #tpu.memory_space<semaphore_mem>>) src(%dma_wait3A_98 : memref<128xi32, #tpu.memory_space<hbm>>) dst(%arg15 : memref<128xi32, #tpu.memory_space<vmem>>)
        tpu.yield
      }) : () -> ()
      %dma_start3A_80 = arith.constant 0 : i32
      %dma_start3A_81 = arith.constant 0 : i32
      %dma_start3A_82 = tpu.memref_slice %arg6[%dma_start3A_80, %dma_start3A_81] : memref<16x128xf32, #tpu.memory_space<hbm>> -> memref<16x128xf32, #tpu.memory_space<hbm>>
      tpu.enqueue_indirect_dma source(%dma_start3A_82 : memref<16x128xf32, #tpu.memory_space<hbm>>) target(%arg18 : memref<128x128xf32, #tpu.memory_space<vmem>>) offsets(%arg16 : memref<128xi32, #tpu.memory_space<vmem>>) semaphore(%arg21 : memref<!tpu.dma_semaphore, #tpu.memory_space<semaphore_mem>>)
      %dma_wait3A_83 = arith.constant 0 : i32
      %dma_wait3A_84 = arith.constant 0 : i32
      %dma_wait3A_85 = tpu.memref_slice %arg6[%dma_wait3A_83, %dma_wait3A_84] : memref<16x128xf32, #tpu.memory_space<hbm>> -> memref<16x128xf32, #tpu.memory_space<hbm>>
      tpu.wait_indirect_dma semaphore(%arg21 : memref<!tpu.dma_semaphore, #tpu.memory_space<semaphore_mem>>) src(%dma_wait3A_85 : memref<16x128xf32, #tpu.memory_space<hbm>>) dst(%arg18 : memref<128x128xf32, #tpu.memory_space<vmem>>)
      "tpu.region"() ({
        %run_scoped3A_86 = tpu.sem_alloc : memref<!tpu.dma_semaphore, #tpu.memory_space<semaphore_mem>>
        %dma_start3A_87 = arith.constant 0 : i32
        %dma_start3A_88 = arith.constant 0 : i32
        %dma_start3A_89 = tpu.memref_slice %arg12[%dma_start3A_87, %dma_start3A_88] : memref<768x128xf32, #tpu.memory_space<vmem_shared>> -> memref<768x128xf32, #tpu.memory_space<vmem_shared>>
        tpu.enqueue_indirect_dma source(%arg18 : memref<128x128xf32, #tpu.memory_space<vmem>>) target(%dma_start3A_89 : memref<768x128xf32, #tpu.memory_space<vmem_shared>>) offsets(%arg15 : memref<128xi32, #tpu.memory_space<vmem>>) semaphore(%run_scoped3A_86 : memref<!tpu.dma_semaphore, #tpu.memory_space<semaphore_mem>>) {add = true}
        %dma_wait3A_90 = arith.constant 0 : i32
        %dma_wait3A_91 = arith.constant 0 : i32
        %dma_wait3A_92 = tpu.memref_slice %arg12[%dma_wait3A_90, %dma_wait3A_91] : memref<768x128xf32, #tpu.memory_space<vmem_shared>> -> memref<768x128xf32, #tpu.memory_space<vmem_shared>>
        tpu.wait_indirect_dma semaphore(%run_scoped3A_86 : memref<!tpu.dma_semaphore, #tpu.memory_space<semaphore_mem>>) src(%arg18 : memref<128x128xf32, #tpu.memory_space<vmem>>) dst(%dma_wait3A_92 : memref<768x128xf32, #tpu.memory_space<vmem_shared>>)
        tpu.yield
      }) : () -> ()
    }
    %scan3A_33 = arith.constant 80 : i32
    %barrier3A_34 = arith.constant 0 : index
    tpu.barrier barrier_id(%barrier3A_34)
    "tpu.region"() ({
      %run_scoped3A_66 = tpu.sem_alloc : memref<!tpu.dma_semaphore, #tpu.memory_space<semaphore_mem>>
      %dma_start3A = arith.constant 0 : i32
      %dma_start3A_67 = tpu.memref_slice %arg11[%mul3A_22, %dma_start3A] : memref<2688x128xf32, #tpu.memory_space<vmem_shared>> -> memref<168x128xf32, #tpu.memory_space<vmem_shared>>
      %dma_start3A_68 = arith.constant 0 : i32
      %dma_start3A_69 = tpu.memref_slice %arg11[%mul3A_22, %dma_start3A_68] : memref<2688x128xf32, #tpu.memory_space<vmem_shared>> -> memref<168x128xf32, #tpu.memory_space<vmem_shared>>
      tpu.enqueue_dma source(%dma_start3A_69 : memref<168x128xf32, #tpu.memory_space<vmem_shared>>) target(%arg19 : memref<168x128xf32, #tpu.memory_space<vmem>>) target_semaphore(%run_scoped3A_66 : memref<!tpu.dma_semaphore, #tpu.memory_space<semaphore_mem>>)
      %dma_wait3A = arith.constant 0 : i32
      %dma_wait3A_70 = tpu.memref_slice %arg11[%mul3A_22, %dma_wait3A] : memref<2688x128xf32, #tpu.memory_space<vmem_shared>> -> memref<168x128xf32, #tpu.memory_space<vmem_shared>>
      %dma_wait3A_71 = arith.constant 0 : i32
      %dma_wait3A_72 = tpu.memref_slice %arg11[%mul3A_22, %dma_wait3A_71] : memref<2688x128xf32, #tpu.memory_space<vmem_shared>> -> memref<168x128xf32, #tpu.memory_space<vmem_shared>>
      tpu.wait_dma2 semaphore(%run_scoped3A_66 : memref<!tpu.dma_semaphore, #tpu.memory_space<semaphore_mem>>) src(%dma_wait3A_72 : memref<168x128xf32, #tpu.memory_space<vmem_shared>>) dst(%arg19 : memref<168x128xf32, #tpu.memory_space<vmem>>)
      tpu.yield
    }) : () -> ()
    %run_scoped3A_35 = arith.constant 1 : i32
    "tpu.region"() ({
      %run_scoped3A_66 = tpu.sem_alloc : memref<!tpu.dma_semaphore, #tpu.memory_space<semaphore_mem>>
      %dma_start3A = arith.constant 0 : i32
      %dma_start3A_67 = tpu.memref_slice %arg9[%arg0, %run_scoped3A_35, %mul3A_22, %dma_start3A] : memref<2x4x2688x128xf32, #tpu.memory_space<hbm>> -> memref<1x1x168x128xf32, #tpu.memory_space<hbm>>
      %dma_start3A_68 = tpu.memref_squeeze %dma_start3A_67 : memref<1x1x168x128xf32, #tpu.memory_space<hbm>> -> memref<168x128xf32, #tpu.memory_space<hbm>>
      %dma_start3A_69 = arith.constant 0 : i32
      %dma_start3A_70 = tpu.memref_slice %arg9[%arg0, %run_scoped3A_35, %mul3A_22, %dma_start3A_69] : memref<2x4x2688x128xf32, #tpu.memory_space<hbm>> -> memref<1x1x168x128xf32, #tpu.memory_space<hbm>>
      %dma_start3A_71 = tpu.memref_squeeze %dma_start3A_70 : memref<1x1x168x128xf32, #tpu.memory_space<hbm>> -> memref<168x128xf32, #tpu.memory_space<hbm>>
      tpu.enqueue_dma source(%arg19 : memref<168x128xf32, #tpu.memory_space<vmem>>) target(%dma_start3A_71 : memref<168x128xf32, #tpu.memory_space<hbm>>) target_semaphore(%run_scoped3A_66 : memref<!tpu.dma_semaphore, #tpu.memory_space<semaphore_mem>>)
      %dma_wait3A = arith.constant 0 : i32
      %dma_wait3A_72 = tpu.memref_slice %arg9[%arg0, %run_scoped3A_35, %mul3A_22, %dma_wait3A] : memref<2x4x2688x128xf32, #tpu.memory_space<hbm>> -> memref<1x1x168x128xf32, #tpu.memory_space<hbm>>
      %dma_wait3A_73 = tpu.memref_squeeze %dma_wait3A_72 : memref<1x1x168x128xf32, #tpu.memory_space<hbm>> -> memref<168x128xf32, #tpu.memory_space<hbm>>
      %dma_wait3A_74 = arith.constant 0 : i32
      %dma_wait3A_75 = tpu.memref_slice %arg9[%arg0, %run_scoped3A_35, %mul3A_22, %dma_wait3A_74] : memref<2x4x2688x128xf32, #tpu.memory_space<hbm>> -> memref<1x1x168x128xf32, #tpu.memory_space<hbm>>
      %dma_wait3A_76 = tpu.memref_squeeze %dma_wait3A_75 : memref<1x1x168x128xf32, #tpu.memory_space<hbm>> -> memref<168x128xf32, #tpu.memory_space<hbm>>
      tpu.wait_dma2 semaphore(%run_scoped3A_66 : memref<!tpu.dma_semaphore, #tpu.memory_space<semaphore_mem>>) src(%arg19 : memref<168x128xf32, #tpu.memory_space<vmem>>) dst(%dma_wait3A_76 : memref<168x128xf32, #tpu.memory_space<hbm>>)
      tpu.yield
    }) : () -> ()
    %mul3A_36 = arith.constant 48 : i32
    %mul3A_37 = arith.muli %arg1, %mul3A_36 : i32
    "tpu.region"() ({
      %run_scoped3A_66 = tpu.sem_alloc : memref<!tpu.dma_semaphore, #tpu.memory_space<semaphore_mem>>
      %dma_start3A = arith.constant 0 : i32
      %dma_start3A_67 = arith.constant 0 : i32
      %dma_start3A_68 = tpu.memref_slice %arg18[%dma_start3A, %dma_start3A_67] : memref<128x128xf32, #tpu.memory_space<vmem>> -> memref<48x128xf32, #tpu.memory_space<vmem>>
      %dma_start3A_69 = arith.constant 0 : i32
      %dma_start3A_70 = tpu.memref_slice %arg12[%mul3A_37, %dma_start3A_69] : memref<768x128xf32, #tpu.memory_space<vmem_shared>> -> memref<48x128xf32, #tpu.memory_space<vmem_shared>>
      %dma_start3A_71 = arith.constant 0 : i32
      %dma_start3A_72 = arith.constant 0 : i32
      %dma_start3A_73 = tpu.memref_slice %arg18[%dma_start3A_71, %dma_start3A_72] : memref<128x128xf32, #tpu.memory_space<vmem>> -> memref<48x128xf32, #tpu.memory_space<vmem>>
      %dma_start3A_74 = arith.constant 0 : i32
      %dma_start3A_75 = tpu.memref_slice %arg12[%mul3A_37, %dma_start3A_74] : memref<768x128xf32, #tpu.memory_space<vmem_shared>> -> memref<48x128xf32, #tpu.memory_space<vmem_shared>>
      tpu.enqueue_dma source(%dma_start3A_75 : memref<48x128xf32, #tpu.memory_space<vmem_shared>>) target(%dma_start3A_73 : memref<48x128xf32, #tpu.memory_space<vmem>>) target_semaphore(%run_scoped3A_66 : memref<!tpu.dma_semaphore, #tpu.memory_space<semaphore_mem>>)
      %dma_wait3A = arith.constant 0 : i32
      %dma_wait3A_76 = arith.constant 0 : i32
      %dma_wait3A_77 = tpu.memref_slice %arg18[%dma_wait3A, %dma_wait3A_76] : memref<128x128xf32, #tpu.memory_space<vmem>> -> memref<48x128xf32, #tpu.memory_space<vmem>>
      %dma_wait3A_78 = arith.constant 0 : i32
      %dma_wait3A_79 = tpu.memref_slice %arg12[%mul3A_37, %dma_wait3A_78] : memref<768x128xf32, #tpu.memory_space<vmem_shared>> -> memref<48x128xf32, #tpu.memory_space<vmem_shared>>
      %dma_wait3A_80 = arith.constant 0 : i32
      %dma_wait3A_81 = arith.constant 0 : i32
      %dma_wait3A_82 = tpu.memref_slice %arg18[%dma_wait3A_80, %dma_wait3A_81] : memref<128x128xf32, #tpu.memory_space<vmem>> -> memref<48x128xf32, #tpu.memory_space<vmem>>
      %dma_wait3A_83 = arith.constant 0 : i32
      %dma_wait3A_84 = tpu.memref_slice %arg12[%mul3A_37, %dma_wait3A_83] : memref<768x128xf32, #tpu.memory_space<vmem_shared>> -> memref<48x128xf32, #tpu.memory_space<vmem_shared>>
      tpu.wait_dma2 semaphore(%run_scoped3A_66 : memref<!tpu.dma_semaphore, #tpu.memory_space<semaphore_mem>>) src(%dma_wait3A_84 : memref<48x128xf32, #tpu.memory_space<vmem_shared>>) dst(%dma_wait3A_82 : memref<48x128xf32, #tpu.memory_space<vmem>>)
      tpu.yield
    }) : () -> ()
    %mul3A_38 = arith.constant 48 : i32
    %mul3A_39 = arith.muli %arg1, %mul3A_38 : i32
    %run_scoped3A_40 = arith.constant 1 : i32
    "tpu.region"() ({
      %run_scoped3A_66 = tpu.sem_alloc : memref<!tpu.dma_semaphore, #tpu.memory_space<semaphore_mem>>
      %dma_start3A = arith.constant 0 : i32
      %dma_start3A_67 = arith.constant 0 : i32
      %dma_start3A_68 = tpu.memref_slice %arg18[%dma_start3A, %dma_start3A_67] : memref<128x128xf32, #tpu.memory_space<vmem>> -> memref<48x128xf32, #tpu.memory_space<vmem>>
      %dma_start3A_69 = arith.constant 0 : i32
      %dma_start3A_70 = tpu.memref_slice %arg10[%arg0, %run_scoped3A_40, %mul3A_39, %dma_start3A_69] : memref<2x2x768x128xf32, #tpu.memory_space<hbm>> -> memref<1x1x48x128xf32, #tpu.memory_space<hbm>>
      %dma_start3A_71 = tpu.memref_squeeze %dma_start3A_70 : memref<1x1x48x128xf32, #tpu.memory_space<hbm>> -> memref<48x128xf32, #tpu.memory_space<hbm>>
      %dma_start3A_72 = arith.constant 0 : i32
      %dma_start3A_73 = tpu.memref_slice %arg10[%arg0, %run_scoped3A_40, %mul3A_39, %dma_start3A_72] : memref<2x2x768x128xf32, #tpu.memory_space<hbm>> -> memref<1x1x48x128xf32, #tpu.memory_space<hbm>>
      %dma_start3A_74 = tpu.memref_squeeze %dma_start3A_73 : memref<1x1x48x128xf32, #tpu.memory_space<hbm>> -> memref<48x128xf32, #tpu.memory_space<hbm>>
      %dma_start3A_75 = arith.constant 0 : i32
      %dma_start3A_76 = arith.constant 0 : i32
      %dma_start3A_77 = tpu.memref_slice %arg18[%dma_start3A_75, %dma_start3A_76] : memref<128x128xf32, #tpu.memory_space<vmem>> -> memref<48x128xf32, #tpu.memory_space<vmem>>
      tpu.enqueue_dma source(%dma_start3A_77 : memref<48x128xf32, #tpu.memory_space<vmem>>) target(%dma_start3A_74 : memref<48x128xf32, #tpu.memory_space<hbm>>) target_semaphore(%run_scoped3A_66 : memref<!tpu.dma_semaphore, #tpu.memory_space<semaphore_mem>>)
      %dma_wait3A = arith.constant 0 : i32
      %dma_wait3A_78 = arith.constant 0 : i32
      %dma_wait3A_79 = tpu.memref_slice %arg18[%dma_wait3A, %dma_wait3A_78] : memref<128x128xf32, #tpu.memory_space<vmem>> -> memref<48x128xf32, #tpu.memory_space<vmem>>
      %dma_wait3A_80 = arith.constant 0 : i32
      %dma_wait3A_81 = tpu.memref_slice %arg10[%arg0, %run_scoped3A_40, %mul3A_39, %dma_wait3A_80] : memref<2x2x768x128xf32, #tpu.memory_space<hbm>> -> memref<1x1x48x128xf32, #tpu.memory_space<hbm>>
      %dma_wait3A_82 = tpu.memref_squeeze %dma_wait3A_81 : memref<1x1x48x128xf32, #tpu.memory_space<hbm>> -> memref<48x128xf32, #tpu.memory_space<hbm>>
      %dma_wait3A_83 = arith.constant 0 : i32
      %dma_wait3A_84 = tpu.memref_slice %arg10[%arg0, %run_scoped3A_40, %mul3A_39, %dma_wait3A_83] : memref<2x2x768x128xf32, #tpu.memory_space<hbm>> -> memref<1x1x48x128xf32, #tpu.memory_space<hbm>>
      %dma_wait3A_85 = tpu.memref_squeeze %dma_wait3A_84 : memref<1x1x48x128xf32, #tpu.memory_space<hbm>> -> memref<48x128xf32, #tpu.memory_space<hbm>>
      %dma_wait3A_86 = arith.constant 0 : i32
      %dma_wait3A_87 = arith.constant 0 : i32
      %dma_wait3A_88 = tpu.memref_slice %arg18[%dma_wait3A_86, %dma_wait3A_87] : memref<128x128xf32, #tpu.memory_space<vmem>> -> memref<48x128xf32, #tpu.memory_space<vmem>>
      tpu.wait_dma2 semaphore(%run_scoped3A_66 : memref<!tpu.dma_semaphore, #tpu.memory_space<semaphore_mem>>) src(%dma_wait3A_88 : memref<48x128xf32, #tpu.memory_space<vmem>>) dst(%dma_wait3A_85 : memref<48x128xf32, #tpu.memory_space<hbm>>)
      tpu.yield
    }) : () -> ()
    %barrier3A_41 = arith.constant 0 : index
    tpu.barrier barrier_id(%barrier3A_41)
    %mul3A_42 = arith.constant 168 : i32
    %mul3A_43 = arith.muli %arg1, %mul3A_42 : i32
    "tpu.region"() ({
      %run_scoped3A_66 = tpu.sem_alloc : memref<!tpu.dma_semaphore, #tpu.memory_space<semaphore_mem>>
      %dma_start3A = arith.constant 0 : i32
      %dma_start3A_67 = tpu.memref_slice %arg5[%mul3A_43, %dma_start3A] : memref<5248x128xf32, #tpu.memory_space<hbm>> -> memref<168x128xf32, #tpu.memory_space<hbm>>
      %dma_start3A_68 = arith.constant 0 : i32
      %dma_start3A_69 = tpu.memref_slice %arg5[%mul3A_43, %dma_start3A_68] : memref<5248x128xf32, #tpu.memory_space<hbm>> -> memref<168x128xf32, #tpu.memory_space<hbm>>
      tpu.enqueue_dma source(%dma_start3A_69 : memref<168x128xf32, #tpu.memory_space<hbm>>) target(%arg19 : memref<168x128xf32, #tpu.memory_space<vmem>>) target_semaphore(%run_scoped3A_66 : memref<!tpu.dma_semaphore, #tpu.memory_space<semaphore_mem>>)
      %dma_wait3A = arith.constant 0 : i32
      %dma_wait3A_70 = tpu.memref_slice %arg5[%mul3A_43, %dma_wait3A] : memref<5248x128xf32, #tpu.memory_space<hbm>> -> memref<168x128xf32, #tpu.memory_space<hbm>>
      %dma_wait3A_71 = arith.constant 0 : i32
      %dma_wait3A_72 = tpu.memref_slice %arg5[%mul3A_43, %dma_wait3A_71] : memref<5248x128xf32, #tpu.memory_space<hbm>> -> memref<168x128xf32, #tpu.memory_space<hbm>>
      tpu.wait_dma2 semaphore(%run_scoped3A_66 : memref<!tpu.dma_semaphore, #tpu.memory_space<semaphore_mem>>) src(%dma_wait3A_72 : memref<168x128xf32, #tpu.memory_space<hbm>>) dst(%arg19 : memref<168x128xf32, #tpu.memory_space<vmem>>)
      tpu.yield
    }) : () -> ()
    "tpu.region"() ({
      %run_scoped3A_66 = tpu.sem_alloc : memref<!tpu.dma_semaphore, #tpu.memory_space<semaphore_mem>>
      %dma_start3A = arith.constant 0 : i32
      %dma_start3A_67 = tpu.memref_slice %arg11[%mul3A_43, %dma_start3A] : memref<2688x128xf32, #tpu.memory_space<vmem_shared>> -> memref<168x128xf32, #tpu.memory_space<vmem_shared>>
      %dma_start3A_68 = arith.constant 0 : i32
      %dma_start3A_69 = tpu.memref_slice %arg11[%mul3A_43, %dma_start3A_68] : memref<2688x128xf32, #tpu.memory_space<vmem_shared>> -> memref<168x128xf32, #tpu.memory_space<vmem_shared>>
      tpu.enqueue_dma source(%arg19 : memref<168x128xf32, #tpu.memory_space<vmem>>) target(%dma_start3A_69 : memref<168x128xf32, #tpu.memory_space<vmem_shared>>) target_semaphore(%run_scoped3A_66 : memref<!tpu.dma_semaphore, #tpu.memory_space<semaphore_mem>>)
      %dma_wait3A = arith.constant 0 : i32
      %dma_wait3A_70 = tpu.memref_slice %arg11[%mul3A_43, %dma_wait3A] : memref<2688x128xf32, #tpu.memory_space<vmem_shared>> -> memref<168x128xf32, #tpu.memory_space<vmem_shared>>
      %dma_wait3A_71 = arith.constant 0 : i32
      %dma_wait3A_72 = tpu.memref_slice %arg11[%mul3A_43, %dma_wait3A_71] : memref<2688x128xf32, #tpu.memory_space<vmem_shared>> -> memref<168x128xf32, #tpu.memory_space<vmem_shared>>
      tpu.wait_dma2 semaphore(%run_scoped3A_66 : memref<!tpu.dma_semaphore, #tpu.memory_space<semaphore_mem>>) src(%arg19 : memref<168x128xf32, #tpu.memory_space<vmem>>) dst(%dma_wait3A_72 : memref<168x128xf32, #tpu.memory_space<vmem_shared>>)
      tpu.yield
    }) : () -> ()
    %barrier3A_44 = arith.constant 0 : index
    tpu.barrier barrier_id(%barrier3A_44)
    %scan3A_45 = arith.constant 0 : i32
    %scan3A_46 = arith.constant 0 : i32
    %scan3A_47 = arith.constant 80 : i32
    %scan3A_48 = arith.addi %scan3A_46, %scan3A_47 : i32
    %scan3A_49 = arith.constant 1 : i32
    scf.for %scan3A_66 = %scan3A_46 to %scan3A_48 step %scan3A_49  : i32 {
      %add3A_67 = arith.addi %mul3A_2, %scan3A_66 : i32
      %run_scoped3A_68 = arith.constant 2 : i32
      "tpu.region"() ({
        %run_scoped3A_79 = tpu.sem_alloc : memref<!tpu.dma_semaphore, #tpu.memory_space<semaphore_mem>>
        %dma_start3A_80 = arith.constant 0 : i32
        %dma_start3A_81 = tpu.memref_slice %arg4[%run_scoped3A_68, %add3A_67, %dma_start3A_80] : memref<4x2560x128xi32, #tpu.memory_space<hbm>> -> memref<1x1x128xi32, #tpu.memory_space<hbm>>
        %dma_start3A_82 = tpu.memref_squeeze %dma_start3A_81 : memref<1x1x128xi32, #tpu.memory_space<hbm>> -> memref<128xi32, #tpu.memory_space<hbm>>
        %dma_start3A_83 = arith.constant 0 : i32
        %dma_start3A_84 = tpu.memref_slice %arg4[%run_scoped3A_68, %add3A_67, %dma_start3A_83] : memref<4x2560x128xi32, #tpu.memory_space<hbm>> -> memref<1x1x128xi32, #tpu.memory_space<hbm>>
        %dma_start3A_85 = tpu.memref_squeeze %dma_start3A_84 : memref<1x1x128xi32, #tpu.memory_space<hbm>> -> memref<128xi32, #tpu.memory_space<hbm>>
        tpu.enqueue_dma source(%dma_start3A_85 : memref<128xi32, #tpu.memory_space<hbm>>) target(%arg14 : memref<128xi32, #tpu.memory_space<vmem>>) target_semaphore(%run_scoped3A_79 : memref<!tpu.dma_semaphore, #tpu.memory_space<semaphore_mem>>)
        %dma_wait3A_86 = arith.constant 0 : i32
        %dma_wait3A_87 = tpu.memref_slice %arg4[%run_scoped3A_68, %add3A_67, %dma_wait3A_86] : memref<4x2560x128xi32, #tpu.memory_space<hbm>> -> memref<1x1x128xi32, #tpu.memory_space<hbm>>
        %dma_wait3A_88 = tpu.memref_squeeze %dma_wait3A_87 : memref<1x1x128xi32, #tpu.memory_space<hbm>> -> memref<128xi32, #tpu.memory_space<hbm>>
        %dma_wait3A_89 = arith.constant 0 : i32
        %dma_wait3A_90 = tpu.memref_slice %arg4[%run_scoped3A_68, %add3A_67, %dma_wait3A_89] : memref<4x2560x128xi32, #tpu.memory_space<hbm>> -> memref<1x1x128xi32, #tpu.memory_space<hbm>>
        %dma_wait3A_91 = tpu.memref_squeeze %dma_wait3A_90 : memref<1x1x128xi32, #tpu.memory_space<hbm>> -> memref<128xi32, #tpu.memory_space<hbm>>
        tpu.wait_dma2 semaphore(%run_scoped3A_79 : memref<!tpu.dma_semaphore, #tpu.memory_space<semaphore_mem>>) src(%dma_wait3A_91 : memref<128xi32, #tpu.memory_space<hbm>>) dst(%arg14 : memref<128xi32, #tpu.memory_space<vmem>>)
        tpu.yield
      }) : () -> ()
      %dma_start3A = arith.constant 0 : i32
      %dma_start3A_69 = tpu.memref_slice %arg13[%scan3A_66, %dma_start3A] : memref<88x128xi32, #tpu.memory_space<vmem>> -> memref<1x128xi32, #tpu.memory_space<vmem>>
      %dma_start3A_70 = tpu.memref_squeeze %dma_start3A_69 : memref<1x128xi32, #tpu.memory_space<vmem>> -> memref<128xi32, #tpu.memory_space<vmem>>
      %dma_start3A_71 = arith.constant 0 : i32
      %dma_start3A_72 = arith.constant 0 : i32
      %dma_start3A_73 = tpu.memref_slice %arg2[%dma_start3A_71, %dma_start3A_72] : memref<10240x128xf32, #tpu.memory_space<hbm>> -> memref<10240x128xf32, #tpu.memory_space<hbm>>
      tpu.enqueue_indirect_dma source(%dma_start3A_73 : memref<10240x128xf32, #tpu.memory_space<hbm>>) target(%arg17 : memref<128x128xf32, #tpu.memory_space<vmem>>) offsets(%dma_start3A_70 : memref<128xi32, #tpu.memory_space<vmem>>) semaphore(%arg20 : memref<!tpu.dma_semaphore, #tpu.memory_space<semaphore_mem>>)
      %dma_wait3A = arith.constant 0 : i32
      %dma_wait3A_74 = tpu.memref_slice %arg13[%scan3A_66, %dma_wait3A] : memref<88x128xi32, #tpu.memory_space<vmem>> -> memref<1x128xi32, #tpu.memory_space<vmem>>
      %dma_wait3A_75 = tpu.memref_squeeze %dma_wait3A_74 : memref<1x128xi32, #tpu.memory_space<vmem>> -> memref<128xi32, #tpu.memory_space<vmem>>
      %dma_wait3A_76 = arith.constant 0 : i32
      %dma_wait3A_77 = arith.constant 0 : i32
      %dma_wait3A_78 = tpu.memref_slice %arg2[%dma_wait3A_76, %dma_wait3A_77] : memref<10240x128xf32, #tpu.memory_space<hbm>> -> memref<10240x128xf32, #tpu.memory_space<hbm>>
      tpu.wait_indirect_dma semaphore(%arg20 : memref<!tpu.dma_semaphore, #tpu.memory_space<semaphore_mem>>) src(%dma_wait3A_78 : memref<10240x128xf32, #tpu.memory_space<hbm>>) dst(%arg17 : memref<128x128xf32, #tpu.memory_space<vmem>>)
      "tpu.region"() ({
        %run_scoped3A_79 = tpu.sem_alloc : memref<!tpu.dma_semaphore, #tpu.memory_space<semaphore_mem>>
        %dma_start3A_80 = arith.constant 0 : i32
        %dma_start3A_81 = arith.constant 0 : i32
        %dma_start3A_82 = tpu.memref_slice %arg11[%dma_start3A_80, %dma_start3A_81] : memref<2688x128xf32, #tpu.memory_space<vmem_shared>> -> memref<2688x128xf32, #tpu.memory_space<vmem_shared>>
        tpu.enqueue_indirect_dma source(%arg17 : memref<128x128xf32, #tpu.memory_space<vmem>>) target(%dma_start3A_82 : memref<2688x128xf32, #tpu.memory_space<vmem_shared>>) offsets(%arg14 : memref<128xi32, #tpu.memory_space<vmem>>) semaphore(%run_scoped3A_79 : memref<!tpu.dma_semaphore, #tpu.memory_space<semaphore_mem>>) {add = true}
        %dma_wait3A_83 = arith.constant 0 : i32
        %dma_wait3A_84 = arith.constant 0 : i32
        %dma_wait3A_85 = tpu.memref_slice %arg11[%dma_wait3A_83, %dma_wait3A_84] : memref<2688x128xf32, #tpu.memory_space<vmem_shared>> -> memref<2688x128xf32, #tpu.memory_space<vmem_shared>>
        tpu.wait_indirect_dma semaphore(%run_scoped3A_79 : memref<!tpu.dma_semaphore, #tpu.memory_space<semaphore_mem>>) src(%arg17 : memref<128x128xf32, #tpu.memory_space<vmem>>) dst(%dma_wait3A_85 : memref<2688x128xf32, #tpu.memory_space<vmem_shared>>)
        tpu.yield
      }) : () -> ()
    }
    %scan3A_50 = arith.constant 80 : i32
    %barrier3A_51 = arith.constant 0 : index
    tpu.barrier barrier_id(%barrier3A_51)
    "tpu.region"() ({
      %run_scoped3A_66 = tpu.sem_alloc : memref<!tpu.dma_semaphore, #tpu.memory_space<semaphore_mem>>
      %dma_start3A = arith.constant 0 : i32
      %dma_start3A_67 = tpu.memref_slice %arg11[%mul3A_43, %dma_start3A] : memref<2688x128xf32, #tpu.memory_space<vmem_shared>> -> memref<168x128xf32, #tpu.memory_space<vmem_shared>>
      %dma_start3A_68 = arith.constant 0 : i32
      %dma_start3A_69 = tpu.memref_slice %arg11[%mul3A_43, %dma_start3A_68] : memref<2688x128xf32, #tpu.memory_space<vmem_shared>> -> memref<168x128xf32, #tpu.memory_space<vmem_shared>>
      tpu.enqueue_dma source(%dma_start3A_69 : memref<168x128xf32, #tpu.memory_space<vmem_shared>>) target(%arg19 : memref<168x128xf32, #tpu.memory_space<vmem>>) target_semaphore(%run_scoped3A_66 : memref<!tpu.dma_semaphore, #tpu.memory_space<semaphore_mem>>)
      %dma_wait3A = arith.constant 0 : i32
      %dma_wait3A_70 = tpu.memref_slice %arg11[%mul3A_43, %dma_wait3A] : memref<2688x128xf32, #tpu.memory_space<vmem_shared>> -> memref<168x128xf32, #tpu.memory_space<vmem_shared>>
      %dma_wait3A_71 = arith.constant 0 : i32
      %dma_wait3A_72 = tpu.memref_slice %arg11[%mul3A_43, %dma_wait3A_71] : memref<2688x128xf32, #tpu.memory_space<vmem_shared>> -> memref<168x128xf32, #tpu.memory_space<vmem_shared>>
      tpu.wait_dma2 semaphore(%run_scoped3A_66 : memref<!tpu.dma_semaphore, #tpu.memory_space<semaphore_mem>>) src(%dma_wait3A_72 : memref<168x128xf32, #tpu.memory_space<vmem_shared>>) dst(%arg19 : memref<168x128xf32, #tpu.memory_space<vmem>>)
      tpu.yield
    }) : () -> ()
    %run_scoped3A_52 = arith.constant 2 : i32
    "tpu.region"() ({
      %run_scoped3A_66 = tpu.sem_alloc : memref<!tpu.dma_semaphore, #tpu.memory_space<semaphore_mem>>
      %dma_start3A = arith.constant 0 : i32
      %dma_start3A_67 = tpu.memref_slice %arg9[%arg0, %run_scoped3A_52, %mul3A_43, %dma_start3A] : memref<2x4x2688x128xf32, #tpu.memory_space<hbm>> -> memref<1x1x168x128xf32, #tpu.memory_space<hbm>>
      %dma_start3A_68 = tpu.memref_squeeze %dma_start3A_67 : memref<1x1x168x128xf32, #tpu.memory_space<hbm>> -> memref<168x128xf32, #tpu.memory_space<hbm>>
      %dma_start3A_69 = arith.constant 0 : i32
      %dma_start3A_70 = tpu.memref_slice %arg9[%arg0, %run_scoped3A_52, %mul3A_43, %dma_start3A_69] : memref<2x4x2688x128xf32, #tpu.memory_space<hbm>> -> memref<1x1x168x128xf32, #tpu.memory_space<hbm>>
      %dma_start3A_71 = tpu.memref_squeeze %dma_start3A_70 : memref<1x1x168x128xf32, #tpu.memory_space<hbm>> -> memref<168x128xf32, #tpu.memory_space<hbm>>
      tpu.enqueue_dma source(%arg19 : memref<168x128xf32, #tpu.memory_space<vmem>>) target(%dma_start3A_71 : memref<168x128xf32, #tpu.memory_space<hbm>>) target_semaphore(%run_scoped3A_66 : memref<!tpu.dma_semaphore, #tpu.memory_space<semaphore_mem>>)
      %dma_wait3A = arith.constant 0 : i32
      %dma_wait3A_72 = tpu.memref_slice %arg9[%arg0, %run_scoped3A_52, %mul3A_43, %dma_wait3A] : memref<2x4x2688x128xf32, #tpu.memory_space<hbm>> -> memref<1x1x168x128xf32, #tpu.memory_space<hbm>>
      %dma_wait3A_73 = tpu.memref_squeeze %dma_wait3A_72 : memref<1x1x168x128xf32, #tpu.memory_space<hbm>> -> memref<168x128xf32, #tpu.memory_space<hbm>>
      %dma_wait3A_74 = arith.constant 0 : i32
      %dma_wait3A_75 = tpu.memref_slice %arg9[%arg0, %run_scoped3A_52, %mul3A_43, %dma_wait3A_74] : memref<2x4x2688x128xf32, #tpu.memory_space<hbm>> -> memref<1x1x168x128xf32, #tpu.memory_space<hbm>>
      %dma_wait3A_76 = tpu.memref_squeeze %dma_wait3A_75 : memref<1x1x168x128xf32, #tpu.memory_space<hbm>> -> memref<168x128xf32, #tpu.memory_space<hbm>>
      tpu.wait_dma2 semaphore(%run_scoped3A_66 : memref<!tpu.dma_semaphore, #tpu.memory_space<semaphore_mem>>) src(%arg19 : memref<168x128xf32, #tpu.memory_space<vmem>>) dst(%dma_wait3A_76 : memref<168x128xf32, #tpu.memory_space<hbm>>)
      tpu.yield
    }) : () -> ()
    %barrier3A_53 = arith.constant 0 : index
    tpu.barrier barrier_id(%barrier3A_53)
    %mul3A_54 = arith.constant 168 : i32
    %mul3A_55 = arith.muli %arg1, %mul3A_54 : i32
    "tpu.region"() ({
      %run_scoped3A_66 = tpu.sem_alloc : memref<!tpu.dma_semaphore, #tpu.memory_space<semaphore_mem>>
      %dma_start3A = arith.constant 0 : i32
      %dma_start3A_67 = tpu.memref_slice %arg5[%mul3A_55, %dma_start3A] : memref<5248x128xf32, #tpu.memory_space<hbm>> -> memref<168x128xf32, #tpu.memory_space<hbm>>
      %dma_start3A_68 = arith.constant 0 : i32
      %dma_start3A_69 = tpu.memref_slice %arg5[%mul3A_55, %dma_start3A_68] : memref<5248x128xf32, #tpu.memory_space<hbm>> -> memref<168x128xf32, #tpu.memory_space<hbm>>
      tpu.enqueue_dma source(%dma_start3A_69 : memref<168x128xf32, #tpu.memory_space<hbm>>) target(%arg19 : memref<168x128xf32, #tpu.memory_space<vmem>>) target_semaphore(%run_scoped3A_66 : memref<!tpu.dma_semaphore, #tpu.memory_space<semaphore_mem>>)
      %dma_wait3A = arith.constant 0 : i32
      %dma_wait3A_70 = tpu.memref_slice %arg5[%mul3A_55, %dma_wait3A] : memref<5248x128xf32, #tpu.memory_space<hbm>> -> memref<168x128xf32, #tpu.memory_space<hbm>>
      %dma_wait3A_71 = arith.constant 0 : i32
      %dma_wait3A_72 = tpu.memref_slice %arg5[%mul3A_55, %dma_wait3A_71] : memref<5248x128xf32, #tpu.memory_space<hbm>> -> memref<168x128xf32, #tpu.memory_space<hbm>>
      tpu.wait_dma2 semaphore(%run_scoped3A_66 : memref<!tpu.dma_semaphore, #tpu.memory_space<semaphore_mem>>) src(%dma_wait3A_72 : memref<168x128xf32, #tpu.memory_space<hbm>>) dst(%arg19 : memref<168x128xf32, #tpu.memory_space<vmem>>)
      tpu.yield
    }) : () -> ()
    "tpu.region"() ({
      %run_scoped3A_66 = tpu.sem_alloc : memref<!tpu.dma_semaphore, #tpu.memory_space<semaphore_mem>>
      %dma_start3A = arith.constant 0 : i32
      %dma_start3A_67 = tpu.memref_slice %arg11[%mul3A_55, %dma_start3A] : memref<2688x128xf32, #tpu.memory_space<vmem_shared>> -> memref<168x128xf32, #tpu.memory_space<vmem_shared>>
      %dma_start3A_68 = arith.constant 0 : i32
      %dma_start3A_69 = tpu.memref_slice %arg11[%mul3A_55, %dma_start3A_68] : memref<2688x128xf32, #tpu.memory_space<vmem_shared>> -> memref<168x128xf32, #tpu.memory_space<vmem_shared>>
      tpu.enqueue_dma source(%arg19 : memref<168x128xf32, #tpu.memory_space<vmem>>) target(%dma_start3A_69 : memref<168x128xf32, #tpu.memory_space<vmem_shared>>) target_semaphore(%run_scoped3A_66 : memref<!tpu.dma_semaphore, #tpu.memory_space<semaphore_mem>>)
      %dma_wait3A = arith.constant 0 : i32
      %dma_wait3A_70 = tpu.memref_slice %arg11[%mul3A_55, %dma_wait3A] : memref<2688x128xf32, #tpu.memory_space<vmem_shared>> -> memref<168x128xf32, #tpu.memory_space<vmem_shared>>
      %dma_wait3A_71 = arith.constant 0 : i32
      %dma_wait3A_72 = tpu.memref_slice %arg11[%mul3A_55, %dma_wait3A_71] : memref<2688x128xf32, #tpu.memory_space<vmem_shared>> -> memref<168x128xf32, #tpu.memory_space<vmem_shared>>
      tpu.wait_dma2 semaphore(%run_scoped3A_66 : memref<!tpu.dma_semaphore, #tpu.memory_space<semaphore_mem>>) src(%arg19 : memref<168x128xf32, #tpu.memory_space<vmem>>) dst(%dma_wait3A_72 : memref<168x128xf32, #tpu.memory_space<vmem_shared>>)
      tpu.yield
    }) : () -> ()
    %barrier3A_56 = arith.constant 0 : index
    tpu.barrier barrier_id(%barrier3A_56)
    %scan3A_57 = arith.constant 0 : i32
    %scan3A_58 = arith.constant 0 : i32
    %scan3A_59 = arith.constant 80 : i32
    %scan3A_60 = arith.addi %scan3A_58, %scan3A_59 : i32
    %scan3A_61 = arith.constant 1 : i32
    scf.for %scan3A_66 = %scan3A_58 to %scan3A_60 step %scan3A_61  : i32 {
      %add3A_67 = arith.addi %mul3A_2, %scan3A_66 : i32
      %run_scoped3A_68 = arith.constant 3 : i32
      "tpu.region"() ({
        %run_scoped3A_79 = tpu.sem_alloc : memref<!tpu.dma_semaphore, #tpu.memory_space<semaphore_mem>>
        %dma_start3A_80 = arith.constant 0 : i32
        %dma_start3A_81 = tpu.memref_slice %arg4[%run_scoped3A_68, %add3A_67, %dma_start3A_80] : memref<4x2560x128xi32, #tpu.memory_space<hbm>> -> memref<1x1x128xi32, #tpu.memory_space<hbm>>
        %dma_start3A_82 = tpu.memref_squeeze %dma_start3A_81 : memref<1x1x128xi32, #tpu.memory_space<hbm>> -> memref<128xi32, #tpu.memory_space<hbm>>
        %dma_start3A_83 = arith.constant 0 : i32
        %dma_start3A_84 = tpu.memref_slice %arg4[%run_scoped3A_68, %add3A_67, %dma_start3A_83] : memref<4x2560x128xi32, #tpu.memory_space<hbm>> -> memref<1x1x128xi32, #tpu.memory_space<hbm>>
        %dma_start3A_85 = tpu.memref_squeeze %dma_start3A_84 : memref<1x1x128xi32, #tpu.memory_space<hbm>> -> memref<128xi32, #tpu.memory_space<hbm>>
        tpu.enqueue_dma source(%dma_start3A_85 : memref<128xi32, #tpu.memory_space<hbm>>) target(%arg14 : memref<128xi32, #tpu.memory_space<vmem>>) target_semaphore(%run_scoped3A_79 : memref<!tpu.dma_semaphore, #tpu.memory_space<semaphore_mem>>)
        %dma_wait3A_86 = arith.constant 0 : i32
        %dma_wait3A_87 = tpu.memref_slice %arg4[%run_scoped3A_68, %add3A_67, %dma_wait3A_86] : memref<4x2560x128xi32, #tpu.memory_space<hbm>> -> memref<1x1x128xi32, #tpu.memory_space<hbm>>
        %dma_wait3A_88 = tpu.memref_squeeze %dma_wait3A_87 : memref<1x1x128xi32, #tpu.memory_space<hbm>> -> memref<128xi32, #tpu.memory_space<hbm>>
        %dma_wait3A_89 = arith.constant 0 : i32
        %dma_wait3A_90 = tpu.memref_slice %arg4[%run_scoped3A_68, %add3A_67, %dma_wait3A_89] : memref<4x2560x128xi32, #tpu.memory_space<hbm>> -> memref<1x1x128xi32, #tpu.memory_space<hbm>>
        %dma_wait3A_91 = tpu.memref_squeeze %dma_wait3A_90 : memref<1x1x128xi32, #tpu.memory_space<hbm>> -> memref<128xi32, #tpu.memory_space<hbm>>
        tpu.wait_dma2 semaphore(%run_scoped3A_79 : memref<!tpu.dma_semaphore, #tpu.memory_space<semaphore_mem>>) src(%dma_wait3A_91 : memref<128xi32, #tpu.memory_space<hbm>>) dst(%arg14 : memref<128xi32, #tpu.memory_space<vmem>>)
        tpu.yield
      }) : () -> ()
      %dma_start3A = arith.constant 0 : i32
      %dma_start3A_69 = tpu.memref_slice %arg13[%scan3A_66, %dma_start3A] : memref<88x128xi32, #tpu.memory_space<vmem>> -> memref<1x128xi32, #tpu.memory_space<vmem>>
      %dma_start3A_70 = tpu.memref_squeeze %dma_start3A_69 : memref<1x128xi32, #tpu.memory_space<vmem>> -> memref<128xi32, #tpu.memory_space<vmem>>
      %dma_start3A_71 = arith.constant 0 : i32
      %dma_start3A_72 = arith.constant 0 : i32
      %dma_start3A_73 = tpu.memref_slice %arg2[%dma_start3A_71, %dma_start3A_72] : memref<10240x128xf32, #tpu.memory_space<hbm>> -> memref<10240x128xf32, #tpu.memory_space<hbm>>
      tpu.enqueue_indirect_dma source(%dma_start3A_73 : memref<10240x128xf32, #tpu.memory_space<hbm>>) target(%arg17 : memref<128x128xf32, #tpu.memory_space<vmem>>) offsets(%dma_start3A_70 : memref<128xi32, #tpu.memory_space<vmem>>) semaphore(%arg20 : memref<!tpu.dma_semaphore, #tpu.memory_space<semaphore_mem>>)
      %dma_wait3A = arith.constant 0 : i32
      %dma_wait3A_74 = tpu.memref_slice %arg13[%scan3A_66, %dma_wait3A] : memref<88x128xi32, #tpu.memory_space<vmem>> -> memref<1x128xi32, #tpu.memory_space<vmem>>
      %dma_wait3A_75 = tpu.memref_squeeze %dma_wait3A_74 : memref<1x128xi32, #tpu.memory_space<vmem>> -> memref<128xi32, #tpu.memory_space<vmem>>
      %dma_wait3A_76 = arith.constant 0 : i32
      %dma_wait3A_77 = arith.constant 0 : i32
      %dma_wait3A_78 = tpu.memref_slice %arg2[%dma_wait3A_76, %dma_wait3A_77] : memref<10240x128xf32, #tpu.memory_space<hbm>> -> memref<10240x128xf32, #tpu.memory_space<hbm>>
      tpu.wait_indirect_dma semaphore(%arg20 : memref<!tpu.dma_semaphore, #tpu.memory_space<semaphore_mem>>) src(%dma_wait3A_78 : memref<10240x128xf32, #tpu.memory_space<hbm>>) dst(%arg17 : memref<128x128xf32, #tpu.memory_space<vmem>>)
      "tpu.region"() ({
        %run_scoped3A_79 = tpu.sem_alloc : memref<!tpu.dma_semaphore, #tpu.memory_space<semaphore_mem>>
        %dma_start3A_80 = arith.constant 0 : i32
        %dma_start3A_81 = arith.constant 0 : i32
        %dma_start3A_82 = tpu.memref_slice %arg11[%dma_start3A_80, %dma_start3A_81] : memref<2688x128xf32, #tpu.memory_space<vmem_shared>> -> memref<2688x128xf32, #tpu.memory_space<vmem_shared>>
        tpu.enqueue_indirect_dma source(%arg17 : memref<128x128xf32, #tpu.memory_space<vmem>>) target(%dma_start3A_82 : memref<2688x128xf32, #tpu.memory_space<vmem_shared>>) offsets(%arg14 : memref<128xi32, #tpu.memory_space<vmem>>) semaphore(%run_scoped3A_79 : memref<!tpu.dma_semaphore, #tpu.memory_space<semaphore_mem>>) {add = true}
        %dma_wait3A_83 = arith.constant 0 : i32
        %dma_wait3A_84 = arith.constant 0 : i32
        %dma_wait3A_85 = tpu.memref_slice %arg11[%dma_wait3A_83, %dma_wait3A_84] : memref<2688x128xf32, #tpu.memory_space<vmem_shared>> -> memref<2688x128xf32, #tpu.memory_space<vmem_shared>>
        tpu.wait_indirect_dma semaphore(%run_scoped3A_79 : memref<!tpu.dma_semaphore, #tpu.memory_space<semaphore_mem>>) src(%arg17 : memref<128x128xf32, #tpu.memory_space<vmem>>) dst(%dma_wait3A_85 : memref<2688x128xf32, #tpu.memory_space<vmem_shared>>)
        tpu.yield
      }) : () -> ()
    }
    %scan3A_62 = arith.constant 80 : i32
    %barrier3A_63 = arith.constant 0 : index
    tpu.barrier barrier_id(%barrier3A_63)
    "tpu.region"() ({
      %run_scoped3A_66 = tpu.sem_alloc : memref<!tpu.dma_semaphore, #tpu.memory_space<semaphore_mem>>
      %dma_start3A = arith.constant 0 : i32
      %dma_start3A_67 = tpu.memref_slice %arg11[%mul3A_55, %dma_start3A] : memref<2688x128xf32, #tpu.memory_space<vmem_shared>> -> memref<168x128xf32, #tpu.memory_space<vmem_shared>>
      %dma_start3A_68 = arith.constant 0 : i32
      %dma_start3A_69 = tpu.memref_slice %arg11[%mul3A_55, %dma_start3A_68] : memref<2688x128xf32, #tpu.memory_space<vmem_shared>> -> memref<168x128xf32, #tpu.memory_space<vmem_shared>>
      tpu.enqueue_dma source(%dma_start3A_69 : memref<168x128xf32, #tpu.memory_space<vmem_shared>>) target(%arg19 : memref<168x128xf32, #tpu.memory_space<vmem>>) target_semaphore(%run_scoped3A_66 : memref<!tpu.dma_semaphore, #tpu.memory_space<semaphore_mem>>)
      %dma_wait3A = arith.constant 0 : i32
      %dma_wait3A_70 = tpu.memref_slice %arg11[%mul3A_55, %dma_wait3A] : memref<2688x128xf32, #tpu.memory_space<vmem_shared>> -> memref<168x128xf32, #tpu.memory_space<vmem_shared>>
      %dma_wait3A_71 = arith.constant 0 : i32
      %dma_wait3A_72 = tpu.memref_slice %arg11[%mul3A_55, %dma_wait3A_71] : memref<2688x128xf32, #tpu.memory_space<vmem_shared>> -> memref<168x128xf32, #tpu.memory_space<vmem_shared>>
      tpu.wait_dma2 semaphore(%run_scoped3A_66 : memref<!tpu.dma_semaphore, #tpu.memory_space<semaphore_mem>>) src(%dma_wait3A_72 : memref<168x128xf32, #tpu.memory_space<vmem_shared>>) dst(%arg19 : memref<168x128xf32, #tpu.memory_space<vmem>>)
      tpu.yield
    }) : () -> ()
    %run_scoped3A_64 = arith.constant 3 : i32
    "tpu.region"() ({
      %run_scoped3A_66 = tpu.sem_alloc : memref<!tpu.dma_semaphore, #tpu.memory_space<semaphore_mem>>
      %dma_start3A = arith.constant 0 : i32
      %dma_start3A_67 = tpu.memref_slice %arg9[%arg0, %run_scoped3A_64, %mul3A_55, %dma_start3A] : memref<2x4x2688x128xf32, #tpu.memory_space<hbm>> -> memref<1x1x168x128xf32, #tpu.memory_space<hbm>>
      %dma_start3A_68 = tpu.memref_squeeze %dma_start3A_67 : memref<1x1x168x128xf32, #tpu.memory_space<hbm>> -> memref<168x128xf32, #tpu.memory_space<hbm>>
      %dma_start3A_69 = arith.constant 0 : i32
      %dma_start3A_70 = tpu.memref_slice %arg9[%arg0, %run_scoped3A_64, %mul3A_55, %dma_start3A_69] : memref<2x4x2688x128xf32, #tpu.memory_space<hbm>> -> memref<1x1x168x128xf32, #tpu.memory_space<hbm>>
      %dma_start3A_71 = tpu.memref_squeeze %dma_start3A_70 : memref<1x1x168x128xf32, #tpu.memory_space<hbm>> -> memref<168x128xf32, #tpu.memory_space<hbm>>
      tpu.enqueue_dma source(%arg19 : memref<168x128xf32, #tpu.memory_space<vmem>>) target(%dma_start3A_71 : memref<168x128xf32, #tpu.memory_space<hbm>>) target_semaphore(%run_scoped3A_66 : memref<!tpu.dma_semaphore, #tpu.memory_space<semaphore_mem>>)
      %dma_wait3A = arith.constant 0 : i32
      %dma_wait3A_72 = tpu.memref_slice %arg9[%arg0, %run_scoped3A_64, %mul3A_55, %dma_wait3A] : memref<2x4x2688x128xf32, #tpu.memory_space<hbm>> -> memref<1x1x168x128xf32, #tpu.memory_space<hbm>>
      %dma_wait3A_73 = tpu.memref_squeeze %dma_wait3A_72 : memref<1x1x168x128xf32, #tpu.memory_space<hbm>> -> memref<168x128xf32, #tpu.memory_space<hbm>>
      %dma_wait3A_74 = arith.constant 0 : i32
      %dma_wait3A_75 = tpu.memref_slice %arg9[%arg0, %run_scoped3A_64, %mul3A_55, %dma_wait3A_74] : memref<2x4x2688x128xf32, #tpu.memory_space<hbm>> -> memref<1x1x168x128xf32, #tpu.memory_space<hbm>>
      %dma_wait3A_76 = tpu.memref_squeeze %dma_wait3A_75 : memref<1x1x168x128xf32, #tpu.memory_space<hbm>> -> memref<168x128xf32, #tpu.memory_space<hbm>>
      tpu.wait_dma2 semaphore(%run_scoped3A_66 : memref<!tpu.dma_semaphore, #tpu.memory_space<semaphore_mem>>) src(%arg19 : memref<168x128xf32, #tpu.memory_space<vmem>>) dst(%dma_wait3A_76 : memref<168x128xf32, #tpu.memory_space<hbm>>)
      tpu.yield
    }) : () -> ()
    %barrier3A_65 = arith.constant 0 : index
    tpu.barrier barrier_id(%barrier3A_65)
    return
  }
}

#map = affine_map<(d0, d1) -> (0, 0)>
#map1 = affine_map<(d0, d1) -> (0, 0, 0)>
#map2 = affine_map<(d0, d1) -> (0, 0, 0, 0)>
module attributes {stable_mosaic.version = 14 : i64} {
  func.func @body(%arg0: i32, %arg1: i32, %arg2: memref<10240x128xf32, #tpu.memory_space<hbm>>, %arg3: memref<2568x128xi32, #tpu.memory_space<hbm>>, %arg4: memref<4x2560x128xi32, #tpu.memory_space<hbm>>, %arg5: memref<5248x128xf32, #tpu.memory_space<hbm>>, %arg6: memref<2x4x2688x128xf32, #tpu.memory_space<hbm>>, %arg7: memref<2688x128xf32, #tpu.memory_space<vmem_shared>>, %arg8: memref<88x128xi32, #tpu.memory_space<vmem>>, %arg9: memref<128xi32, #tpu.memory_space<vmem>>, %arg10: memref<128x128xf32, #tpu.memory_space<vmem>>, %arg11: memref<168x128xf32, #tpu.memory_space<vmem>>, %arg12: memref<!tpu.dma_semaphore, #tpu.memory_space<semaphore_mem>>) attributes {dimension_semantics = [#tpu.dimension_semantics<core_parallel>, #tpu.dimension_semantics<subcore_parallel>], iteration_bounds = array<i64: 2, 16>, scalar_prefetch = 0 : i64, scratch_operands = 6 : i64, tpu.core_type = #tpu.core_type<sc_vector_subcore>, window_params = [{transform_indices = #map}, {transform_indices = #map}, {transform_indices = #map1}, {transform_indices = #map}, {transform_indices = #map2}]} {
    %mul3A = arith.constant 16 : i32
    %mul3A_0 = arith.muli %arg0, %mul3A : i32
    %add3A = arith.addi %mul3A_0, %arg1 : i32
    %mul3A_1 = arith.constant 80 : i32
    %mul3A_2 = arith.muli %add3A, %mul3A_1 : i32
    "tpu.region"() ({
      %run_scoped3A_48 = tpu.sem_alloc : memref<!tpu.dma_semaphore, #tpu.memory_space<semaphore_mem>>
      %dma_start3A = arith.constant 0 : i32
      %dma_start3A_49 = tpu.memref_slice %arg3[%mul3A_2, %dma_start3A] : memref<2568x128xi32, #tpu.memory_space<hbm>> -> memref<88x128xi32, #tpu.memory_space<hbm>>
      %dma_start3A_50 = arith.constant 0 : i32
      %dma_start3A_51 = tpu.memref_slice %arg3[%mul3A_2, %dma_start3A_50] : memref<2568x128xi32, #tpu.memory_space<hbm>> -> memref<88x128xi32, #tpu.memory_space<hbm>>
      tpu.enqueue_dma source(%dma_start3A_51 : memref<88x128xi32, #tpu.memory_space<hbm>>) target(%arg8 : memref<88x128xi32, #tpu.memory_space<vmem>>) target_semaphore(%run_scoped3A_48 : memref<!tpu.dma_semaphore, #tpu.memory_space<semaphore_mem>>)
      %dma_wait3A = arith.constant 0 : i32
      %dma_wait3A_52 = tpu.memref_slice %arg3[%mul3A_2, %dma_wait3A] : memref<2568x128xi32, #tpu.memory_space<hbm>> -> memref<88x128xi32, #tpu.memory_space<hbm>>
      %dma_wait3A_53 = arith.constant 0 : i32
      %dma_wait3A_54 = tpu.memref_slice %arg3[%mul3A_2, %dma_wait3A_53] : memref<2568x128xi32, #tpu.memory_space<hbm>> -> memref<88x128xi32, #tpu.memory_space<hbm>>
      tpu.wait_dma2 semaphore(%run_scoped3A_48 : memref<!tpu.dma_semaphore, #tpu.memory_space<semaphore_mem>>) src(%dma_wait3A_54 : memref<88x128xi32, #tpu.memory_space<hbm>>) dst(%arg8 : memref<88x128xi32, #tpu.memory_space<vmem>>)
      tpu.yield
    }) : () -> ()
    %mul3A_3 = arith.constant 168 : i32
    %mul3A_4 = arith.muli %arg1, %mul3A_3 : i32
    "tpu.region"() ({
      %run_scoped3A_48 = tpu.sem_alloc : memref<!tpu.dma_semaphore, #tpu.memory_space<semaphore_mem>>
      %dma_start3A = arith.constant 0 : i32
      %dma_start3A_49 = tpu.memref_slice %arg5[%mul3A_4, %dma_start3A] : memref<5248x128xf32, #tpu.memory_space<hbm>> -> memref<168x128xf32, #tpu.memory_space<hbm>>
      %dma_start3A_50 = arith.constant 0 : i32
      %dma_start3A_51 = tpu.memref_slice %arg5[%mul3A_4, %dma_start3A_50] : memref<5248x128xf32, #tpu.memory_space<hbm>> -> memref<168x128xf32, #tpu.memory_space<hbm>>
      tpu.enqueue_dma source(%dma_start3A_51 : memref<168x128xf32, #tpu.memory_space<hbm>>) target(%arg11 : memref<168x128xf32, #tpu.memory_space<vmem>>) target_semaphore(%run_scoped3A_48 : memref<!tpu.dma_semaphore, #tpu.memory_space<semaphore_mem>>)
      %dma_wait3A = arith.constant 0 : i32
      %dma_wait3A_52 = tpu.memref_slice %arg5[%mul3A_4, %dma_wait3A] : memref<5248x128xf32, #tpu.memory_space<hbm>> -> memref<168x128xf32, #tpu.memory_space<hbm>>
      %dma_wait3A_53 = arith.constant 0 : i32
      %dma_wait3A_54 = tpu.memref_slice %arg5[%mul3A_4, %dma_wait3A_53] : memref<5248x128xf32, #tpu.memory_space<hbm>> -> memref<168x128xf32, #tpu.memory_space<hbm>>
      tpu.wait_dma2 semaphore(%run_scoped3A_48 : memref<!tpu.dma_semaphore, #tpu.memory_space<semaphore_mem>>) src(%dma_wait3A_54 : memref<168x128xf32, #tpu.memory_space<hbm>>) dst(%arg11 : memref<168x128xf32, #tpu.memory_space<vmem>>)
      tpu.yield
    }) : () -> ()
    "tpu.region"() ({
      %run_scoped3A_48 = tpu.sem_alloc : memref<!tpu.dma_semaphore, #tpu.memory_space<semaphore_mem>>
      %dma_start3A = arith.constant 0 : i32
      %dma_start3A_49 = tpu.memref_slice %arg7[%mul3A_4, %dma_start3A] : memref<2688x128xf32, #tpu.memory_space<vmem_shared>> -> memref<168x128xf32, #tpu.memory_space<vmem_shared>>
      %dma_start3A_50 = arith.constant 0 : i32
      %dma_start3A_51 = tpu.memref_slice %arg7[%mul3A_4, %dma_start3A_50] : memref<2688x128xf32, #tpu.memory_space<vmem_shared>> -> memref<168x128xf32, #tpu.memory_space<vmem_shared>>
      tpu.enqueue_dma source(%arg11 : memref<168x128xf32, #tpu.memory_space<vmem>>) target(%dma_start3A_51 : memref<168x128xf32, #tpu.memory_space<vmem_shared>>) target_semaphore(%run_scoped3A_48 : memref<!tpu.dma_semaphore, #tpu.memory_space<semaphore_mem>>)
      %dma_wait3A = arith.constant 0 : i32
      %dma_wait3A_52 = tpu.memref_slice %arg7[%mul3A_4, %dma_wait3A] : memref<2688x128xf32, #tpu.memory_space<vmem_shared>> -> memref<168x128xf32, #tpu.memory_space<vmem_shared>>
      %dma_wait3A_53 = arith.constant 0 : i32
      %dma_wait3A_54 = tpu.memref_slice %arg7[%mul3A_4, %dma_wait3A_53] : memref<2688x128xf32, #tpu.memory_space<vmem_shared>> -> memref<168x128xf32, #tpu.memory_space<vmem_shared>>
      tpu.wait_dma2 semaphore(%run_scoped3A_48 : memref<!tpu.dma_semaphore, #tpu.memory_space<semaphore_mem>>) src(%arg11 : memref<168x128xf32, #tpu.memory_space<vmem>>) dst(%dma_wait3A_54 : memref<168x128xf32, #tpu.memory_space<vmem_shared>>)
      tpu.yield
    }) : () -> ()
    %barrier3A = arith.constant 0 : index
    tpu.barrier barrier_id(%barrier3A)
    %scan3A = arith.constant 0 : i32
    %scan3A_5 = arith.constant 0 : i32
    %scan3A_6 = arith.constant 80 : i32
    %scan3A_7 = arith.addi %scan3A_5, %scan3A_6 : i32
    %scan3A_8 = arith.constant 1 : i32
    scf.for %scan3A_48 = %scan3A_5 to %scan3A_7 step %scan3A_8  : i32 {
      %add3A_49 = arith.addi %mul3A_2, %scan3A_48 : i32
      %run_scoped3A_50 = arith.constant 0 : i32
      "tpu.region"() ({
        %run_scoped3A_61 = tpu.sem_alloc : memref<!tpu.dma_semaphore, #tpu.memory_space<semaphore_mem>>
        %dma_start3A_62 = arith.constant 0 : i32
        %dma_start3A_63 = tpu.memref_slice %arg4[%run_scoped3A_50, %add3A_49, %dma_start3A_62] : memref<4x2560x128xi32, #tpu.memory_space<hbm>> -> memref<1x1x128xi32, #tpu.memory_space<hbm>>
        %dma_start3A_64 = tpu.memref_squeeze %dma_start3A_63 : memref<1x1x128xi32, #tpu.memory_space<hbm>> -> memref<128xi32, #tpu.memory_space<hbm>>
        %dma_start3A_65 = arith.constant 0 : i32
        %dma_start3A_66 = tpu.memref_slice %arg4[%run_scoped3A_50, %add3A_49, %dma_start3A_65] : memref<4x2560x128xi32, #tpu.memory_space<hbm>> -> memref<1x1x128xi32, #tpu.memory_space<hbm>>
        %dma_start3A_67 = tpu.memref_squeeze %dma_start3A_66 : memref<1x1x128xi32, #tpu.memory_space<hbm>> -> memref<128xi32, #tpu.memory_space<hbm>>
        tpu.enqueue_dma source(%dma_start3A_67 : memref<128xi32, #tpu.memory_space<hbm>>) target(%arg9 : memref<128xi32, #tpu.memory_space<vmem>>) target_semaphore(%run_scoped3A_61 : memref<!tpu.dma_semaphore, #tpu.memory_space<semaphore_mem>>)
        %dma_wait3A_68 = arith.constant 0 : i32
        %dma_wait3A_69 = tpu.memref_slice %arg4[%run_scoped3A_50, %add3A_49, %dma_wait3A_68] : memref<4x2560x128xi32, #tpu.memory_space<hbm>> -> memref<1x1x128xi32, #tpu.memory_space<hbm>>
        %dma_wait3A_70 = tpu.memref_squeeze %dma_wait3A_69 : memref<1x1x128xi32, #tpu.memory_space<hbm>> -> memref<128xi32, #tpu.memory_space<hbm>>
        %dma_wait3A_71 = arith.constant 0 : i32
        %dma_wait3A_72 = tpu.memref_slice %arg4[%run_scoped3A_50, %add3A_49, %dma_wait3A_71] : memref<4x2560x128xi32, #tpu.memory_space<hbm>> -> memref<1x1x128xi32, #tpu.memory_space<hbm>>
        %dma_wait3A_73 = tpu.memref_squeeze %dma_wait3A_72 : memref<1x1x128xi32, #tpu.memory_space<hbm>> -> memref<128xi32, #tpu.memory_space<hbm>>
        tpu.wait_dma2 semaphore(%run_scoped3A_61 : memref<!tpu.dma_semaphore, #tpu.memory_space<semaphore_mem>>) src(%dma_wait3A_73 : memref<128xi32, #tpu.memory_space<hbm>>) dst(%arg9 : memref<128xi32, #tpu.memory_space<vmem>>)
        tpu.yield
      }) : () -> ()
      %dma_start3A = arith.constant 0 : i32
      %dma_start3A_51 = tpu.memref_slice %arg8[%scan3A_48, %dma_start3A] : memref<88x128xi32, #tpu.memory_space<vmem>> -> memref<1x128xi32, #tpu.memory_space<vmem>>
      %dma_start3A_52 = tpu.memref_squeeze %dma_start3A_51 : memref<1x128xi32, #tpu.memory_space<vmem>> -> memref<128xi32, #tpu.memory_space<vmem>>
      %dma_start3A_53 = arith.constant 0 : i32
      %dma_start3A_54 = arith.constant 0 : i32
      %dma_start3A_55 = tpu.memref_slice %arg2[%dma_start3A_53, %dma_start3A_54] : memref<10240x128xf32, #tpu.memory_space<hbm>> -> memref<10240x128xf32, #tpu.memory_space<hbm>>
      tpu.enqueue_indirect_dma source(%dma_start3A_55 : memref<10240x128xf32, #tpu.memory_space<hbm>>) target(%arg10 : memref<128x128xf32, #tpu.memory_space<vmem>>) offsets(%dma_start3A_52 : memref<128xi32, #tpu.memory_space<vmem>>) semaphore(%arg12 : memref<!tpu.dma_semaphore, #tpu.memory_space<semaphore_mem>>)
      %dma_wait3A = arith.constant 0 : i32
      %dma_wait3A_56 = tpu.memref_slice %arg8[%scan3A_48, %dma_wait3A] : memref<88x128xi32, #tpu.memory_space<vmem>> -> memref<1x128xi32, #tpu.memory_space<vmem>>
      %dma_wait3A_57 = tpu.memref_squeeze %dma_wait3A_56 : memref<1x128xi32, #tpu.memory_space<vmem>> -> memref<128xi32, #tpu.memory_space<vmem>>
      %dma_wait3A_58 = arith.constant 0 : i32
      %dma_wait3A_59 = arith.constant 0 : i32
      %dma_wait3A_60 = tpu.memref_slice %arg2[%dma_wait3A_58, %dma_wait3A_59] : memref<10240x128xf32, #tpu.memory_space<hbm>> -> memref<10240x128xf32, #tpu.memory_space<hbm>>
      tpu.wait_indirect_dma semaphore(%arg12 : memref<!tpu.dma_semaphore, #tpu.memory_space<semaphore_mem>>) src(%dma_wait3A_60 : memref<10240x128xf32, #tpu.memory_space<hbm>>) dst(%arg10 : memref<128x128xf32, #tpu.memory_space<vmem>>)
      "tpu.region"() ({
        %run_scoped3A_61 = tpu.sem_alloc : memref<!tpu.dma_semaphore, #tpu.memory_space<semaphore_mem>>
        %dma_start3A_62 = arith.constant 0 : i32
        %dma_start3A_63 = arith.constant 0 : i32
        %dma_start3A_64 = tpu.memref_slice %arg7[%dma_start3A_62, %dma_start3A_63] : memref<2688x128xf32, #tpu.memory_space<vmem_shared>> -> memref<2688x128xf32, #tpu.memory_space<vmem_shared>>
        tpu.enqueue_indirect_dma source(%arg10 : memref<128x128xf32, #tpu.memory_space<vmem>>) target(%dma_start3A_64 : memref<2688x128xf32, #tpu.memory_space<vmem_shared>>) offsets(%arg9 : memref<128xi32, #tpu.memory_space<vmem>>) semaphore(%run_scoped3A_61 : memref<!tpu.dma_semaphore, #tpu.memory_space<semaphore_mem>>) {add = true}
        %dma_wait3A_65 = arith.constant 0 : i32
        %dma_wait3A_66 = arith.constant 0 : i32
        %dma_wait3A_67 = tpu.memref_slice %arg7[%dma_wait3A_65, %dma_wait3A_66] : memref<2688x128xf32, #tpu.memory_space<vmem_shared>> -> memref<2688x128xf32, #tpu.memory_space<vmem_shared>>
        tpu.wait_indirect_dma semaphore(%run_scoped3A_61 : memref<!tpu.dma_semaphore, #tpu.memory_space<semaphore_mem>>) src(%arg10 : memref<128x128xf32, #tpu.memory_space<vmem>>) dst(%dma_wait3A_67 : memref<2688x128xf32, #tpu.memory_space<vmem_shared>>)
        tpu.yield
      }) : () -> ()
    }
    %scan3A_9 = arith.constant 80 : i32
    %barrier3A_10 = arith.constant 0 : index
    tpu.barrier barrier_id(%barrier3A_10)
    "tpu.region"() ({
      %run_scoped3A_48 = tpu.sem_alloc : memref<!tpu.dma_semaphore, #tpu.memory_space<semaphore_mem>>
      %dma_start3A = arith.constant 0 : i32
      %dma_start3A_49 = tpu.memref_slice %arg7[%mul3A_4, %dma_start3A] : memref<2688x128xf32, #tpu.memory_space<vmem_shared>> -> memref<168x128xf32, #tpu.memory_space<vmem_shared>>
      %dma_start3A_50 = arith.constant 0 : i32
      %dma_start3A_51 = tpu.memref_slice %arg7[%mul3A_4, %dma_start3A_50] : memref<2688x128xf32, #tpu.memory_space<vmem_shared>> -> memref<168x128xf32, #tpu.memory_space<vmem_shared>>
      tpu.enqueue_dma source(%dma_start3A_51 : memref<168x128xf32, #tpu.memory_space<vmem_shared>>) target(%arg11 : memref<168x128xf32, #tpu.memory_space<vmem>>) target_semaphore(%run_scoped3A_48 : memref<!tpu.dma_semaphore, #tpu.memory_space<semaphore_mem>>)
      %dma_wait3A = arith.constant 0 : i32
      %dma_wait3A_52 = tpu.memref_slice %arg7[%mul3A_4, %dma_wait3A] : memref<2688x128xf32, #tpu.memory_space<vmem_shared>> -> memref<168x128xf32, #tpu.memory_space<vmem_shared>>
      %dma_wait3A_53 = arith.constant 0 : i32
      %dma_wait3A_54 = tpu.memref_slice %arg7[%mul3A_4, %dma_wait3A_53] : memref<2688x128xf32, #tpu.memory_space<vmem_shared>> -> memref<168x128xf32, #tpu.memory_space<vmem_shared>>
      tpu.wait_dma2 semaphore(%run_scoped3A_48 : memref<!tpu.dma_semaphore, #tpu.memory_space<semaphore_mem>>) src(%dma_wait3A_54 : memref<168x128xf32, #tpu.memory_space<vmem_shared>>) dst(%arg11 : memref<168x128xf32, #tpu.memory_space<vmem>>)
      tpu.yield
    }) : () -> ()
    %run_scoped3A = arith.constant 0 : i32
    "tpu.region"() ({
      %run_scoped3A_48 = tpu.sem_alloc : memref<!tpu.dma_semaphore, #tpu.memory_space<semaphore_mem>>
      %dma_start3A = arith.constant 0 : i32
      %dma_start3A_49 = tpu.memref_slice %arg6[%arg0, %run_scoped3A, %mul3A_4, %dma_start3A] : memref<2x4x2688x128xf32, #tpu.memory_space<hbm>> -> memref<1x1x168x128xf32, #tpu.memory_space<hbm>>
      %dma_start3A_50 = tpu.memref_squeeze %dma_start3A_49 : memref<1x1x168x128xf32, #tpu.memory_space<hbm>> -> memref<168x128xf32, #tpu.memory_space<hbm>>
      %dma_start3A_51 = arith.constant 0 : i32
      %dma_start3A_52 = tpu.memref_slice %arg6[%arg0, %run_scoped3A, %mul3A_4, %dma_start3A_51] : memref<2x4x2688x128xf32, #tpu.memory_space<hbm>> -> memref<1x1x168x128xf32, #tpu.memory_space<hbm>>
      %dma_start3A_53 = tpu.memref_squeeze %dma_start3A_52 : memref<1x1x168x128xf32, #tpu.memory_space<hbm>> -> memref<168x128xf32, #tpu.memory_space<hbm>>
      tpu.enqueue_dma source(%arg11 : memref<168x128xf32, #tpu.memory_space<vmem>>) target(%dma_start3A_53 : memref<168x128xf32, #tpu.memory_space<hbm>>) target_semaphore(%run_scoped3A_48 : memref<!tpu.dma_semaphore, #tpu.memory_space<semaphore_mem>>)
      %dma_wait3A = arith.constant 0 : i32
      %dma_wait3A_54 = tpu.memref_slice %arg6[%arg0, %run_scoped3A, %mul3A_4, %dma_wait3A] : memref<2x4x2688x128xf32, #tpu.memory_space<hbm>> -> memref<1x1x168x128xf32, #tpu.memory_space<hbm>>
      %dma_wait3A_55 = tpu.memref_squeeze %dma_wait3A_54 : memref<1x1x168x128xf32, #tpu.memory_space<hbm>> -> memref<168x128xf32, #tpu.memory_space<hbm>>
      %dma_wait3A_56 = arith.constant 0 : i32
      %dma_wait3A_57 = tpu.memref_slice %arg6[%arg0, %run_scoped3A, %mul3A_4, %dma_wait3A_56] : memref<2x4x2688x128xf32, #tpu.memory_space<hbm>> -> memref<1x1x168x128xf32, #tpu.memory_space<hbm>>
      %dma_wait3A_58 = tpu.memref_squeeze %dma_wait3A_57 : memref<1x1x168x128xf32, #tpu.memory_space<hbm>> -> memref<168x128xf32, #tpu.memory_space<hbm>>
      tpu.wait_dma2 semaphore(%run_scoped3A_48 : memref<!tpu.dma_semaphore, #tpu.memory_space<semaphore_mem>>) src(%arg11 : memref<168x128xf32, #tpu.memory_space<vmem>>) dst(%dma_wait3A_58 : memref<168x128xf32, #tpu.memory_space<hbm>>)
      tpu.yield
    }) : () -> ()
    %barrier3A_11 = arith.constant 0 : index
    tpu.barrier barrier_id(%barrier3A_11)
    %mul3A_12 = arith.constant 168 : i32
    %mul3A_13 = arith.muli %arg1, %mul3A_12 : i32
    "tpu.region"() ({
      %run_scoped3A_48 = tpu.sem_alloc : memref<!tpu.dma_semaphore, #tpu.memory_space<semaphore_mem>>
      %dma_start3A = arith.constant 0 : i32
      %dma_start3A_49 = tpu.memref_slice %arg5[%mul3A_13, %dma_start3A] : memref<5248x128xf32, #tpu.memory_space<hbm>> -> memref<168x128xf32, #tpu.memory_space<hbm>>
      %dma_start3A_50 = arith.constant 0 : i32
      %dma_start3A_51 = tpu.memref_slice %arg5[%mul3A_13, %dma_start3A_50] : memref<5248x128xf32, #tpu.memory_space<hbm>> -> memref<168x128xf32, #tpu.memory_space<hbm>>
      tpu.enqueue_dma source(%dma_start3A_51 : memref<168x128xf32, #tpu.memory_space<hbm>>) target(%arg11 : memref<168x128xf32, #tpu.memory_space<vmem>>) target_semaphore(%run_scoped3A_48 : memref<!tpu.dma_semaphore, #tpu.memory_space<semaphore_mem>>)
      %dma_wait3A = arith.constant 0 : i32
      %dma_wait3A_52 = tpu.memref_slice %arg5[%mul3A_13, %dma_wait3A] : memref<5248x128xf32, #tpu.memory_space<hbm>> -> memref<168x128xf32, #tpu.memory_space<hbm>>
      %dma_wait3A_53 = arith.constant 0 : i32
      %dma_wait3A_54 = tpu.memref_slice %arg5[%mul3A_13, %dma_wait3A_53] : memref<5248x128xf32, #tpu.memory_space<hbm>> -> memref<168x128xf32, #tpu.memory_space<hbm>>
      tpu.wait_dma2 semaphore(%run_scoped3A_48 : memref<!tpu.dma_semaphore, #tpu.memory_space<semaphore_mem>>) src(%dma_wait3A_54 : memref<168x128xf32, #tpu.memory_space<hbm>>) dst(%arg11 : memref<168x128xf32, #tpu.memory_space<vmem>>)
      tpu.yield
    }) : () -> ()
    "tpu.region"() ({
      %run_scoped3A_48 = tpu.sem_alloc : memref<!tpu.dma_semaphore, #tpu.memory_space<semaphore_mem>>
      %dma_start3A = arith.constant 0 : i32
      %dma_start3A_49 = tpu.memref_slice %arg7[%mul3A_13, %dma_start3A] : memref<2688x128xf32, #tpu.memory_space<vmem_shared>> -> memref<168x128xf32, #tpu.memory_space<vmem_shared>>
      %dma_start3A_50 = arith.constant 0 : i32
      %dma_start3A_51 = tpu.memref_slice %arg7[%mul3A_13, %dma_start3A_50] : memref<2688x128xf32, #tpu.memory_space<vmem_shared>> -> memref<168x128xf32, #tpu.memory_space<vmem_shared>>
      tpu.enqueue_dma source(%arg11 : memref<168x128xf32, #tpu.memory_space<vmem>>) target(%dma_start3A_51 : memref<168x128xf32, #tpu.memory_space<vmem_shared>>) target_semaphore(%run_scoped3A_48 : memref<!tpu.dma_semaphore, #tpu.memory_space<semaphore_mem>>)
      %dma_wait3A = arith.constant 0 : i32
      %dma_wait3A_52 = tpu.memref_slice %arg7[%mul3A_13, %dma_wait3A] : memref<2688x128xf32, #tpu.memory_space<vmem_shared>> -> memref<168x128xf32, #tpu.memory_space<vmem_shared>>
      %dma_wait3A_53 = arith.constant 0 : i32
      %dma_wait3A_54 = tpu.memref_slice %arg7[%mul3A_13, %dma_wait3A_53] : memref<2688x128xf32, #tpu.memory_space<vmem_shared>> -> memref<168x128xf32, #tpu.memory_space<vmem_shared>>
      tpu.wait_dma2 semaphore(%run_scoped3A_48 : memref<!tpu.dma_semaphore, #tpu.memory_space<semaphore_mem>>) src(%arg11 : memref<168x128xf32, #tpu.memory_space<vmem>>) dst(%dma_wait3A_54 : memref<168x128xf32, #tpu.memory_space<vmem_shared>>)
      tpu.yield
    }) : () -> ()
    %barrier3A_14 = arith.constant 0 : index
    tpu.barrier barrier_id(%barrier3A_14)
    %scan3A_15 = arith.constant 0 : i32
    %scan3A_16 = arith.constant 0 : i32
    %scan3A_17 = arith.constant 80 : i32
    %scan3A_18 = arith.addi %scan3A_16, %scan3A_17 : i32
    %scan3A_19 = arith.constant 1 : i32
    scf.for %scan3A_48 = %scan3A_16 to %scan3A_18 step %scan3A_19  : i32 {
      %add3A_49 = arith.addi %mul3A_2, %scan3A_48 : i32
      %run_scoped3A_50 = arith.constant 1 : i32
      "tpu.region"() ({
        %run_scoped3A_61 = tpu.sem_alloc : memref<!tpu.dma_semaphore, #tpu.memory_space<semaphore_mem>>
        %dma_start3A_62 = arith.constant 0 : i32
        %dma_start3A_63 = tpu.memref_slice %arg4[%run_scoped3A_50, %add3A_49, %dma_start3A_62] : memref<4x2560x128xi32, #tpu.memory_space<hbm>> -> memref<1x1x128xi32, #tpu.memory_space<hbm>>
        %dma_start3A_64 = tpu.memref_squeeze %dma_start3A_63 : memref<1x1x128xi32, #tpu.memory_space<hbm>> -> memref<128xi32, #tpu.memory_space<hbm>>
        %dma_start3A_65 = arith.constant 0 : i32
        %dma_start3A_66 = tpu.memref_slice %arg4[%run_scoped3A_50, %add3A_49, %dma_start3A_65] : memref<4x2560x128xi32, #tpu.memory_space<hbm>> -> memref<1x1x128xi32, #tpu.memory_space<hbm>>
        %dma_start3A_67 = tpu.memref_squeeze %dma_start3A_66 : memref<1x1x128xi32, #tpu.memory_space<hbm>> -> memref<128xi32, #tpu.memory_space<hbm>>
        tpu.enqueue_dma source(%dma_start3A_67 : memref<128xi32, #tpu.memory_space<hbm>>) target(%arg9 : memref<128xi32, #tpu.memory_space<vmem>>) target_semaphore(%run_scoped3A_61 : memref<!tpu.dma_semaphore, #tpu.memory_space<semaphore_mem>>)
        %dma_wait3A_68 = arith.constant 0 : i32
        %dma_wait3A_69 = tpu.memref_slice %arg4[%run_scoped3A_50, %add3A_49, %dma_wait3A_68] : memref<4x2560x128xi32, #tpu.memory_space<hbm>> -> memref<1x1x128xi32, #tpu.memory_space<hbm>>
        %dma_wait3A_70 = tpu.memref_squeeze %dma_wait3A_69 : memref<1x1x128xi32, #tpu.memory_space<hbm>> -> memref<128xi32, #tpu.memory_space<hbm>>
        %dma_wait3A_71 = arith.constant 0 : i32
        %dma_wait3A_72 = tpu.memref_slice %arg4[%run_scoped3A_50, %add3A_49, %dma_wait3A_71] : memref<4x2560x128xi32, #tpu.memory_space<hbm>> -> memref<1x1x128xi32, #tpu.memory_space<hbm>>
        %dma_wait3A_73 = tpu.memref_squeeze %dma_wait3A_72 : memref<1x1x128xi32, #tpu.memory_space<hbm>> -> memref<128xi32, #tpu.memory_space<hbm>>
        tpu.wait_dma2 semaphore(%run_scoped3A_61 : memref<!tpu.dma_semaphore, #tpu.memory_space<semaphore_mem>>) src(%dma_wait3A_73 : memref<128xi32, #tpu.memory_space<hbm>>) dst(%arg9 : memref<128xi32, #tpu.memory_space<vmem>>)
        tpu.yield
      }) : () -> ()
      %dma_start3A = arith.constant 0 : i32
      %dma_start3A_51 = tpu.memref_slice %arg8[%scan3A_48, %dma_start3A] : memref<88x128xi32, #tpu.memory_space<vmem>> -> memref<1x128xi32, #tpu.memory_space<vmem>>
      %dma_start3A_52 = tpu.memref_squeeze %dma_start3A_51 : memref<1x128xi32, #tpu.memory_space<vmem>> -> memref<128xi32, #tpu.memory_space<vmem>>
      %dma_start3A_53 = arith.constant 0 : i32
      %dma_start3A_54 = arith.constant 0 : i32
      %dma_start3A_55 = tpu.memref_slice %arg2[%dma_start3A_53, %dma_start3A_54] : memref<10240x128xf32, #tpu.memory_space<hbm>> -> memref<10240x128xf32, #tpu.memory_space<hbm>>
      tpu.enqueue_indirect_dma source(%dma_start3A_55 : memref<10240x128xf32, #tpu.memory_space<hbm>>) target(%arg10 : memref<128x128xf32, #tpu.memory_space<vmem>>) offsets(%dma_start3A_52 : memref<128xi32, #tpu.memory_space<vmem>>) semaphore(%arg12 : memref<!tpu.dma_semaphore, #tpu.memory_space<semaphore_mem>>)
      %dma_wait3A = arith.constant 0 : i32
      %dma_wait3A_56 = tpu.memref_slice %arg8[%scan3A_48, %dma_wait3A] : memref<88x128xi32, #tpu.memory_space<vmem>> -> memref<1x128xi32, #tpu.memory_space<vmem>>
      %dma_wait3A_57 = tpu.memref_squeeze %dma_wait3A_56 : memref<1x128xi32, #tpu.memory_space<vmem>> -> memref<128xi32, #tpu.memory_space<vmem>>
      %dma_wait3A_58 = arith.constant 0 : i32
      %dma_wait3A_59 = arith.constant 0 : i32
      %dma_wait3A_60 = tpu.memref_slice %arg2[%dma_wait3A_58, %dma_wait3A_59] : memref<10240x128xf32, #tpu.memory_space<hbm>> -> memref<10240x128xf32, #tpu.memory_space<hbm>>
      tpu.wait_indirect_dma semaphore(%arg12 : memref<!tpu.dma_semaphore, #tpu.memory_space<semaphore_mem>>) src(%dma_wait3A_60 : memref<10240x128xf32, #tpu.memory_space<hbm>>) dst(%arg10 : memref<128x128xf32, #tpu.memory_space<vmem>>)
      "tpu.region"() ({
        %run_scoped3A_61 = tpu.sem_alloc : memref<!tpu.dma_semaphore, #tpu.memory_space<semaphore_mem>>
        %dma_start3A_62 = arith.constant 0 : i32
        %dma_start3A_63 = arith.constant 0 : i32
        %dma_start3A_64 = tpu.memref_slice %arg7[%dma_start3A_62, %dma_start3A_63] : memref<2688x128xf32, #tpu.memory_space<vmem_shared>> -> memref<2688x128xf32, #tpu.memory_space<vmem_shared>>
        tpu.enqueue_indirect_dma source(%arg10 : memref<128x128xf32, #tpu.memory_space<vmem>>) target(%dma_start3A_64 : memref<2688x128xf32, #tpu.memory_space<vmem_shared>>) offsets(%arg9 : memref<128xi32, #tpu.memory_space<vmem>>) semaphore(%run_scoped3A_61 : memref<!tpu.dma_semaphore, #tpu.memory_space<semaphore_mem>>) {add = true}
        %dma_wait3A_65 = arith.constant 0 : i32
        %dma_wait3A_66 = arith.constant 0 : i32
        %dma_wait3A_67 = tpu.memref_slice %arg7[%dma_wait3A_65, %dma_wait3A_66] : memref<2688x128xf32, #tpu.memory_space<vmem_shared>> -> memref<2688x128xf32, #tpu.memory_space<vmem_shared>>
        tpu.wait_indirect_dma semaphore(%run_scoped3A_61 : memref<!tpu.dma_semaphore, #tpu.memory_space<semaphore_mem>>) src(%arg10 : memref<128x128xf32, #tpu.memory_space<vmem>>) dst(%dma_wait3A_67 : memref<2688x128xf32, #tpu.memory_space<vmem_shared>>)
        tpu.yield
      }) : () -> ()
    }
    %scan3A_20 = arith.constant 80 : i32
    %barrier3A_21 = arith.constant 0 : index
    tpu.barrier barrier_id(%barrier3A_21)
    "tpu.region"() ({
      %run_scoped3A_48 = tpu.sem_alloc : memref<!tpu.dma_semaphore, #tpu.memory_space<semaphore_mem>>
      %dma_start3A = arith.constant 0 : i32
      %dma_start3A_49 = tpu.memref_slice %arg7[%mul3A_13, %dma_start3A] : memref<2688x128xf32, #tpu.memory_space<vmem_shared>> -> memref<168x128xf32, #tpu.memory_space<vmem_shared>>
      %dma_start3A_50 = arith.constant 0 : i32
      %dma_start3A_51 = tpu.memref_slice %arg7[%mul3A_13, %dma_start3A_50] : memref<2688x128xf32, #tpu.memory_space<vmem_shared>> -> memref<168x128xf32, #tpu.memory_space<vmem_shared>>
      tpu.enqueue_dma source(%dma_start3A_51 : memref<168x128xf32, #tpu.memory_space<vmem_shared>>) target(%arg11 : memref<168x128xf32, #tpu.memory_space<vmem>>) target_semaphore(%run_scoped3A_48 : memref<!tpu.dma_semaphore, #tpu.memory_space<semaphore_mem>>)
      %dma_wait3A = arith.constant 0 : i32
      %dma_wait3A_52 = tpu.memref_slice %arg7[%mul3A_13, %dma_wait3A] : memref<2688x128xf32, #tpu.memory_space<vmem_shared>> -> memref<168x128xf32, #tpu.memory_space<vmem_shared>>
      %dma_wait3A_53 = arith.constant 0 : i32
      %dma_wait3A_54 = tpu.memref_slice %arg7[%mul3A_13, %dma_wait3A_53] : memref<2688x128xf32, #tpu.memory_space<vmem_shared>> -> memref<168x128xf32, #tpu.memory_space<vmem_shared>>
      tpu.wait_dma2 semaphore(%run_scoped3A_48 : memref<!tpu.dma_semaphore, #tpu.memory_space<semaphore_mem>>) src(%dma_wait3A_54 : memref<168x128xf32, #tpu.memory_space<vmem_shared>>) dst(%arg11 : memref<168x128xf32, #tpu.memory_space<vmem>>)
      tpu.yield
    }) : () -> ()
    %run_scoped3A_22 = arith.constant 1 : i32
    "tpu.region"() ({
      %run_scoped3A_48 = tpu.sem_alloc : memref<!tpu.dma_semaphore, #tpu.memory_space<semaphore_mem>>
      %dma_start3A = arith.constant 0 : i32
      %dma_start3A_49 = tpu.memref_slice %arg6[%arg0, %run_scoped3A_22, %mul3A_13, %dma_start3A] : memref<2x4x2688x128xf32, #tpu.memory_space<hbm>> -> memref<1x1x168x128xf32, #tpu.memory_space<hbm>>
      %dma_start3A_50 = tpu.memref_squeeze %dma_start3A_49 : memref<1x1x168x128xf32, #tpu.memory_space<hbm>> -> memref<168x128xf32, #tpu.memory_space<hbm>>
      %dma_start3A_51 = arith.constant 0 : i32
      %dma_start3A_52 = tpu.memref_slice %arg6[%arg0, %run_scoped3A_22, %mul3A_13, %dma_start3A_51] : memref<2x4x2688x128xf32, #tpu.memory_space<hbm>> -> memref<1x1x168x128xf32, #tpu.memory_space<hbm>>
      %dma_start3A_53 = tpu.memref_squeeze %dma_start3A_52 : memref<1x1x168x128xf32, #tpu.memory_space<hbm>> -> memref<168x128xf32, #tpu.memory_space<hbm>>
      tpu.enqueue_dma source(%arg11 : memref<168x128xf32, #tpu.memory_space<vmem>>) target(%dma_start3A_53 : memref<168x128xf32, #tpu.memory_space<hbm>>) target_semaphore(%run_scoped3A_48 : memref<!tpu.dma_semaphore, #tpu.memory_space<semaphore_mem>>)
      %dma_wait3A = arith.constant 0 : i32
      %dma_wait3A_54 = tpu.memref_slice %arg6[%arg0, %run_scoped3A_22, %mul3A_13, %dma_wait3A] : memref<2x4x2688x128xf32, #tpu.memory_space<hbm>> -> memref<1x1x168x128xf32, #tpu.memory_space<hbm>>
      %dma_wait3A_55 = tpu.memref_squeeze %dma_wait3A_54 : memref<1x1x168x128xf32, #tpu.memory_space<hbm>> -> memref<168x128xf32, #tpu.memory_space<hbm>>
      %dma_wait3A_56 = arith.constant 0 : i32
      %dma_wait3A_57 = tpu.memref_slice %arg6[%arg0, %run_scoped3A_22, %mul3A_13, %dma_wait3A_56] : memref<2x4x2688x128xf32, #tpu.memory_space<hbm>> -> memref<1x1x168x128xf32, #tpu.memory_space<hbm>>
      %dma_wait3A_58 = tpu.memref_squeeze %dma_wait3A_57 : memref<1x1x168x128xf32, #tpu.memory_space<hbm>> -> memref<168x128xf32, #tpu.memory_space<hbm>>
      tpu.wait_dma2 semaphore(%run_scoped3A_48 : memref<!tpu.dma_semaphore, #tpu.memory_space<semaphore_mem>>) src(%arg11 : memref<168x128xf32, #tpu.memory_space<vmem>>) dst(%dma_wait3A_58 : memref<168x128xf32, #tpu.memory_space<hbm>>)
      tpu.yield
    }) : () -> ()
    %barrier3A_23 = arith.constant 0 : index
    tpu.barrier barrier_id(%barrier3A_23)
    %mul3A_24 = arith.constant 168 : i32
    %mul3A_25 = arith.muli %arg1, %mul3A_24 : i32
    "tpu.region"() ({
      %run_scoped3A_48 = tpu.sem_alloc : memref<!tpu.dma_semaphore, #tpu.memory_space<semaphore_mem>>
      %dma_start3A = arith.constant 0 : i32
      %dma_start3A_49 = tpu.memref_slice %arg5[%mul3A_25, %dma_start3A] : memref<5248x128xf32, #tpu.memory_space<hbm>> -> memref<168x128xf32, #tpu.memory_space<hbm>>
      %dma_start3A_50 = arith.constant 0 : i32
      %dma_start3A_51 = tpu.memref_slice %arg5[%mul3A_25, %dma_start3A_50] : memref<5248x128xf32, #tpu.memory_space<hbm>> -> memref<168x128xf32, #tpu.memory_space<hbm>>
      tpu.enqueue_dma source(%dma_start3A_51 : memref<168x128xf32, #tpu.memory_space<hbm>>) target(%arg11 : memref<168x128xf32, #tpu.memory_space<vmem>>) target_semaphore(%run_scoped3A_48 : memref<!tpu.dma_semaphore, #tpu.memory_space<semaphore_mem>>)
      %dma_wait3A = arith.constant 0 : i32
      %dma_wait3A_52 = tpu.memref_slice %arg5[%mul3A_25, %dma_wait3A] : memref<5248x128xf32, #tpu.memory_space<hbm>> -> memref<168x128xf32, #tpu.memory_space<hbm>>
      %dma_wait3A_53 = arith.constant 0 : i32
      %dma_wait3A_54 = tpu.memref_slice %arg5[%mul3A_25, %dma_wait3A_53] : memref<5248x128xf32, #tpu.memory_space<hbm>> -> memref<168x128xf32, #tpu.memory_space<hbm>>
      tpu.wait_dma2 semaphore(%run_scoped3A_48 : memref<!tpu.dma_semaphore, #tpu.memory_space<semaphore_mem>>) src(%dma_wait3A_54 : memref<168x128xf32, #tpu.memory_space<hbm>>) dst(%arg11 : memref<168x128xf32, #tpu.memory_space<vmem>>)
      tpu.yield
    }) : () -> ()
    "tpu.region"() ({
      %run_scoped3A_48 = tpu.sem_alloc : memref<!tpu.dma_semaphore, #tpu.memory_space<semaphore_mem>>
      %dma_start3A = arith.constant 0 : i32
      %dma_start3A_49 = tpu.memref_slice %arg7[%mul3A_25, %dma_start3A] : memref<2688x128xf32, #tpu.memory_space<vmem_shared>> -> memref<168x128xf32, #tpu.memory_space<vmem_shared>>
      %dma_start3A_50 = arith.constant 0 : i32
      %dma_start3A_51 = tpu.memref_slice %arg7[%mul3A_25, %dma_start3A_50] : memref<2688x128xf32, #tpu.memory_space<vmem_shared>> -> memref<168x128xf32, #tpu.memory_space<vmem_shared>>
      tpu.enqueue_dma source(%arg11 : memref<168x128xf32, #tpu.memory_space<vmem>>) target(%dma_start3A_51 : memref<168x128xf32, #tpu.memory_space<vmem_shared>>) target_semaphore(%run_scoped3A_48 : memref<!tpu.dma_semaphore, #tpu.memory_space<semaphore_mem>>)
      %dma_wait3A = arith.constant 0 : i32
      %dma_wait3A_52 = tpu.memref_slice %arg7[%mul3A_25, %dma_wait3A] : memref<2688x128xf32, #tpu.memory_space<vmem_shared>> -> memref<168x128xf32, #tpu.memory_space<vmem_shared>>
      %dma_wait3A_53 = arith.constant 0 : i32
      %dma_wait3A_54 = tpu.memref_slice %arg7[%mul3A_25, %dma_wait3A_53] : memref<2688x128xf32, #tpu.memory_space<vmem_shared>> -> memref<168x128xf32, #tpu.memory_space<vmem_shared>>
      tpu.wait_dma2 semaphore(%run_scoped3A_48 : memref<!tpu.dma_semaphore, #tpu.memory_space<semaphore_mem>>) src(%arg11 : memref<168x128xf32, #tpu.memory_space<vmem>>) dst(%dma_wait3A_54 : memref<168x128xf32, #tpu.memory_space<vmem_shared>>)
      tpu.yield
    }) : () -> ()
    %barrier3A_26 = arith.constant 0 : index
    tpu.barrier barrier_id(%barrier3A_26)
    %scan3A_27 = arith.constant 0 : i32
    %scan3A_28 = arith.constant 0 : i32
    %scan3A_29 = arith.constant 80 : i32
    %scan3A_30 = arith.addi %scan3A_28, %scan3A_29 : i32
    %scan3A_31 = arith.constant 1 : i32
    scf.for %scan3A_48 = %scan3A_28 to %scan3A_30 step %scan3A_31  : i32 {
      %add3A_49 = arith.addi %mul3A_2, %scan3A_48 : i32
      %run_scoped3A_50 = arith.constant 2 : i32
      "tpu.region"() ({
        %run_scoped3A_61 = tpu.sem_alloc : memref<!tpu.dma_semaphore, #tpu.memory_space<semaphore_mem>>
        %dma_start3A_62 = arith.constant 0 : i32
        %dma_start3A_63 = tpu.memref_slice %arg4[%run_scoped3A_50, %add3A_49, %dma_start3A_62] : memref<4x2560x128xi32, #tpu.memory_space<hbm>> -> memref<1x1x128xi32, #tpu.memory_space<hbm>>
        %dma_start3A_64 = tpu.memref_squeeze %dma_start3A_63 : memref<1x1x128xi32, #tpu.memory_space<hbm>> -> memref<128xi32, #tpu.memory_space<hbm>>
        %dma_start3A_65 = arith.constant 0 : i32
        %dma_start3A_66 = tpu.memref_slice %arg4[%run_scoped3A_50, %add3A_49, %dma_start3A_65] : memref<4x2560x128xi32, #tpu.memory_space<hbm>> -> memref<1x1x128xi32, #tpu.memory_space<hbm>>
        %dma_start3A_67 = tpu.memref_squeeze %dma_start3A_66 : memref<1x1x128xi32, #tpu.memory_space<hbm>> -> memref<128xi32, #tpu.memory_space<hbm>>
        tpu.enqueue_dma source(%dma_start3A_67 : memref<128xi32, #tpu.memory_space<hbm>>) target(%arg9 : memref<128xi32, #tpu.memory_space<vmem>>) target_semaphore(%run_scoped3A_61 : memref<!tpu.dma_semaphore, #tpu.memory_space<semaphore_mem>>)
        %dma_wait3A_68 = arith.constant 0 : i32
        %dma_wait3A_69 = tpu.memref_slice %arg4[%run_scoped3A_50, %add3A_49, %dma_wait3A_68] : memref<4x2560x128xi32, #tpu.memory_space<hbm>> -> memref<1x1x128xi32, #tpu.memory_space<hbm>>
        %dma_wait3A_70 = tpu.memref_squeeze %dma_wait3A_69 : memref<1x1x128xi32, #tpu.memory_space<hbm>> -> memref<128xi32, #tpu.memory_space<hbm>>
        %dma_wait3A_71 = arith.constant 0 : i32
        %dma_wait3A_72 = tpu.memref_slice %arg4[%run_scoped3A_50, %add3A_49, %dma_wait3A_71] : memref<4x2560x128xi32, #tpu.memory_space<hbm>> -> memref<1x1x128xi32, #tpu.memory_space<hbm>>
        %dma_wait3A_73 = tpu.memref_squeeze %dma_wait3A_72 : memref<1x1x128xi32, #tpu.memory_space<hbm>> -> memref<128xi32, #tpu.memory_space<hbm>>
        tpu.wait_dma2 semaphore(%run_scoped3A_61 : memref<!tpu.dma_semaphore, #tpu.memory_space<semaphore_mem>>) src(%dma_wait3A_73 : memref<128xi32, #tpu.memory_space<hbm>>) dst(%arg9 : memref<128xi32, #tpu.memory_space<vmem>>)
        tpu.yield
      }) : () -> ()
      %dma_start3A = arith.constant 0 : i32
      %dma_start3A_51 = tpu.memref_slice %arg8[%scan3A_48, %dma_start3A] : memref<88x128xi32, #tpu.memory_space<vmem>> -> memref<1x128xi32, #tpu.memory_space<vmem>>
      %dma_start3A_52 = tpu.memref_squeeze %dma_start3A_51 : memref<1x128xi32, #tpu.memory_space<vmem>> -> memref<128xi32, #tpu.memory_space<vmem>>
      %dma_start3A_53 = arith.constant 0 : i32
      %dma_start3A_54 = arith.constant 0 : i32
      %dma_start3A_55 = tpu.memref_slice %arg2[%dma_start3A_53, %dma_start3A_54] : memref<10240x128xf32, #tpu.memory_space<hbm>> -> memref<10240x128xf32, #tpu.memory_space<hbm>>
      tpu.enqueue_indirect_dma source(%dma_start3A_55 : memref<10240x128xf32, #tpu.memory_space<hbm>>) target(%arg10 : memref<128x128xf32, #tpu.memory_space<vmem>>) offsets(%dma_start3A_52 : memref<128xi32, #tpu.memory_space<vmem>>) semaphore(%arg12 : memref<!tpu.dma_semaphore, #tpu.memory_space<semaphore_mem>>)
      %dma_wait3A = arith.constant 0 : i32
      %dma_wait3A_56 = tpu.memref_slice %arg8[%scan3A_48, %dma_wait3A] : memref<88x128xi32, #tpu.memory_space<vmem>> -> memref<1x128xi32, #tpu.memory_space<vmem>>
      %dma_wait3A_57 = tpu.memref_squeeze %dma_wait3A_56 : memref<1x128xi32, #tpu.memory_space<vmem>> -> memref<128xi32, #tpu.memory_space<vmem>>
      %dma_wait3A_58 = arith.constant 0 : i32
      %dma_wait3A_59 = arith.constant 0 : i32
      %dma_wait3A_60 = tpu.memref_slice %arg2[%dma_wait3A_58, %dma_wait3A_59] : memref<10240x128xf32, #tpu.memory_space<hbm>> -> memref<10240x128xf32, #tpu.memory_space<hbm>>
      tpu.wait_indirect_dma semaphore(%arg12 : memref<!tpu.dma_semaphore, #tpu.memory_space<semaphore_mem>>) src(%dma_wait3A_60 : memref<10240x128xf32, #tpu.memory_space<hbm>>) dst(%arg10 : memref<128x128xf32, #tpu.memory_space<vmem>>)
      "tpu.region"() ({
        %run_scoped3A_61 = tpu.sem_alloc : memref<!tpu.dma_semaphore, #tpu.memory_space<semaphore_mem>>
        %dma_start3A_62 = arith.constant 0 : i32
        %dma_start3A_63 = arith.constant 0 : i32
        %dma_start3A_64 = tpu.memref_slice %arg7[%dma_start3A_62, %dma_start3A_63] : memref<2688x128xf32, #tpu.memory_space<vmem_shared>> -> memref<2688x128xf32, #tpu.memory_space<vmem_shared>>
        tpu.enqueue_indirect_dma source(%arg10 : memref<128x128xf32, #tpu.memory_space<vmem>>) target(%dma_start3A_64 : memref<2688x128xf32, #tpu.memory_space<vmem_shared>>) offsets(%arg9 : memref<128xi32, #tpu.memory_space<vmem>>) semaphore(%run_scoped3A_61 : memref<!tpu.dma_semaphore, #tpu.memory_space<semaphore_mem>>) {add = true}
        %dma_wait3A_65 = arith.constant 0 : i32
        %dma_wait3A_66 = arith.constant 0 : i32
        %dma_wait3A_67 = tpu.memref_slice %arg7[%dma_wait3A_65, %dma_wait3A_66] : memref<2688x128xf32, #tpu.memory_space<vmem_shared>> -> memref<2688x128xf32, #tpu.memory_space<vmem_shared>>
        tpu.wait_indirect_dma semaphore(%run_scoped3A_61 : memref<!tpu.dma_semaphore, #tpu.memory_space<semaphore_mem>>) src(%arg10 : memref<128x128xf32, #tpu.memory_space<vmem>>) dst(%dma_wait3A_67 : memref<2688x128xf32, #tpu.memory_space<vmem_shared>>)
        tpu.yield
      }) : () -> ()
    }
    %scan3A_32 = arith.constant 80 : i32
    %barrier3A_33 = arith.constant 0 : index
    tpu.barrier barrier_id(%barrier3A_33)
    "tpu.region"() ({
      %run_scoped3A_48 = tpu.sem_alloc : memref<!tpu.dma_semaphore, #tpu.memory_space<semaphore_mem>>
      %dma_start3A = arith.constant 0 : i32
      %dma_start3A_49 = tpu.memref_slice %arg7[%mul3A_25, %dma_start3A] : memref<2688x128xf32, #tpu.memory_space<vmem_shared>> -> memref<168x128xf32, #tpu.memory_space<vmem_shared>>
      %dma_start3A_50 = arith.constant 0 : i32
      %dma_start3A_51 = tpu.memref_slice %arg7[%mul3A_25, %dma_start3A_50] : memref<2688x128xf32, #tpu.memory_space<vmem_shared>> -> memref<168x128xf32, #tpu.memory_space<vmem_shared>>
      tpu.enqueue_dma source(%dma_start3A_51 : memref<168x128xf32, #tpu.memory_space<vmem_shared>>) target(%arg11 : memref<168x128xf32, #tpu.memory_space<vmem>>) target_semaphore(%run_scoped3A_48 : memref<!tpu.dma_semaphore, #tpu.memory_space<semaphore_mem>>)
      %dma_wait3A = arith.constant 0 : i32
      %dma_wait3A_52 = tpu.memref_slice %arg7[%mul3A_25, %dma_wait3A] : memref<2688x128xf32, #tpu.memory_space<vmem_shared>> -> memref<168x128xf32, #tpu.memory_space<vmem_shared>>
      %dma_wait3A_53 = arith.constant 0 : i32
      %dma_wait3A_54 = tpu.memref_slice %arg7[%mul3A_25, %dma_wait3A_53] : memref<2688x128xf32, #tpu.memory_space<vmem_shared>> -> memref<168x128xf32, #tpu.memory_space<vmem_shared>>
      tpu.wait_dma2 semaphore(%run_scoped3A_48 : memref<!tpu.dma_semaphore, #tpu.memory_space<semaphore_mem>>) src(%dma_wait3A_54 : memref<168x128xf32, #tpu.memory_space<vmem_shared>>) dst(%arg11 : memref<168x128xf32, #tpu.memory_space<vmem>>)
      tpu.yield
    }) : () -> ()
    %run_scoped3A_34 = arith.constant 2 : i32
    "tpu.region"() ({
      %run_scoped3A_48 = tpu.sem_alloc : memref<!tpu.dma_semaphore, #tpu.memory_space<semaphore_mem>>
      %dma_start3A = arith.constant 0 : i32
      %dma_start3A_49 = tpu.memref_slice %arg6[%arg0, %run_scoped3A_34, %mul3A_25, %dma_start3A] : memref<2x4x2688x128xf32, #tpu.memory_space<hbm>> -> memref<1x1x168x128xf32, #tpu.memory_space<hbm>>
      %dma_start3A_50 = tpu.memref_squeeze %dma_start3A_49 : memref<1x1x168x128xf32, #tpu.memory_space<hbm>> -> memref<168x128xf32, #tpu.memory_space<hbm>>
      %dma_start3A_51 = arith.constant 0 : i32
      %dma_start3A_52 = tpu.memref_slice %arg6[%arg0, %run_scoped3A_34, %mul3A_25, %dma_start3A_51] : memref<2x4x2688x128xf32, #tpu.memory_space<hbm>> -> memref<1x1x168x128xf32, #tpu.memory_space<hbm>>
      %dma_start3A_53 = tpu.memref_squeeze %dma_start3A_52 : memref<1x1x168x128xf32, #tpu.memory_space<hbm>> -> memref<168x128xf32, #tpu.memory_space<hbm>>
      tpu.enqueue_dma source(%arg11 : memref<168x128xf32, #tpu.memory_space<vmem>>) target(%dma_start3A_53 : memref<168x128xf32, #tpu.memory_space<hbm>>) target_semaphore(%run_scoped3A_48 : memref<!tpu.dma_semaphore, #tpu.memory_space<semaphore_mem>>)
      %dma_wait3A = arith.constant 0 : i32
      %dma_wait3A_54 = tpu.memref_slice %arg6[%arg0, %run_scoped3A_34, %mul3A_25, %dma_wait3A] : memref<2x4x2688x128xf32, #tpu.memory_space<hbm>> -> memref<1x1x168x128xf32, #tpu.memory_space<hbm>>
      %dma_wait3A_55 = tpu.memref_squeeze %dma_wait3A_54 : memref<1x1x168x128xf32, #tpu.memory_space<hbm>> -> memref<168x128xf32, #tpu.memory_space<hbm>>
      %dma_wait3A_56 = arith.constant 0 : i32
      %dma_wait3A_57 = tpu.memref_slice %arg6[%arg0, %run_scoped3A_34, %mul3A_25, %dma_wait3A_56] : memref<2x4x2688x128xf32, #tpu.memory_space<hbm>> -> memref<1x1x168x128xf32, #tpu.memory_space<hbm>>
      %dma_wait3A_58 = tpu.memref_squeeze %dma_wait3A_57 : memref<1x1x168x128xf32, #tpu.memory_space<hbm>> -> memref<168x128xf32, #tpu.memory_space<hbm>>
      tpu.wait_dma2 semaphore(%run_scoped3A_48 : memref<!tpu.dma_semaphore, #tpu.memory_space<semaphore_mem>>) src(%arg11 : memref<168x128xf32, #tpu.memory_space<vmem>>) dst(%dma_wait3A_58 : memref<168x128xf32, #tpu.memory_space<hbm>>)
      tpu.yield
    }) : () -> ()
    %barrier3A_35 = arith.constant 0 : index
    tpu.barrier barrier_id(%barrier3A_35)
    %mul3A_36 = arith.constant 168 : i32
    %mul3A_37 = arith.muli %arg1, %mul3A_36 : i32
    "tpu.region"() ({
      %run_scoped3A_48 = tpu.sem_alloc : memref<!tpu.dma_semaphore, #tpu.memory_space<semaphore_mem>>
      %dma_start3A = arith.constant 0 : i32
      %dma_start3A_49 = tpu.memref_slice %arg5[%mul3A_37, %dma_start3A] : memref<5248x128xf32, #tpu.memory_space<hbm>> -> memref<168x128xf32, #tpu.memory_space<hbm>>
      %dma_start3A_50 = arith.constant 0 : i32
      %dma_start3A_51 = tpu.memref_slice %arg5[%mul3A_37, %dma_start3A_50] : memref<5248x128xf32, #tpu.memory_space<hbm>> -> memref<168x128xf32, #tpu.memory_space<hbm>>
      tpu.enqueue_dma source(%dma_start3A_51 : memref<168x128xf32, #tpu.memory_space<hbm>>) target(%arg11 : memref<168x128xf32, #tpu.memory_space<vmem>>) target_semaphore(%run_scoped3A_48 : memref<!tpu.dma_semaphore, #tpu.memory_space<semaphore_mem>>)
      %dma_wait3A = arith.constant 0 : i32
      %dma_wait3A_52 = tpu.memref_slice %arg5[%mul3A_37, %dma_wait3A] : memref<5248x128xf32, #tpu.memory_space<hbm>> -> memref<168x128xf32, #tpu.memory_space<hbm>>
      %dma_wait3A_53 = arith.constant 0 : i32
      %dma_wait3A_54 = tpu.memref_slice %arg5[%mul3A_37, %dma_wait3A_53] : memref<5248x128xf32, #tpu.memory_space<hbm>> -> memref<168x128xf32, #tpu.memory_space<hbm>>
      tpu.wait_dma2 semaphore(%run_scoped3A_48 : memref<!tpu.dma_semaphore, #tpu.memory_space<semaphore_mem>>) src(%dma_wait3A_54 : memref<168x128xf32, #tpu.memory_space<hbm>>) dst(%arg11 : memref<168x128xf32, #tpu.memory_space<vmem>>)
      tpu.yield
    }) : () -> ()
    "tpu.region"() ({
      %run_scoped3A_48 = tpu.sem_alloc : memref<!tpu.dma_semaphore, #tpu.memory_space<semaphore_mem>>
      %dma_start3A = arith.constant 0 : i32
      %dma_start3A_49 = tpu.memref_slice %arg7[%mul3A_37, %dma_start3A] : memref<2688x128xf32, #tpu.memory_space<vmem_shared>> -> memref<168x128xf32, #tpu.memory_space<vmem_shared>>
      %dma_start3A_50 = arith.constant 0 : i32
      %dma_start3A_51 = tpu.memref_slice %arg7[%mul3A_37, %dma_start3A_50] : memref<2688x128xf32, #tpu.memory_space<vmem_shared>> -> memref<168x128xf32, #tpu.memory_space<vmem_shared>>
      tpu.enqueue_dma source(%arg11 : memref<168x128xf32, #tpu.memory_space<vmem>>) target(%dma_start3A_51 : memref<168x128xf32, #tpu.memory_space<vmem_shared>>) target_semaphore(%run_scoped3A_48 : memref<!tpu.dma_semaphore, #tpu.memory_space<semaphore_mem>>)
      %dma_wait3A = arith.constant 0 : i32
      %dma_wait3A_52 = tpu.memref_slice %arg7[%mul3A_37, %dma_wait3A] : memref<2688x128xf32, #tpu.memory_space<vmem_shared>> -> memref<168x128xf32, #tpu.memory_space<vmem_shared>>
      %dma_wait3A_53 = arith.constant 0 : i32
      %dma_wait3A_54 = tpu.memref_slice %arg7[%mul3A_37, %dma_wait3A_53] : memref<2688x128xf32, #tpu.memory_space<vmem_shared>> -> memref<168x128xf32, #tpu.memory_space<vmem_shared>>
      tpu.wait_dma2 semaphore(%run_scoped3A_48 : memref<!tpu.dma_semaphore, #tpu.memory_space<semaphore_mem>>) src(%arg11 : memref<168x128xf32, #tpu.memory_space<vmem>>) dst(%dma_wait3A_54 : memref<168x128xf32, #tpu.memory_space<vmem_shared>>)
      tpu.yield
    }) : () -> ()
    %barrier3A_38 = arith.constant 0 : index
    tpu.barrier barrier_id(%barrier3A_38)
    %scan3A_39 = arith.constant 0 : i32
    %scan3A_40 = arith.constant 0 : i32
    %scan3A_41 = arith.constant 80 : i32
    %scan3A_42 = arith.addi %scan3A_40, %scan3A_41 : i32
    %scan3A_43 = arith.constant 1 : i32
    scf.for %scan3A_48 = %scan3A_40 to %scan3A_42 step %scan3A_43  : i32 {
      %add3A_49 = arith.addi %mul3A_2, %scan3A_48 : i32
      %run_scoped3A_50 = arith.constant 3 : i32
      "tpu.region"() ({
        %run_scoped3A_61 = tpu.sem_alloc : memref<!tpu.dma_semaphore, #tpu.memory_space<semaphore_mem>>
        %dma_start3A_62 = arith.constant 0 : i32
        %dma_start3A_63 = tpu.memref_slice %arg4[%run_scoped3A_50, %add3A_49, %dma_start3A_62] : memref<4x2560x128xi32, #tpu.memory_space<hbm>> -> memref<1x1x128xi32, #tpu.memory_space<hbm>>
        %dma_start3A_64 = tpu.memref_squeeze %dma_start3A_63 : memref<1x1x128xi32, #tpu.memory_space<hbm>> -> memref<128xi32, #tpu.memory_space<hbm>>
        %dma_start3A_65 = arith.constant 0 : i32
        %dma_start3A_66 = tpu.memref_slice %arg4[%run_scoped3A_50, %add3A_49, %dma_start3A_65] : memref<4x2560x128xi32, #tpu.memory_space<hbm>> -> memref<1x1x128xi32, #tpu.memory_space<hbm>>
        %dma_start3A_67 = tpu.memref_squeeze %dma_start3A_66 : memref<1x1x128xi32, #tpu.memory_space<hbm>> -> memref<128xi32, #tpu.memory_space<hbm>>
        tpu.enqueue_dma source(%dma_start3A_67 : memref<128xi32, #tpu.memory_space<hbm>>) target(%arg9 : memref<128xi32, #tpu.memory_space<vmem>>) target_semaphore(%run_scoped3A_61 : memref<!tpu.dma_semaphore, #tpu.memory_space<semaphore_mem>>)
        %dma_wait3A_68 = arith.constant 0 : i32
        %dma_wait3A_69 = tpu.memref_slice %arg4[%run_scoped3A_50, %add3A_49, %dma_wait3A_68] : memref<4x2560x128xi32, #tpu.memory_space<hbm>> -> memref<1x1x128xi32, #tpu.memory_space<hbm>>
        %dma_wait3A_70 = tpu.memref_squeeze %dma_wait3A_69 : memref<1x1x128xi32, #tpu.memory_space<hbm>> -> memref<128xi32, #tpu.memory_space<hbm>>
        %dma_wait3A_71 = arith.constant 0 : i32
        %dma_wait3A_72 = tpu.memref_slice %arg4[%run_scoped3A_50, %add3A_49, %dma_wait3A_71] : memref<4x2560x128xi32, #tpu.memory_space<hbm>> -> memref<1x1x128xi32, #tpu.memory_space<hbm>>
        %dma_wait3A_73 = tpu.memref_squeeze %dma_wait3A_72 : memref<1x1x128xi32, #tpu.memory_space<hbm>> -> memref<128xi32, #tpu.memory_space<hbm>>
        tpu.wait_dma2 semaphore(%run_scoped3A_61 : memref<!tpu.dma_semaphore, #tpu.memory_space<semaphore_mem>>) src(%dma_wait3A_73 : memref<128xi32, #tpu.memory_space<hbm>>) dst(%arg9 : memref<128xi32, #tpu.memory_space<vmem>>)
        tpu.yield
      }) : () -> ()
      %dma_start3A = arith.constant 0 : i32
      %dma_start3A_51 = tpu.memref_slice %arg8[%scan3A_48, %dma_start3A] : memref<88x128xi32, #tpu.memory_space<vmem>> -> memref<1x128xi32, #tpu.memory_space<vmem>>
      %dma_start3A_52 = tpu.memref_squeeze %dma_start3A_51 : memref<1x128xi32, #tpu.memory_space<vmem>> -> memref<128xi32, #tpu.memory_space<vmem>>
      %dma_start3A_53 = arith.constant 0 : i32
      %dma_start3A_54 = arith.constant 0 : i32
      %dma_start3A_55 = tpu.memref_slice %arg2[%dma_start3A_53, %dma_start3A_54] : memref<10240x128xf32, #tpu.memory_space<hbm>> -> memref<10240x128xf32, #tpu.memory_space<hbm>>
      tpu.enqueue_indirect_dma source(%dma_start3A_55 : memref<10240x128xf32, #tpu.memory_space<hbm>>) target(%arg10 : memref<128x128xf32, #tpu.memory_space<vmem>>) offsets(%dma_start3A_52 : memref<128xi32, #tpu.memory_space<vmem>>) semaphore(%arg12 : memref<!tpu.dma_semaphore, #tpu.memory_space<semaphore_mem>>)
      %dma_wait3A = arith.constant 0 : i32
      %dma_wait3A_56 = tpu.memref_slice %arg8[%scan3A_48, %dma_wait3A] : memref<88x128xi32, #tpu.memory_space<vmem>> -> memref<1x128xi32, #tpu.memory_space<vmem>>
      %dma_wait3A_57 = tpu.memref_squeeze %dma_wait3A_56 : memref<1x128xi32, #tpu.memory_space<vmem>> -> memref<128xi32, #tpu.memory_space<vmem>>
      %dma_wait3A_58 = arith.constant 0 : i32
      %dma_wait3A_59 = arith.constant 0 : i32
      %dma_wait3A_60 = tpu.memref_slice %arg2[%dma_wait3A_58, %dma_wait3A_59] : memref<10240x128xf32, #tpu.memory_space<hbm>> -> memref<10240x128xf32, #tpu.memory_space<hbm>>
      tpu.wait_indirect_dma semaphore(%arg12 : memref<!tpu.dma_semaphore, #tpu.memory_space<semaphore_mem>>) src(%dma_wait3A_60 : memref<10240x128xf32, #tpu.memory_space<hbm>>) dst(%arg10 : memref<128x128xf32, #tpu.memory_space<vmem>>)
      "tpu.region"() ({
        %run_scoped3A_61 = tpu.sem_alloc : memref<!tpu.dma_semaphore, #tpu.memory_space<semaphore_mem>>
        %dma_start3A_62 = arith.constant 0 : i32
        %dma_start3A_63 = arith.constant 0 : i32
        %dma_start3A_64 = tpu.memref_slice %arg7[%dma_start3A_62, %dma_start3A_63] : memref<2688x128xf32, #tpu.memory_space<vmem_shared>> -> memref<2688x128xf32, #tpu.memory_space<vmem_shared>>
        tpu.enqueue_indirect_dma source(%arg10 : memref<128x128xf32, #tpu.memory_space<vmem>>) target(%dma_start3A_64 : memref<2688x128xf32, #tpu.memory_space<vmem_shared>>) offsets(%arg9 : memref<128xi32, #tpu.memory_space<vmem>>) semaphore(%run_scoped3A_61 : memref<!tpu.dma_semaphore, #tpu.memory_space<semaphore_mem>>) {add = true}
        %dma_wait3A_65 = arith.constant 0 : i32
        %dma_wait3A_66 = arith.constant 0 : i32
        %dma_wait3A_67 = tpu.memref_slice %arg7[%dma_wait3A_65, %dma_wait3A_66] : memref<2688x128xf32, #tpu.memory_space<vmem_shared>> -> memref<2688x128xf32, #tpu.memory_space<vmem_shared>>
        tpu.wait_indirect_dma semaphore(%run_scoped3A_61 : memref<!tpu.dma_semaphore, #tpu.memory_space<semaphore_mem>>) src(%arg10 : memref<128x128xf32, #tpu.memory_space<vmem>>) dst(%dma_wait3A_67 : memref<2688x128xf32, #tpu.memory_space<vmem_shared>>)
        tpu.yield
      }) : () -> ()
    }
    %scan3A_44 = arith.constant 80 : i32
    %barrier3A_45 = arith.constant 0 : index
    tpu.barrier barrier_id(%barrier3A_45)
    "tpu.region"() ({
      %run_scoped3A_48 = tpu.sem_alloc : memref<!tpu.dma_semaphore, #tpu.memory_space<semaphore_mem>>
      %dma_start3A = arith.constant 0 : i32
      %dma_start3A_49 = tpu.memref_slice %arg7[%mul3A_37, %dma_start3A] : memref<2688x128xf32, #tpu.memory_space<vmem_shared>> -> memref<168x128xf32, #tpu.memory_space<vmem_shared>>
      %dma_start3A_50 = arith.constant 0 : i32
      %dma_start3A_51 = tpu.memref_slice %arg7[%mul3A_37, %dma_start3A_50] : memref<2688x128xf32, #tpu.memory_space<vmem_shared>> -> memref<168x128xf32, #tpu.memory_space<vmem_shared>>
      tpu.enqueue_dma source(%dma_start3A_51 : memref<168x128xf32, #tpu.memory_space<vmem_shared>>) target(%arg11 : memref<168x128xf32, #tpu.memory_space<vmem>>) target_semaphore(%run_scoped3A_48 : memref<!tpu.dma_semaphore, #tpu.memory_space<semaphore_mem>>)
      %dma_wait3A = arith.constant 0 : i32
      %dma_wait3A_52 = tpu.memref_slice %arg7[%mul3A_37, %dma_wait3A] : memref<2688x128xf32, #tpu.memory_space<vmem_shared>> -> memref<168x128xf32, #tpu.memory_space<vmem_shared>>
      %dma_wait3A_53 = arith.constant 0 : i32
      %dma_wait3A_54 = tpu.memref_slice %arg7[%mul3A_37, %dma_wait3A_53] : memref<2688x128xf32, #tpu.memory_space<vmem_shared>> -> memref<168x128xf32, #tpu.memory_space<vmem_shared>>
      tpu.wait_dma2 semaphore(%run_scoped3A_48 : memref<!tpu.dma_semaphore, #tpu.memory_space<semaphore_mem>>) src(%dma_wait3A_54 : memref<168x128xf32, #tpu.memory_space<vmem_shared>>) dst(%arg11 : memref<168x128xf32, #tpu.memory_space<vmem>>)
      tpu.yield
    }) : () -> ()
    %run_scoped3A_46 = arith.constant 3 : i32
    "tpu.region"() ({
      %run_scoped3A_48 = tpu.sem_alloc : memref<!tpu.dma_semaphore, #tpu.memory_space<semaphore_mem>>
      %dma_start3A = arith.constant 0 : i32
      %dma_start3A_49 = tpu.memref_slice %arg6[%arg0, %run_scoped3A_46, %mul3A_37, %dma_start3A] : memref<2x4x2688x128xf32, #tpu.memory_space<hbm>> -> memref<1x1x168x128xf32, #tpu.memory_space<hbm>>
      %dma_start3A_50 = tpu.memref_squeeze %dma_start3A_49 : memref<1x1x168x128xf32, #tpu.memory_space<hbm>> -> memref<168x128xf32, #tpu.memory_space<hbm>>
      %dma_start3A_51 = arith.constant 0 : i32
      %dma_start3A_52 = tpu.memref_slice %arg6[%arg0, %run_scoped3A_46, %mul3A_37, %dma_start3A_51] : memref<2x4x2688x128xf32, #tpu.memory_space<hbm>> -> memref<1x1x168x128xf32, #tpu.memory_space<hbm>>
      %dma_start3A_53 = tpu.memref_squeeze %dma_start3A_52 : memref<1x1x168x128xf32, #tpu.memory_space<hbm>> -> memref<168x128xf32, #tpu.memory_space<hbm>>
      tpu.enqueue_dma source(%arg11 : memref<168x128xf32, #tpu.memory_space<vmem>>) target(%dma_start3A_53 : memref<168x128xf32, #tpu.memory_space<hbm>>) target_semaphore(%run_scoped3A_48 : memref<!tpu.dma_semaphore, #tpu.memory_space<semaphore_mem>>)
      %dma_wait3A = arith.constant 0 : i32
      %dma_wait3A_54 = tpu.memref_slice %arg6[%arg0, %run_scoped3A_46, %mul3A_37, %dma_wait3A] : memref<2x4x2688x128xf32, #tpu.memory_space<hbm>> -> memref<1x1x168x128xf32, #tpu.memory_space<hbm>>
      %dma_wait3A_55 = tpu.memref_squeeze %dma_wait3A_54 : memref<1x1x168x128xf32, #tpu.memory_space<hbm>> -> memref<168x128xf32, #tpu.memory_space<hbm>>
      %dma_wait3A_56 = arith.constant 0 : i32
      %dma_wait3A_57 = tpu.memref_slice %arg6[%arg0, %run_scoped3A_46, %mul3A_37, %dma_wait3A_56] : memref<2x4x2688x128xf32, #tpu.memory_space<hbm>> -> memref<1x1x168x128xf32, #tpu.memory_space<hbm>>
      %dma_wait3A_58 = tpu.memref_squeeze %dma_wait3A_57 : memref<1x1x168x128xf32, #tpu.memory_space<hbm>> -> memref<168x128xf32, #tpu.memory_space<hbm>>
      tpu.wait_dma2 semaphore(%run_scoped3A_48 : memref<!tpu.dma_semaphore, #tpu.memory_space<semaphore_mem>>) src(%arg11 : memref<168x128xf32, #tpu.memory_space<vmem>>) dst(%dma_wait3A_58 : memref<168x128xf32, #tpu.memory_space<hbm>>)
      tpu.yield
    }) : () -> ()
    %barrier3A_47 = arith.constant 0 : index
    tpu.barrier barrier_id(%barrier3A_47)
    return
  }
}

module attributes {stable_mosaic.version = 14 : i64} {
  func.func @_tc1_body(%arg0: i32, %arg1: i32, %arg2: memref<2x1x256x128xf32, #tpu.memory_space<vmem>>, %arg3: memref<256x1xf32, #tpu.memory_space<vmem>>, %arg4: memref<256x128xf32, #tpu.memory_space<vmem>>, %arg5: memref<128x128xf32, #tpu.memory_space<vmem>>, %arg6: memref<128xf32, #tpu.memory_space<vmem>>, %arg7: memref<128x128xf32, #tpu.memory_space<vmem>>, %arg8: memref<1x256x128xf32, #tpu.memory_space<vmem>>) attributes {dimension_semantics = [#tpu.dimension_semantics<arbitrary>, #tpu.dimension_semantics<arbitrary>], iteration_bounds = array<i64: 40, 2>, scalar_prefetch = 0 : i64, scratch_operands = 0 : i64, tpu.core_type = #tpu.core_type<tc>, window_params = [{transform_indices = @transform_0, window_bounds = array<i64: 2, 1, 256, 128>}, {transform_indices = @transform_1, window_bounds = array<i64: 256, 1>}, {transform_indices = @transform_2, window_bounds = array<i64: 256, 128>}, {transform_indices = @transform_3, window_bounds = array<i64: 128, 128>}, {transform_indices = @transform_4, window_bounds = array<i64: 128>}, {transform_indices = @transform_5, window_bounds = array<i64: 128, 128>}, {transform_indices = @transform_6, window_bounds = array<i64: 1, 256, 128>}]} {
    %get3A = arith.constant 0 : index
    %get3A_0 = arith.constant 0 : index
    %get3A_1 = arith.constant 0 : index
    %get3A_2 = arith.constant 0 : index
    %get3A_3 = vector.load %arg2[%get3A, %get3A_0, %get3A_1, %get3A_2] : memref<2x1x256x128xf32, #tpu.memory_space<vmem>>, vector<1x1x256x128xf32>
    %get3A_4 = vector.shape_cast %get3A_3 : vector<1x1x256x128xf32> to vector<256x128xf32>
    %get3A_5 = arith.constant 1 : index
    %get3A_6 = arith.constant 0 : index
    %get3A_7 = arith.constant 0 : index
    %get3A_8 = arith.constant 0 : index
    %get3A_9 = vector.load %arg2[%get3A_5, %get3A_6, %get3A_7, %get3A_8] : memref<2x1x256x128xf32, #tpu.memory_space<vmem>>, vector<1x1x256x128xf32>
    %get3A_10 = vector.shape_cast %get3A_9 : vector<1x1x256x128xf32> to vector<256x128xf32>
    %add3A = arith.addf %get3A_4, %get3A_10 : vector<256x128xf32>
    %get3A_11 = arith.constant 0 : index
    %get3A_12 = arith.constant 0 : index
    %get3A_13 = vector.load %arg3[%get3A_11, %get3A_12] : memref<256x1xf32, #tpu.memory_space<vmem>>, vector<256x1xf32>
    %max3A = arith.constant 1.000000e+00 : f32
    %max3A_14 = vector.broadcast %max3A : f32 to vector<256x1xf32>
    %max3A_15 = arith.maximumf %get3A_13, %max3A_14 : vector<256x1xf32>
    %div3A = arith.constant 1.000000e+00 : f32
    %div3A_16 = vector.broadcast %div3A : f32 to vector<256x1xf32>
    %div3A_17 = arith.divf %div3A_16, %max3A_15 : vector<256x1xf32>
    %mul3A = vector.broadcast %div3A_17 : vector<256x1xf32> to vector<256x128xf32>
    %mul3A_18 = arith.mulf %add3A, %mul3A : vector<256x128xf32>
    %get3A_19 = arith.constant 0 : index
    %get3A_20 = arith.constant 0 : index
    %get3A_21 = vector.load %arg5[%get3A_19, %get3A_20] : memref<128x128xf32, #tpu.memory_space<vmem>>, vector<128x128xf32>
    %dot_general3A = arith.constant dense<0.000000e+00> : vector<256x128xf32>
    %dot_general3A_22 = tpu.matmul %mul3A_18, %get3A_21, %dot_general3A {dimension_numbers = #tpu.dot_dimension_numbers<[1], [0], [0], [1], [0, 0, 1, 1], [], []>, precision = #tpu.contract_precision<fp32>, transpose_lhs_hint = false} : vector<256x128xf32>, vector<128x128xf32>, vector<256x128xf32> -> vector<256x128xf32>
    %get3A_23 = arith.constant 0 : index
    %get3A_24 = vector.load %arg6[%get3A_23] : memref<128xf32, #tpu.memory_space<vmem>>, vector<128xf32>
    %broadcast_in_dim3A = vector.shape_cast %get3A_24 : vector<128xf32> to vector<1x128xf32>
    %add3A_25 = vector.broadcast %broadcast_in_dim3A : vector<1x128xf32> to vector<256x128xf32>
    %add3A_26 = arith.addf %dot_general3A_22, %add3A_25 : vector<256x128xf32>
    %get3A_27 = arith.constant 0 : index
    %get3A_28 = arith.constant 0 : index
    %get3A_29 = vector.load %arg4[%get3A_27, %get3A_28] : memref<256x128xf32, #tpu.memory_space<vmem>>, vector<256x128xf32>
    %get3A_30 = arith.constant 0 : index
    %get3A_31 = arith.constant 0 : index
    %get3A_32 = vector.load %arg7[%get3A_30, %get3A_31] : memref<128x128xf32, #tpu.memory_space<vmem>>, vector<128x128xf32>
    %dot_general3A_33 = arith.constant dense<0.000000e+00> : vector<256x128xf32>
    %dot_general3A_34 = tpu.matmul %get3A_29, %get3A_32, %dot_general3A_33 {dimension_numbers = #tpu.dot_dimension_numbers<[1], [0], [0], [1], [0, 0, 1, 1], [], []>, precision = #tpu.contract_precision<fp32>, transpose_lhs_hint = false} : vector<256x128xf32>, vector<128x128xf32>, vector<256x128xf32> -> vector<256x128xf32>
    %add3A_35 = arith.addf %add3A_26, %dot_general3A_34 : vector<256x128xf32>
    %max3A_36 = arith.constant 0.000000e+00 : f32
    %max3A_37 = vector.broadcast %max3A_36 : f32 to vector<256x128xf32>
    %max3A_38 = arith.maximumf %add3A_35, %max3A_37 : vector<256x128xf32>
    %swap3A = arith.constant 0 : index
    %swap3A_39 = arith.constant 0 : index
    %swap3A_40 = arith.constant 0 : index
    %swap3A_41 = vector.load %arg8[%swap3A, %swap3A_39, %swap3A_40] : memref<1x256x128xf32, #tpu.memory_space<vmem>>, vector<1x256x128xf32>
    %swap3A_42 = vector.shape_cast %swap3A_41 : vector<1x256x128xf32> to vector<256x128xf32>
    %swap3A_43 = vector.shape_cast %max3A_38 : vector<256x128xf32> to vector<1x256x128xf32>
    tpu.vector_store %arg8[%swap3A, %swap3A_39, %swap3A_40], %swap3A_43 {strides = array<i32>} : memref<1x256x128xf32, #tpu.memory_space<vmem>>, vector<1x256x128xf32>,
    return
  }
  func.func @transform_0(%arg0: i32, %arg1: i32) -> (i32, i32, i32, i32) {
    %jit3A = arith.constant 10 : i32
    %div3A = arith.divsi %arg0, %jit3A : i32
    %sign3A = arith.constant 0 : i32
    %sign3A_0 = arith.cmpi sgt, %arg0, %sign3A : i32
    %sign3A_1 = arith.extui %sign3A_0 : i1 to i32
    %sign3A_2 = arith.constant 0 : i32
    %sign3A_3 = arith.cmpi slt, %arg0, %sign3A_2 : i32
    %sign3A_4 = arith.extui %sign3A_3 : i1 to i32
    %sign3A_5 = arith.subi %sign3A_1, %sign3A_4 : i32
    %sign3A_6 = arith.constant 0 : i32
    %sign3A_7 = arith.cmpi sgt, %jit3A, %sign3A_6 : i32
    %sign3A_8 = arith.extui %sign3A_7 : i1 to i32
    %sign3A_9 = arith.constant 0 : i32
    %sign3A_10 = arith.cmpi slt, %jit3A, %sign3A_9 : i32
    %sign3A_11 = arith.extui %sign3A_10 : i1 to i32
    %sign3A_12 = arith.subi %sign3A_8, %sign3A_11 : i32
    %ne3A = arith.cmpi ne, %sign3A_5, %sign3A_12 : i32
    %rem3A = arith.remsi %arg0, %jit3A : i32
    %ne3A_13 = arith.constant 0 : i32
    %ne3A_14 = arith.cmpi ne, %rem3A, %ne3A_13 : i32
    %and3A = arith.andi %ne3A, %ne3A_14 : i1
    %sub3A = arith.constant 1 : i32
    %sub3A_15 = arith.subi %div3A, %sub3A : i32
    %select_n3A = arith.select %and3A, %sub3A_15, %div3A : i32
    %jit3A_16 = arith.constant 10 : i32
    %eq3A = arith.constant 0 : i32
    %eq3A_17 = arith.cmpi eq, %jit3A_16, %eq3A : i32
    %jit3A_18 = arith.constant 1 : i32
    %select_n3A_19 = arith.select %eq3A_17, %jit3A_18, %jit3A_16 : i32
    %rem3A_20 = arith.remsi %arg0, %select_n3A_19 : i32
    %ne3A_21 = arith.constant 0 : i32
    %ne3A_22 = arith.cmpi ne, %rem3A_20, %ne3A_21 : i32
    %lt3A = arith.constant 0 : i32
    %lt3A_23 = arith.cmpi slt, %rem3A_20, %lt3A : i32
    %lt3A_24 = arith.constant 0 : i32
    %lt3A_25 = arith.cmpi slt, %select_n3A_19, %lt3A_24 : i32
    %ne3A_26 = arith.xori %lt3A_23, %lt3A_25 : i1
    %and3A_27 = arith.andi %ne3A_26, %ne3A_22 : i1
    %add3A = arith.addi %rem3A_20, %select_n3A_19 : i32
    %select_n3A_28 = arith.select %and3A_27, %add3A, %rem3A_20 : i32
    %c0_i32 = arith.constant 0 : i32
    %c0_i32_29 = arith.constant 0 : i32
    %c0_i32_30 = arith.constant 0 : i32
    return %c0_i32, %select_n3A, %select_n3A_28, %c0_i32_29 : i32, i32, i32, i32
  }
  func.func @transform_1(%arg0: i32, %arg1: i32) -> (i32, i32) {
    %c0_i32 = arith.constant 0 : i32
    %c0_i32_0 = arith.constant 0 : i32
    return %arg0, %c0_i32 : i32, i32
  }
  func.func @transform_2(%arg0: i32, %arg1: i32) -> (i32, i32) {
    %c0_i32 = arith.constant 0 : i32
    %c0_i32_0 = arith.constant 0 : i32
    return %arg0, %c0_i32 : i32, i32
  }
  func.func @transform_3(%arg0: i32, %arg1: i32) -> (i32, i32) {
    %c0_i32 = arith.constant 0 : i32
    %c0_i32_0 = arith.constant 0 : i32
    return %c0_i32, %arg1 : i32, i32
  }
  func.func @transform_4(%arg0: i32, %arg1: i32) -> i32 {
    %c0_i32 = arith.constant 0 : i32
    return %arg1 : i32
  }
  func.func @transform_5(%arg0: i32, %arg1: i32) -> (i32, i32) {
    %c0_i32 = arith.constant 0 : i32
    %c0_i32_0 = arith.constant 0 : i32
    return %c0_i32, %arg1 : i32, i32
  }
  func.func @transform_6(%arg0: i32, %arg1: i32) -> (i32, i32, i32) {
    %c0_i32 = arith.constant 0 : i32
    %c0_i32_0 = arith.constant 0 : i32
    return %arg1, %arg0, %c0_i32 : i32, i32, i32
  }
}

module attributes {stable_mosaic.version = 14 : i64} {
  func.func @_tc2_body(%arg0: i32, %arg1: memref<2x1x256x128xf32, #tpu.memory_space<vmem>>, %arg2: memref<256x1xf32, #tpu.memory_space<vmem>>, %arg3: memref<2x256x128xf32, #tpu.memory_space<vmem>>, %arg4: memref<256x256xf32, #tpu.memory_space<vmem>>, %arg5: memref<256xf32, #tpu.memory_space<vmem>>, %arg6: memref<256x256xf32, #tpu.memory_space<vmem>>, %arg7: memref<256x128xf32, #tpu.memory_space<vmem>>, %arg8: memref<256x256xf32, #tpu.memory_space<vmem>>, %arg9: memref<256x128xf32, #tpu.memory_space<vmem>>) attributes {dimension_semantics = [#tpu.dimension_semantics<arbitrary>], iteration_bounds = array<i64: 40>, scalar_prefetch = 0 : i64, scratch_operands = 0 : i64, tpu.core_type = #tpu.core_type<tc>, window_params = [{transform_indices = @transform_0, window_bounds = array<i64: 2, 1, 256, 128>}, {transform_indices = @transform_1, window_bounds = array<i64: 256, 1>}, {transform_indices = @transform_2, window_bounds = array<i64: 2, 256, 128>}, {pipeline_mode = #tpu.pipeline_mode<synchronous>, transform_indices = @transform_3, window_bounds = array<i64: 256, 256>}, {pipeline_mode = #tpu.pipeline_mode<synchronous>, transform_indices = @transform_4, window_bounds = array<i64: 256>}, {pipeline_mode = #tpu.pipeline_mode<synchronous>, transform_indices = @transform_5, window_bounds = array<i64: 256, 256>}, {pipeline_mode = #tpu.pipeline_mode<synchronous>, transform_indices = @transform_6, window_bounds = array<i64: 256, 128>}, {transform_indices = @transform_7, window_bounds = array<i64: 256, 256>}, {transform_indices = @transform_8, window_bounds = array<i64: 256, 128>}]} {
    %get3A = arith.constant 0 : index
    %get3A_0 = arith.constant 0 : index
    %get3A_1 = arith.constant 0 : index
    %get3A_2 = arith.constant 0 : index
    %get3A_3 = vector.load %arg1[%get3A, %get3A_0, %get3A_1, %get3A_2] : memref<2x1x256x128xf32, #tpu.memory_space<vmem>>, vector<1x1x256x128xf32>
    %get3A_4 = vector.shape_cast %get3A_3 : vector<1x1x256x128xf32> to vector<256x128xf32>
    %get3A_5 = arith.constant 1 : index
    %get3A_6 = arith.constant 0 : index
    %get3A_7 = arith.constant 0 : index
    %get3A_8 = arith.constant 0 : index
    %get3A_9 = vector.load %arg1[%get3A_5, %get3A_6, %get3A_7, %get3A_8] : memref<2x1x256x128xf32, #tpu.memory_space<vmem>>, vector<1x1x256x128xf32>
    %get3A_10 = vector.shape_cast %get3A_9 : vector<1x1x256x128xf32> to vector<256x128xf32>
    %concatenate3A = tpu.concatenate %get3A_4, %get3A_10 in 1 : vector<256x128xf32>, vector<256x128xf32> -> vector<256x256xf32>
    %get3A_11 = arith.constant 0 : index
    %get3A_12 = arith.constant 0 : index
    %get3A_13 = vector.load %arg2[%get3A_11, %get3A_12] : memref<256x1xf32, #tpu.memory_space<vmem>>, vector<256x1xf32>
    %max3A = arith.constant 1.000000e+00 : f32
    %max3A_14 = vector.broadcast %max3A : f32 to vector<256x1xf32>
    %max3A_15 = arith.maximumf %get3A_13, %max3A_14 : vector<256x1xf32>
    %div3A = arith.constant 1.000000e+00 : f32
    %div3A_16 = vector.broadcast %div3A : f32 to vector<256x1xf32>
    %div3A_17 = arith.divf %div3A_16, %max3A_15 : vector<256x1xf32>
    %mul3A = vector.broadcast %div3A_17 : vector<256x1xf32> to vector<256x256xf32>
    %mul3A_18 = arith.mulf %concatenate3A, %mul3A : vector<256x256xf32>
    %get3A_19 = arith.constant 0 : index
    %get3A_20 = arith.constant 0 : index
    %get3A_21 = arith.constant 0 : index
    %get3A_22 = vector.load %arg3[%get3A_19, %get3A_20, %get3A_21] : memref<2x256x128xf32, #tpu.memory_space<vmem>>, vector<1x256x128xf32>
    %get3A_23 = vector.shape_cast %get3A_22 : vector<1x256x128xf32> to vector<256x128xf32>
    %get3A_24 = arith.constant 1 : index
    %get3A_25 = arith.constant 0 : index
    %get3A_26 = arith.constant 0 : index
    %get3A_27 = vector.load %arg3[%get3A_24, %get3A_25, %get3A_26] : memref<2x256x128xf32, #tpu.memory_space<vmem>>, vector<1x256x128xf32>
    %get3A_28 = vector.shape_cast %get3A_27 : vector<1x256x128xf32> to vector<256x128xf32>
    %concatenate3A_29 = tpu.concatenate %get3A_23, %get3A_28 in 1 : vector<256x128xf32>, vector<256x128xf32> -> vector<256x256xf32>
    %get3A_30 = arith.constant 0 : index
    %get3A_31 = arith.constant 0 : index
    %get3A_32 = vector.load %arg4[%get3A_30, %get3A_31] : memref<256x256xf32, #tpu.memory_space<vmem>>, vector<256x256xf32>
    %dot_general3A = arith.constant dense<0.000000e+00> : vector<256x256xf32>
    %dot_general3A_33 = tpu.matmul %mul3A_18, %get3A_32, %dot_general3A {dimension_numbers = #tpu.dot_dimension_numbers<[1], [0], [0], [1], [0, 0, 1, 1], [], []>, precision = #tpu.contract_precision<fp32>, transpose_lhs_hint = false} : vector<256x256xf32>, vector<256x256xf32>, vector<256x256xf32> -> vector<256x256xf32>
    %get3A_34 = arith.constant 0 : index
    %get3A_35 = vector.load %arg5[%get3A_34] : memref<256xf32, #tpu.memory_space<vmem>>, vector<256xf32>
    %broadcast_in_dim3A = vector.shape_cast %get3A_35 : vector<256xf32> to vector<1x256xf32>
    %add3A = vector.broadcast %broadcast_in_dim3A : vector<1x256xf32> to vector<256x256xf32>
    %add3A_36 = arith.addf %dot_general3A_33, %add3A : vector<256x256xf32>
    %get3A_37 = arith.constant 0 : index
    %get3A_38 = arith.constant 0 : index
    %get3A_39 = vector.load %arg6[%get3A_37, %get3A_38] : memref<256x256xf32, #tpu.memory_space<vmem>>, vector<256x256xf32>
    %dot_general3A_40 = arith.constant dense<0.000000e+00> : vector<256x256xf32>
    %dot_general3A_41 = tpu.matmul %concatenate3A_29, %get3A_39, %dot_general3A_40 {dimension_numbers = #tpu.dot_dimension_numbers<[1], [0], [0], [1], [0, 0, 1, 1], [], []>, precision = #tpu.contract_precision<fp32>, transpose_lhs_hint = false} : vector<256x256xf32>, vector<256x256xf32>, vector<256x256xf32> -> vector<256x256xf32>
    %add3A_42 = arith.addf %add3A_36, %dot_general3A_41 : vector<256x256xf32>
    %max3A_43 = arith.constant 0.000000e+00 : f32
    %max3A_44 = vector.broadcast %max3A_43 : f32 to vector<256x256xf32>
    %max3A_45 = arith.maximumf %add3A_42, %max3A_44 : vector<256x256xf32>
    %swap3A = arith.constant 0 : index
    %swap3A_46 = arith.constant 0 : index
    %swap3A_47 = vector.load %arg8[%swap3A, %swap3A_46] : memref<256x256xf32, #tpu.memory_space<vmem>>, vector<256x256xf32>
    tpu.vector_store %arg8[%swap3A, %swap3A_46], %max3A_45 {strides = array<i32>} : memref<256x256xf32, #tpu.memory_space<vmem>>, vector<256x256xf32>,
    %get3A_48 = arith.constant 0 : index
    %get3A_49 = arith.constant 0 : index
    %get3A_50 = vector.load %arg7[%get3A_48, %get3A_49] : memref<256x128xf32, #tpu.memory_space<vmem>>, vector<256x128xf32>
    %dot_general3A_51 = arith.constant dense<0.000000e+00> : vector<256x128xf32>
    %dot_general3A_52 = tpu.matmul %max3A_45, %get3A_50, %dot_general3A_51 {dimension_numbers = #tpu.dot_dimension_numbers<[1], [0], [0], [1], [0, 0, 1, 1], [], []>, precision = #tpu.contract_precision<fp32>, transpose_lhs_hint = false} : vector<256x256xf32>, vector<256x128xf32>, vector<256x128xf32> -> vector<256x128xf32>
    %swap3A_53 = arith.constant 0 : index
    %swap3A_54 = arith.constant 0 : index
    %swap3A_55 = vector.load %arg9[%swap3A_53, %swap3A_54] : memref<256x128xf32, #tpu.memory_space<vmem>>, vector<256x128xf32>
    tpu.vector_store %arg9[%swap3A_53, %swap3A_54], %dot_general3A_52 {strides = array<i32>} : memref<256x128xf32, #tpu.memory_space<vmem>>, vector<256x128xf32>,
    return
  }
  func.func @transform_0(%arg0: i32) -> (i32, i32, i32, i32) {
    %jit3A = arith.constant 20 : i32
    %div3A = arith.divsi %arg0, %jit3A : i32
    %sign3A = arith.constant 0 : i32
    %sign3A_0 = arith.cmpi sgt, %arg0, %sign3A : i32
    %sign3A_1 = arith.extui %sign3A_0 : i1 to i32
    %sign3A_2 = arith.constant 0 : i32
    %sign3A_3 = arith.cmpi slt, %arg0, %sign3A_2 : i32
    %sign3A_4 = arith.extui %sign3A_3 : i1 to i32
    %sign3A_5 = arith.subi %sign3A_1, %sign3A_4 : i32
    %sign3A_6 = arith.constant 0 : i32
    %sign3A_7 = arith.cmpi sgt, %jit3A, %sign3A_6 : i32
    %sign3A_8 = arith.extui %sign3A_7 : i1 to i32
    %sign3A_9 = arith.constant 0 : i32
    %sign3A_10 = arith.cmpi slt, %jit3A, %sign3A_9 : i32
    %sign3A_11 = arith.extui %sign3A_10 : i1 to i32
    %sign3A_12 = arith.subi %sign3A_8, %sign3A_11 : i32
    %ne3A = arith.cmpi ne, %sign3A_5, %sign3A_12 : i32
    %rem3A = arith.remsi %arg0, %jit3A : i32
    %ne3A_13 = arith.constant 0 : i32
    %ne3A_14 = arith.cmpi ne, %rem3A, %ne3A_13 : i32
    %and3A = arith.andi %ne3A, %ne3A_14 : i1
    %sub3A = arith.constant 1 : i32
    %sub3A_15 = arith.subi %div3A, %sub3A : i32
    %select_n3A = arith.select %and3A, %sub3A_15, %div3A : i32
    %jit3A_16 = arith.constant 20 : i32
    %eq3A = arith.constant 0 : i32
    %eq3A_17 = arith.cmpi eq, %jit3A_16, %eq3A : i32
    %jit3A_18 = arith.constant 1 : i32
    %select_n3A_19 = arith.select %eq3A_17, %jit3A_18, %jit3A_16 : i32
    %rem3A_20 = arith.remsi %arg0, %select_n3A_19 : i32
    %ne3A_21 = arith.constant 0 : i32
    %ne3A_22 = arith.cmpi ne, %rem3A_20, %ne3A_21 : i32
    %lt3A = arith.constant 0 : i32
    %lt3A_23 = arith.cmpi slt, %rem3A_20, %lt3A : i32
    %lt3A_24 = arith.constant 0 : i32
    %lt3A_25 = arith.cmpi slt, %select_n3A_19, %lt3A_24 : i32
    %ne3A_26 = arith.xori %lt3A_23, %lt3A_25 : i1
    %and3A_27 = arith.andi %ne3A_26, %ne3A_22 : i1
    %add3A = arith.addi %rem3A_20, %select_n3A_19 : i32
    %select_n3A_28 = arith.select %and3A_27, %add3A, %rem3A_20 : i32
    %c0_i32 = arith.constant 0 : i32
    %c0_i32_29 = arith.constant 0 : i32
    %c0_i32_30 = arith.constant 0 : i32
    return %c0_i32, %select_n3A, %select_n3A_28, %c0_i32_29 : i32, i32, i32, i32
  }
  func.func @transform_1(%arg0: i32) -> (i32, i32) {
    %c0_i32 = arith.constant 0 : i32
    %c0_i32_0 = arith.constant 0 : i32
    return %arg0, %c0_i32 : i32, i32
  }
  func.func @transform_2(%arg0: i32) -> (i32, i32, i32) {
    %c0_i32 = arith.constant 0 : i32
    %c0_i32_0 = arith.constant 0 : i32
    %c0_i32_1 = arith.constant 0 : i32
    return %c0_i32, %arg0, %c0_i32_0 : i32, i32, i32
  }
  func.func @transform_3(%arg0: i32) -> (i32, i32) {
    %c0_i32 = arith.constant 0 : i32
    %c0_i32_0 = arith.constant 0 : i32
    %c0_i32_1 = arith.constant 0 : i32
    return %c0_i32, %c0_i32_0 : i32, i32
  }
  func.func @transform_4(%arg0: i32) -> i32 {
    %c0_i32 = arith.constant 0 : i32
    %c0_i32_0 = arith.constant 0 : i32
    return %c0_i32 : i32
  }
  func.func @transform_5(%arg0: i32) -> (i32, i32) {
    %c0_i32 = arith.constant 0 : i32
    %c0_i32_0 = arith.constant 0 : i32
    %c0_i32_1 = arith.constant 0 : i32
    return %c0_i32, %c0_i32_0 : i32, i32
  }
  func.func @transform_6(%arg0: i32) -> (i32, i32) {
    %c0_i32 = arith.constant 0 : i32
    %c0_i32_0 = arith.constant 0 : i32
    %c0_i32_1 = arith.constant 0 : i32
    return %c0_i32, %c0_i32_0 : i32, i32
  }
  func.func @transform_7(%arg0: i32) -> (i32, i32) {
    %c0_i32 = arith.constant 0 : i32
    %c0_i32_0 = arith.constant 0 : i32
    return %arg0, %c0_i32 : i32, i32
  }
  func.func @transform_8(%arg0: i32) -> (i32, i32) {
    %c0_i32 = arith.constant 0 : i32
    %c0_i32_0 = arith.constant 0 : i32
    return %arg0, %c0_i32 : i32, i32
  }
}

module attributes {stable_mosaic.version = 14 : i64} {
  func.func @_tc3_body(%arg0: i32, %arg1: memref<2x1x256x128xf32, #tpu.memory_space<vmem>>, %arg2: memref<256x1xf32, #tpu.memory_space<vmem>>, %arg3: memref<256x256xf32, #tpu.memory_space<vmem>>, %arg4: memref<256x128xf32, #tpu.memory_space<vmem>>, %arg5: memref<128xf32, #tpu.memory_space<vmem>>, %arg6: memref<256x47xf32, #tpu.memory_space<vmem>>) attributes {dimension_semantics = [#tpu.dimension_semantics<arbitrary>], iteration_bounds = array<i64: 40>, scalar_prefetch = 0 : i64, scratch_operands = 0 : i64, tpu.core_type = #tpu.core_type<tc>, window_params = [{transform_indices = @transform_0, window_bounds = array<i64: 2, 1, 256, 128>}, {transform_indices = @transform_1, window_bounds = array<i64: 256, 1>}, {transform_indices = @transform_2, window_bounds = array<i64: 256, 256>}, {pipeline_mode = #tpu.pipeline_mode<synchronous>, transform_indices = @transform_3, window_bounds = array<i64: 256, 128>}, {pipeline_mode = #tpu.pipeline_mode<synchronous>, transform_indices = @transform_4, window_bounds = array<i64: 128>}, {transform_indices = @transform_5, window_bounds = array<i64: 256, 47>}]} {
    %get3A = arith.constant 0 : index
    %get3A_0 = arith.constant 0 : index
    %get3A_1 = arith.constant 0 : index
    %get3A_2 = arith.constant 0 : index
    %get3A_3 = vector.load %arg1[%get3A, %get3A_0, %get3A_1, %get3A_2] : memref<2x1x256x128xf32, #tpu.memory_space<vmem>>, vector<1x1x256x128xf32>
    %get3A_4 = vector.shape_cast %get3A_3 : vector<1x1x256x128xf32> to vector<256x128xf32>
    %get3A_5 = arith.constant 1 : index
    %get3A_6 = arith.constant 0 : index
    %get3A_7 = arith.constant 0 : index
    %get3A_8 = arith.constant 0 : index
    %get3A_9 = vector.load %arg1[%get3A_5, %get3A_6, %get3A_7, %get3A_8] : memref<2x1x256x128xf32, #tpu.memory_space<vmem>>, vector<1x1x256x128xf32>
    %get3A_10 = vector.shape_cast %get3A_9 : vector<1x1x256x128xf32> to vector<256x128xf32>
    %add3A = arith.addf %get3A_4, %get3A_10 : vector<256x128xf32>
    %get3A_11 = arith.constant 0 : index
    %get3A_12 = arith.constant 0 : index
    %get3A_13 = vector.load %arg2[%get3A_11, %get3A_12] : memref<256x1xf32, #tpu.memory_space<vmem>>, vector<256x1xf32>
    %max3A = arith.constant 1.000000e+00 : f32
    %max3A_14 = vector.broadcast %max3A : f32 to vector<256x1xf32>
    %max3A_15 = arith.maximumf %get3A_13, %max3A_14 : vector<256x1xf32>
    %div3A = arith.constant 1.000000e+00 : f32
    %div3A_16 = vector.broadcast %div3A : f32 to vector<256x1xf32>
    %div3A_17 = arith.divf %div3A_16, %max3A_15 : vector<256x1xf32>
    %mul3A = vector.broadcast %div3A_17 : vector<256x1xf32> to vector<256x128xf32>
    %mul3A_18 = arith.mulf %add3A, %mul3A : vector<256x128xf32>
    %get3A_19 = arith.constant 0 : index
    %get3A_20 = vector.load %arg5[%get3A_19] : memref<128xf32, #tpu.memory_space<vmem>>, vector<128xf32>
    %broadcast_in_dim3A = vector.shape_cast %get3A_20 : vector<128xf32> to vector<1x128xf32>
    %add3A_21 = vector.broadcast %broadcast_in_dim3A : vector<1x128xf32> to vector<256x128xf32>
    %add3A_22 = arith.addf %mul3A_18, %add3A_21 : vector<256x128xf32>
    %get3A_23 = arith.constant 0 : index
    %get3A_24 = arith.constant 0 : index
    %get3A_25 = vector.load %arg3[%get3A_23, %get3A_24] : memref<256x256xf32, #tpu.memory_space<vmem>>, vector<256x256xf32>
    %get3A_26 = arith.constant 0 : index
    %get3A_27 = arith.constant 0 : index
    %get3A_28 = vector.load %arg4[%get3A_26, %get3A_27] : memref<256x128xf32, #tpu.memory_space<vmem>>, vector<256x128xf32>
    %dot_general3A = arith.constant dense<0.000000e+00> : vector<256x128xf32>
    %dot_general3A_29 = tpu.matmul %get3A_25, %get3A_28, %dot_general3A {dimension_numbers = #tpu.dot_dimension_numbers<[1], [0], [0], [1], [0, 0, 1, 1], [], []>, precision = #tpu.contract_precision<fp32>, transpose_lhs_hint = false} : vector<256x256xf32>, vector<256x128xf32>, vector<256x128xf32> -> vector<256x128xf32>
    %add3A_30 = arith.addf %add3A_22, %dot_general3A_29 : vector<256x128xf32>
    %iota3A = tpu.iota {dimensions = array<i32: 1>} : vector<256x128xi32>
    %lt3A = arith.constant 47 : i32
    %lt3A_31 = vector.broadcast %lt3A : i32 to vector<256x128xi32>
    %lt3A_32 = arith.cmpi slt, %iota3A, %lt3A_31 : vector<256x128xi32>
    %jit3A = arith.constant 0xFF800000 : f32
    %broadcast_in_dim3A_33 = vector.broadcast %jit3A : f32 to vector<256x128xf32>
    %select_n3A = arith.select %lt3A_32, %add3A_30, %broadcast_in_dim3A_33 : vector<256x128xi1>, vector<256x128xf32>
    %reduce_max3A = arith.constant dense<0xFF800000> : vector<256xf32>
    %reduce_max3A_34 = vector.multi_reduction <maximumf>, %select_n3A, %reduce_max3A [1] : vector<256x128xf32> to vector<256xf32>
    %broadcast_in_dim3A_35 = vector.shape_cast %reduce_max3A_34 : vector<256xf32> to vector<256x1xf32>
    %sub3A = vector.broadcast %broadcast_in_dim3A_35 : vector<256x1xf32> to vector<256x128xf32>
    %sub3A_36 = arith.subf %add3A_30, %sub3A : vector<256x128xf32>
    %exp3A = math.exp %sub3A_36 : vector<256x128xf32>
    %jit3A_37 = arith.constant 0.000000e+00 : f32
    %broadcast_in_dim3A_38 = vector.broadcast %jit3A_37 : f32 to vector<256x128xf32>
    %select_n3A_39 = arith.select %lt3A_32, %exp3A, %broadcast_in_dim3A_38 : vector<256x128xi1>, vector<256x128xf32>
    %reduce_sum3A = arith.constant dense<0.000000e+00> : vector<256xf32>
    %reduce_sum3A_40 = vector.multi_reduction <add>, %select_n3A_39, %reduce_sum3A [1] : vector<256x128xf32> to vector<256xf32>
    %broadcast_in_dim3A_41 = vector.shape_cast %reduce_sum3A_40 : vector<256xf32> to vector<256x1xf32>
    %log3A = math.log %broadcast_in_dim3A_41 : vector<256x1xf32>
    %add3A_42 = arith.addf %log3A, %broadcast_in_dim3A_35 : vector<256x1xf32>
    %sub3A_43 = vector.broadcast %add3A_42 : vector<256x1xf32> to vector<256x128xf32>
    %sub3A_44 = arith.subf %add3A_30, %sub3A_43 : vector<256x128xf32>
    %slice3A = vector.extract_strided_slice %sub3A_44 {offsets = [0, 0], sizes = [256, 47], strides = [1, 1]} : vector<256x128xf32> to vector<256x47xf32>
    %swap3A = arith.constant 0 : index
    %swap3A_45 = arith.constant 0 : index
    %swap3A_46 = vector.load %arg6[%swap3A, %swap3A_45] : memref<256x47xf32, #tpu.memory_space<vmem>>, vector<256x47xf32>
    tpu.vector_store %arg6[%swap3A, %swap3A_45], %slice3A {strides = array<i32>} : memref<256x47xf32, #tpu.memory_space<vmem>>, vector<256x47xf32>,
    return
  }
  func.func @transform_0(%arg0: i32) -> (i32, i32, i32, i32) {
    %jit3A = arith.constant 10 : i32
    %div3A = arith.divsi %arg0, %jit3A : i32
    %sign3A = arith.constant 0 : i32
    %sign3A_0 = arith.cmpi sgt, %arg0, %sign3A : i32
    %sign3A_1 = arith.extui %sign3A_0 : i1 to i32
    %sign3A_2 = arith.constant 0 : i32
    %sign3A_3 = arith.cmpi slt, %arg0, %sign3A_2 : i32
    %sign3A_4 = arith.extui %sign3A_3 : i1 to i32
    %sign3A_5 = arith.subi %sign3A_1, %sign3A_4 : i32
    %sign3A_6 = arith.constant 0 : i32
    %sign3A_7 = arith.cmpi sgt, %jit3A, %sign3A_6 : i32
    %sign3A_8 = arith.extui %sign3A_7 : i1 to i32
    %sign3A_9 = arith.constant 0 : i32
    %sign3A_10 = arith.cmpi slt, %jit3A, %sign3A_9 : i32
    %sign3A_11 = arith.extui %sign3A_10 : i1 to i32
    %sign3A_12 = arith.subi %sign3A_8, %sign3A_11 : i32
    %ne3A = arith.cmpi ne, %sign3A_5, %sign3A_12 : i32
    %rem3A = arith.remsi %arg0, %jit3A : i32
    %ne3A_13 = arith.constant 0 : i32
    %ne3A_14 = arith.cmpi ne, %rem3A, %ne3A_13 : i32
    %and3A = arith.andi %ne3A, %ne3A_14 : i1
    %sub3A = arith.constant 1 : i32
    %sub3A_15 = arith.subi %div3A, %sub3A : i32
    %select_n3A = arith.select %and3A, %sub3A_15, %div3A : i32
    %jit3A_16 = arith.constant 10 : i32
    %eq3A = arith.constant 0 : i32
    %eq3A_17 = arith.cmpi eq, %jit3A_16, %eq3A : i32
    %jit3A_18 = arith.constant 1 : i32
    %select_n3A_19 = arith.select %eq3A_17, %jit3A_18, %jit3A_16 : i32
    %rem3A_20 = arith.remsi %arg0, %select_n3A_19 : i32
    %ne3A_21 = arith.constant 0 : i32
    %ne3A_22 = arith.cmpi ne, %rem3A_20, %ne3A_21 : i32
    %lt3A = arith.constant 0 : i32
    %lt3A_23 = arith.cmpi slt, %rem3A_20, %lt3A : i32
    %lt3A_24 = arith.constant 0 : i32
    %lt3A_25 = arith.cmpi slt, %select_n3A_19, %lt3A_24 : i32
    %ne3A_26 = arith.xori %lt3A_23, %lt3A_25 : i1
    %and3A_27 = arith.andi %ne3A_26, %ne3A_22 : i1
    %add3A = arith.addi %rem3A_20, %select_n3A_19 : i32
    %select_n3A_28 = arith.select %and3A_27, %add3A, %rem3A_20 : i32
    %c0_i32 = arith.constant 0 : i32
    %c0_i32_29 = arith.constant 0 : i32
    %c0_i32_30 = arith.constant 0 : i32
    return %c0_i32, %select_n3A, %select_n3A_28, %c0_i32_29 : i32, i32, i32, i32
  }
  func.func @transform_1(%arg0: i32) -> (i32, i32) {
    %c0_i32 = arith.constant 0 : i32
    %c0_i32_0 = arith.constant 0 : i32
    return %arg0, %c0_i32 : i32, i32
  }
  func.func @transform_2(%arg0: i32) -> (i32, i32) {
    %c0_i32 = arith.constant 0 : i32
    %c0_i32_0 = arith.constant 0 : i32
    return %arg0, %c0_i32 : i32, i32
  }
  func.func @transform_3(%arg0: i32) -> (i32, i32) {
    %c0_i32 = arith.constant 0 : i32
    %c0_i32_0 = arith.constant 0 : i32
    %c0_i32_1 = arith.constant 0 : i32
    return %c0_i32, %c0_i32_0 : i32, i32
  }
  func.func @transform_4(%arg0: i32) -> i32 {
    %c0_i32 = arith.constant 0 : i32
    %c0_i32_0 = arith.constant 0 : i32
    return %c0_i32 : i32
  }
  func.func @transform_5(%arg0: i32) -> (i32, i32) {
    %c0_i32 = arith.constant 0 : i32
    %c0_i32_0 = arith.constant 0 : i32
    return %arg0, %c0_i32 : i32, i32
  }
}

</mosaic_0001>

<sc_bundles>
// kernel: kernel.11.cloned.1.call-start
scs
__scs_entry_jumppad:
0x0: {  	(pc) =	sbr.rel $0x88, $3  }
0x1: {  	(tag) =	ssettag $0x0;
	lr =	simm.s32 $0x1  }
0x2: {  	[smem:$0x3F96] =	sst lr;
	_ =	strace $0xD0000000  }
0x3: {  	_ = 	snop  }
0x4: {  	_ = 	snop  }
0x5: {  	_ = 	snop  }
0x6: {  	_ = 	snop  }
0x7: {  	_ = 	snop  }
__scs_overlays_trampoline_lowered:
0x8: {  	[smem:$0x3FA5] =	sst s0  }
0x9: {  	[smem:$0x3FA6] =	sst s1  }
0xa: {  	[smem:$0x3FA7] =	sst s2  }
0xb: {  	[smem:$0x3FA8] =	sst s3  }
0xc: {  	[smem:$0x3FA9] =	sst s4  }
0xd: {  	[smem:$0x3FAA] =	sst s5  }
0xe: {  	[smem:$0x3FAB] =	sst s6  }
0xf: {  	[smem:$0x3FAC] =	sst s7  }
0x10: {  	[smem:$0x3FAD] =	sst s8  }
0x11: {  	[smem:$0x3FAE] =	sst s9;
	s0 =	simm.s32 @!p0 $0x0  }
0x12: {  	s1 =	sld [smem:$0x3F94];
	s0 =	simm.s32 @p0 $0x1  }
0x13: {  	[smem:$0x3FAF] =	sst s0;
	s0 =	simm.s32 @!p1 $0x0  }
0x14: {  	s2 =	sld [smem:$0x3F93];
	s0 =	simm.s32 @p1 $0x1  }
0x15: {  	[smem:$0x3FB0] =	sst s0;
	s0 =	simm.s32 @!p2 $0x0  }
0x16: {  	s3 =	sld [smem:$0x3FDB];
	s0 =	simm.s32 @p2 $0x1  }
0x17: {  	s4 =	simm.s32 $0x1BF5;
	[smem:$0x3FB2] =	sst s0  }
0x18: {  	s0 =	sld [smem:$0x3F95];
	_ =	swait.ge [sflag:s4], $0x0  }
0x19: {  	s7 =	sld [smem:$0x3F96]  }
0x1a: {  	s8 =	sadd.s32 $0xFFFFE003, lr  }
0x1b: {  	s9 =	sadd.s32 $0xFFFFFEF7, lr;
	s5 =	simm.s32 $0xFFFFFFFF;
	p2 =	slt.u32 s8, $0xFFFFF086  }
0x1c: {  	p1 =	slt.u32 s9, $0xF7A;
	s5 =	simm.s32 @!p2 $0x0  }
0x1d: {  	s5 =	simm.s32 @p1 $0x1;
	p0 =	seq.s32 s7, s2  }
0x1e: {  	s7 =	smul.u32 @!p0 $0xF7A, s2;
	p2 =	seq.s32 @!p0 s5, $0x0  }
0x1f: {  	s9 =	smul.u32 $0xF7A, s1;
	s8 =	simm.s32 @!p0 $0x1BF5;
	p2 =	por !p2, p0  }
0x20: {  	[sflag:s8] =	ssyncset.s32 @!p0 $0xFFFFF086;
	s6 =	sadd.s32 @!p0 s3, s7;
	s7 =	simm.s32 @!p0 $0x108  }
0x21: {  	s3 =	sadd.s32 s3, s9;
	s6 =	sadd.s32 @!p0 $0x88, s6;
	s7 =	simm.s32 @p2 $0x1082  }
0x22: {  	[simem:s7], [sflag:s8] =	dma.local @!p0 [hbm:s6], $0xF7A  }
0x23: {  	s9 =	sor.u32 $0xD0000000, s2;
	s6 =	simm.s32 $0x108;
	_ =	swait.ge @!p0 [sflag:s8], $0x0  }
0x24: {  	s3 =	sadd.s32 $0x88, s3;
	s6 =	simm.s32 @!p1 $0x1082;
	[sflag:s4] =	ssyncset.s32 $0xFFFFF086  }
0x25: {  	[simem:s6], [sflag:s4] =	dma.local [hbm:s3], $0xF7A  }
0x26: {  	[smem:$0x3F96] =	sst s1;
	(tag) =	ssettag s2;
	_ =	strace s9  }
0x27: {  	s1 =	sld [smem:$0x3FA6]  }
0x28: {  	s2 =	sld [smem:$0x3FA7]  }
0x29: {  	s4 =	sld [smem:$0x3FA9]  }
0x2a: {  	p0 =	seq.s32 s5, $0x0;
	s5 =	sld [smem:$0x3FAA]  }
0x2b: {  	s6 =	sld [smem:$0x3FAB]  }
0x2c: {  	s7 =	sld [smem:$0x3FAC]  }
0x2d: {  	s3 =	simm.s32 $0x108;
	s8 =	sld [smem:$0x3FAD]  }
0x2e: {  	s3 =	simm.s32 @!p0 $0x1082;
	s9 =	sld [smem:$0x3FAE]  }
0x2f: {  	lr =	sadd.s32 s0, s3;
	s0 =	sld [smem:$0x3FA5]  }
0x30: {  	s3 =	sld [smem:$0x3FA8]  }
0x31: {  	[smem:$0x3FB1] =	sst s10  }
0x32: {  	s10 =	sld [smem:$0x3FAF];
	_ =	sdelay $0x3  }
0x33: {  	p0 =	seq.s32 s10, $0x1;
	s10 =	sld [smem:$0x3FB1];
	_ =	sdelay $0x3  }
0x34: {  	[smem:$0x3FB1] =	sst s10  }
0x35: {  	s10 =	sld [smem:$0x3FB0];
	_ =	sdelay $0x3  }
0x36: {  	p1 =	seq.s32 s10, $0x1;
	s10 =	sld [smem:$0x3FB1];
	_ =	sdelay $0x3  }
0x37: {  	[smem:$0x3FB1] =	sst s10  }
0x38: {  	s10 =	sld [smem:$0x3FB2]  }
0x39: {  	_ = 	snop;
	(pc) =	sbr.ind lr, $3  }
0x3a: {  	_ = 	snop  }
0x3b: {  	_ = 	snop  }
0x3c: {  	p2 =	seq.s32 s10, $0x1;
	s10 =	sld [smem:$0x3FB1]  }
0x3d: {  	_ =	shalt  }
0x3e: {  	_ =	shalt  }
0x3f: {  	_ =	shalt  }
0x40: {  	_ =	shalt  }
0x41: {  	_ =	shalt  }
0x42: {  	_ =	shalt  }
0x43: {  	_ =	shalt  }
0x44: {  	_ =	shalt  }
0x45: {  	_ =	shalt  }
0x46: {  	_ =	shalt  }
0x47: {  	_ =	shalt  }
0x48: {  	_ =	shalt  }
0x49: {  	_ =	shalt  }
0x4a: {  	_ =	shalt  }
0x4b: {  	_ =	shalt  }
0x4c: {  	_ =	shalt  }
0x4d: {  	_ =	shalt  }
0x4e: {  	_ =	shalt  }
0x4f: {  	_ =	shalt  }
0x50: {  	_ =	shalt  }
0x51: {  	_ =	shalt  }
0x52: {  	_ =	shalt  }
0x53: {  	_ =	shalt  }
0x54: {  	_ =	shalt  }
0x55: {  	_ =	shalt  }
0x56: {  	_ =	shalt  }
0x57: {  	_ =	shalt  }
0x58: {  	_ =	shalt  }
0x59: {  	_ =	shalt  }
0x5a: {  	_ =	shalt  }
0x5b: {  	_ =	shalt  }
0x5c: {  	_ =	shalt  }
0x5d: {  	_ =	shalt  }
0x5e: {  	_ =	shalt  }
0x5f: {  	_ =	shalt  }
0x60: {  	_ =	shalt  }
0x61: {  	_ =	shalt  }
0x62: {  	_ =	shalt  }
0x63: {  	_ =	shalt  }
0x64: {  	_ =	shalt  }
0x65: {  	_ =	shalt  }
0x66: {  	_ =	shalt  }
0x67: {  	_ =	shalt  }
0x68: {  	_ =	shalt  }
0x69: {  	_ =	shalt  }
0x6a: {  	_ =	shalt  }
0x6b: {  	_ =	shalt  }
0x6c: {  	_ =	shalt  }
0x6d: {  	_ =	shalt  }
0x6e: {  	_ =	shalt  }
0x6f: {  	_ =	shalt  }
0x70: {  	_ =	shalt  }
0x71: {  	_ =	shalt  }
0x72: {  	_ =	shalt  }
0x73: {  	_ =	shalt  }
0x74: {  	_ =	shalt  }
0x75: {  	_ =	shalt  }
0x76: {  	_ =	shalt  }
0x77: {  	_ =	shalt  }
0x78: {  	_ =	shalt  }
0x79: {  	_ =	shalt  }
0x7a: {  	_ =	shalt  }
0x7b: {  	_ =	shalt  }
0x7c: {  	_ =	shalt  }
0x7d: {  	_ =	shalt  }
0x7e: {  	_ =	shalt  }
0x7f: {  	_ =	shalt  }
0x80: {  	_ =	shalt  }
0x81: {  	_ =	shalt  }
0x82: {  	_ =	shalt  }
0x83: {  	_ =	shalt  }
0x84: {  	_ =	shalt  }
0x85: {  	_ =	shalt  }
0x86: {  	_ =	shalt  }
0x87: {  	_ =	shalt  }
.Lfunc_end0:
.L_simem_size_0:
called_computation.1_lowered:
.L_overlay_start_0:
0x88: {  	s2 =	sld [smem:$0x3FD9]  }
0x89: {  	s3 =	sld [smem:$0x3FFE];
	_ =	sdelay $0x1  }
0x8a: {  	s1 =	srdreg.scid  }
0x8b: {  	s0 =	sand.u32 $0x1, s1  }
0x8c: {  	s16 =	sshll.u32 s0, $0xA;
	s2 =	sadd.s32 s3, s2  }
0x8d: {  	s2 =	sadd.s32 s2, s16  }
0x8e: {  	[smem:$0x3FBD] =	sst s2  }
0x8f: {  	_ = 	snop  }
0x90: {  	(tm) =	ssettm $0x1  }
0x91: {  	s17 =	sld [smem:$0x3FFB];
	_ =	sdelay $0x3  }
0x92: {  	_ =	strace s17  }
0x93: {  	s2 =	sld [smem:$0x3FFC];
	_ =	sdelay $0x3  }
0x94: {  	_ =	strace s2  }
0x95: {  	s2 =	sld [smem:$0x3FFD];
	_ =	sdelay $0x3  }
0x96: {  	_ =	strace s2  }
0x97: {  	_ =	strace $0x8FFFFFFF  }
0x98: {  	s18 =	sld [smem:$0x3FDB];
	_ =	sdelay $0x1  }
0x99: {  	s19 =	simm.s32 $_scs_section_size  }
0x9a: {  	s4 =	simm.s32 $_size__tile_overlayer_lowered;
	s5 =	simm.s32 $_tile_overlayer_lowered  }
0x9b: {  	s22 =	simm.s32 $0x1BFF;
	s21 =	sshll.u32 s5, $0x1;
	s2 =	sadd.s32 s19, s18  }
0x9c: {  	s6 =	simm.s32 $0x0;
	s20 =	sshll.u32 s4, $0x1;
	s4 =	sadd.s32 s21, s2  }
0x9d: {  	[timem:s6], [sflag:s22] =	dma.local [hbm:s4], s20  }
0x9e: {  	_ =	swait.ge [sflag:s22], s20  }
0x9f: {  	s3 =	ssub.s32 $0x0, s20;
	[sflag:s22] =	ssyncset.done $0x0  }
0xa0: {  	[sflag:s22] =	ssyncadd.s32 s3;
	_ =	sdelay $0x1  }
0xa1: {  	s23 =	simm.s32 $0x1B8B  }
0xa2: {  	_ =	swait.ge [sflag:s23], $0x1  }
0xa3: {  	[sflag:s23] =	ssyncset.done $0x0  }
0xa4: {  	s25 =	simm.s32 $0x1B8E;
	s24 =	sld [smem:$0x3FFE];
	[sflag:s23] =	ssyncadd.s32 $0xFFFFFFFF  }
0xa5: {  	s26 =	simm.s32 $execute0_lowered;
	[smem:$0x3FD2] =	sst s25  }
0xa6: {  	s4 =	sshll.u32 s26, $0x1;
	_ =	strace $0x80000049;
	[dreg:$0x1] =	wrdreg $0xFFFFFFFF  }
0xa7: {  	s28 =	simm.s32 $_size_execute0_lowered;
	s2 =	sadd.s32 s2, s4;
	[dreg:$0x0] =	wrdreg $0x0  }
0xa8: {  	s4 =	sshll.u32 s28, $0x1;
	[dreg:$0x2] =	wrdreg s2  }
0xa9: {  	[dreg:$0x3] =	wrdreg s4  }
0xaa: {  	[dreg:$0x4] =	wrdreg $0xC0  }
0xab: {  	_ =	task [dreg:s6], $0x5FFFF  }
0xac: {  	[dreg:$0x1] =	wrdreg $0xFFFFFFFF  }
0xad: {  	[dreg:$0x0] =	wrdreg $0x60  }
0xae: {  	[dreg:$0x2] =	wrdreg s24  }
0xaf: {  	[dreg:$0x3] =	wrdreg $0x0  }
0xb0: {  	[dreg:$0x4] =	wrdreg $0x9  }
0xb1: {  	_ =	task.clear_ibuf [dreg:s6], $0x5FFFF;
	_ =	strace $0x90000049  }
0xb2: {  	s29 =	simm.s32 $0x9;
	_ =	strace $0x8000004B  }
0xb3: {  	_ =	swait.ge [sflag:s29], $0x1  }
0xb4: {  	[sflag:s29] =	ssyncadd.s32 $0xFFFFFFFF  }
0xb5: {  	_ =	strace $0x9000004B  }
0xb6: {  	_ =	sfence  }
0xb7: {  	s30 =	sld [smem:$0x0];
	_ =	sdelay $0x2  }
0xb8: {  	s31 =	sshll.u32 s1, $0xD;
	s1 =	sshrl.u32 s1, $0x2  }
0xb9: {  	s3 =	sand.u32 $0x4000, s31;
	s1 =	sadd.s32 s1, s30  }
0xba: {  	s0 =	sor.u32 s3, s0;
	s1 =	sshll.u32 s1, $0x11  }
0xbb: {  	s0 =	sor.u32 s1, s0  }
0xbc: {  	s0 =	sadd.s32 $0x8F2B, s0  }
0xbd: {  	[sflag:s0] =	ssyncadd.remote.s32 $0x1  }
0xbe: {  	_ =	sfence.sel $0xFFFF  }
0xbf: {  	[dreg:$0x0] =	wrdreg $0xFFFFFFFF;
	(pc) =	sbr.abs _section_cstart, $3  }
0xc0: {  	[dreg:$0x1] =	wrdreg $0xFFFFFFFF  }
0xc1: {  	_ =	task.clear_ibuf [dreg:s6], $0x2FFFF;
	_ =	strace $0x9FFFFFFF  }
0xc2: {  	(tm) =	ssettm $0x7FFFFFFF  }
0xc3: {  	_ =	shalt  }
tec
execute0_lowered:
.L_overlay_start_1:
0x0: {  	(tag) =	ssettag $0x1  }
0x1: {  	s10 =	rddreg [dreg:$0x0];
	s0 =	srdreg.scid  }
0x2: {  	s2 =	rddreg [dreg:$0x1];
	s1 =	stileid.u32  }
0x3: {  	s3 =	simm.s32 $0x0;
	s15 =	simm.s32 $0x13880;
	s16 =	simm.s32 $0xF800  }
0x4: {  	s17 =	simm.s32 $0x80;
	s18 =	simm.s32 $0xF880;
	s5 =	smul.u32 $0x5000, s1  }
0x5: {  	s19 =	simm.s32 $0x1;
	s20 =	simm.s32 $0x0;
	s7 =	smul.u32 $0xA400, s1  }
0x6: {  	s6 =	sand.u32 $0x1, s0;
	[smem:$0x7FF] =	sst s3;
	s12 =	smul.u32 $0x29000, s1  }
0x7: {  	s0 =	rddreg [dreg:$0x2];
	s4 =	smul.u32 $0x50400, s6;
	_ =	strace $0x8000004A  }
0x8: {  	s8 =	smul.u32 $0x148000, s6;
	s6 =	ssub.s32 $0x2, s6;
	s11 =	sshrl.u32 s7, $0x3  }
0x9: {  	s30 =	sshrl.u32 s6, $0x1;
	s31 =	sshrl.u32 s12, $0x2;
	s5 =	sadd.s32 s5, s4  }
0xa: {  	s4 =	sadd.s32 $0xA4800, s10;
	s11 =	sadd.s32 s11, s10;
	s7 =	sadd.s32 s7, s8  }
0xb: {  	s14 =	ssub.s32 s6, s30;
	s5 =	sshrl.u32 s5, $0x3;
	s7 =	sshrl.u32 s7, $0x3  }
0xc: {  	s12 =	smax.u32 s14, $0x1;
	s14 =	simm.s32 $0x2;
	s9 =	sadd.s32 s5, s10  }
0xd: {  	s5 =	sadd.s32 $0x7C000, s10;
	s13 =	sadd.s32 s7, s10;
	s7 =	sadd.s32 $0x90000, s11  }
0xe: {  	s10 =	sadd.s32 $0x86000, s10;
	s6 =	sadd.s32 $0xF8800, s9;
	s8 =	sadd.s32 $0x10CA00, s13  }
0xf: {  	s9 =	sadd.s32 s31, s2;
	s11 =	sadd.s32 $0x121200, s13;
	s13 =	smul.u32 $0xA00, s1  }
.LBB2_1:
0x10: {  	s21 =	simm.s32 $0xA400  }
0x11: {  	[tilespmem:s21], [sflag:$0x2] =	stream.linear.gather [hbm4b:s6+s3], $0x5400, $0x38;
	[tilespmem:$0x1DC80] =	vst v63  }
0x12: {  	_ =	swait.ge [sflag:s14], $0x5400  }
0x13: {  	[sflag:s14] =	ssyncset.done $0x0  }
0x14: {  	[sflag:s14] =	ssyncadd.s32 $0xFFFFAC00  }
0x15: {  	[tilespmem:s15], [sflag:$0x2] =	stream.linear.gather [hbm4b:s7+s3], $0xA400, $0x38;
	[tilespmem:$0x1DC80] =	vst v63  }
0x16: {  	_ =	swait.ge [sflag:s14], $0xA400  }
0x17: {  	[sflag:s14] =	ssyncset.done $0x0  }
0x18: {  	[sflag:s14] =	ssyncadd.s32 $0xFFFF5C00  }
0x19: {  	[spmem:s9] =	stream.linear.scatter [tilespmem:s15], [sflag:$0x2], $0xA400, $0x38;
	[tilespmem:$0x1DC80] =	vst v63  }
0x1a: {  	_ =	swait.ge [sflag:s14], $0xA400  }
0x1b: {  	s23 =	sand.u32 $0x70, s3;
	s22 =	sadd.s32 $0x0, s13;
	[sflag:s14] =	ssyncset.done $0x0  }
0x1c: {  	s23 =	sadd.s32 s5, s23;
	s22 =	sand.u32 $0x1FF80, s22;
	[sflag:s14] =	ssyncadd.s32 $0xFFFF5C00  }
0x1d: {  	s22 =	sadd.s32 s22, s23;
	[bflag:$0x0] =	sbarrier.arrive $0xFFFF  }
0x1e: {  	[tilespmem:s16], [sflag:$0x2] =	stream.linear.gather [hbm4b:s22+s3], $0x80, $0x38;
	[tilespmem:$0x1DC80] =	vst v63  }
0x1f: {  	_ =	swait.ge [sflag:s14], $0x80  }
0x20: {  	[sflag:s14] =	ssyncset.done $0x0  }
0x21: {  	[sflag:s14] =	ssyncadd.s32 $0xFFFFFF80  }
0x22: {  	[tilespmem:s18], [sflag:$0x1] =	stream.indirect.gather [hbm4b:s4+s17], $0x80, s21, s17, $0xb8;
	[tilespmem:$0x1DC80] =	vst v63  }
0x23: {  	_ =	swait.ge [sflag:s19], $0x4000  }
0x24: {  	s31 =	simm.s32 $0x10;
	[sflag:s19] =	ssyncset.done $0x0  }
0x25: {  	s24 =	sadd.s32 $0x10, s13;
	s25 =	sand.u32 $0x70, s31;
	[sflag:s19] =	ssyncadd.s32 $0xFFFFC000  }
0x26: {  	[spmem:s2] =	stream.indirect.scatter.add.f32 [tilespmem:s18], [sflag:$0x2], $0x80, s16, s17, $0xb8;
	[tilespmem:$0x1DC80] =	vst v63  }
0x27: {  	s23 =	sand.u32 $0x1FF80, s24;
	s24 =	sadd.s32 s5, s25;
	_ =	swait.ge [sflag:s14], $0x4000  }
0x28: {  	s22 =	simm.s32 $0x20;
	s21 =	simm.s32 $0xA480;
	[sflag:s14] =	ssyncset.done $0x0  }
.LBB2_2:
0x29: {  	s23 =	sadd.s32 s23, s24  }
0x2a: {  	[sflag:s14] =	ssyncadd.s32 $0xFFFFC000;
	s24 =	smov.u32 s22;
	s25 =	sadd.s32 $0x10, s22  }
0x2b: {  	[tilespmem:s16], [sflag:$0x2] =	stream.linear.gather [hbm4b:s23+s3], $0x80, $0x38;
	[tilespmem:$0x1DC80] =	vst v63  }
0x2c: {  	p0 =	sne.s32 s22, $0x9F0;
	_ =	swait.ge [sflag:s14], $0x80  }
0x2d: {  	[sflag:s14] =	ssyncset.done $0x0  }
0x2e: {  	[sflag:s14] =	ssyncadd.s32 $0xFFFFFF80  }
0x2f: {  	[tilespmem:s18], [sflag:$0x1] =	stream.indirect.gather [hbm4b:s4+s17], $0x80, s21, s17, $0xb8;
	[tilespmem:$0x1DC80] =	vst v63  }
0x30: {  	_ =	swait.ge [sflag:s19], $0x4000  }
.Ltmp0:
0x31: {  	[sflag:s19] =	ssyncset.done $0x0;
	(pc) =	sbr.rel @p0 .LBB2_2-.Ltmp0, $4  }
0x32: {  	s22 =	sadd.s32 s24, s13;
	s21 =	sadd.s32 $0x80, s21;
	[sflag:s19] =	ssyncadd.s32 $0xFFFFC000  }
0x33: {  	[spmem:s2] =	stream.indirect.scatter.add.f32 [tilespmem:s18], [sflag:$0x2], $0x80, s16, s17, $0xb8;
	[tilespmem:$0x1DC80] =	vst v63  }
0x34: {  	s24 =	sand.u32 $0x70, s24;
	s23 =	sand.u32 $0x1FF80, s22;
	_ =	swait.ge [sflag:s14], $0x4000  }
0x35: {  	s24 =	sadd.s32 s5, s24;
	s22 =	smov.u32 s25;
	[sflag:s14] =	ssyncset.done $0x0  }
0x36: {  	s22 =	sadd.s32 s23, s24;
	[sflag:s14] =	ssyncadd.s32 $0xFFFFC000  }
0x37: {  	[tilespmem:s16], [sflag:$0x2] =	stream.linear.gather [hbm4b:s22+s3], $0x80, $0x38;
	[tilespmem:$0x1DC80] =	vst v63  }
0x38: {  	_ =	swait.ge [sflag:s14], $0x80  }
0x39: {  	[sflag:s14] =	ssyncset.done $0x0  }
0x3a: {  	[sflag:s14] =	ssyncadd.s32 $0xFFFFFF80  }
0x3b: {  	[tilespmem:s18], [sflag:$0x1] =	stream.indirect.gather [hbm4b:s4+s17], $0x80, s21, s17, $0xb8;
	[tilespmem:$0x1DC80] =	vst v63  }
0x3c: {  	_ =	swait.ge [sflag:s19], $0x4000  }
0x3d: {  	[sflag:s19] =	ssyncset.done $0x0  }
0x3e: {  	[sflag:s19] =	ssyncadd.s32 $0xFFFFC000  }
0x3f: {  	[spmem:s2] =	stream.indirect.scatter.add.f32 [tilespmem:s18], [sflag:$0x2], $0x80, s16, s17, $0xb8;
	[tilespmem:$0x1DC80] =	vst v63  }
0x40: {  	_ =	swait.ge [sflag:s14], $0x4000  }
0x41: {  	[sflag:s14] =	ssyncset.done $0x0  }
0x42: {  	[sflag:s14] =	ssyncadd.s32 $0xFFFFC000  }
0x43: {  	[bflag:$0x0] =	sbarrier.arrive $0xFFFF  }
0x44: {  	[tilespmem:s15], [sflag:$0x2] =	stream.linear.gather [spmem:s9], $0xA400, $0x38;
	[tilespmem:$0x1DC80] =	vst v63  }
0x45: {  	_ =	swait.ge [sflag:s14], $0xA400  }
0x46: {  	[sflag:s14] =	ssyncset.done $0x0  }
0x47: {  	s26 =	simm.s32 $0x0;
	[sflag:s14] =	ssyncadd.s32 $0xFFFF5C00  }
0x48: {  	[hbm4b:s8+s26] =	stream.linear.scatter [tilespmem:s15], [sflag:$0x2], $0xA400, $0x38;
	[tilespmem:$0x1DC80] =	vst v63  }
0x49: {  	_ =	swait.ge [sflag:s14], $0xA400  }
0x4a: {  	[sflag:s14] =	ssyncset.done $0x0  }
0x4b: {  	[sflag:s14] =	ssyncadd.s32 $0xFFFF5C00  }
0x4c: {  	[bflag:$0x0] =	sbarrier.arrive $0xFFFF  }
0x4d: {  	[tilespmem:s15], [sflag:$0x2] =	stream.linear.gather [hbm4b:s7+s26], $0xA400, $0x38;
	[tilespmem:$0x1DC80] =	vst v63  }
0x4e: {  	_ =	swait.ge [sflag:s14], $0xA400  }
0x4f: {  	[sflag:s14] =	ssyncset.done $0x0  }
0x50: {  	[sflag:s14] =	ssyncadd.s32 $0xFFFF5C00  }
0x51: {  	[spmem:s9] =	stream.linear.scatter [tilespmem:s15], [sflag:$0x2], $0xA400, $0x38;
	[tilespmem:$0x1DC80] =	vst v63  }
0x52: {  	_ =	swait.ge [sflag:s14], $0xA400  }
0x53: {  	s28 =	sadd.s32 $0x0, s13;
	s21 =	sand.u32 $0x70, s26;
	[sflag:s14] =	ssyncset.done $0x0  }
0x54: {  	s22 =	sand.u32 $0x1FF80, s28;
	s21 =	sadd.s32 s21, s10;
	[sflag:s14] =	ssyncadd.s32 $0xFFFF5C00  }
0x55: {  	s21 =	sadd.s32 s22, s21;
	[bflag:$0x0] =	sbarrier.arrive $0xFFFF  }
0x56: {  	[tilespmem:s16], [sflag:$0x2] =	stream.linear.gather [hbm4b:s21+s3], $0x80, $0x38;
	[tilespmem:$0x1DC80] =	vst v63  }
0x57: {  	_ =	swait.ge [sflag:s14], $0x80  }
0x58: {  	[sflag:s14] =	ssyncset.done $0x0  }
0x59: {  	s29 =	simm.s32 $0xA400;
	[sflag:s14] =	ssyncadd.s32 $0xFFFFFF80  }
0x5a: {  	[tilespmem:s18], [sflag:$0x1] =	stream.indirect.gather [hbm4b:s4+s17], $0x80, s29, s17, $0xb8;
	[tilespmem:$0x1DC80] =	vst v63  }
0x5b: {  	_ =	swait.ge [sflag:s19], $0x4000  }
0x5c: {  	s30 =	simm.s32 $0x10;
	[sflag:s19] =	ssyncset.done $0x0  }
0x5d: {  	s31 =	sadd.s32 $0x10, s13;
	s25 =	sand.u32 $0x70, s30;
	[sflag:s19] =	ssyncadd.s32 $0xFFFFC000  }
0x5e: {  	[spmem:s2] =	stream.indirect.scatter.add.f32 [tilespmem:s18], [sflag:$0x2], $0x80, s16, s17, $0xb8;
	[tilespmem:$0x1DC80] =	vst v63  }
0x5f: {  	s23 =	sand.u32 $0x1FF80, s31;
	s24 =	sadd.s32 s25, s10;
	_ =	swait.ge [sflag:s14], $0x4000  }
0x60: {  	s22 =	simm.s32 $0x20;
	s21 =	simm.s32 $0xA480;
	[sflag:s14] =	ssyncset.done $0x0  }
.LBB2_4:
0x61: {  	s23 =	sadd.s32 s23, s24  }
0x62: {  	[sflag:s14] =	ssyncadd.s32 $0xFFFFC000;
	s24 =	smov.u32 s22;
	s25 =	sadd.s32 $0x10, s22  }
0x63: {  	[tilespmem:s16], [sflag:$0x2] =	stream.linear.gather [hbm4b:s23+s3], $0x80, $0x38;
	[tilespmem:$0x1DC80] =	vst v63  }
0x64: {  	p0 =	sne.s32 s22, $0x9F0;
	_ =	swait.ge [sflag:s14], $0x80  }
0x65: {  	[sflag:s14] =	ssyncset.done $0x0  }
0x66: {  	[sflag:s14] =	ssyncadd.s32 $0xFFFFFF80  }
0x67: {  	[tilespmem:s18], [sflag:$0x1] =	stream.indirect.gather [hbm4b:s4+s17], $0x80, s21, s17, $0xb8;
	[tilespmem:$0x1DC80] =	vst v63  }
0x68: {  	_ =	swait.ge [sflag:s19], $0x4000  }
.Ltmp1:
0x69: {  	[sflag:s19] =	ssyncset.done $0x0;
	(pc) =	sbr.rel @p0 .LBB2_4-.Ltmp1, $4  }
0x6a: {  	s22 =	sadd.s32 s24, s13;
	s21 =	sadd.s32 $0x80, s21;
	[sflag:s19] =	ssyncadd.s32 $0xFFFFC000  }
0x6b: {  	[spmem:s2] =	stream.indirect.scatter.add.f32 [tilespmem:s18], [sflag:$0x2], $0x80, s16, s17, $0xb8;
	[tilespmem:$0x1DC80] =	vst v63  }
0x6c: {  	s24 =	sand.u32 $0x70, s24;
	s23 =	sand.u32 $0x1FF80, s22;
	_ =	swait.ge [sflag:s14], $0x4000  }
0x6d: {  	s24 =	sadd.s32 s24, s10;
	s22 =	smov.u32 s25;
	[sflag:s14] =	ssyncset.done $0x0  }
0x6e: {  	s22 =	sadd.s32 s23, s24;
	[sflag:s14] =	ssyncadd.s32 $0xFFFFC000  }
0x6f: {  	[tilespmem:s16], [sflag:$0x2] =	stream.linear.gather [hbm4b:s22+s3], $0x80, $0x38;
	[tilespmem:$0x1DC80] =	vst v63  }
0x70: {  	_ =	swait.ge [sflag:s14], $0x80  }
0x71: {  	[sflag:s14] =	ssyncset.done $0x0  }
0x72: {  	[sflag:s14] =	ssyncadd.s32 $0xFFFFFF80  }
0x73: {  	[tilespmem:s18], [sflag:$0x1] =	stream.indirect.gather [hbm4b:s4+s17], $0x80, s21, s17, $0xb8;
	[tilespmem:$0x1DC80] =	vst v63  }
0x74: {  	_ =	swait.ge [sflag:s19], $0x4000  }
0x75: {  	[sflag:s19] =	ssyncset.done $0x0  }
0x76: {  	[sflag:s19] =	ssyncadd.s32 $0xFFFFC000  }
0x77: {  	[spmem:s2] =	stream.indirect.scatter.add.f32 [tilespmem:s18], [sflag:$0x2], $0x80, s16, s17, $0xb8;
	[tilespmem:$0x1DC80] =	vst v63  }
0x78: {  	_ =	swait.ge [sflag:s14], $0x4000  }
0x79: {  	[sflag:s14] =	ssyncset.done $0x0  }
0x7a: {  	[sflag:s14] =	ssyncadd.s32 $0xFFFFC000  }
0x7b: {  	[bflag:$0x0] =	sbarrier.arrive $0xFFFF  }
0x7c: {  	[tilespmem:s15], [sflag:$0x2] =	stream.linear.gather [spmem:s9], $0xA400, $0x38;
	[tilespmem:$0x1DC80] =	vst v63  }
0x7d: {  	_ =	swait.ge [sflag:s14], $0xA400  }
0x7e: {  	s20 =	sadd.s32 $0x1, s20;
	[sflag:s14] =	ssyncset.done $0x0  }
0x7f: {  	p0 =	sne.s32 s20, s12;
	[sflag:s14] =	ssyncadd.s32 $0xFFFF5C00  }
0x80: {  	[hbm4b:s11+s3] =	stream.linear.scatter [tilespmem:s15], [sflag:$0x2], $0xA400, $0x38;
	[tilespmem:$0x1DC80] =	vst v63  }
.Ltmp2:
0x81: {  	_ =	swait.ge [sflag:s14], $0xA400;
	(pc) =	sbr.rel @p0 .LBB2_1-.Ltmp2, $3  }
0x82: {  	[sflag:s14] =	ssyncset.done $0x0  }
0x83: {  	[sflag:s14] =	ssyncadd.s32 $0xFFFF5C00  }
0x84: {  	[bflag:$0x0] =	sbarrier.arrive $0xFFFF;
	_ =	sdelay $0x1  }
0x85: {  	_ =	sfence.sel $0x180000  }
0x86: {  	[bflag:$0x0] =	sbarrier.arrive $0xFFFF  }
0x87: {  	p0 =	sne.s32 s1, $0x0;
	_ =	strace $0x9000004A  }
0x88: {  	s0 =	sadd.s32 @!p0 $0x100000, s0;
	[bflag:$0x2] =	sbarrier.arrive $0xFFFF  }
0x89: {  	[sflag:s0] =	ssyncadd.tile.s32 @!p0 $0x1;
	_ =	shalt  }
.Lfunc_end2:
_tile_overlayer_lowered:
.L_overlay_start_2:
0x8a: {  	(tag) =	ssettag $0x2  }
0x8b: {  	s0 =	rddreg [dreg:$0x0];
	s2 =	stileid.u32  }
0x8c: {  	s1 =	rddreg [dreg:$0x1];
	p0 =	sne.s32 s2, $0x0  }
0x8d: {  	s3 =	rddreg [dreg:$0x2];
	[bflag:$0x3] =	sbarrier.arrive $0xFFFF;
	s2 =	simm.s32 @!p0 $0x1C02  }
0x8e: {  	[timem:s3], [sflag:s2] =	dma.local @!p0 [hbm:s0], s1  }
0x8f: {  	s0 =	simm.s32 @!p0 $0x2  }
0x90: {  	_ =	swait.ge @!p0 [sflag:s0], s1  }
0x91: {  	s1 =	ssub.s32 @!p0 $0x0, s1;
	[sflag:s0] =	ssyncset.done @!p0 $0x0  }
0x92: {  	[sflag:s0] =	ssyncadd.s32 @!p0 s1  }
0x93: {  	[bflag:$0x3] =	sbarrier.arrive $0xFFFF  }
0x94: {  	_ =	shalt  }

// kernel: kernel.14.cloned.1.call-start
scs
__scs_entry_jumppad:
0x0: {  	(pc) =	sbr.rel $0x88, $3  }
0x1: {  	(tag) =	ssettag $0x0;
	lr =	simm.s32 $0x1  }
0x2: {  	[smem:$0x3F96] =	sst lr;
	_ =	strace $0xD0000000  }
0x3: {  	_ = 	snop  }
0x4: {  	_ = 	snop  }
0x5: {  	_ = 	snop  }
0x6: {  	_ = 	snop  }
0x7: {  	_ = 	snop  }
__scs_overlays_trampoline_lowered:
0x8: {  	[smem:$0x3FA5] =	sst s0  }
0x9: {  	[smem:$0x3FA6] =	sst s1  }
0xa: {  	[smem:$0x3FA7] =	sst s2  }
0xb: {  	[smem:$0x3FA8] =	sst s3  }
0xc: {  	[smem:$0x3FA9] =	sst s4  }
0xd: {  	[smem:$0x3FAA] =	sst s5  }
0xe: {  	[smem:$0x3FAB] =	sst s6  }
0xf: {  	[smem:$0x3FAC] =	sst s7  }
0x10: {  	[smem:$0x3FAD] =	sst s8  }
0x11: {  	[smem:$0x3FAE] =	sst s9;
	s0 =	simm.s32 @!p0 $0x0  }
0x12: {  	s1 =	sld [smem:$0x3F94];
	s0 =	simm.s32 @p0 $0x1  }
0x13: {  	[smem:$0x3FAF] =	sst s0;
	s0 =	simm.s32 @!p1 $0x0  }
0x14: {  	s2 =	sld [smem:$0x3F93];
	s0 =	simm.s32 @p1 $0x1  }
0x15: {  	[smem:$0x3FB0] =	sst s0;
	s0 =	simm.s32 @!p2 $0x0  }
0x16: {  	s3 =	sld [smem:$0x3FDB];
	s0 =	simm.s32 @p2 $0x1  }
0x17: {  	s4 =	simm.s32 $0x1BF5;
	[smem:$0x3FB2] =	sst s0  }
0x18: {  	s0 =	sld [smem:$0x3F95];
	_ =	swait.ge [sflag:s4], $0x0  }
0x19: {  	s7 =	sld [smem:$0x3F96]  }
0x1a: {  	s8 =	sadd.s32 $0xFFFFE003, lr  }
0x1b: {  	s9 =	sadd.s32 $0xFFFFFEF7, lr;
	s5 =	simm.s32 $0xFFFFFFFF;
	p2 =	slt.u32 s8, $0xFFFFF086  }
0x1c: {  	p1 =	slt.u32 s9, $0xF7A;
	s5 =	simm.s32 @!p2 $0x0  }
0x1d: {  	s5 =	simm.s32 @p1 $0x1;
	p0 =	seq.s32 s7, s2  }
0x1e: {  	s7 =	smul.u32 @!p0 $0xF7A, s2;
	p2 =	seq.s32 @!p0 s5, $0x0  }
0x1f: {  	s9 =	smul.u32 $0xF7A, s1;
	s8 =	simm.s32 @!p0 $0x1BF5;
	p2 =	por !p2, p0  }
0x20: {  	[sflag:s8] =	ssyncset.s32 @!p0 $0xFFFFF086;
	s6 =	sadd.s32 @!p0 s3, s7;
	s7 =	simm.s32 @!p0 $0x108  }
0x21: {  	s3 =	sadd.s32 s3, s9;
	s6 =	sadd.s32 @!p0 $0x88, s6;
	s7 =	simm.s32 @p2 $0x1082  }
0x22: {  	[simem:s7], [sflag:s8] =	dma.local @!p0 [hbm:s6], $0xF7A  }
0x23: {  	s9 =	sor.u32 $0xD0000000, s2;
	s6 =	simm.s32 $0x108;
	_ =	swait.ge @!p0 [sflag:s8], $0x0  }
0x24: {  	s3 =	sadd.s32 $0x88, s3;
	s6 =	simm.s32 @!p1 $0x1082;
	[sflag:s4] =	ssyncset.s32 $0xFFFFF086  }
0x25: {  	[simem:s6], [sflag:s4] =	dma.local [hbm:s3], $0xF7A  }
0x26: {  	[smem:$0x3F96] =	sst s1;
	(tag) =	ssettag s2;
	_ =	strace s9  }
0x27: {  	s1 =	sld [smem:$0x3FA6]  }
0x28: {  	s2 =	sld [smem:$0x3FA7]  }
0x29: {  	s4 =	sld [smem:$0x3FA9]  }
0x2a: {  	p0 =	seq.s32 s5, $0x0;
	s5 =	sld [smem:$0x3FAA]  }
0x2b: {  	s6 =	sld [smem:$0x3FAB]  }
0x2c: {  	s7 =	sld [smem:$0x3FAC]  }
0x2d: {  	s3 =	simm.s32 $0x108;
	s8 =	sld [smem:$0x3FAD]  }
0x2e: {  	s3 =	simm.s32 @!p0 $0x1082;
	s9 =	sld [smem:$0x3FAE]  }
0x2f: {  	lr =	sadd.s32 s0, s3;
	s0 =	sld [smem:$0x3FA5]  }
0x30: {  	s3 =	sld [smem:$0x3FA8]  }
0x31: {  	[smem:$0x3FB1] =	sst s10  }
0x32: {  	s10 =	sld [smem:$0x3FAF];
	_ =	sdelay $0x3  }
0x33: {  	p0 =	seq.s32 s10, $0x1;
	s10 =	sld [smem:$0x3FB1];
	_ =	sdelay $0x3  }
0x34: {  	[smem:$0x3FB1] =	sst s10  }
0x35: {  	s10 =	sld [smem:$0x3FB0];
	_ =	sdelay $0x3  }
0x36: {  	p1 =	seq.s32 s10, $0x1;
	s10 =	sld [smem:$0x3FB1];
	_ =	sdelay $0x3  }
0x37: {  	[smem:$0x3FB1] =	sst s10  }
0x38: {  	s10 =	sld [smem:$0x3FB2]  }
0x39: {  	_ = 	snop;
	(pc) =	sbr.ind lr, $3  }
0x3a: {  	_ = 	snop  }
0x3b: {  	_ = 	snop  }
0x3c: {  	p2 =	seq.s32 s10, $0x1;
	s10 =	sld [smem:$0x3FB1]  }
0x3d: {  	_ =	shalt  }
0x3e: {  	_ =	shalt  }
0x3f: {  	_ =	shalt  }
0x40: {  	_ =	shalt  }
0x41: {  	_ =	shalt  }
0x42: {  	_ =	shalt  }
0x43: {  	_ =	shalt  }
0x44: {  	_ =	shalt  }
0x45: {  	_ =	shalt  }
0x46: {  	_ =	shalt  }
0x47: {  	_ =	shalt  }
0x48: {  	_ =	shalt  }
0x49: {  	_ =	shalt  }
0x4a: {  	_ =	shalt  }
0x4b: {  	_ =	shalt  }
0x4c: {  	_ =	shalt  }
0x4d: {  	_ =	shalt  }
0x4e: {  	_ =	shalt  }
0x4f: {  	_ =	shalt  }
0x50: {  	_ =	shalt  }
0x51: {  	_ =	shalt  }
0x52: {  	_ =	shalt  }
0x53: {  	_ =	shalt  }
0x54: {  	_ =	shalt  }
0x55: {  	_ =	shalt  }
0x56: {  	_ =	shalt  }
0x57: {  	_ =	shalt  }
0x58: {  	_ =	shalt  }
0x59: {  	_ =	shalt  }
0x5a: {  	_ =	shalt  }
0x5b: {  	_ =	shalt  }
0x5c: {  	_ =	shalt  }
0x5d: {  	_ =	shalt  }
0x5e: {  	_ =	shalt  }
0x5f: {  	_ =	shalt  }
0x60: {  	_ =	shalt  }
0x61: {  	_ =	shalt  }
0x62: {  	_ =	shalt  }
0x63: {  	_ =	shalt  }
0x64: {  	_ =	shalt  }
0x65: {  	_ =	shalt  }
0x66: {  	_ =	shalt  }
0x67: {  	_ =	shalt  }
0x68: {  	_ =	shalt  }
0x69: {  	_ =	shalt  }
0x6a: {  	_ =	shalt  }
0x6b: {  	_ =	shalt  }
0x6c: {  	_ =	shalt  }
0x6d: {  	_ =	shalt  }
0x6e: {  	_ =	shalt  }
0x6f: {  	_ =	shalt  }
0x70: {  	_ =	shalt  }
0x71: {  	_ =	shalt  }
0x72: {  	_ =	shalt  }
0x73: {  	_ =	shalt  }
0x74: {  	_ =	shalt  }
0x75: {  	_ =	shalt  }
0x76: {  	_ =	shalt  }
0x77: {  	_ =	shalt  }
0x78: {  	_ =	shalt  }
0x79: {  	_ =	shalt  }
0x7a: {  	_ =	shalt  }
0x7b: {  	_ =	shalt  }
0x7c: {  	_ =	shalt  }
0x7d: {  	_ =	shalt  }
0x7e: {  	_ =	shalt  }
0x7f: {  	_ =	shalt  }
0x80: {  	_ =	shalt  }
0x81: {  	_ =	shalt  }
0x82: {  	_ =	shalt  }
0x83: {  	_ =	shalt  }
0x84: {  	_ =	shalt  }
0x85: {  	_ =	shalt  }
0x86: {  	_ =	shalt  }
0x87: {  	_ =	shalt  }
.Lfunc_end0:
.L_simem_size_0:
called_computation.2_lowered:
.L_overlay_start_0:
0x88: {  	s2 =	sld [smem:$0x3FD9]  }
0x89: {  	s3 =	sld [smem:$0x3FFE];
	_ =	sdelay $0x1  }
0x8a: {  	s1 =	srdreg.scid  }
0x8b: {  	s0 =	sand.u32 $0x1, s1  }
0x8c: {  	s16 =	sshll.u32 s0, $0xA;
	s2 =	sadd.s32 s3, s2  }
0x8d: {  	s2 =	sadd.s32 s2, s16  }
0x8e: {  	[smem:$0x3FBD] =	sst s2  }
0x8f: {  	_ = 	snop  }
0x90: {  	(tm) =	ssettm $0x1  }
0x91: {  	s17 =	sld [smem:$0x3FFB];
	_ =	sdelay $0x3  }
0x92: {  	_ =	strace s17  }
0x93: {  	s2 =	sld [smem:$0x3FFC];
	_ =	sdelay $0x3  }
0x94: {  	_ =	strace s2  }
0x95: {  	s2 =	sld [smem:$0x3FFD];
	_ =	sdelay $0x3  }
0x96: {  	_ =	strace s2  }
0x97: {  	_ =	strace $0x8FFFFFFF  }
0x98: {  	s18 =	sld [smem:$0x3FDB];
	_ =	sdelay $0x1  }
0x99: {  	s19 =	simm.s32 $_scs_section_size  }
0x9a: {  	s4 =	simm.s32 $_size__tile_overlayer_lowered;
	s5 =	simm.s32 $_tile_overlayer_lowered  }
0x9b: {  	s22 =	simm.s32 $0x1BFF;
	s21 =	sshll.u32 s5, $0x1;
	s2 =	sadd.s32 s19, s18  }
0x9c: {  	s6 =	simm.s32 $0x0;
	s20 =	sshll.u32 s4, $0x1;
	s4 =	sadd.s32 s21, s2  }
0x9d: {  	[timem:s6], [sflag:s22] =	dma.local [hbm:s4], s20  }
0x9e: {  	_ =	swait.ge [sflag:s22], s20  }
0x9f: {  	s3 =	ssub.s32 $0x0, s20;
	[sflag:s22] =	ssyncset.done $0x0  }
0xa0: {  	[sflag:s22] =	ssyncadd.s32 s3;
	_ =	sdelay $0x1  }
0xa1: {  	s23 =	simm.s32 $0x1B8B  }
0xa2: {  	_ =	swait.ge [sflag:s23], $0x1  }
0xa3: {  	[sflag:s23] =	ssyncset.done $0x0  }
0xa4: {  	s25 =	simm.s32 $0x1B8E;
	s24 =	sld [smem:$0x3FFE];
	[sflag:s23] =	ssyncadd.s32 $0xFFFFFFFF  }
0xa5: {  	s26 =	simm.s32 $execute0_lowered;
	[smem:$0x3FD2] =	sst s25  }
0xa6: {  	s4 =	sshll.u32 s26, $0x1;
	_ =	strace $0x8000004C;
	[dreg:$0x1] =	wrdreg $0xFFFFFFFF  }
0xa7: {  	s28 =	simm.s32 $_size_execute0_lowered;
	s2 =	sadd.s32 s2, s4;
	[dreg:$0x0] =	wrdreg $0x0  }
0xa8: {  	s4 =	sshll.u32 s28, $0x1;
	[dreg:$0x2] =	wrdreg s2  }
0xa9: {  	[dreg:$0x3] =	wrdreg s4  }
0xaa: {  	[dreg:$0x4] =	wrdreg $0xC0  }
0xab: {  	_ =	task [dreg:s6], $0x5FFFF  }
0xac: {  	[dreg:$0x1] =	wrdreg $0xFFFFFFFF  }
0xad: {  	[dreg:$0x0] =	wrdreg $0x60  }
0xae: {  	[dreg:$0x2] =	wrdreg s24  }
0xaf: {  	[dreg:$0x3] =	wrdreg $0x0  }
0xb0: {  	[dreg:$0x4] =	wrdreg $0x9  }
0xb1: {  	_ =	task.clear_ibuf [dreg:s6], $0x5FFFF;
	_ =	strace $0x9000004C  }
0xb2: {  	s29 =	simm.s32 $0x9;
	_ =	strace $0x8000004E  }
0xb3: {  	_ =	swait.ge [sflag:s29], $0x1  }
0xb4: {  	[sflag:s29] =	ssyncadd.s32 $0xFFFFFFFF  }
0xb5: {  	_ =	strace $0x9000004E  }
0xb6: {  	_ =	sfence  }
0xb7: {  	s30 =	sld [smem:$0x0];
	_ =	sdelay $0x2  }
0xb8: {  	s31 =	sshll.u32 s1, $0xD;
	s1 =	sshrl.u32 s1, $0x2  }
0xb9: {  	s3 =	sand.u32 $0x4000, s31;
	s1 =	sadd.s32 s1, s30  }
0xba: {  	s0 =	sor.u32 s3, s0;
	s1 =	sshll.u32 s1, $0x11  }
0xbb: {  	s0 =	sor.u32 s1, s0  }
0xbc: {  	s0 =	sadd.s32 $0x8F2B, s0  }
0xbd: {  	[sflag:s0] =	ssyncadd.remote.s32 $0x1  }
0xbe: {  	_ =	sfence.sel $0xFFFF  }
0xbf: {  	[dreg:$0x0] =	wrdreg $0xFFFFFFFF;
	(pc) =	sbr.abs _section_cstart, $3  }
0xc0: {  	[dreg:$0x1] =	wrdreg $0xFFFFFFFF  }
0xc1: {  	_ =	task.clear_ibuf [dreg:s6], $0x2FFFF;
	_ =	strace $0x9FFFFFFF  }
0xc2: {  	(tm) =	ssettm $0x7FFFFFFF  }
0xc3: {  	_ =	shalt  }
tec
execute0_lowered:
.L_overlay_start_1:
0x0: {  	(tag) =	ssettag $0x1  }
0x1: {  	s14 =	rddreg [dreg:$0x0]  }
0x2: {  	s0 =	srdreg.scid;
	s2 =	rddreg [dreg:$0x1]  }
0x3: {  	s3 =	simm.s32 $0x0;
	s11 =	sand.u32 $0x1, s0;
	s0 =	stileid.u32  }
0x4: {  	s19 =	simm.s32 $0xC080;
	s20 =	simm.s32 $0x8000;
	s6 =	smul.u32 $0x5400, s0  }
0x5: {  	s21 =	simm.s32 $0x80;
	s22 =	simm.s32 $0x8080;
	s7 =	smul.u32 $0x150000, s11  }
0x6: {  	s23 =	simm.s32 $0x1;
	s24 =	simm.s32 $0x0;
	s10 =	smul.u32 $0x15000, s0  }
0x7: {  	[smem:$0x7FF] =	sst s3;
	s1 =	sshll.u32 s11, $0x4;
	s17 =	smul.u32 $0x5000, s11  }
0x8: {  	s31 =	ssub.s32 $0x2, s11;
	s18 =	smul.u32 $0x500, s0;
	s4 =	sor.u32 s0, s1  }
0x9: {  	s1 =	rddreg [dreg:$0x2];
	_ =	strace $0x8000004D;
	s12 =	sshrl.u32 s31, $0x1  }
0xa: {  	s5 =	smul.u32 $0x500, s4;
	s4 =	sadd.s32 $0x68000, s14;
	s9 =	sshrl.u32 s6, $0x3  }
0xb: {  	s6 =	sadd.s32 s6, s7;
	s16 =	ssub.s32 s31, s12;
	s10 =	sshrl.u32 s10, $0x2  }
0xc: {  	s12 =	sadd.s32 $0x54000, s14;
	s17 =	sadd.s32 s18, s17;
	s18 =	simm.s32 $0x2  }
0xd: {  	s9 =	sadd.s32 s9, s14;
	s6 =	sshrl.u32 s6, $0x3;
	s16 =	smax.u32 s16, $0x1  }
0xe: {  	s8 =	sadd.s32 s5, s14;
	s5 =	sadd.s32 $0x40000, s14;
	s15 =	sadd.s32 s6, s14  }
0xf: {  	s7 =	sadd.s32 $0x90000, s9;
	s6 =	sadd.s32 $0xDC00, s8;
	s8 =	sadd.s32 s10, s2  }
0x10: {  	s9 =	sadd.s32 $0xF4800, s15;
	s10 =	sadd.s32 $0x4A000, s14;
	s11 =	sadd.s32 $0xFF000, s15  }
0x11: {  	s13 =	sadd.s32 $0x109800, s15;
	s14 =	sadd.s32 $0x5E000, s14;
	s15 =	sadd.s32 $0x114000, s15  }
.LBB2_1:
0x12: {  	s25 =	simm.s32 $0x5400  }
0x13: {  	[tilespmem:s25], [sflag:$0x2] =	stream.linear.gather [hbm4b:s6+s3], $0x2C00, $0x38;
	[tilespmem:$0x11480] =	vst v63  }
0x14: {  	_ =	swait.ge [sflag:s18], $0x2C00  }
0x15: {  	[sflag:s18] =	ssyncset.done $0x0  }
0x16: {  	[sflag:s18] =	ssyncadd.s32 $0xFFFFD400  }
0x17: {  	[tilespmem:s19], [sflag:$0x2] =	stream.linear.gather [hbm4b:s7+s3], $0x5400, $0x38;
	[tilespmem:$0x11480] =	vst v63  }
0x18: {  	_ =	swait.ge [sflag:s18], $0x5400  }
0x19: {  	[sflag:s18] =	ssyncset.done $0x0  }
0x1a: {  	[sflag:s18] =	ssyncadd.s32 $0xFFFFAC00  }
0x1b: {  	[spmem:s8] =	stream.linear.scatter [tilespmem:s19], [sflag:$0x2], $0x5400, $0x38;
	[tilespmem:$0x11480] =	vst v63  }
0x1c: {  	_ =	swait.ge [sflag:s18], $0x5400  }
0x1d: {  	s26 =	sadd.s32 $0x0, s17;
	s28 =	sand.u32 $0x70, s3;
	[sflag:s18] =	ssyncset.done $0x0  }
0x1e: {  	s26 =	sand.u32 $0xFFFFF80, s26;
	s28 =	sadd.s32 s5, s28;
	[sflag:s18] =	ssyncadd.s32 $0xFFFFAC00  }
0x1f: {  	s26 =	sadd.s32 s26, s28;
	[bflag:$0x0] =	sbarrier.arrive $0xFFFF  }
0x20: {  	[tilespmem:s20], [sflag:$0x2] =	stream.linear.gather [hbm4b:s26+s3], $0x80, $0x38;
	[tilespmem:$0x11480] =	vst v63  }
0x21: {  	_ =	swait.ge [sflag:s18], $0x80  }
0x22: {  	[sflag:s18] =	ssyncset.done $0x0  }
0x23: {  	[sflag:s18] =	ssyncadd.s32 $0xFFFFFF80  }
0x24: {  	[tilespmem:s22], [sflag:$0x1] =	stream.indirect.gather [hbm4b:s4+s21], $0x80, s25, s21, $0xb8;
	[tilespmem:$0x11480] =	vst v63  }
0x25: {  	_ =	swait.ge [sflag:s23], $0x4000  }
0x26: {  	s28 =	simm.s32 $0x10;
	[sflag:s23] =	ssyncset.done $0x0  }
0x27: {  	s29 =	sadd.s32 $0x10, s17;
	s30 =	sand.u32 $0x70, s28;
	[sflag:s23] =	ssyncadd.s32 $0xFFFFC000  }
0x28: {  	[spmem:s2] =	stream.indirect.scatter.add.f32 [tilespmem:s22], [sflag:$0x2], $0x80, s20, s21, $0xb8;
	[tilespmem:$0x11480] =	vst v63  }
0x29: {  	s28 =	sand.u32 $0xFFFFF80, s29;
	s29 =	sadd.s32 s5, s30;
	_ =	swait.ge [sflag:s18], $0x4000  }
0x2a: {  	s26 =	simm.s32 $0x20;
	s25 =	simm.s32 $0x5480;
	[sflag:s18] =	ssyncset.done $0x0  }
.LBB2_2:
0x2b: {  	s28 =	sadd.s32 s28, s29  }
0x2c: {  	[sflag:s18] =	ssyncadd.s32 $0xFFFFC000;
	s29 =	smov.u32 s26;
	s30 =	sadd.s32 $0x10, s26  }
0x2d: {  	[tilespmem:s20], [sflag:$0x2] =	stream.linear.gather [hbm4b:s28+s3], $0x80, $0x38;
	[tilespmem:$0x11480] =	vst v63  }
0x2e: {  	p0 =	sne.s32 s26, $0x4F0;
	_ =	swait.ge [sflag:s18], $0x80  }
0x2f: {  	[sflag:s18] =	ssyncset.done $0x0  }
0x30: {  	[sflag:s18] =	ssyncadd.s32 $0xFFFFFF80  }
0x31: {  	[tilespmem:s22], [sflag:$0x1] =	stream.indirect.gather [hbm4b:s4+s21], $0x80, s25, s21, $0xb8;
	[tilespmem:$0x11480] =	vst v63  }
0x32: {  	_ =	swait.ge [sflag:s23], $0x4000  }
.Ltmp0:
0x33: {  	[sflag:s23] =	ssyncset.done $0x0;
	(pc) =	sbr.rel @p0 .LBB2_2-.Ltmp0, $4  }
0x34: {  	s26 =	sadd.s32 s29, s17;
	s25 =	sadd.s32 $0x80, s25;
	[sflag:s23] =	ssyncadd.s32 $0xFFFFC000  }
0x35: {  	[spmem:s2] =	stream.indirect.scatter.add.f32 [tilespmem:s22], [sflag:$0x2], $0x80, s20, s21, $0xb8;
	[tilespmem:$0x11480] =	vst v63  }
0x36: {  	s29 =	sand.u32 $0x70, s29;
	s28 =	sand.u32 $0xFFFFF80, s26;
	_ =	swait.ge [sflag:s18], $0x4000  }
0x37: {  	s29 =	sadd.s32 s5, s29;
	s26 =	smov.u32 s30;
	[sflag:s18] =	ssyncset.done $0x0  }
0x38: {  	s26 =	sadd.s32 s28, s29;
	[sflag:s18] =	ssyncadd.s32 $0xFFFFC000  }
0x39: {  	[tilespmem:s20], [sflag:$0x2] =	stream.linear.gather [hbm4b:s26+s3], $0x80, $0x38;
	[tilespmem:$0x11480] =	vst v63  }
0x3a: {  	_ =	swait.ge [sflag:s18], $0x80  }
0x3b: {  	[sflag:s18] =	ssyncset.done $0x0  }
0x3c: {  	[sflag:s18] =	ssyncadd.s32 $0xFFFFFF80  }
0x3d: {  	[tilespmem:s22], [sflag:$0x1] =	stream.indirect.gather [hbm4b:s4+s21], $0x80, s25, s21, $0xb8;
	[tilespmem:$0x11480] =	vst v63  }
0x3e: {  	_ =	swait.ge [sflag:s23], $0x4000  }
0x3f: {  	[sflag:s23] =	ssyncset.done $0x0  }
0x40: {  	[sflag:s23] =	ssyncadd.s32 $0xFFFFC000  }
0x41: {  	[spmem:s2] =	stream.indirect.scatter.add.f32 [tilespmem:s22], [sflag:$0x2], $0x80, s20, s21, $0xb8;
	[tilespmem:$0x11480] =	vst v63  }
0x42: {  	_ =	swait.ge [sflag:s18], $0x4000  }
0x43: {  	[sflag:s18] =	ssyncset.done $0x0  }
0x44: {  	[sflag:s18] =	ssyncadd.s32 $0xFFFFC000  }
0x45: {  	[bflag:$0x0] =	sbarrier.arrive $0xFFFF  }
0x46: {  	[tilespmem:s19], [sflag:$0x2] =	stream.linear.gather [spmem:s8], $0x5400, $0x38;
	[tilespmem:$0x11480] =	vst v63  }
0x47: {  	_ =	swait.ge [sflag:s18], $0x5400  }
0x48: {  	[sflag:s18] =	ssyncset.done $0x0  }
0x49: {  	s26 =	simm.s32 $0x0;
	[sflag:s18] =	ssyncadd.s32 $0xFFFFAC00  }
0x4a: {  	[hbm4b:s9+s26] =	stream.linear.scatter [tilespmem:s19], [sflag:$0x2], $0x5400, $0x38;
	[tilespmem:$0x11480] =	vst v63  }
0x4b: {  	_ =	swait.ge [sflag:s18], $0x5400  }
0x4c: {  	[sflag:s18] =	ssyncset.done $0x0  }
0x4d: {  	[sflag:s18] =	ssyncadd.s32 $0xFFFFAC00  }
0x4e: {  	[bflag:$0x0] =	sbarrier.arrive $0xFFFF  }
0x4f: {  	[tilespmem:s19], [sflag:$0x2] =	stream.linear.gather [hbm4b:s7+s26], $0x5400, $0x38;
	[tilespmem:$0x11480] =	vst v63  }
0x50: {  	_ =	swait.ge [sflag:s18], $0x5400  }
0x51: {  	[sflag:s18] =	ssyncset.done $0x0  }
0x52: {  	[sflag:s18] =	ssyncadd.s32 $0xFFFFAC00  }
0x53: {  	[spmem:s8] =	stream.linear.scatter [tilespmem:s19], [sflag:$0x2], $0x5400, $0x38;
	[tilespmem:$0x11480] =	vst v63  }
0x54: {  	_ =	swait.ge [sflag:s18], $0x5400  }
0x55: {  	s30 =	sadd.s32 $0x0, s17;
	s25 =	sand.u32 $0x70, s26;
	[sflag:s18] =	ssyncset.done $0x0  }
0x56: {  	s25 =	sadd.s32 s25, s10;
	s26 =	sand.u32 $0xFFFFF80, s30;
	[sflag:s18] =	ssyncadd.s32 $0xFFFFAC00  }
0x57: {  	s25 =	sadd.s32 s26, s25;
	[bflag:$0x0] =	sbarrier.arrive $0xFFFF  }
0x58: {  	[tilespmem:s20], [sflag:$0x2] =	stream.linear.gather [hbm4b:s25+s3], $0x80, $0x38;
	[tilespmem:$0x11480] =	vst v63  }
0x59: {  	_ =	swait.ge [sflag:s18], $0x80  }
0x5a: {  	[sflag:s18] =	ssyncset.done $0x0  }
0x5b: {  	s31 =	simm.s32 $0x5400;
	[sflag:s18] =	ssyncadd.s32 $0xFFFFFF80  }
0x5c: {  	[tilespmem:s22], [sflag:$0x1] =	stream.indirect.gather [hbm4b:s4+s21], $0x80, s31, s21, $0xb8;
	[tilespmem:$0x11480] =	vst v63  }
0x5d: {  	_ =	swait.ge [sflag:s23], $0x4000  }
0x5e: {  	s28 =	simm.s32 $0x10;
	[sflag:s23] =	ssyncset.done $0x0  }
0x5f: {  	s29 =	sadd.s32 $0x10, s17;
	s30 =	sand.u32 $0x70, s28;
	[sflag:s23] =	ssyncadd.s32 $0xFFFFC000  }
0x60: {  	[spmem:s2] =	stream.indirect.scatter.add.f32 [tilespmem:s22], [sflag:$0x2], $0x80, s20, s21, $0xb8;
	[tilespmem:$0x11480] =	vst v63  }
0x61: {  	s28 =	sand.u32 $0xFFFFF80, s29;
	s26 =	simm.s32 $0x20;
	_ =	swait.ge [sflag:s18], $0x4000  }
0x62: {  	s29 =	sadd.s32 s30, s10;
	s25 =	simm.s32 $0x5480;
	[sflag:s18] =	ssyncset.done $0x0  }
.LBB2_4:
0x63: {  	s28 =	sadd.s32 s28, s29  }
0x64: {  	[sflag:s18] =	ssyncadd.s32 $0xFFFFC000;
	s29 =	smov.u32 s26;
	s30 =	sadd.s32 $0x10, s26  }
0x65: {  	[tilespmem:s20], [sflag:$0x2] =	stream.linear.gather [hbm4b:s28+s3], $0x80, $0x38;
	[tilespmem:$0x11480] =	vst v63  }
0x66: {  	p0 =	sne.s32 s26, $0x4F0;
	_ =	swait.ge [sflag:s18], $0x80  }
0x67: {  	[sflag:s18] =	ssyncset.done $0x0  }
0x68: {  	[sflag:s18] =	ssyncadd.s32 $0xFFFFFF80  }
0x69: {  	[tilespmem:s22], [sflag:$0x1] =	stream.indirect.gather [hbm4b:s4+s21], $0x80, s25, s21, $0xb8;
	[tilespmem:$0x11480] =	vst v63  }
0x6a: {  	_ =	swait.ge [sflag:s23], $0x4000  }
.Ltmp1:
0x6b: {  	[sflag:s23] =	ssyncset.done $0x0;
	(pc) =	sbr.rel @p0 .LBB2_4-.Ltmp1, $4  }
0x6c: {  	s26 =	sadd.s32 s29, s17;
	s25 =	sadd.s32 $0x80, s25;
	[sflag:s23] =	ssyncadd.s32 $0xFFFFC000  }
0x6d: {  	[spmem:s2] =	stream.indirect.scatter.add.f32 [tilespmem:s22], [sflag:$0x2], $0x80, s20, s21, $0xb8;
	[tilespmem:$0x11480] =	vst v63  }
0x6e: {  	s29 =	sand.u32 $0x70, s29;
	s28 =	sand.u32 $0xFFFFF80, s26;
	_ =	swait.ge [sflag:s18], $0x4000  }
0x6f: {  	s29 =	sadd.s32 s29, s10;
	s26 =	smov.u32 s30;
	[sflag:s18] =	ssyncset.done $0x0  }
0x70: {  	s26 =	sadd.s32 s28, s29;
	[sflag:s18] =	ssyncadd.s32 $0xFFFFC000  }
0x71: {  	[tilespmem:s20], [sflag:$0x2] =	stream.linear.gather [hbm4b:s26+s3], $0x80, $0x38;
	[tilespmem:$0x11480] =	vst v63  }
0x72: {  	_ =	swait.ge [sflag:s18], $0x80  }
0x73: {  	[sflag:s18] =	ssyncset.done $0x0  }
0x74: {  	[sflag:s18] =	ssyncadd.s32 $0xFFFFFF80  }
0x75: {  	[tilespmem:s22], [sflag:$0x1] =	stream.indirect.gather [hbm4b:s4+s21], $0x80, s25, s21, $0xb8;
	[tilespmem:$0x11480] =	vst v63  }
0x76: {  	_ =	swait.ge [sflag:s23], $0x4000  }
0x77: {  	[sflag:s23] =	ssyncset.done $0x0  }
0x78: {  	[sflag:s23] =	ssyncadd.s32 $0xFFFFC000  }
0x79: {  	[spmem:s2] =	stream.indirect.scatter.add.f32 [tilespmem:s22], [sflag:$0x2], $0x80, s20, s21, $0xb8;
	[tilespmem:$0x11480] =	vst v63  }
0x7a: {  	_ =	swait.ge [sflag:s18], $0x4000  }
0x7b: {  	[sflag:s18] =	ssyncset.done $0x0  }
0x7c: {  	[sflag:s18] =	ssyncadd.s32 $0xFFFFC000  }
0x7d: {  	[bflag:$0x0] =	sbarrier.arrive $0xFFFF  }
0x7e: {  	[tilespmem:s19], [sflag:$0x2] =	stream.linear.gather [spmem:s8], $0x5400, $0x38;
	[tilespmem:$0x11480] =	vst v63  }
0x7f: {  	_ =	swait.ge [sflag:s18], $0x5400  }
0x80: {  	[sflag:s18] =	ssyncset.done $0x0  }
0x81: {  	s26 =	simm.s32 $0x0;
	[sflag:s18] =	ssyncadd.s32 $0xFFFFAC00  }
0x82: {  	[hbm4b:s11+s26] =	stream.linear.scatter [tilespmem:s19], [sflag:$0x2], $0x5400, $0x38;
	[tilespmem:$0x11480] =	vst v63  }
0x83: {  	_ =	swait.ge [sflag:s18], $0x5400  }
0x84: {  	[sflag:s18] =	ssyncset.done $0x0  }
0x85: {  	[sflag:s18] =	ssyncadd.s32 $0xFFFFAC00  }
0x86: {  	[bflag:$0x0] =	sbarrier.arrive $0xFFFF  }
0x87: {  	[tilespmem:s19], [sflag:$0x2] =	stream.linear.gather [hbm4b:s7+s26], $0x5400, $0x38;
	[tilespmem:$0x11480] =	vst v63  }
0x88: {  	_ =	swait.ge [sflag:s18], $0x5400  }
0x89: {  	[sflag:s18] =	ssyncset.done $0x0  }
0x8a: {  	[sflag:s18] =	ssyncadd.s32 $0xFFFFAC00  }
0x8b: {  	[spmem:s8] =	stream.linear.scatter [tilespmem:s19], [sflag:$0x2], $0x5400, $0x38;
	[tilespmem:$0x11480] =	vst v63  }
0x8c: {  	_ =	swait.ge [sflag:s18], $0x5400  }
0x8d: {  	s30 =	sadd.s32 $0x0, s17;
	s25 =	sand.u32 $0x70, s26;
	[sflag:s18] =	ssyncset.done $0x0  }
0x8e: {  	s25 =	sadd.s32 s25, s12;
	s26 =	sand.u32 $0xFFFFF80, s30;
	[sflag:s18] =	ssyncadd.s32 $0xFFFFAC00  }
0x8f: {  	s25 =	sadd.s32 s26, s25;
	[bflag:$0x0] =	sbarrier.arrive $0xFFFF  }
0x90: {  	[tilespmem:s20], [sflag:$0x2] =	stream.linear.gather [hbm4b:s25+s3], $0x80, $0x38;
	[tilespmem:$0x11480] =	vst v63  }
0x91: {  	_ =	swait.ge [sflag:s18], $0x80  }
0x92: {  	[sflag:s18] =	ssyncset.done $0x0  }
0x93: {  	s31 =	simm.s32 $0x5400;
	[sflag:s18] =	ssyncadd.s32 $0xFFFFFF80  }
0x94: {  	[tilespmem:s22], [sflag:$0x1] =	stream.indirect.gather [hbm4b:s4+s21], $0x80, s31, s21, $0xb8;
	[tilespmem:$0x11480] =	vst v63  }
0x95: {  	_ =	swait.ge [sflag:s23], $0x4000  }
0x96: {  	s28 =	simm.s32 $0x10;
	[sflag:s23] =	ssyncset.done $0x0  }
0x97: {  	s29 =	sadd.s32 $0x10, s17;
	s30 =	sand.u32 $0x70, s28;
	[sflag:s23] =	ssyncadd.s32 $0xFFFFC000  }
0x98: {  	[spmem:s2] =	stream.indirect.scatter.add.f32 [tilespmem:s22], [sflag:$0x2], $0x80, s20, s21, $0xb8;
	[tilespmem:$0x11480] =	vst v63  }
0x99: {  	s28 =	sand.u32 $0xFFFFF80, s29;
	s26 =	simm.s32 $0x20;
	_ =	swait.ge [sflag:s18], $0x4000  }
0x9a: {  	s29 =	sadd.s32 s30, s12;
	s25 =	simm.s32 $0x5480;
	[sflag:s18] =	ssyncset.done $0x0  }
.LBB2_6:
0x9b: {  	s28 =	sadd.s32 s28, s29  }
0x9c: {  	[sflag:s18] =	ssyncadd.s32 $0xFFFFC000;
	s29 =	smov.u32 s26;
	s30 =	sadd.s32 $0x10, s26  }
0x9d: {  	[tilespmem:s20], [sflag:$0x2] =	stream.linear.gather [hbm4b:s28+s3], $0x80, $0x38;
	[tilespmem:$0x11480] =	vst v63  }
0x9e: {  	p0 =	sne.s32 s26, $0x4F0;
	_ =	swait.ge [sflag:s18], $0x80  }
0x9f: {  	[sflag:s18] =	ssyncset.done $0x0  }
0xa0: {  	[sflag:s18] =	ssyncadd.s32 $0xFFFFFF80  }
0xa1: {  	[tilespmem:s22], [sflag:$0x1] =	stream.indirect.gather [hbm4b:s4+s21], $0x80, s25, s21, $0xb8;
	[tilespmem:$0x11480] =	vst v63  }
0xa2: {  	_ =	swait.ge [sflag:s23], $0x4000  }
.Ltmp2:
0xa3: {  	[sflag:s23] =	ssyncset.done $0x0;
	(pc) =	sbr.rel @p0 .LBB2_6-.Ltmp2, $4  }
0xa4: {  	s26 =	sadd.s32 s29, s17;
	s25 =	sadd.s32 $0x80, s25;
	[sflag:s23] =	ssyncadd.s32 $0xFFFFC000  }
0xa5: {  	[spmem:s2] =	stream.indirect.scatter.add.f32 [tilespmem:s22], [sflag:$0x2], $0x80, s20, s21, $0xb8;
	[tilespmem:$0x11480] =	vst v63  }
0xa6: {  	s29 =	sand.u32 $0x70, s29;
	s28 =	sand.u32 $0xFFFFF80, s26;
	_ =	swait.ge [sflag:s18], $0x4000  }
0xa7: {  	s29 =	sadd.s32 s29, s12;
	s26 =	smov.u32 s30;
	[sflag:s18] =	ssyncset.done $0x0  }
0xa8: {  	s26 =	sadd.s32 s28, s29;
	[sflag:s18] =	ssyncadd.s32 $0xFFFFC000  }
0xa9: {  	[tilespmem:s20], [sflag:$0x2] =	stream.linear.gather [hbm4b:s26+s3], $0x80, $0x38;
	[tilespmem:$0x11480] =	vst v63  }
0xaa: {  	_ =	swait.ge [sflag:s18], $0x80  }
0xab: {  	[sflag:s18] =	ssyncset.done $0x0  }
0xac: {  	[sflag:s18] =	ssyncadd.s32 $0xFFFFFF80  }
0xad: {  	[tilespmem:s22], [sflag:$0x1] =	stream.indirect.gather [hbm4b:s4+s21], $0x80, s25, s21, $0xb8;
	[tilespmem:$0x11480] =	vst v63  }
0xae: {  	_ =	swait.ge [sflag:s23], $0x4000  }
0xaf: {  	[sflag:s23] =	ssyncset.done $0x0  }
0xb0: {  	[sflag:s23] =	ssyncadd.s32 $0xFFFFC000  }
0xb1: {  	[spmem:s2] =	stream.indirect.scatter.add.f32 [tilespmem:s22], [sflag:$0x2], $0x80, s20, s21, $0xb8;
	[tilespmem:$0x11480] =	vst v63  }
0xb2: {  	_ =	swait.ge [sflag:s18], $0x4000  }
0xb3: {  	[sflag:s18] =	ssyncset.done $0x0  }
0xb4: {  	[sflag:s18] =	ssyncadd.s32 $0xFFFFC000  }
0xb5: {  	[bflag:$0x0] =	sbarrier.arrive $0xFFFF  }
0xb6: {  	[tilespmem:s19], [sflag:$0x2] =	stream.linear.gather [spmem:s8], $0x5400, $0x38;
	[tilespmem:$0x11480] =	vst v63  }
0xb7: {  	_ =	swait.ge [sflag:s18], $0x5400  }
0xb8: {  	[sflag:s18] =	ssyncset.done $0x0  }
0xb9: {  	s26 =	simm.s32 $0x0;
	[sflag:s18] =	ssyncadd.s32 $0xFFFFAC00  }
0xba: {  	[hbm4b:s13+s26] =	stream.linear.scatter [tilespmem:s19], [sflag:$0x2], $0x5400, $0x38;
	[tilespmem:$0x11480] =	vst v63  }
0xbb: {  	_ =	swait.ge [sflag:s18], $0x5400  }
0xbc: {  	[sflag:s18] =	ssyncset.done $0x0  }
0xbd: {  	[sflag:s18] =	ssyncadd.s32 $0xFFFFAC00  }
0xbe: {  	[bflag:$0x0] =	sbarrier.arrive $0xFFFF  }
0xbf: {  	[tilespmem:s19], [sflag:$0x2] =	stream.linear.gather [hbm4b:s7+s26], $0x5400, $0x38;
	[tilespmem:$0x11480] =	vst v63  }
0xc0: {  	_ =	swait.ge [sflag:s18], $0x5400  }
0xc1: {  	[sflag:s18] =	ssyncset.done $0x0  }
0xc2: {  	[sflag:s18] =	ssyncadd.s32 $0xFFFFAC00  }
0xc3: {  	[spmem:s8] =	stream.linear.scatter [tilespmem:s19], [sflag:$0x2], $0x5400, $0x38;
	[tilespmem:$0x11480] =	vst v63  }
0xc4: {  	_ =	swait.ge [sflag:s18], $0x5400  }
0xc5: {  	s30 =	sadd.s32 $0x0, s17;
	s25 =	sand.u32 $0x70, s26;
	[sflag:s18] =	ssyncset.done $0x0  }
0xc6: {  	s25 =	sadd.s32 s25, s14;
	s26 =	sand.u32 $0xFFFFF80, s30;
	[sflag:s18] =	ssyncadd.s32 $0xFFFFAC00  }
0xc7: {  	s25 =	sadd.s32 s26, s25;
	[bflag:$0x0] =	sbarrier.arrive $0xFFFF  }
0xc8: {  	[tilespmem:s20], [sflag:$0x2] =	stream.linear.gather [hbm4b:s25+s3], $0x80, $0x38;
	[tilespmem:$0x11480] =	vst v63  }
0xc9: {  	_ =	swait.ge [sflag:s18], $0x80  }
0xca: {  	[sflag:s18] =	ssyncset.done $0x0  }
0xcb: {  	s31 =	simm.s32 $0x5400;
	[sflag:s18] =	ssyncadd.s32 $0xFFFFFF80  }
0xcc: {  	[tilespmem:s22], [sflag:$0x1] =	stream.indirect.gather [hbm4b:s4+s21], $0x80, s31, s21, $0xb8;
	[tilespmem:$0x11480] =	vst v63  }
0xcd: {  	_ =	swait.ge [sflag:s23], $0x4000  }
0xce: {  	s28 =	simm.s32 $0x10;
	[sflag:s23] =	ssyncset.done $0x0  }
0xcf: {  	s29 =	sadd.s32 $0x10, s17;
	s30 =	sand.u32 $0x70, s28;
	[sflag:s23] =	ssyncadd.s32 $0xFFFFC000  }
0xd0: {  	[spmem:s2] =	stream.indirect.scatter.add.f32 [tilespmem:s22], [sflag:$0x2], $0x80, s20, s21, $0xb8;
	[tilespmem:$0x11480] =	vst v63  }
0xd1: {  	s28 =	sand.u32 $0xFFFFF80, s29;
	s26 =	simm.s32 $0x20;
	_ =	swait.ge [sflag:s18], $0x4000  }
0xd2: {  	s29 =	sadd.s32 s30, s14;
	s25 =	simm.s32 $0x5480;
	[sflag:s18] =	ssyncset.done $0x0  }
.LBB2_8:
0xd3: {  	s28 =	sadd.s32 s28, s29  }
0xd4: {  	[sflag:s18] =	ssyncadd.s32 $0xFFFFC000;
	s29 =	smov.u32 s26;
	s30 =	sadd.s32 $0x10, s26  }
0xd5: {  	[tilespmem:s20], [sflag:$0x2] =	stream.linear.gather [hbm4b:s28+s3], $0x80, $0x38;
	[tilespmem:$0x11480] =	vst v63  }
0xd6: {  	p0 =	sne.s32 s26, $0x4F0;
	_ =	swait.ge [sflag:s18], $0x80  }
0xd7: {  	[sflag:s18] =	ssyncset.done $0x0  }
0xd8: {  	[sflag:s18] =	ssyncadd.s32 $0xFFFFFF80  }
0xd9: {  	[tilespmem:s22], [sflag:$0x1] =	stream.indirect.gather [hbm4b:s4+s21], $0x80, s25, s21, $0xb8;
	[tilespmem:$0x11480] =	vst v63  }
0xda: {  	_ =	swait.ge [sflag:s23], $0x4000  }
.Ltmp3:
0xdb: {  	[sflag:s23] =	ssyncset.done $0x0;
	(pc) =	sbr.rel @p0 .LBB2_8-.Ltmp3, $4  }
0xdc: {  	s26 =	sadd.s32 s29, s17;
	s25 =	sadd.s32 $0x80, s25;
	[sflag:s23] =	ssyncadd.s32 $0xFFFFC000  }
0xdd: {  	[spmem:s2] =	stream.indirect.scatter.add.f32 [tilespmem:s22], [sflag:$0x2], $0x80, s20, s21, $0xb8;
	[tilespmem:$0x11480] =	vst v63  }
0xde: {  	s29 =	sand.u32 $0x70, s29;
	s28 =	sand.u32 $0xFFFFF80, s26;
	_ =	swait.ge [sflag:s18], $0x4000  }
0xdf: {  	s29 =	sadd.s32 s29, s14;
	s26 =	smov.u32 s30;
	[sflag:s18] =	ssyncset.done $0x0  }
0xe0: {  	s26 =	sadd.s32 s28, s29;
	[sflag:s18] =	ssyncadd.s32 $0xFFFFC000  }
0xe1: {  	[tilespmem:s20], [sflag:$0x2] =	stream.linear.gather [hbm4b:s26+s3], $0x80, $0x38;
	[tilespmem:$0x11480] =	vst v63  }
0xe2: {  	_ =	swait.ge [sflag:s18], $0x80  }
0xe3: {  	[sflag:s18] =	ssyncset.done $0x0  }
0xe4: {  	[sflag:s18] =	ssyncadd.s32 $0xFFFFFF80  }
0xe5: {  	[tilespmem:s22], [sflag:$0x1] =	stream.indirect.gather [hbm4b:s4+s21], $0x80, s25, s21, $0xb8;
	[tilespmem:$0x11480] =	vst v63  }
0xe6: {  	_ =	swait.ge [sflag:s23], $0x4000  }
0xe7: {  	[sflag:s23] =	ssyncset.done $0x0  }
0xe8: {  	[sflag:s23] =	ssyncadd.s32 $0xFFFFC000  }
0xe9: {  	[spmem:s2] =	stream.indirect.scatter.add.f32 [tilespmem:s22], [sflag:$0x2], $0x80, s20, s21, $0xb8;
	[tilespmem:$0x11480] =	vst v63  }
0xea: {  	_ =	swait.ge [sflag:s18], $0x4000  }
0xeb: {  	[sflag:s18] =	ssyncset.done $0x0  }
0xec: {  	[sflag:s18] =	ssyncadd.s32 $0xFFFFC000  }
0xed: {  	[bflag:$0x0] =	sbarrier.arrive $0xFFFF  }
0xee: {  	[tilespmem:s19], [sflag:$0x2] =	stream.linear.gather [spmem:s8], $0x5400, $0x38;
	[tilespmem:$0x11480] =	vst v63  }
0xef: {  	_ =	swait.ge [sflag:s18], $0x5400  }
0xf0: {  	s24 =	sadd.s32 $0x1, s24;
	[sflag:s18] =	ssyncset.done $0x0  }
0xf1: {  	p0 =	sne.s32 s24, s16;
	[sflag:s18] =	ssyncadd.s32 $0xFFFFAC00  }
0xf2: {  	[hbm4b:s15+s3] =	stream.linear.scatter [tilespmem:s19], [sflag:$0x2], $0x5400, $0x38;
	[tilespmem:$0x11480] =	vst v63  }
.Ltmp4:
0xf3: {  	_ =	swait.ge [sflag:s18], $0x5400;
	(pc) =	sbr.rel @p0 .LBB2_1-.Ltmp4, $3  }
0xf4: {  	[sflag:s18] =	ssyncset.done $0x0  }
0xf5: {  	[sflag:s18] =	ssyncadd.s32 $0xFFFFAC00  }
0xf6: {  	[bflag:$0x0] =	sbarrier.arrive $0xFFFF;
	_ =	sdelay $0x1  }
0xf7: {  	_ =	sfence.sel $0x180000  }
0xf8: {  	[bflag:$0x0] =	sbarrier.arrive $0xFFFF  }
0xf9: {  	p0 =	sne.s32 s0, $0x0;
	_ =	strace $0x9000004D  }
0xfa: {  	s0 =	sadd.s32 @!p0 $0x100000, s1;
	[bflag:$0x2] =	sbarrier.arrive $0xFFFF  }
0xfb: {  	[sflag:s0] =	ssyncadd.tile.s32 @!p0 $0x1;
	_ =	shalt  }
.Lfunc_end2:
_tile_overlayer_lowered:
.L_overlay_start_2:
0xfc: {  	(tag) =	ssettag $0x2  }
0xfd: {  	s0 =	rddreg [dreg:$0x0];
	s2 =	stileid.u32  }
0xfe: {  	s1 =	rddreg [dreg:$0x1];
	p0 =	sne.s32 s2, $0x0  }
0xff: {  	s3 =	rddreg [dreg:$0x2];
	[bflag:$0x3] =	sbarrier.arrive $0xFFFF;
	s2 =	simm.s32 @!p0 $0x1C02  }
0x100: {  	[timem:s3], [sflag:s2] =	dma.local @!p0 [hbm:s0], s1  }
0x101: {  	s0 =	simm.s32 @!p0 $0x2  }
0x102: {  	_ =	swait.ge @!p0 [sflag:s0], s1  }
0x103: {  	s1 =	ssub.s32 @!p0 $0x0, s1;
	[sflag:s0] =	ssyncset.done @!p0 $0x0  }
0x104: {  	[sflag:s0] =	ssyncadd.s32 @!p0 s1  }
0x105: {  	[bflag:$0x3] =	sbarrier.arrive $0xFFFF  }
0x106: {  	_ =	shalt  }

// kernel: kernel.8.cloned.1.call-start
scs
__scs_entry_jumppad:
0x0: {  	(pc) =	sbr.rel $0x88, $3  }
0x1: {  	(tag) =	ssettag $0x0;
	lr =	simm.s32 $0x1  }
0x2: {  	[smem:$0x3F96] =	sst lr;
	_ =	strace $0xD0000000  }
0x3: {  	_ = 	snop  }
0x4: {  	_ = 	snop  }
0x5: {  	_ = 	snop  }
0x6: {  	_ = 	snop  }
0x7: {  	_ = 	snop  }
__scs_overlays_trampoline_lowered:
0x8: {  	[smem:$0x3FA5] =	sst s0  }
0x9: {  	[smem:$0x3FA6] =	sst s1  }
0xa: {  	[smem:$0x3FA7] =	sst s2  }
0xb: {  	[smem:$0x3FA8] =	sst s3  }
0xc: {  	[smem:$0x3FA9] =	sst s4  }
0xd: {  	[smem:$0x3FAA] =	sst s5  }
0xe: {  	[smem:$0x3FAB] =	sst s6  }
0xf: {  	[smem:$0x3FAC] =	sst s7  }
0x10: {  	[smem:$0x3FAD] =	sst s8  }
0x11: {  	[smem:$0x3FAE] =	sst s9;
	s0 =	simm.s32 @!p0 $0x0  }
0x12: {  	s1 =	sld [smem:$0x3F94];
	s0 =	simm.s32 @p0 $0x1  }
0x13: {  	[smem:$0x3FAF] =	sst s0;
	s0 =	simm.s32 @!p1 $0x0  }
0x14: {  	s2 =	sld [smem:$0x3F93];
	s0 =	simm.s32 @p1 $0x1  }
0x15: {  	[smem:$0x3FB0] =	sst s0;
	s0 =	simm.s32 @!p2 $0x0  }
0x16: {  	s3 =	sld [smem:$0x3FDB];
	s0 =	simm.s32 @p2 $0x1  }
0x17: {  	s4 =	simm.s32 $0x1BF5;
	[smem:$0x3FB2] =	sst s0  }
0x18: {  	s0 =	sld [smem:$0x3F95];
	_ =	swait.ge [sflag:s4], $0x0  }
0x19: {  	s7 =	sld [smem:$0x3F96]  }
0x1a: {  	s8 =	sadd.s32 $0xFFFFE003, lr  }
0x1b: {  	s9 =	sadd.s32 $0xFFFFFEF7, lr;
	s5 =	simm.s32 $0xFFFFFFFF;
	p2 =	slt.u32 s8, $0xFFFFF086  }
0x1c: {  	p1 =	slt.u32 s9, $0xF7A;
	s5 =	simm.s32 @!p2 $0x0  }
0x1d: {  	s5 =	simm.s32 @p1 $0x1;
	p0 =	seq.s32 s7, s2  }
0x1e: {  	s7 =	smul.u32 @!p0 $0xF7A, s2;
	p2 =	seq.s32 @!p0 s5, $0x0  }
0x1f: {  	s9 =	smul.u32 $0xF7A, s1;
	s8 =	simm.s32 @!p0 $0x1BF5;
	p2 =	por !p2, p0  }
0x20: {  	[sflag:s8] =	ssyncset.s32 @!p0 $0xFFFFF086;
	s6 =	sadd.s32 @!p0 s3, s7;
	s7 =	simm.s32 @!p0 $0x108  }
0x21: {  	s3 =	sadd.s32 s3, s9;
	s6 =	sadd.s32 @!p0 $0x88, s6;
	s7 =	simm.s32 @p2 $0x1082  }
0x22: {  	[simem:s7], [sflag:s8] =	dma.local @!p0 [hbm:s6], $0xF7A  }
0x23: {  	s9 =	sor.u32 $0xD0000000, s2;
	s6 =	simm.s32 $0x108;
	_ =	swait.ge @!p0 [sflag:s8], $0x0  }
0x24: {  	s3 =	sadd.s32 $0x88, s3;
	s6 =	simm.s32 @!p1 $0x1082;
	[sflag:s4] =	ssyncset.s32 $0xFFFFF086  }
0x25: {  	[simem:s6], [sflag:s4] =	dma.local [hbm:s3], $0xF7A  }
0x26: {  	[smem:$0x3F96] =	sst s1;
	(tag) =	ssettag s2;
	_ =	strace s9  }
0x27: {  	s1 =	sld [smem:$0x3FA6]  }
0x28: {  	s2 =	sld [smem:$0x3FA7]  }
0x29: {  	s4 =	sld [smem:$0x3FA9]  }
0x2a: {  	p0 =	seq.s32 s5, $0x0;
	s5 =	sld [smem:$0x3FAA]  }
0x2b: {  	s6 =	sld [smem:$0x3FAB]  }
0x2c: {  	s7 =	sld [smem:$0x3FAC]  }
0x2d: {  	s3 =	simm.s32 $0x108;
	s8 =	sld [smem:$0x3FAD]  }
0x2e: {  	s3 =	simm.s32 @!p0 $0x1082;
	s9 =	sld [smem:$0x3FAE]  }
0x2f: {  	lr =	sadd.s32 s0, s3;
	s0 =	sld [smem:$0x3FA5]  }
0x30: {  	s3 =	sld [smem:$0x3FA8]  }
0x31: {  	[smem:$0x3FB1] =	sst s10  }
0x32: {  	s10 =	sld [smem:$0x3FAF];
	_ =	sdelay $0x3  }
0x33: {  	p0 =	seq.s32 s10, $0x1;
	s10 =	sld [smem:$0x3FB1];
	_ =	sdelay $0x3  }
0x34: {  	[smem:$0x3FB1] =	sst s10  }
0x35: {  	s10 =	sld [smem:$0x3FB0];
	_ =	sdelay $0x3  }
0x36: {  	p1 =	seq.s32 s10, $0x1;
	s10 =	sld [smem:$0x3FB1];
	_ =	sdelay $0x3  }
0x37: {  	[smem:$0x3FB1] =	sst s10  }
0x38: {  	s10 =	sld [smem:$0x3FB2]  }
0x39: {  	_ = 	snop;
	(pc) =	sbr.ind lr, $3  }
0x3a: {  	_ = 	snop  }
0x3b: {  	_ = 	snop  }
0x3c: {  	p2 =	seq.s32 s10, $0x1;
	s10 =	sld [smem:$0x3FB1]  }
0x3d: {  	_ =	shalt  }
0x3e: {  	_ =	shalt  }
0x3f: {  	_ =	shalt  }
0x40: {  	_ =	shalt  }
0x41: {  	_ =	shalt  }
0x42: {  	_ =	shalt  }
0x43: {  	_ =	shalt  }
0x44: {  	_ =	shalt  }
0x45: {  	_ =	shalt  }
0x46: {  	_ =	shalt  }
0x47: {  	_ =	shalt  }
0x48: {  	_ =	shalt  }
0x49: {  	_ =	shalt  }
0x4a: {  	_ =	shalt  }
0x4b: {  	_ =	shalt  }
0x4c: {  	_ =	shalt  }
0x4d: {  	_ =	shalt  }
0x4e: {  	_ =	shalt  }
0x4f: {  	_ =	shalt  }
0x50: {  	_ =	shalt  }
0x51: {  	_ =	shalt  }
0x52: {  	_ =	shalt  }
0x53: {  	_ =	shalt  }
0x54: {  	_ =	shalt  }
0x55: {  	_ =	shalt  }
0x56: {  	_ =	shalt  }
0x57: {  	_ =	shalt  }
0x58: {  	_ =	shalt  }
0x59: {  	_ =	shalt  }
0x5a: {  	_ =	shalt  }
0x5b: {  	_ =	shalt  }
0x5c: {  	_ =	shalt  }
0x5d: {  	_ =	shalt  }
0x5e: {  	_ =	shalt  }
0x5f: {  	_ =	shalt  }
0x60: {  	_ =	shalt  }
0x61: {  	_ =	shalt  }
0x62: {  	_ =	shalt  }
0x63: {  	_ =	shalt  }
0x64: {  	_ =	shalt  }
0x65: {  	_ =	shalt  }
0x66: {  	_ =	shalt  }
0x67: {  	_ =	shalt  }
0x68: {  	_ =	shalt  }
0x69: {  	_ =	shalt  }
0x6a: {  	_ =	shalt  }
0x6b: {  	_ =	shalt  }
0x6c: {  	_ =	shalt  }
0x6d: {  	_ =	shalt  }
0x6e: {  	_ =	shalt  }
0x6f: {  	_ =	shalt  }
0x70: {  	_ =	shalt  }
0x71: {  	_ =	shalt  }
0x72: {  	_ =	shalt  }
0x73: {  	_ =	shalt  }
0x74: {  	_ =	shalt  }
0x75: {  	_ =	shalt  }
0x76: {  	_ =	shalt  }
0x77: {  	_ =	shalt  }
0x78: {  	_ =	shalt  }
0x79: {  	_ =	shalt  }
0x7a: {  	_ =	shalt  }
0x7b: {  	_ =	shalt  }
0x7c: {  	_ =	shalt  }
0x7d: {  	_ =	shalt  }
0x7e: {  	_ =	shalt  }
0x7f: {  	_ =	shalt  }
0x80: {  	_ =	shalt  }
0x81: {  	_ =	shalt  }
0x82: {  	_ =	shalt  }
0x83: {  	_ =	shalt  }
0x84: {  	_ =	shalt  }
0x85: {  	_ =	shalt  }
0x86: {  	_ =	shalt  }
0x87: {  	_ =	shalt  }
.Lfunc_end0:
.L_simem_size_0:
called_computation_lowered:
.L_overlay_start_0:
0x88: {  	s2 =	sld [smem:$0x3FD9]  }
0x89: {  	s3 =	sld [smem:$0x3FFE];
	_ =	sdelay $0x1  }
0x8a: {  	s1 =	srdreg.scid  }
0x8b: {  	s0 =	sand.u32 $0x1, s1  }
0x8c: {  	s17 =	sshll.u32 s0, $0xA;
	s2 =	sadd.s32 s3, s2  }
0x8d: {  	s2 =	sadd.s32 s2, s17  }
0x8e: {  	[smem:$0x3FBD] =	sst s2  }
0x8f: {  	_ = 	snop  }
0x90: {  	s2 =	sld [smem:$0x3FD0];
	(tm) =	ssettm $0x1  }
0x91: {  	s18 =	sld [smem:$0x3FFB];
	_ =	sdelay $0x3  }
0x92: {  	_ =	strace s18  }
0x93: {  	s3 =	sld [smem:$0x3FFC];
	_ =	sdelay $0x3  }
0x94: {  	_ =	strace s3  }
0x95: {  	s3 =	sld [smem:$0x3FFD];
	_ =	sdelay $0x3  }
0x96: {  	_ =	strace s3  }
0x97: {  	_ =	strace $0x8FFFFFFF  }
0x98: {  	s19 =	sld [smem:$0x3FDB];
	_ =	sdelay $0x1  }
0x99: {  	s4 =	simm.s32 $_scs_section_size  }
0x9a: {  	s5 =	simm.s32 $_size__tile_overlayer_lowered;
	s6 =	simm.s32 $_tile_overlayer_lowered  }
0x9b: {  	s22 =	simm.s32 $0x1BFF;
	s21 =	sshll.u32 s6, $0x1;
	s3 =	sadd.s32 s4, s19  }
0x9c: {  	s7 =	simm.s32 $0x0;
	s20 =	sshll.u32 s5, $0x1;
	s5 =	sadd.s32 s21, s3  }
0x9d: {  	[timem:s7], [sflag:s22] =	dma.local [hbm:s5], s20  }
0x9e: {  	_ =	swait.ge [sflag:s22], s20  }
0x9f: {  	s4 =	ssub.s32 $0x0, s20;
	[sflag:s22] =	ssyncset.done $0x0  }
0xa0: {  	[sflag:s22] =	ssyncadd.s32 s4;
	_ =	sdelay $0x1  }
0xa1: {  	s23 =	simm.s32 $0x1B8B  }
0xa2: {  	_ =	swait.ge [sflag:s23], $0x1  }
0xa3: {  	[sflag:s23] =	ssyncset.done $0x0  }
0xa4: {  	s25 =	simm.s32 $0x1B8E;
	s24 =	sld [smem:$0x3FFE];
	[sflag:s23] =	ssyncadd.s32 $0xFFFFFFFF  }
0xa5: {  	s26 =	simm.s32 $execute0_lowered;
	[smem:$0x3FD2] =	sst s25  }
0xa6: {  	s5 =	sshll.u32 s26, $0x1;
	_ =	strace $0x80000046;
	[dreg:$0x1] =	wrdreg $0xFFFFFFFF  }
0xa7: {  	s28 =	simm.s32 $_size_execute0_lowered;
	s3 =	sadd.s32 s3, s5;
	[dreg:$0x0] =	wrdreg $0x0  }
0xa8: {  	s5 =	sshll.u32 s28, $0x1;
	[dreg:$0x2] =	wrdreg s3  }
0xa9: {  	[dreg:$0x3] =	wrdreg s5  }
0xaa: {  	[dreg:$0x4] =	wrdreg $0xC0  }
0xab: {  	_ =	task [dreg:s7], $0x5FFFF  }
0xac: {  	[dreg:$0x1] =	wrdreg $0xFFFFFFFF  }
0xad: {  	[dreg:$0x0] =	wrdreg $0x60  }
0xae: {  	[dreg:$0x2] =	wrdreg s24  }
0xaf: {  	[dreg:$0x3] =	wrdreg s2  }
0xb0: {  	[dreg:$0x4] =	wrdreg $0x0  }
0xb1: {  	[dreg:$0x5] =	wrdreg $0x54000  }
0xb2: {  	[dreg:$0x6] =	wrdreg $0x9  }
0xb3: {  	_ =	task.clear_ibuf [dreg:s7], $0x7FFFF;
	_ =	strace $0x90000046  }
0xb4: {  	s29 =	simm.s32 $0x9;
	_ =	strace $0x80000048  }
0xb5: {  	_ =	swait.ge [sflag:s29], $0x1  }
0xb6: {  	[sflag:s29] =	ssyncadd.s32 $0xFFFFFFFF  }
0xb7: {  	_ =	strace $0x90000048  }
0xb8: {  	_ =	sfence  }
0xb9: {  	s30 =	sld [smem:$0x0];
	_ =	sdelay $0x2  }
0xba: {  	s31 =	sshll.u32 s1, $0xD;
	s1 =	sshrl.u32 s1, $0x2  }
0xbb: {  	s3 =	sand.u32 $0x4000, s31;
	s1 =	sadd.s32 s1, s30  }
0xbc: {  	s0 =	sor.u32 s3, s0;
	s1 =	sshll.u32 s1, $0x11  }
0xbd: {  	s0 =	sor.u32 s1, s0  }
0xbe: {  	s0 =	sadd.s32 $0x8F2B, s0  }
0xbf: {  	[sflag:s0] =	ssyncadd.remote.s32 $0x1  }
0xc0: {  	_ =	sfence.sel $0xFFFF  }
0xc1: {  	[dreg:$0x0] =	wrdreg $0xFFFFFFFF;
	(pc) =	sbr.abs _section_cstart, $3  }
0xc2: {  	[dreg:$0x1] =	wrdreg $0xFFFFFFFF  }
0xc3: {  	_ =	task.clear_ibuf [dreg:s7], $0x2FFFF;
	_ =	strace $0x9FFFFFFF  }
0xc4: {  	(tm) =	ssettm $0x7FFFFFFF  }
0xc5: {  	_ =	shalt  }
tec
execute0_lowered:
.L_overlay_start_1:
0x0: {  	(tag) =	ssettag $0x1  }
0x1: {  	s0 =	rddreg [dreg:$0x0]  }
0x2: {  	s1 =	rddreg [dreg:$0x1]  }
0x3: {  	s3 =	srdreg.scid;
	s2 =	rddreg [dreg:$0x2]  }
0x4: {  	s21 =	stileid.u32;
	s4 =	simm.s32 $0x0;
	s28 =	simm.s32 $0x11980  }
0x5: {  	s29 =	simm.s32 $0xD980;
	s30 =	simm.s32 $0x9800;
	s11 =	smul.u32 $0x5400, s21  }
0x6: {  	s10 =	sand.u32 $0x1, s3;
	s3 =	rddreg [dreg:$0x3];
	s17 =	smul.u32 $0x15000, s21  }
0x7: {  	s31 =	simm.s32 $0x80;
	[smem:$0x7FF] =	sst s4;
	s26 =	smul.u32 $0x1800, s21  }
0x8: {  	s14 =	sadd.s32 $0x90000, s0;
	s7 =	sadd.s32 $0x3FE00, s0;
	s18 =	smul.u32 $0x6000, s21  }
0x9: {  	s8 =	sadd.s32 $0x68000, s0;
	s9 =	sadd.s32 $0x3C00, s0;
	s25 =	smul.u32 $0x500, s21  }
0xa: {  	s5 =	sshll.u32 s10, $0x4;
	_ =	strace $0x80000047;
	s13 =	smul.u32 $0x150000, s10  }
0xb: {  	s15 =	ssub.s32 $0x2, s10;
	s22 =	smul.u32 $0x30000, s10;
	s5 =	sor.u32 s21, s5  }
0xc: {  	s16 =	sshrl.u32 s15, $0x1;
	s20 =	sshrl.u32 s17, $0x2;
	s21 =	smul.u32 $0x2800, s21  }
0xd: {  	s19 =	sshrl.u32 s26, $0x3;
	s17 =	simm.s32 $0x2;
	s6 =	smul.u32 $0x500, s5  }
0xe: {  	s5 =	sadd.s32 $0x17E00, s0;
	s13 =	sadd.s32 s11, s13;
	s15 =	ssub.s32 s15, s16  }
0xf: {  	s11 =	sshrl.u32 s11, $0x3;
	s23 =	sadd.s32 s14, s19;
	s24 =	sadd.s32 s26, s22  }
0x10: {  	s26 =	sshrl.u32 s18, $0x2;
	s16 =	simm.s32 $0x9880;
	s18 =	simm.s32 $0x0  }
0x11: {  	s13 =	sshrl.u32 s13, $0x3;
	s11 =	sadd.s32 s14, s11;
	[dreg:$0x7] =	wrdreg s23  }
0x12: {  	s14 =	sadd.s32 s26, s3;
	s26 =	smax.u32 s15, $0x1;
	s12 =	sadd.s32 s6, s0  }
0x13: {  	s6 =	sadd.s32 $0x40000, s0;
	s13 =	sadd.s32 s13, s0;
	[dreg:$0x6] =	wrdreg s11  }
0x14: {  	s11 =	sshrl.u32 s24, $0x3;
	[dreg:$0xe] =	wrdreg s26;
	s12 =	sadd.s32 $0xDC00, s12  }
0x15: {  	s26 =	simm.s32 $0x3;
	s22 =	sadd.s32 $0xA4800, s13;
	[dreg:$0x5] =	wrdreg s12  }
0x16: {  	s19 =	sadd.s32 s1, s11;
	s23 =	sadd.s32 $0xAF000, s13;
	[dreg:$0x9] =	wrdreg s22  }
0x17: {  	s24 =	sadd.s32 $0xB9800, s13;
	s1 =	simm.s32 $0x1;
	[dreg:$0xa] =	wrdreg s23  }
0x18: {  	s12 =	sadd.s32 s20, s2;
	s20 =	smul.u32 $0x5000, s10;
	[dreg:$0x8] =	wrdreg s19  }
0x19: {  	s10 =	smul.u32 $0x28000, s10;
	s11 =	sadd.s32 $0x3000, s19;
	[dreg:$0xc] =	wrdreg s24  }
0x1a: {  	s23 =	sadd.s32 $0x5E000, s0;
	[dreg:$0xb] =	wrdreg s11;
	s19 =	sadd.s32 s25, s20  }
0x1b: {  	s20 =	sadd.s32 $0x54000, s0;
	s21 =	sadd.s32 s21, s10;
	s25 =	sadd.s32 $0xC4000, s13  }
0x1c: {  	s0 =	simm.s32 $0x9980;
	s10 =	simm.s32 $0x9900;
	[dreg:$0xd] =	wrdreg s25  }
.LBB2_1:
0x1d: {  	s13 =	simm.s32 $0x6C00;
	s11 =	rddreg [dreg:$0x5]  }
0x1e: {  	[tilespmem:s13], [sflag:$0x3] =	stream.linear.gather [hbm4b:s11+s4], $0x2C00, $0x38;
	[tilespmem:$0x16D80] =	vst v63  }
0x1f: {  	_ =	swait.ge [sflag:s26], $0x2C00  }
0x20: {  	[sflag:s26] =	ssyncset.done $0x0  }
0x21: {  	s24 =	rddreg [dreg:$0x6];
	[sflag:s26] =	ssyncadd.s32 $0xFFFFD400  }
0x22: {  	[tilespmem:s28], [sflag:$0x3] =	stream.linear.gather [hbm4b:s24+s4], $0x5400, $0x38;
	[tilespmem:$0x16D80] =	vst v63  }
0x23: {  	_ =	swait.ge [sflag:s26], $0x5400  }
0x24: {  	[sflag:s26] =	ssyncset.done $0x0  }
0x25: {  	[sflag:s26] =	ssyncadd.s32 $0xFFFFAC00  }
0x26: {  	[spmem:s12] =	stream.linear.scatter [tilespmem:s28], [sflag:$0x3], $0x5400, $0x38;
	[tilespmem:$0x16D80] =	vst v63  }
0x27: {  	_ =	swait.ge [sflag:s26], $0x5400  }
0x28: {  	[sflag:s26] =	ssyncset.done $0x0  }
0x29: {  	s25 =	rddreg [dreg:$0x7];
	[sflag:s26] =	ssyncadd.s32 $0xFFFFAC00  }
0x2a: {  	[tilespmem:s29], [sflag:$0x3] =	stream.linear.gather [hbm4b:s25+s4], $0x1800, $0x38;
	[tilespmem:$0x16D80] =	vst v63  }
0x2b: {  	_ =	swait.ge [sflag:s26], $0x1800  }
0x2c: {  	[sflag:s26] =	ssyncset.done $0x0  }
0x2d: {  	[sflag:s26] =	ssyncadd.s32 $0xFFFFE800  }
0x2e: {  	[spmem:s14] =	stream.linear.scatter [tilespmem:s29], [sflag:$0x3], $0x1800, $0x38;
	[tilespmem:$0x16D80] =	vst v63  }
0x2f: {  	s15 =	sadd.s32 $0x0, s19;
	_ =	swait.ge [sflag:s26], $0x1800  }
0x30: {  	s22 =	sand.u32 $0x70, s4;
	s15 =	sand.u32 $0xFFFFF80, s15;
	[sflag:s26] =	ssyncset.done $0x0  }
0x31: {  	s15 =	sor.u32 s22, s15;
	[sflag:s26] =	ssyncadd.s32 $0xFFFFE800  }
0x32: {  	s22 =	sadd.s32 s6, s15;
	[bflag:$0x0] =	sbarrier.arrive $0xFFFF  }
0x33: {  	[tilespmem:s30], [sflag:$0x3] =	stream.linear.gather [hbm4b:s22+s4], $0x80, $0x38;
	[tilespmem:$0x16D80] =	vst v63  }
0x34: {  	_ =	swait.ge [sflag:s26], $0x80  }
0x35: {  	[sflag:s26] =	ssyncset.done $0x0  }
0x36: {  	[sflag:s26] =	ssyncadd.s32 $0xFFFFFF80  }
0x37: {  	[tilespmem:s0], [sflag:$0x1] =	stream.indirect.gather [hbm4b:s5+s31], $0x80, s13, s31, $0xb8;
	[tilespmem:$0x16D80] =	vst v63  }
0x38: {  	_ =	swait.ge [sflag:s1], $0x4000  }
0x39: {  	[sflag:s1] =	ssyncset.done $0x0  }
0x3a: {  	[sflag:s1] =	ssyncadd.s32 $0xFFFFC000  }
0x3b: {  	[spmem:s2] =	stream.indirect.scatter.add.f32 [tilespmem:s0], [sflag:$0x3], $0x80, s30, s31, $0xb8;
	[tilespmem:$0x16D80] =	vst v63  }
0x3c: {  	_ =	swait.ge [sflag:s26], $0x4000  }
0x3d: {  	[sflag:s26] =	ssyncset.done $0x0  }
0x3e: {  	s11 =	sadd.s32 s9, s15;
	[sflag:s26] =	ssyncadd.s32 $0xFFFFC000  }
0x3f: {  	[tilespmem:s10], [sflag:$0x3] =	stream.linear.gather [hbm4b:s11+s4], $0x80, $0x38;
	[tilespmem:$0x16D80] =	vst v63  }
0x40: {  	_ =	swait.ge [sflag:s26], $0x80  }
0x41: {  	[sflag:s26] =	ssyncset.done $0x0  }
0x42: {  	s15 =	sadd.s32 s8, s15;
	[sflag:s26] =	ssyncadd.s32 $0xFFFFFF80  }
0x43: {  	[tilespmem:s16], [sflag:$0x3] =	stream.linear.gather [hbm4b:s15+s4], $0x80, $0x38;
	[tilespmem:$0x16D80] =	vst v63  }
0x44: {  	_ =	swait.ge [sflag:s26], $0x80  }
0x45: {  	[sflag:s26] =	ssyncset.done $0x0  }
0x46: {  	[sflag:s26] =	ssyncadd.s32 $0xFFFFFF80  }
0x47: {  	[tilespmem:s29], [sflag:$0x2] =	stream.indirect.gather [hbm4b:s7+s31], $0x80, s10, s31, $0xb8;
	[tilespmem:$0x16D80] =	vst v63  }
0x48: {  	_ =	swait.ge [sflag:s17], $0x4000  }
0x49: {  	s24 =	sadd.s32 $0x10, s19;
	[sflag:s17] =	ssyncset.done $0x0  }
0x4a: {  	s25 =	simm.s32 $0x20;
	s22 =	simm.s32 $0x10;
	[sflag:s17] =	ssyncadd.s32 $0xFFFFC000  }
0x4b: {  	[spmem:s3] =	stream.indirect.scatter.add.f32 [tilespmem:s29], [sflag:$0x3], $0x80, s16, s31, $0xb8;
	[tilespmem:$0x16D80] =	vst v63  }
0x4c: {  	s13 =	sand.u32 $0x70, s22;
	s15 =	sand.u32 $0xFFFFF80, s24;
	_ =	swait.ge [sflag:s26], $0x4000  }
0x4d: {  	s22 =	simm.s32 $0x6C80;
	s24 =	sor.u32 s13, s15;
	[sflag:s26] =	ssyncset.done $0x0  }
.LBB2_2:
0x4e: {  	s13 =	sadd.s32 s6, s24  }
0x4f: {  	[sflag:s26] =	ssyncadd.s32 $0xFFFFC000;
	s11 =	smov.u32 s25;
	s15 =	sadd.s32 $0x10, s25  }
0x50: {  	[tilespmem:s30], [sflag:$0x3] =	stream.linear.gather [hbm4b:s13+s4], $0x80, $0x38;
	[tilespmem:$0x16D80] =	vst v63  }
0x51: {  	p0 =	sne.s32 s25, $0x4F0;
	_ =	swait.ge [sflag:s26], $0x80  }
0x52: {  	[sflag:s26] =	ssyncset.done $0x0  }
0x53: {  	[sflag:s26] =	ssyncadd.s32 $0xFFFFFF80  }
0x54: {  	[tilespmem:s0], [sflag:$0x1] =	stream.indirect.gather [hbm4b:s5+s31], $0x80, s22, s31, $0xb8;
	[tilespmem:$0x16D80] =	vst v63  }
0x55: {  	_ =	swait.ge [sflag:s1], $0x4000  }
0x56: {  	[sflag:s1] =	ssyncset.done $0x0  }
0x57: {  	[sflag:s1] =	ssyncadd.s32 $0xFFFFC000  }
0x58: {  	[spmem:s2] =	stream.indirect.scatter.add.f32 [tilespmem:s0], [sflag:$0x3], $0x80, s30, s31, $0xb8;
	[tilespmem:$0x16D80] =	vst v63  }
0x59: {  	_ =	swait.ge [sflag:s26], $0x4000  }
0x5a: {  	[sflag:s26] =	ssyncset.done $0x0  }
0x5b: {  	s13 =	sadd.s32 s9, s24;
	[sflag:s26] =	ssyncadd.s32 $0xFFFFC000  }
0x5c: {  	[tilespmem:s10], [sflag:$0x3] =	stream.linear.gather [hbm4b:s13+s4], $0x80, $0x38;
	[tilespmem:$0x16D80] =	vst v63  }
0x5d: {  	_ =	swait.ge [sflag:s26], $0x80  }
0x5e: {  	[sflag:s26] =	ssyncset.done $0x0  }
0x5f: {  	s13 =	sadd.s32 s8, s24;
	[sflag:s26] =	ssyncadd.s32 $0xFFFFFF80  }
0x60: {  	[tilespmem:s16], [sflag:$0x3] =	stream.linear.gather [hbm4b:s13+s4], $0x80, $0x38;
	[tilespmem:$0x16D80] =	vst v63  }
0x61: {  	_ =	swait.ge [sflag:s26], $0x80  }
0x62: {  	[sflag:s26] =	ssyncset.done $0x0  }
0x63: {  	[sflag:s26] =	ssyncadd.s32 $0xFFFFFF80  }
0x64: {  	[tilespmem:s29], [sflag:$0x2] =	stream.indirect.gather [hbm4b:s7+s31], $0x80, s10, s31, $0xb8;
	[tilespmem:$0x16D80] =	vst v63  }
0x65: {  	_ =	swait.ge [sflag:s17], $0x4000  }
.Ltmp0:
0x66: {  	[sflag:s17] =	ssyncset.done $0x0;
	(pc) =	sbr.rel @p0 .LBB2_2-.Ltmp0, $4  }
0x67: {  	s25 =	smov.u32 s15;
	s13 =	sadd.s32 s11, s19;
	[sflag:s17] =	ssyncadd.s32 $0xFFFFC000  }
0x68: {  	[spmem:s3] =	stream.indirect.scatter.add.f32 [tilespmem:s29], [sflag:$0x3], $0x80, s16, s31, $0xb8;
	[tilespmem:$0x16D80] =	vst v63  }
0x69: {  	s11 =	sand.u32 $0x70, s11;
	s13 =	sand.u32 $0xFFFFF80, s13;
	_ =	swait.ge [sflag:s26], $0x4000  }
0x6a: {  	s22 =	sadd.s32 $0x80, s22;
	s24 =	sor.u32 s11, s13;
	[sflag:s26] =	ssyncset.done $0x0  }
0x6b: {  	s11 =	sadd.s32 s6, s24;
	[sflag:s26] =	ssyncadd.s32 $0xFFFFC000  }
0x6c: {  	[tilespmem:s30], [sflag:$0x3] =	stream.linear.gather [hbm4b:s11+s4], $0x80, $0x38;
	[tilespmem:$0x16D80] =	vst v63  }
0x6d: {  	_ =	swait.ge [sflag:s26], $0x80  }
0x6e: {  	[sflag:s26] =	ssyncset.done $0x0  }
0x6f: {  	[sflag:s26] =	ssyncadd.s32 $0xFFFFFF80  }
0x70: {  	[tilespmem:s0], [sflag:$0x1] =	stream.indirect.gather [hbm4b:s5+s31], $0x80, s22, s31, $0xb8;
	[tilespmem:$0x16D80] =	vst v63  }
0x71: {  	_ =	swait.ge [sflag:s1], $0x4000  }
0x72: {  	[sflag:s1] =	ssyncset.done $0x0  }
0x73: {  	[sflag:s1] =	ssyncadd.s32 $0xFFFFC000  }
0x74: {  	[spmem:s2] =	stream.indirect.scatter.add.f32 [tilespmem:s0], [sflag:$0x3], $0x80, s30, s31, $0xb8;
	[tilespmem:$0x16D80] =	vst v63  }
0x75: {  	_ =	swait.ge [sflag:s26], $0x4000  }
0x76: {  	[sflag:s26] =	ssyncset.done $0x0  }
0x77: {  	s25 =	sadd.s32 s9, s24;
	[sflag:s26] =	ssyncadd.s32 $0xFFFFC000  }
0x78: {  	[tilespmem:s10], [sflag:$0x3] =	stream.linear.gather [hbm4b:s25+s4], $0x80, $0x38;
	[tilespmem:$0x16D80] =	vst v63  }
0x79: {  	_ =	swait.ge [sflag:s26], $0x80  }
0x7a: {  	[sflag:s26] =	ssyncset.done $0x0  }
0x7b: {  	s13 =	sadd.s32 s8, s24;
	[sflag:s26] =	ssyncadd.s32 $0xFFFFFF80  }
0x7c: {  	[tilespmem:s16], [sflag:$0x3] =	stream.linear.gather [hbm4b:s13+s4], $0x80, $0x38;
	[tilespmem:$0x16D80] =	vst v63  }
0x7d: {  	_ =	swait.ge [sflag:s26], $0x80  }
0x7e: {  	[sflag:s26] =	ssyncset.done $0x0  }
0x7f: {  	[sflag:s26] =	ssyncadd.s32 $0xFFFFFF80  }
0x80: {  	[tilespmem:s29], [sflag:$0x2] =	stream.indirect.gather [hbm4b:s7+s31], $0x80, s10, s31, $0xb8;
	[tilespmem:$0x16D80] =	vst v63  }
0x81: {  	_ =	swait.ge [sflag:s17], $0x4000  }
0x82: {  	[sflag:s17] =	ssyncset.done $0x0  }
0x83: {  	[sflag:s17] =	ssyncadd.s32 $0xFFFFC000  }
0x84: {  	[spmem:s3] =	stream.indirect.scatter.add.f32 [tilespmem:s29], [sflag:$0x3], $0x80, s16, s31, $0xb8;
	[tilespmem:$0x16D80] =	vst v63  }
0x85: {  	_ =	swait.ge [sflag:s26], $0x4000  }
0x86: {  	[sflag:s26] =	ssyncset.done $0x0  }
0x87: {  	[sflag:s26] =	ssyncadd.s32 $0xFFFFC000  }
0x88: {  	[bflag:$0x0] =	sbarrier.arrive $0xFFFF  }
0x89: {  	[tilespmem:s28], [sflag:$0x3] =	stream.linear.gather [spmem:s12], $0x5400, $0x38;
	[tilespmem:$0x16D80] =	vst v63  }
0x8a: {  	_ =	swait.ge [sflag:s26], $0x5400  }
0x8b: {  	[sflag:s26] =	ssyncset.done $0x0  }
0x8c: {  	s11 =	simm.s32 $0x0;
	s13 =	rddreg [dreg:$0x9];
	[sflag:s26] =	ssyncadd.s32 $0xFFFFAC00  }
0x8d: {  	[hbm4b:s13+s11] =	stream.linear.scatter [tilespmem:s28], [sflag:$0x3], $0x5400, $0x38;
	[tilespmem:$0x16D80] =	vst v63  }
0x8e: {  	_ =	swait.ge [sflag:s26], $0x5400  }
0x8f: {  	[sflag:s26] =	ssyncset.done $0x0  }
0x90: {  	[sflag:s26] =	ssyncadd.s32 $0xFFFFAC00  }
0x91: {  	[tilespmem:s29], [sflag:$0x3] =	stream.linear.gather [spmem:s14], $0x1800, $0x38;
	[tilespmem:$0x16D80] =	vst v63  }
0x92: {  	_ =	swait.ge [sflag:s26], $0x1800  }
0x93: {  	[sflag:s26] =	ssyncset.done $0x0  }
0x94: {  	s15 =	rddreg [dreg:$0x8];
	[sflag:s26] =	ssyncadd.s32 $0xFFFFE800  }
0x95: {  	[hbm4b:s15+s11] =	stream.linear.scatter [tilespmem:s29], [sflag:$0x3], $0x1800, $0x38;
	[tilespmem:$0x16D80] =	vst v63  }
0x96: {  	_ =	swait.ge [sflag:s26], $0x1800  }
0x97: {  	[sflag:s26] =	ssyncset.done $0x0  }
0x98: {  	[sflag:s26] =	ssyncadd.s32 $0xFFFFE800  }
0x99: {  	[bflag:$0x0] =	sbarrier.arrive $0xFFFF  }
0x9a: {  	s22 =	rddreg [dreg:$0x6]  }
0x9b: {  	[tilespmem:s28], [sflag:$0x3] =	stream.linear.gather [hbm4b:s22+s11], $0x5400, $0x38;
	[tilespmem:$0x16D80] =	vst v63  }
0x9c: {  	_ =	swait.ge [sflag:s26], $0x5400  }
0x9d: {  	[sflag:s26] =	ssyncset.done $0x0  }
0x9e: {  	[sflag:s26] =	ssyncadd.s32 $0xFFFFAC00  }
0x9f: {  	[spmem:s12] =	stream.linear.scatter [tilespmem:s28], [sflag:$0x3], $0x5400, $0x38;
	[tilespmem:$0x16D80] =	vst v63  }
0xa0: {  	_ =	swait.ge [sflag:s26], $0x5400  }
0xa1: {  	[sflag:s26] =	ssyncset.done $0x0  }
0xa2: {  	s24 =	rddreg [dreg:$0x7];
	[sflag:s26] =	ssyncadd.s32 $0xFFFFAC00  }
0xa3: {  	[tilespmem:s29], [sflag:$0x3] =	stream.linear.gather [hbm4b:s24+s11], $0x1800, $0x38;
	[tilespmem:$0x16D80] =	vst v63  }
0xa4: {  	_ =	swait.ge [sflag:s26], $0x1800  }
0xa5: {  	s25 =	sadd.s32 $0x0, s21;
	[sflag:s26] =	ssyncset.done $0x0  }
0xa6: {  	s13 =	sand.u32 $0x7FFFFC00, s25;
	s11 =	sand.u32 $0x380, s11;
	[sflag:s26] =	ssyncadd.s32 $0xFFFFE800  }
0xa7: {  	[spmem:s14] =	stream.linear.scatter [tilespmem:s29], [sflag:$0x3], $0x1800, $0x38;
	[tilespmem:$0x16D80] =	vst v63  }
0xa8: {  	s11 =	sor.u32 s11, s13;
	_ =	swait.ge [sflag:s26], $0x1800  }
0xa9: {  	s13 =	sadd.s32 $0x50000, s11;
	[sflag:s26] =	ssyncset.done $0x0  }
0xaa: {  	s13 =	sshrl.u32 s13, $0x3;
	[sflag:s26] =	ssyncadd.s32 $0xFFFFE800  }
0xab: {  	s15 =	sadd.s32 s6, s13;
	[bflag:$0x0] =	sbarrier.arrive $0xFFFF  }
0xac: {  	[tilespmem:s30], [sflag:$0x3] =	stream.linear.gather [hbm4b:s15+s4], $0x80, $0x38;
	[tilespmem:$0x16D80] =	vst v63  }
0xad: {  	_ =	swait.ge [sflag:s26], $0x80  }
0xae: {  	[sflag:s26] =	ssyncset.done $0x0  }
0xaf: {  	s22 =	simm.s32 $0x6C00;
	[sflag:s26] =	ssyncadd.s32 $0xFFFFFF80  }
0xb0: {  	[tilespmem:s0], [sflag:$0x1] =	stream.indirect.gather [hbm4b:s5+s31], $0x80, s22, s31, $0xb8;
	[tilespmem:$0x16D80] =	vst v63  }
0xb1: {  	_ =	swait.ge [sflag:s1], $0x4000  }
0xb2: {  	[sflag:s1] =	ssyncset.done $0x0  }
0xb3: {  	[sflag:s1] =	ssyncadd.s32 $0xFFFFC000  }
0xb4: {  	[spmem:s2] =	stream.indirect.scatter.add.f32 [tilespmem:s0], [sflag:$0x3], $0x80, s30, s31, $0xb8;
	[tilespmem:$0x16D80] =	vst v63  }
0xb5: {  	_ =	swait.ge [sflag:s26], $0x4000  }
0xb6: {  	s11 =	sshrl.u32 s11, $0x3;
	[sflag:s26] =	ssyncset.done $0x0  }
0xb7: {  	s11 =	sadd.s32 s9, s11;
	[sflag:s26] =	ssyncadd.s32 $0xFFFFC000  }
0xb8: {  	[tilespmem:s10], [sflag:$0x3] =	stream.linear.gather [hbm4b:s11+s4], $0x80, $0x38;
	[tilespmem:$0x16D80] =	vst v63  }
0xb9: {  	_ =	swait.ge [sflag:s26], $0x80  }
0xba: {  	[sflag:s26] =	ssyncset.done $0x0  }
0xbb: {  	s15 =	sadd.s32 s8, s13;
	[sflag:s26] =	ssyncadd.s32 $0xFFFFFF80  }
0xbc: {  	[tilespmem:s16], [sflag:$0x3] =	stream.linear.gather [hbm4b:s15+s4], $0x80, $0x38;
	[tilespmem:$0x16D80] =	vst v63  }
0xbd: {  	_ =	swait.ge [sflag:s26], $0x80  }
0xbe: {  	s25 =	sadd.s32 $0x80, s21;
	s24 =	simm.s32 $0x80;
	[sflag:s26] =	ssyncset.done $0x0  }
0xbf: {  	s13 =	sand.u32 $0x7FFFFC00, s25;
	s11 =	sand.u32 $0x380, s24;
	[sflag:s26] =	ssyncadd.s32 $0xFFFFFF80  }
0xc0: {  	[tilespmem:s29], [sflag:$0x2] =	stream.indirect.gather [hbm4b:s7+s31], $0x80, s10, s31, $0xb8;
	[tilespmem:$0x16D80] =	vst v63  }
0xc1: {  	s11 =	sor.u32 s11, s13;
	_ =	swait.ge [sflag:s17], $0x4000  }
0xc2: {  	s13 =	sadd.s32 $0x50000, s11;
	[sflag:s17] =	ssyncset.done $0x0  }
0xc3: {  	s25 =	sshrl.u32 s11, $0x3;
	s15 =	simm.s32 $0x100;
	[sflag:s17] =	ssyncadd.s32 $0xFFFFC000  }
.LBB2_4:
0xc4: {  	s11 =	sshrl.u32 s13, $0x3  }
0xc5: {  	s22 =	sadd.s32 $0x80, s22;
	s13 =	smov.u32 s15;
	s24 =	sadd.s32 $0x80, s15  }
0xc6: {  	[spmem:s3] =	stream.indirect.scatter.add.f32 [tilespmem:s29], [sflag:$0x3], $0x80, s16, s31, $0xb8;
	[tilespmem:$0x16D80] =	vst v63  }
0xc7: {  	p0 =	sne.s32 s15, $0x2780;
	_ =	swait.ge [sflag:s26], $0x4000  }
0xc8: {  	[sflag:s26] =	ssyncset.done $0x0  }
0xc9: {  	s15 =	sadd.s32 s6, s11;
	[sflag:s26] =	ssyncadd.s32 $0xFFFFC000  }
0xca: {  	[tilespmem:s30], [sflag:$0x3] =	stream.linear.gather [hbm4b:s15+s4], $0x80, $0x38;
	[tilespmem:$0x16D80] =	vst v63  }
0xcb: {  	_ =	swait.ge [sflag:s26], $0x80  }
0xcc: {  	[sflag:s26] =	ssyncset.done $0x0  }
0xcd: {  	[sflag:s26] =	ssyncadd.s32 $0xFFFFFF80  }
0xce: {  	[tilespmem:s0], [sflag:$0x1] =	stream.indirect.gather [hbm4b:s5+s31], $0x80, s22, s31, $0xb8;
	[tilespmem:$0x16D80] =	vst v63  }
0xcf: {  	_ =	swait.ge [sflag:s1], $0x4000  }
0xd0: {  	[sflag:s1] =	ssyncset.done $0x0  }
0xd1: {  	[sflag:s1] =	ssyncadd.s32 $0xFFFFC000  }
0xd2: {  	[spmem:s2] =	stream.indirect.scatter.add.f32 [tilespmem:s0], [sflag:$0x3], $0x80, s30, s31, $0xb8;
	[tilespmem:$0x16D80] =	vst v63  }
0xd3: {  	_ =	swait.ge [sflag:s26], $0x4000  }
0xd4: {  	[sflag:s26] =	ssyncset.done $0x0  }
0xd5: {  	s15 =	sadd.s32 s9, s25;
	[sflag:s26] =	ssyncadd.s32 $0xFFFFC000  }
0xd6: {  	[tilespmem:s10], [sflag:$0x3] =	stream.linear.gather [hbm4b:s15+s4], $0x80, $0x38;
	[tilespmem:$0x16D80] =	vst v63  }
0xd7: {  	_ =	swait.ge [sflag:s26], $0x80  }
0xd8: {  	[sflag:s26] =	ssyncset.done $0x0  }
0xd9: {  	s11 =	sadd.s32 s8, s11;
	[sflag:s26] =	ssyncadd.s32 $0xFFFFFF80  }
0xda: {  	[tilespmem:s16], [sflag:$0x3] =	stream.linear.gather [hbm4b:s11+s4], $0x80, $0x38;
	[tilespmem:$0x16D80] =	vst v63  }
0xdb: {  	_ =	swait.ge [sflag:s26], $0x80  }
0xdc: {  	[sflag:s26] =	ssyncset.done $0x0  }
.Ltmp1:
0xdd: {  	s11 =	sadd.s32 s13, s21;
	[sflag:s26] =	ssyncadd.s32 $0xFFFFFF80;
	(pc) =	sbr.rel @p0 .LBB2_4-.Ltmp1, $4  }
0xde: {  	[tilespmem:s29], [sflag:$0x2] =	stream.indirect.gather [hbm4b:s7+s31], $0x80, s10, s31, $0xb8;
	[tilespmem:$0x16D80] =	vst v63  }
0xdf: {  	s13 =	sand.u32 $0x380, s13;
	s11 =	sand.u32 $0x7FFFFC00, s11;
	_ =	swait.ge [sflag:s17], $0x4000  }
0xe0: {  	s15 =	smov.u32 s24;
	s11 =	sor.u32 s13, s11;
	[sflag:s17] =	ssyncset.done $0x0  }
0xe1: {  	s13 =	sadd.s32 $0x50000, s11;
	s25 =	sshrl.u32 s11, $0x3;
	[sflag:s17] =	ssyncadd.s32 $0xFFFFC000  }
0xe2: {  	[spmem:s3] =	stream.indirect.scatter.add.f32 [tilespmem:s29], [sflag:$0x3], $0x80, s16, s31, $0xb8;
	[tilespmem:$0x16D80] =	vst v63  }
0xe3: {  	_ =	swait.ge [sflag:s26], $0x4000  }
0xe4: {  	s11 =	sshrl.u32 s13, $0x3;
	[sflag:s26] =	ssyncset.done $0x0  }
0xe5: {  	s13 =	sadd.s32 s6, s11;
	[sflag:s26] =	ssyncadd.s32 $0xFFFFC000  }
0xe6: {  	[tilespmem:s30], [sflag:$0x3] =	stream.linear.gather [hbm4b:s13+s4], $0x80, $0x38;
	[tilespmem:$0x16D80] =	vst v63  }
0xe7: {  	_ =	swait.ge [sflag:s26], $0x80  }
0xe8: {  	[sflag:s26] =	ssyncset.done $0x0  }
0xe9: {  	s24 =	sadd.s32 $0x80, s22;
	[sflag:s26] =	ssyncadd.s32 $0xFFFFFF80  }
0xea: {  	[tilespmem:s0], [sflag:$0x1] =	stream.indirect.gather [hbm4b:s5+s31], $0x80, s24, s31, $0xb8;
	[tilespmem:$0x16D80] =	vst v63  }
0xeb: {  	_ =	swait.ge [sflag:s1], $0x4000  }
0xec: {  	[sflag:s1] =	ssyncset.done $0x0  }
0xed: {  	[sflag:s1] =	ssyncadd.s32 $0xFFFFC000  }
0xee: {  	[spmem:s2] =	stream.indirect.scatter.add.f32 [tilespmem:s0], [sflag:$0x3], $0x80, s30, s31, $0xb8;
	[tilespmem:$0x16D80] =	vst v63  }
0xef: {  	_ =	swait.ge [sflag:s26], $0x4000  }
0xf0: {  	[sflag:s26] =	ssyncset.done $0x0  }
0xf1: {  	s15 =	sadd.s32 s9, s25;
	[sflag:s26] =	ssyncadd.s32 $0xFFFFC000  }
0xf2: {  	[tilespmem:s10], [sflag:$0x3] =	stream.linear.gather [hbm4b:s15+s4], $0x80, $0x38;
	[tilespmem:$0x16D80] =	vst v63  }
0xf3: {  	_ =	swait.ge [sflag:s26], $0x80  }
0xf4: {  	[sflag:s26] =	ssyncset.done $0x0  }
0xf5: {  	s11 =	sadd.s32 s8, s11;
	[sflag:s26] =	ssyncadd.s32 $0xFFFFFF80  }
0xf6: {  	[tilespmem:s16], [sflag:$0x3] =	stream.linear.gather [hbm4b:s11+s4], $0x80, $0x38;
	[tilespmem:$0x16D80] =	vst v63  }
0xf7: {  	_ =	swait.ge [sflag:s26], $0x80  }
0xf8: {  	[sflag:s26] =	ssyncset.done $0x0  }
0xf9: {  	[sflag:s26] =	ssyncadd.s32 $0xFFFFFF80  }
0xfa: {  	[tilespmem:s29], [sflag:$0x2] =	stream.indirect.gather [hbm4b:s7+s31], $0x80, s10, s31, $0xb8;
	[tilespmem:$0x16D80] =	vst v63  }
0xfb: {  	_ =	swait.ge [sflag:s17], $0x4000  }
0xfc: {  	[sflag:s17] =	ssyncset.done $0x0  }
0xfd: {  	[sflag:s17] =	ssyncadd.s32 $0xFFFFC000  }
0xfe: {  	[spmem:s3] =	stream.indirect.scatter.add.f32 [tilespmem:s29], [sflag:$0x3], $0x80, s16, s31, $0xb8;
	[tilespmem:$0x16D80] =	vst v63  }
0xff: {  	_ =	swait.ge [sflag:s26], $0x4000  }
0x100: {  	[sflag:s26] =	ssyncset.done $0x0  }
0x101: {  	[sflag:s26] =	ssyncadd.s32 $0xFFFFC000  }
0x102: {  	[bflag:$0x0] =	sbarrier.arrive $0xFFFF  }
0x103: {  	[tilespmem:s28], [sflag:$0x3] =	stream.linear.gather [spmem:s12], $0x5400, $0x38;
	[tilespmem:$0x16D80] =	vst v63  }
0x104: {  	_ =	swait.ge [sflag:s26], $0x5400  }
0x105: {  	[sflag:s26] =	ssyncset.done $0x0  }
0x106: {  	s11 =	simm.s32 $0x0;
	s22 =	rddreg [dreg:$0xa];
	[sflag:s26] =	ssyncadd.s32 $0xFFFFAC00  }
0x107: {  	[hbm4b:s22+s11] =	stream.linear.scatter [tilespmem:s28], [sflag:$0x3], $0x5400, $0x38;
	[tilespmem:$0x16D80] =	vst v63  }
0x108: {  	_ =	swait.ge [sflag:s26], $0x5400  }
0x109: {  	[sflag:s26] =	ssyncset.done $0x0  }
0x10a: {  	[sflag:s26] =	ssyncadd.s32 $0xFFFFAC00  }
0x10b: {  	[tilespmem:s29], [sflag:$0x3] =	stream.linear.gather [spmem:s14], $0x1800, $0x38;
	[tilespmem:$0x16D80] =	vst v63  }
0x10c: {  	_ =	swait.ge [sflag:s26], $0x1800  }
0x10d: {  	[sflag:s26] =	ssyncset.done $0x0  }
0x10e: {  	s24 =	rddreg [dreg:$0xb];
	[sflag:s26] =	ssyncadd.s32 $0xFFFFE800  }
0x10f: {  	[hbm4b:s24+s11] =	stream.linear.scatter [tilespmem:s29], [sflag:$0x3], $0x1800, $0x38;
	[tilespmem:$0x16D80] =	vst v63  }
0x110: {  	_ =	swait.ge [sflag:s26], $0x1800  }
0x111: {  	[sflag:s26] =	ssyncset.done $0x0  }
0x112: {  	[sflag:s26] =	ssyncadd.s32 $0xFFFFE800  }
0x113: {  	[bflag:$0x0] =	sbarrier.arrive $0xFFFF  }
0x114: {  	s25 =	rddreg [dreg:$0x6]  }
0x115: {  	[tilespmem:s28], [sflag:$0x3] =	stream.linear.gather [hbm4b:s25+s11], $0x5400, $0x38;
	[tilespmem:$0x16D80] =	vst v63  }
0x116: {  	_ =	swait.ge [sflag:s26], $0x5400  }
0x117: {  	[sflag:s26] =	ssyncset.done $0x0  }
0x118: {  	[sflag:s26] =	ssyncadd.s32 $0xFFFFAC00  }
0x119: {  	[spmem:s12] =	stream.linear.scatter [tilespmem:s28], [sflag:$0x3], $0x5400, $0x38;
	[tilespmem:$0x16D80] =	vst v63  }
0x11a: {  	_ =	swait.ge [sflag:s26], $0x5400  }
0x11b: {  	s15 =	sadd.s32 $0x0, s19;
	s11 =	sand.u32 $0x70, s11;
	[sflag:s26] =	ssyncset.done $0x0  }
0x11c: {  	s13 =	sand.u32 $0xFFFFF80, s15;
	s11 =	sadd.s32 s11, s20;
	[sflag:s26] =	ssyncadd.s32 $0xFFFFAC00  }
0x11d: {  	s11 =	sadd.s32 s13, s11;
	[bflag:$0x0] =	sbarrier.arrive $0xFFFF  }
0x11e: {  	[tilespmem:s30], [sflag:$0x3] =	stream.linear.gather [hbm4b:s11+s4], $0x80, $0x38;
	[tilespmem:$0x16D80] =	vst v63  }
0x11f: {  	_ =	swait.ge [sflag:s26], $0x80  }
0x120: {  	[sflag:s26] =	ssyncset.done $0x0  }
0x121: {  	s22 =	simm.s32 $0x6C00;
	[sflag:s26] =	ssyncadd.s32 $0xFFFFFF80  }
0x122: {  	[tilespmem:s0], [sflag:$0x1] =	stream.indirect.gather [hbm4b:s5+s31], $0x80, s22, s31, $0xb8;
	[tilespmem:$0x16D80] =	vst v63  }
0x123: {  	_ =	swait.ge [sflag:s1], $0x4000  }
0x124: {  	s15 =	simm.s32 $0x20;
	[sflag:s1] =	ssyncset.done $0x0  }
0x125: {  	s24 =	simm.s32 $0x10;
	s25 =	sadd.s32 $0x10, s19;
	[sflag:s1] =	ssyncadd.s32 $0xFFFFC000  }
0x126: {  	[spmem:s2] =	stream.indirect.scatter.add.f32 [tilespmem:s0], [sflag:$0x3], $0x80, s30, s31, $0xb8;
	[tilespmem:$0x16D80] =	vst v63  }
0x127: {  	s13 =	sand.u32 $0xFFFFF80, s25;
	s11 =	sand.u32 $0x70, s24;
	_ =	swait.ge [sflag:s26], $0x4000  }
0x128: {  	s24 =	sadd.s32 s11, s20;
	s22 =	simm.s32 $0x6C80;
	[sflag:s26] =	ssyncset.done $0x0  }
.LBB2_6:
0x129: {  	s11 =	sadd.s32 s13, s24  }
0x12a: {  	[sflag:s26] =	ssyncadd.s32 $0xFFFFC000;
	s13 =	smov.u32 s15;
	s25 =	sadd.s32 $0x10, s15  }
0x12b: {  	[tilespmem:s30], [sflag:$0x3] =	stream.linear.gather [hbm4b:s11+s4], $0x80, $0x38;
	[tilespmem:$0x16D80] =	vst v63  }
0x12c: {  	p0 =	sne.s32 s15, $0x4F0;
	_ =	swait.ge [sflag:s26], $0x80  }
0x12d: {  	[sflag:s26] =	ssyncset.done $0x0  }
0x12e: {  	[sflag:s26] =	ssyncadd.s32 $0xFFFFFF80  }
0x12f: {  	[tilespmem:s0], [sflag:$0x1] =	stream.indirect.gather [hbm4b:s5+s31], $0x80, s22, s31, $0xb8;
	[tilespmem:$0x16D80] =	vst v63  }
0x130: {  	_ =	swait.ge [sflag:s1], $0x4000  }
.Ltmp2:
0x131: {  	[sflag:s1] =	ssyncset.done $0x0;
	(pc) =	sbr.rel @p0 .LBB2_6-.Ltmp2, $4  }
0x132: {  	s11 =	sadd.s32 s13, s19;
	s22 =	sadd.s32 $0x80, s22;
	[sflag:s1] =	ssyncadd.s32 $0xFFFFC000  }
0x133: {  	[spmem:s2] =	stream.indirect.scatter.add.f32 [tilespmem:s0], [sflag:$0x3], $0x80, s30, s31, $0xb8;
	[tilespmem:$0x16D80] =	vst v63  }
0x134: {  	s15 =	sand.u32 $0x70, s13;
	s13 =	sand.u32 $0xFFFFF80, s11;
	_ =	swait.ge [sflag:s26], $0x4000  }
0x135: {  	s24 =	sadd.s32 s15, s20;
	s15 =	smov.u32 s25;
	[sflag:s26] =	ssyncset.done $0x0  }
0x136: {  	s11 =	sadd.s32 s13, s24;
	[sflag:s26] =	ssyncadd.s32 $0xFFFFC000  }
0x137: {  	[tilespmem:s30], [sflag:$0x3] =	stream.linear.gather [hbm4b:s11+s4], $0x80, $0x38;
	[tilespmem:$0x16D80] =	vst v63  }
0x138: {  	_ =	swait.ge [sflag:s26], $0x80  }
0x139: {  	[sflag:s26] =	ssyncset.done $0x0  }
0x13a: {  	[sflag:s26] =	ssyncadd.s32 $0xFFFFFF80  }
0x13b: {  	[tilespmem:s0], [sflag:$0x1] =	stream.indirect.gather [hbm4b:s5+s31], $0x80, s22, s31, $0xb8;
	[tilespmem:$0x16D80] =	vst v63  }
0x13c: {  	_ =	swait.ge [sflag:s1], $0x4000  }
0x13d: {  	[sflag:s1] =	ssyncset.done $0x0  }
0x13e: {  	[sflag:s1] =	ssyncadd.s32 $0xFFFFC000  }
0x13f: {  	[spmem:s2] =	stream.indirect.scatter.add.f32 [tilespmem:s0], [sflag:$0x3], $0x80, s30, s31, $0xb8;
	[tilespmem:$0x16D80] =	vst v63  }
0x140: {  	_ =	swait.ge [sflag:s26], $0x4000  }
0x141: {  	[sflag:s26] =	ssyncset.done $0x0  }
0x142: {  	[sflag:s26] =	ssyncadd.s32 $0xFFFFC000  }
0x143: {  	[bflag:$0x0] =	sbarrier.arrive $0xFFFF  }
0x144: {  	[tilespmem:s28], [sflag:$0x3] =	stream.linear.gather [spmem:s12], $0x5400, $0x38;
	[tilespmem:$0x16D80] =	vst v63  }
0x145: {  	_ =	swait.ge [sflag:s26], $0x5400  }
0x146: {  	[sflag:s26] =	ssyncset.done $0x0  }
0x147: {  	s22 =	simm.s32 $0x0;
	s24 =	rddreg [dreg:$0xc];
	[sflag:s26] =	ssyncadd.s32 $0xFFFFAC00  }
0x148: {  	[hbm4b:s24+s22] =	stream.linear.scatter [tilespmem:s28], [sflag:$0x3], $0x5400, $0x38;
	[tilespmem:$0x16D80] =	vst v63  }
0x149: {  	_ =	swait.ge [sflag:s26], $0x5400  }
0x14a: {  	[sflag:s26] =	ssyncset.done $0x0  }
0x14b: {  	[sflag:s26] =	ssyncadd.s32 $0xFFFFAC00  }
0x14c: {  	[bflag:$0x0] =	sbarrier.arrive $0xFFFF  }
0x14d: {  	s25 =	rddreg [dreg:$0x6]  }
0x14e: {  	[tilespmem:s28], [sflag:$0x3] =	stream.linear.gather [hbm4b:s25+s22], $0x5400, $0x38;
	[tilespmem:$0x16D80] =	vst v63  }
0x14f: {  	_ =	swait.ge [sflag:s26], $0x5400  }
0x150: {  	[sflag:s26] =	ssyncset.done $0x0  }
0x151: {  	[sflag:s26] =	ssyncadd.s32 $0xFFFFAC00  }
0x152: {  	[spmem:s12] =	stream.linear.scatter [tilespmem:s28], [sflag:$0x3], $0x5400, $0x38;
	[tilespmem:$0x16D80] =	vst v63  }
0x153: {  	_ =	swait.ge [sflag:s26], $0x5400  }
0x154: {  	s15 =	sadd.s32 $0x0, s19;
	s11 =	sand.u32 $0x70, s22;
	[sflag:s26] =	ssyncset.done $0x0  }
0x155: {  	s13 =	sand.u32 $0xFFFFF80, s15;
	s11 =	sadd.s32 s11, s23;
	[sflag:s26] =	ssyncadd.s32 $0xFFFFAC00  }
0x156: {  	s11 =	sadd.s32 s13, s11;
	[bflag:$0x0] =	sbarrier.arrive $0xFFFF  }
0x157: {  	[tilespmem:s30], [sflag:$0x3] =	stream.linear.gather [hbm4b:s11+s4], $0x80, $0x38;
	[tilespmem:$0x16D80] =	vst v63  }
0x158: {  	_ =	swait.ge [sflag:s26], $0x80  }
0x159: {  	[sflag:s26] =	ssyncset.done $0x0  }
0x15a: {  	s22 =	simm.s32 $0x6C00;
	[sflag:s26] =	ssyncadd.s32 $0xFFFFFF80  }
0x15b: {  	[tilespmem:s0], [sflag:$0x1] =	stream.indirect.gather [hbm4b:s5+s31], $0x80, s22, s31, $0xb8;
	[tilespmem:$0x16D80] =	vst v63  }
0x15c: {  	_ =	swait.ge [sflag:s1], $0x4000  }
0x15d: {  	s15 =	simm.s32 $0x20;
	[sflag:s1] =	ssyncset.done $0x0  }
0x15e: {  	s24 =	simm.s32 $0x10;
	s25 =	sadd.s32 $0x10, s19;
	[sflag:s1] =	ssyncadd.s32 $0xFFFFC000  }
0x15f: {  	[spmem:s2] =	stream.indirect.scatter.add.f32 [tilespmem:s0], [sflag:$0x3], $0x80, s30, s31, $0xb8;
	[tilespmem:$0x16D80] =	vst v63  }
0x160: {  	s13 =	sand.u32 $0xFFFFF80, s25;
	s11 =	sand.u32 $0x70, s24;
	_ =	swait.ge [sflag:s26], $0x4000  }
0x161: {  	s24 =	sadd.s32 s11, s23;
	s22 =	simm.s32 $0x6C80;
	[sflag:s26] =	ssyncset.done $0x0  }
.LBB2_8:
0x162: {  	s11 =	sadd.s32 s13, s24  }
0x163: {  	[sflag:s26] =	ssyncadd.s32 $0xFFFFC000;
	s13 =	smov.u32 s15;
	s25 =	sadd.s32 $0x10, s15  }
0x164: {  	[tilespmem:s30], [sflag:$0x3] =	stream.linear.gather [hbm4b:s11+s4], $0x80, $0x38;
	[tilespmem:$0x16D80] =	vst v63  }
0x165: {  	p0 =	sne.s32 s15, $0x4F0;
	_ =	swait.ge [sflag:s26], $0x80  }
0x166: {  	[sflag:s26] =	ssyncset.done $0x0  }
0x167: {  	[sflag:s26] =	ssyncadd.s32 $0xFFFFFF80  }
0x168: {  	[tilespmem:s0], [sflag:$0x1] =	stream.indirect.gather [hbm4b:s5+s31], $0x80, s22, s31, $0xb8;
	[tilespmem:$0x16D80] =	vst v63  }
0x169: {  	_ =	swait.ge [sflag:s1], $0x4000  }
.Ltmp3:
0x16a: {  	[sflag:s1] =	ssyncset.done $0x0;
	(pc) =	sbr.rel @p0 .LBB2_8-.Ltmp3, $4  }
0x16b: {  	s11 =	sadd.s32 s13, s19;
	s22 =	sadd.s32 $0x80, s22;
	[sflag:s1] =	ssyncadd.s32 $0xFFFFC000  }
0x16c: {  	[spmem:s2] =	stream.indirect.scatter.add.f32 [tilespmem:s0], [sflag:$0x3], $0x80, s30, s31, $0xb8;
	[tilespmem:$0x16D80] =	vst v63  }
0x16d: {  	s15 =	sand.u32 $0x70, s13;
	s13 =	sand.u32 $0xFFFFF80, s11;
	_ =	swait.ge [sflag:s26], $0x4000  }
0x16e: {  	s24 =	sadd.s32 s15, s23;
	s15 =	smov.u32 s25;
	[sflag:s26] =	ssyncset.done $0x0  }
0x16f: {  	s11 =	sadd.s32 s13, s24;
	[sflag:s26] =	ssyncadd.s32 $0xFFFFC000  }
0x170: {  	[tilespmem:s30], [sflag:$0x3] =	stream.linear.gather [hbm4b:s11+s4], $0x80, $0x38;
	[tilespmem:$0x16D80] =	vst v63  }
0x171: {  	_ =	swait.ge [sflag:s26], $0x80  }
0x172: {  	[sflag:s26] =	ssyncset.done $0x0  }
0x173: {  	[sflag:s26] =	ssyncadd.s32 $0xFFFFFF80  }
0x174: {  	[tilespmem:s0], [sflag:$0x1] =	stream.indirect.gather [hbm4b:s5+s31], $0x80, s22, s31, $0xb8;
	[tilespmem:$0x16D80] =	vst v63  }
0x175: {  	_ =	swait.ge [sflag:s1], $0x4000  }
0x176: {  	[sflag:s1] =	ssyncset.done $0x0  }
0x177: {  	[sflag:s1] =	ssyncadd.s32 $0xFFFFC000  }
0x178: {  	[spmem:s2] =	stream.indirect.scatter.add.f32 [tilespmem:s0], [sflag:$0x3], $0x80, s30, s31, $0xb8;
	[tilespmem:$0x16D80] =	vst v63  }
0x179: {  	_ =	swait.ge [sflag:s26], $0x4000  }
0x17a: {  	[sflag:s26] =	ssyncset.done $0x0  }
0x17b: {  	[sflag:s26] =	ssyncadd.s32 $0xFFFFC000  }
0x17c: {  	[bflag:$0x0] =	sbarrier.arrive $0xFFFF  }
0x17d: {  	[tilespmem:s28], [sflag:$0x3] =	stream.linear.gather [spmem:s12], $0x5400, $0x38;
	[tilespmem:$0x16D80] =	vst v63  }
0x17e: {  	_ =	swait.ge [sflag:s26], $0x5400  }
0x17f: {  	[sflag:s26] =	ssyncset.done $0x0  }
0x180: {  	s24 =	rddreg [dreg:$0xd];
	[sflag:s26] =	ssyncadd.s32 $0xFFFFAC00  }
0x181: {  	[hbm4b:s24+s4] =	stream.linear.scatter [tilespmem:s28], [sflag:$0x3], $0x5400, $0x38;
	[tilespmem:$0x16D80] =	vst v63  }
0x182: {  	_ =	swait.ge [sflag:s26], $0x5400  }
0x183: {  	s18 =	sadd.s32 $0x1, s18;
	s25 =	rddreg [dreg:$0xe]  }
0x184: {  	p0 =	sne.s32 s18, s25  }
.Ltmp4:
0x185: {  	_ = 	snop;
	(pc) =	sbr.rel @p0 .LBB2_1-.Ltmp4, $3  }
0x186: {  	[sflag:s26] =	ssyncset.done $0x0  }
0x187: {  	[sflag:s26] =	ssyncadd.s32 $0xFFFFAC00  }
0x188: {  	[bflag:$0x0] =	sbarrier.arrive $0xFFFF;
	_ =	sdelay $0x1  }
0x189: {  	_ =	sfence.sel $0x180000  }
0x18a: {  	[bflag:$0x0] =	sbarrier.arrive $0xFFFF  }
0x18b: {  	_ =	strace $0x90000047  }
0x18c: {  	s0 =	stileid.u32;
	[bflag:$0x2] =	sbarrier.arrive $0xFFFF  }
0x18d: {  	p0 =	sne.s32 s0, $0x0;
	s0 =	rddreg [dreg:$0x4]  }
0x18e: {  	s0 =	sadd.s32 @!p0 $0x100000, s0  }
0x18f: {  	[sflag:s0] =	ssyncadd.tile.s32 @!p0 $0x1;
	_ =	shalt  }
.Lfunc_end2:
_tile_overlayer_lowered:
.L_overlay_start_2:
0x190: {  	(tag) =	ssettag $0x2  }
0x191: {  	s0 =	rddreg [dreg:$0x0];
	s2 =	stileid.u32  }
0x192: {  	s1 =	rddreg [dreg:$0x1];
	p0 =	sne.s32 s2, $0x0  }
0x193: {  	s3 =	rddreg [dreg:$0x2];
	[bflag:$0x3] =	sbarrier.arrive $0xFFFF;
	s2 =	simm.s32 @!p0 $0x1C03  }
0x194: {  	[timem:s3], [sflag:s2] =	dma.local @!p0 [hbm:s0], s1  }
0x195: {  	s0 =	simm.s32 @!p0 $0x3  }
0x196: {  	_ =	swait.ge @!p0 [sflag:s0], s1  }
0x197: {  	s1 =	ssub.s32 @!p0 $0x0, s1;
	[sflag:s0] =	ssyncset.done @!p0 $0x0  }
0x198: {  	[sflag:s0] =	ssyncadd.s32 @!p0 s1  }
0x199: {  	[bflag:$0x3] =	sbarrier.arrive $0xFFFF  }
0x19a: {  	_ =	shalt  }

</sc_bundles>
